<compile_context>
chip_gen: v7x
topology: tpu7x:2x2x1
jax: 0.10.2.dev20260603
libtpu: 0.0.44.dev20260713+nightly
codegen_flags: <defaults>
</compile_context>

<pallas_src>
import functools

import jax
import jax.numpy as jnp
from jax import lax
from jax.experimental import pallas as pl
from jax.experimental.pallas import tpu as pltpu
from jax.experimental.pallas import tpu_sc as plsc

_NC = 2
_NS = 16
_NW = _NC * _NS
_NB = 2
_CW = 256


def _embed_sc(tokg, w2, B, S, D):
    G = tokg.shape[0]
    blocks_per_w = G // _NW
    niter = blocks_per_w // _NB

    mesh = plsc.VectorSubcoreMesh(core_axis_name="c", subcore_axis_name="s")

    @functools.partial(
        pl.kernel,
        mesh=mesh,
        compiler_params=pltpu.CompilerParams(needs_layout_passes=False),
        out_type=jax.ShapeDtypeStruct((S, D, B), jnp.float32),
        scratch_types=[
            pltpu.VMEM((blocks_per_w, 128), jnp.int32),
            pltpu.VMEM((_NB, 128), jnp.int32),
            pltpu.VMEM((_NB, 128), jnp.int32),
            pltpu.VMEM((_NB, 128, 128), jnp.float32),
            pltpu.VMEM((_NB, D, 128), jnp.float32),
            pltpu.SemaphoreType.DMA((_NB,)),
            pltpu.SemaphoreType.DMA((_NB,)),
        ],
    )
    def emb(tok_hbm, w_hbm, out_hbm, idx_all, pr_idx, off_all, g_pair,
            o_buf, gsem, osem):
        wid = lax.axis_index("s") * _NC + lax.axis_index("c")
        base = wid * blocks_per_w

        pltpu.sync_copy(tok_hbm.at[pl.ds(base, blocks_per_w)], idx_all)

        def prep(l, b):
            for v in range(8):
                tid = idx_all[l, pl.ds(16 * v, 16)]
                pr_idx[b, pl.ds(16 * v, 16)] = tid >> 1
                off_all[b, pl.ds(16 * v, 16)] = (tid & 1) * 64

        def fire_gather(l, b):
            pltpu.async_copy(
                w_hbm.at[pr_idx.at[b]], g_pair.at[b], gsem.at[b])

        def drain_gather(l, b):
            pltpu.make_async_copy(
                w_hbm.at[pr_idx.at[b]], g_pair.at[b], gsem.at[b]).wait()

        def select(b):
            iot = lax.iota(jnp.int32, 16)
            rows = [iot + (16 * j) for j in range(8)]
            offs = [off_all[b, pl.ds(16 * j, 16)] for j in range(8)]

            def dblk(i0, carry):
                for dd in range(8):
                    dcol = ((8 * i0 + dd) + iot) & 63
                    for j in range(8):
                        val = plsc.load_gather(
                            g_pair.at[b], [rows[j], offs[j] + dcol])
                        plsc.store_scatter(
                            o_buf.at[b], [dcol, rows[j]], val)
                return carry

            lax.fori_loop(0, D // 8, dblk, 0)

        def out_ref(l, b):
            g = base + l
            s_idx = g >> 7
            bg = g & 127
            return out_hbm.at[s_idx, :, pl.ds(bg * 128, 128)]

        def fire_out(l, b):
            pltpu.async_copy(o_buf.at[b], out_ref(l, b), osem.at[b])

        def wait_out(l, b):
            pltpu.make_async_copy(
                o_buf.at[b], out_ref(l, b), osem.at[b]).wait()

        for b in range(_NB):
            prep(b, b)
            fire_gather(b, b)

        def outer(i, carry):
            for b in range(_NB):
                l = i * _NB + b
                drain_gather(l, b)

                @pl.when(i > 0)
                def _free_obuf():
                    wait_out(l - _NB, b)

                select(b)

                @pl.when(i < niter - 1)
                def _refill():
                    prep(l + _NB, b)
                    fire_gather(l + _NB, b)

                fire_out(l, b)
            return carry

        lax.fori_loop(0, niter, outer, 0)
        for b in range(_NB):
            wait_out(blocks_per_w - _NB + b, b)

    return emb(tokg, w2)


def kernel(token_ids, weight):
    B, S = token_ids.shape
    V, D = weight.shape
    tokg = jnp.transpose(token_ids).reshape(S * (B // 128), 128)
    tokg = tokg.astype(jnp.int32)
    w2 = weight.reshape(V // 2, 2 * D)
    out3d = _embed_sc(tokg, w2, B, S, D)
    return jnp.transpose(out3d, (2, 0, 1))

# --- scband reference (transcript-rebuilt; emitter-appended) ---
"""Pipeline reference for scband-embedding-16595753632257 (READ-ONLY COPY).

The authoritative reference and input builder live on the scoring server;
editing this copy changes nothing except your own understanding.
"""

import jax, jax.numpy as jnp
import numpy as np

NUM_EMBEDDINGS = 1000000
EMBEDDING_DIM = 64

def setup_inputs(seed: int = 0) -> dict:
    key = jax.random.key(seed)
    k1, k2 = jax.random.split(key)
    token_ids = jax.random.randint(k1, (16384, 50), 0, NUM_EMBEDDINGS, dtype=jnp.int64 if jax.config.jax_enable_x64 else jnp.int32)
    # trunc_normal(mean=0, std=1, a=-3, b=3) approximated via truncated_normal
    weight = jax.random.truncated_normal(k2, -3.0, 3.0, (NUM_EMBEDDINGS, EMBEDDING_DIM), dtype=jnp.float32)
    return {"token_ids": token_ids, "weight": weight}

def reference(token_ids, weight):
    return jnp.take(weight, token_ids, axis=0)

if __name__ == "__main__":
    import jax
    _d = setup_inputs()
    print(jax.jit(kernel)(*tuple(_d.values())))

</pallas_src>

<mosaic_0001>
#map = affine_map<(d0, d1) -> (0, 0)>
#map1 = affine_map<(d0, d1) -> (0, 0, 0)>
module attributes {stable_mosaic.version = 14 : i64} {
  func.func @emb(%arg0: i32, %arg1: i32, %arg2: memref<6400x128xi32, #tpu.memory_space<hbm>>, %arg3: memref<500000x128xf32, #tpu.memory_space<hbm>>, %arg4: memref<50x64x16384xf32, #tpu.memory_space<hbm>>, %arg5: memref<200x128xi32, #tpu.memory_space<vmem>>, %arg6: memref<2x128xi32, #tpu.memory_space<vmem>>, %arg7: memref<2x128xi32, #tpu.memory_space<vmem>>, %arg8: memref<2x128x128xf32, #tpu.memory_space<vmem>>, %arg9: memref<2x64x128xf32, #tpu.memory_space<vmem>>, %arg10: memref<2x!tpu.dma_semaphore, #tpu.memory_space<semaphore_mem>>, %arg11: memref<2x!tpu.dma_semaphore, #tpu.memory_space<semaphore_mem>>) attributes {dimension_semantics = [#tpu.dimension_semantics<core_parallel>, #tpu.dimension_semantics<subcore_parallel>], iteration_bounds = array<i64: 2, 16>, scalar_prefetch = 0 : i64, scratch_operands = 7 : i64, tpu.core_type = #tpu.core_type<sc_vector_subcore>, window_params = [{transform_indices = #map}, {transform_indices = #map}, {transform_indices = #map1}]} {
    %mul3A = arith.constant 2 : i32
    %mul3A_0 = arith.muli %arg1, %mul3A : i32
    %add3A = arith.addi %mul3A_0, %arg0 : i32
    %mul3A_1 = arith.constant 200 : i32
    %mul3A_2 = arith.muli %add3A, %mul3A_1 : i32
    "tpu.region"() ({
      %run_scoped3A = tpu.sem_alloc : memref<!tpu.dma_semaphore, #tpu.memory_space<semaphore_mem>>
      %dma_start3A_420 = arith.constant 0 : i32
      %dma_start3A_421 = tpu.memref_slice %arg2[%mul3A_2, %dma_start3A_420] : memref<6400x128xi32, #tpu.memory_space<hbm>> -> memref<200x128xi32, #tpu.memory_space<hbm>>
      %dma_start3A_422 = arith.constant 0 : i32
      %dma_start3A_423 = tpu.memref_slice %arg2[%mul3A_2, %dma_start3A_422] : memref<6400x128xi32, #tpu.memory_space<hbm>> -> memref<200x128xi32, #tpu.memory_space<hbm>>
      tpu.enqueue_dma source(%dma_start3A_423 : memref<200x128xi32, #tpu.memory_space<hbm>>) target(%arg5 : memref<200x128xi32, #tpu.memory_space<vmem>>) target_semaphore(%run_scoped3A : memref<!tpu.dma_semaphore, #tpu.memory_space<semaphore_mem>>)
      %dma_wait3A_424 = arith.constant 0 : i32
      %dma_wait3A_425 = tpu.memref_slice %arg2[%mul3A_2, %dma_wait3A_424] : memref<6400x128xi32, #tpu.memory_space<hbm>> -> memref<200x128xi32, #tpu.memory_space<hbm>>
      %dma_wait3A_426 = arith.constant 0 : i32
      %dma_wait3A_427 = tpu.memref_slice %arg2[%mul3A_2, %dma_wait3A_426] : memref<6400x128xi32, #tpu.memory_space<hbm>> -> memref<200x128xi32, #tpu.memory_space<hbm>>
      tpu.wait_dma2 semaphore(%run_scoped3A : memref<!tpu.dma_semaphore, #tpu.memory_space<semaphore_mem>>) src(%dma_wait3A_427 : memref<200x128xi32, #tpu.memory_space<hbm>>) dst(%arg5 : memref<200x128xi32, #tpu.memory_space<vmem>>)
      tpu.yield
    }) : () -> ()
    %get3A = arith.constant 0 : i32
    %get3A_3 = arith.index_cast %get3A : i32 to index
    %get3A_4 = arith.constant 0 : index
    %get3A_5 = tpu.vector_load %arg5[%get3A_3, %get3A_4] {strides = array<i32>} : memref<200x128xi32, #tpu.memory_space<vmem>>, vector<16xi32>,
    %shift_right_arithmetic3A = arith.constant 1 : i32
    %shift_right_arithmetic3A_6 = vector.broadcast %shift_right_arithmetic3A : i32 to vector<16xi32>
    %shift_right_arithmetic3A_7 = arith.shrsi %get3A_5, %shift_right_arithmetic3A_6 : vector<16xi32>
    %swap3A = arith.constant 0 : i32
    %swap3A_8 = arith.index_cast %swap3A : i32 to index
    %swap3A_9 = arith.constant 0 : index
    %swap3A_10 = tpu.vector_load %arg6[%swap3A_8, %swap3A_9] {strides = array<i32>} : memref<2x128xi32, #tpu.memory_space<vmem>>, vector<16xi32>,
    tpu.vector_store %arg6[%swap3A_8, %swap3A_9], %shift_right_arithmetic3A_7 {strides = array<i32>} : memref<2x128xi32, #tpu.memory_space<vmem>>, vector<16xi32>,
    %and3A = arith.constant 1 : i32
    %and3A_11 = vector.broadcast %and3A : i32 to vector<16xi32>
    %and3A_12 = arith.andi %get3A_5, %and3A_11 : vector<16xi32>
    %mul3A_13 = arith.constant 64 : i32
    %mul3A_14 = vector.broadcast %mul3A_13 : i32 to vector<16xi32>
    %mul3A_15 = arith.muli %and3A_12, %mul3A_14 : vector<16xi32>
    %swap3A_16 = arith.constant 0 : i32
    %swap3A_17 = arith.index_cast %swap3A_16 : i32 to index
    %swap3A_18 = arith.constant 0 : index
    %swap3A_19 = tpu.vector_load %arg7[%swap3A_17, %swap3A_18] {strides = array<i32>} : memref<2x128xi32, #tpu.memory_space<vmem>>, vector<16xi32>,
    tpu.vector_store %arg7[%swap3A_17, %swap3A_18], %mul3A_15 {strides = array<i32>} : memref<2x128xi32, #tpu.memory_space<vmem>>, vector<16xi32>,
    %get3A_20 = arith.constant 0 : i32
    %get3A_21 = arith.index_cast %get3A_20 : i32 to index
    %get3A_22 = arith.constant 16 : index
    %get3A_23 = tpu.vector_load %arg5[%get3A_21, %get3A_22] {strides = array<i32>} : memref<200x128xi32, #tpu.memory_space<vmem>>, vector<16xi32>,
    %shift_right_arithmetic3A_24 = arith.constant 1 : i32
    %shift_right_arithmetic3A_25 = vector.broadcast %shift_right_arithmetic3A_24 : i32 to vector<16xi32>
    %shift_right_arithmetic3A_26 = arith.shrsi %get3A_23, %shift_right_arithmetic3A_25 : vector<16xi32>
    %swap3A_27 = arith.constant 0 : i32
    %swap3A_28 = arith.index_cast %swap3A_27 : i32 to index
    %swap3A_29 = arith.constant 16 : index
    %swap3A_30 = tpu.vector_load %arg6[%swap3A_28, %swap3A_29] {strides = array<i32>} : memref<2x128xi32, #tpu.memory_space<vmem>>, vector<16xi32>,
    tpu.vector_store %arg6[%swap3A_28, %swap3A_29], %shift_right_arithmetic3A_26 {strides = array<i32>} : memref<2x128xi32, #tpu.memory_space<vmem>>, vector<16xi32>,
    %and3A_31 = arith.constant 1 : i32
    %and3A_32 = vector.broadcast %and3A_31 : i32 to vector<16xi32>
    %and3A_33 = arith.andi %get3A_23, %and3A_32 : vector<16xi32>
    %mul3A_34 = arith.constant 64 : i32
    %mul3A_35 = vector.broadcast %mul3A_34 : i32 to vector<16xi32>
    %mul3A_36 = arith.muli %and3A_33, %mul3A_35 : vector<16xi32>
    %swap3A_37 = arith.constant 0 : i32
    %swap3A_38 = arith.index_cast %swap3A_37 : i32 to index
    %swap3A_39 = arith.constant 16 : index
    %swap3A_40 = tpu.vector_load %arg7[%swap3A_38, %swap3A_39] {strides = array<i32>} : memref<2x128xi32, #tpu.memory_space<vmem>>, vector<16xi32>,
    tpu.vector_store %arg7[%swap3A_38, %swap3A_39], %mul3A_36 {strides = array<i32>} : memref<2x128xi32, #tpu.memory_space<vmem>>, vector<16xi32>,
    %get3A_41 = arith.constant 0 : i32
    %get3A_42 = arith.index_cast %get3A_41 : i32 to index
    %get3A_43 = arith.constant 32 : index
    %get3A_44 = tpu.vector_load %arg5[%get3A_42, %get3A_43] {strides = array<i32>} : memref<200x128xi32, #tpu.memory_space<vmem>>, vector<16xi32>,
    %shift_right_arithmetic3A_45 = arith.constant 1 : i32
    %shift_right_arithmetic3A_46 = vector.broadcast %shift_right_arithmetic3A_45 : i32 to vector<16xi32>
    %shift_right_arithmetic3A_47 = arith.shrsi %get3A_44, %shift_right_arithmetic3A_46 : vector<16xi32>
    %swap3A_48 = arith.constant 0 : i32
    %swap3A_49 = arith.index_cast %swap3A_48 : i32 to index
    %swap3A_50 = arith.constant 32 : index
    %swap3A_51 = tpu.vector_load %arg6[%swap3A_49, %swap3A_50] {strides = array<i32>} : memref<2x128xi32, #tpu.memory_space<vmem>>, vector<16xi32>,
    tpu.vector_store %arg6[%swap3A_49, %swap3A_50], %shift_right_arithmetic3A_47 {strides = array<i32>} : memref<2x128xi32, #tpu.memory_space<vmem>>, vector<16xi32>,
    %and3A_52 = arith.constant 1 : i32
    %and3A_53 = vector.broadcast %and3A_52 : i32 to vector<16xi32>
    %and3A_54 = arith.andi %get3A_44, %and3A_53 : vector<16xi32>
    %mul3A_55 = arith.constant 64 : i32
    %mul3A_56 = vector.broadcast %mul3A_55 : i32 to vector<16xi32>
    %mul3A_57 = arith.muli %and3A_54, %mul3A_56 : vector<16xi32>
    %swap3A_58 = arith.constant 0 : i32
    %swap3A_59 = arith.index_cast %swap3A_58 : i32 to index
    %swap3A_60 = arith.constant 32 : index
    %swap3A_61 = tpu.vector_load %arg7[%swap3A_59, %swap3A_60] {strides = array<i32>} : memref<2x128xi32, #tpu.memory_space<vmem>>, vector<16xi32>,
    tpu.vector_store %arg7[%swap3A_59, %swap3A_60], %mul3A_57 {strides = array<i32>} : memref<2x128xi32, #tpu.memory_space<vmem>>, vector<16xi32>,
    %get3A_62 = arith.constant 0 : i32
    %get3A_63 = arith.index_cast %get3A_62 : i32 to index
    %get3A_64 = arith.constant 48 : index
    %get3A_65 = tpu.vector_load %arg5[%get3A_63, %get3A_64] {strides = array<i32>} : memref<200x128xi32, #tpu.memory_space<vmem>>, vector<16xi32>,
    %shift_right_arithmetic3A_66 = arith.constant 1 : i32
    %shift_right_arithmetic3A_67 = vector.broadcast %shift_right_arithmetic3A_66 : i32 to vector<16xi32>
    %shift_right_arithmetic3A_68 = arith.shrsi %get3A_65, %shift_right_arithmetic3A_67 : vector<16xi32>
    %swap3A_69 = arith.constant 0 : i32
    %swap3A_70 = arith.index_cast %swap3A_69 : i32 to index
    %swap3A_71 = arith.constant 48 : index
    %swap3A_72 = tpu.vector_load %arg6[%swap3A_70, %swap3A_71] {strides = array<i32>} : memref<2x128xi32, #tpu.memory_space<vmem>>, vector<16xi32>,
    tpu.vector_store %arg6[%swap3A_70, %swap3A_71], %shift_right_arithmetic3A_68 {strides = array<i32>} : memref<2x128xi32, #tpu.memory_space<vmem>>, vector<16xi32>,
    %and3A_73 = arith.constant 1 : i32
    %and3A_74 = vector.broadcast %and3A_73 : i32 to vector<16xi32>
    %and3A_75 = arith.andi %get3A_65, %and3A_74 : vector<16xi32>
    %mul3A_76 = arith.constant 64 : i32
    %mul3A_77 = vector.broadcast %mul3A_76 : i32 to vector<16xi32>
    %mul3A_78 = arith.muli %and3A_75, %mul3A_77 : vector<16xi32>
    %swap3A_79 = arith.constant 0 : i32
    %swap3A_80 = arith.index_cast %swap3A_79 : i32 to index
    %swap3A_81 = arith.constant 48 : index
    %swap3A_82 = tpu.vector_load %arg7[%swap3A_80, %swap3A_81] {strides = array<i32>} : memref<2x128xi32, #tpu.memory_space<vmem>>, vector<16xi32>,
    tpu.vector_store %arg7[%swap3A_80, %swap3A_81], %mul3A_78 {strides = array<i32>} : memref<2x128xi32, #tpu.memory_space<vmem>>, vector<16xi32>,
    %get3A_83 = arith.constant 0 : i32
    %get3A_84 = arith.index_cast %get3A_83 : i32 to index
    %get3A_85 = arith.constant 64 : index
    %get3A_86 = tpu.vector_load %arg5[%get3A_84, %get3A_85] {strides = array<i32>} : memref<200x128xi32, #tpu.memory_space<vmem>>, vector<16xi32>,
    %shift_right_arithmetic3A_87 = arith.constant 1 : i32
    %shift_right_arithmetic3A_88 = vector.broadcast %shift_right_arithmetic3A_87 : i32 to vector<16xi32>
    %shift_right_arithmetic3A_89 = arith.shrsi %get3A_86, %shift_right_arithmetic3A_88 : vector<16xi32>
    %swap3A_90 = arith.constant 0 : i32
    %swap3A_91 = arith.index_cast %swap3A_90 : i32 to index
    %swap3A_92 = arith.constant 64 : index
    %swap3A_93 = tpu.vector_load %arg6[%swap3A_91, %swap3A_92] {strides = array<i32>} : memref<2x128xi32, #tpu.memory_space<vmem>>, vector<16xi32>,
    tpu.vector_store %arg6[%swap3A_91, %swap3A_92], %shift_right_arithmetic3A_89 {strides = array<i32>} : memref<2x128xi32, #tpu.memory_space<vmem>>, vector<16xi32>,
    %and3A_94 = arith.constant 1 : i32
    %and3A_95 = vector.broadcast %and3A_94 : i32 to vector<16xi32>
    %and3A_96 = arith.andi %get3A_86, %and3A_95 : vector<16xi32>
    %mul3A_97 = arith.constant 64 : i32
    %mul3A_98 = vector.broadcast %mul3A_97 : i32 to vector<16xi32>
    %mul3A_99 = arith.muli %and3A_96, %mul3A_98 : vector<16xi32>
    %swap3A_100 = arith.constant 0 : i32
    %swap3A_101 = arith.index_cast %swap3A_100 : i32 to index
    %swap3A_102 = arith.constant 64 : index
    %swap3A_103 = tpu.vector_load %arg7[%swap3A_101, %swap3A_102] {strides = array<i32>} : memref<2x128xi32, #tpu.memory_space<vmem>>, vector<16xi32>,
    tpu.vector_store %arg7[%swap3A_101, %swap3A_102], %mul3A_99 {strides = array<i32>} : memref<2x128xi32, #tpu.memory_space<vmem>>, vector<16xi32>,
    %get3A_104 = arith.constant 0 : i32
    %get3A_105 = arith.index_cast %get3A_104 : i32 to index
    %get3A_106 = arith.constant 80 : index
    %get3A_107 = tpu.vector_load %arg5[%get3A_105, %get3A_106] {strides = array<i32>} : memref<200x128xi32, #tpu.memory_space<vmem>>, vector<16xi32>,
    %shift_right_arithmetic3A_108 = arith.constant 1 : i32
    %shift_right_arithmetic3A_109 = vector.broadcast %shift_right_arithmetic3A_108 : i32 to vector<16xi32>
    %shift_right_arithmetic3A_110 = arith.shrsi %get3A_107, %shift_right_arithmetic3A_109 : vector<16xi32>
    %swap3A_111 = arith.constant 0 : i32
    %swap3A_112 = arith.index_cast %swap3A_111 : i32 to index
    %swap3A_113 = arith.constant 80 : index
    %swap3A_114 = tpu.vector_load %arg6[%swap3A_112, %swap3A_113] {strides = array<i32>} : memref<2x128xi32, #tpu.memory_space<vmem>>, vector<16xi32>,
    tpu.vector_store %arg6[%swap3A_112, %swap3A_113], %shift_right_arithmetic3A_110 {strides = array<i32>} : memref<2x128xi32, #tpu.memory_space<vmem>>, vector<16xi32>,
    %and3A_115 = arith.constant 1 : i32
    %and3A_116 = vector.broadcast %and3A_115 : i32 to vector<16xi32>
    %and3A_117 = arith.andi %get3A_107, %and3A_116 : vector<16xi32>
    %mul3A_118 = arith.constant 64 : i32
    %mul3A_119 = vector.broadcast %mul3A_118 : i32 to vector<16xi32>
    %mul3A_120 = arith.muli %and3A_117, %mul3A_119 : vector<16xi32>
    %swap3A_121 = arith.constant 0 : i32
    %swap3A_122 = arith.index_cast %swap3A_121 : i32 to index
    %swap3A_123 = arith.constant 80 : index
    %swap3A_124 = tpu.vector_load %arg7[%swap3A_122, %swap3A_123] {strides = array<i32>} : memref<2x128xi32, #tpu.memory_space<vmem>>, vector<16xi32>,
    tpu.vector_store %arg7[%swap3A_122, %swap3A_123], %mul3A_120 {strides = array<i32>} : memref<2x128xi32, #tpu.memory_space<vmem>>, vector<16xi32>,
    %get3A_125 = arith.constant 0 : i32
    %get3A_126 = arith.index_cast %get3A_125 : i32 to index
    %get3A_127 = arith.constant 96 : index
    %get3A_128 = tpu.vector_load %arg5[%get3A_126, %get3A_127] {strides = array<i32>} : memref<200x128xi32, #tpu.memory_space<vmem>>, vector<16xi32>,
    %shift_right_arithmetic3A_129 = arith.constant 1 : i32
    %shift_right_arithmetic3A_130 = vector.broadcast %shift_right_arithmetic3A_129 : i32 to vector<16xi32>
    %shift_right_arithmetic3A_131 = arith.shrsi %get3A_128, %shift_right_arithmetic3A_130 : vector<16xi32>
    %swap3A_132 = arith.constant 0 : i32
    %swap3A_133 = arith.index_cast %swap3A_132 : i32 to index
    %swap3A_134 = arith.constant 96 : index
    %swap3A_135 = tpu.vector_load %arg6[%swap3A_133, %swap3A_134] {strides = array<i32>} : memref<2x128xi32, #tpu.memory_space<vmem>>, vector<16xi32>,
    tpu.vector_store %arg6[%swap3A_133, %swap3A_134], %shift_right_arithmetic3A_131 {strides = array<i32>} : memref<2x128xi32, #tpu.memory_space<vmem>>, vector<16xi32>,
    %and3A_136 = arith.constant 1 : i32
    %and3A_137 = vector.broadcast %and3A_136 : i32 to vector<16xi32>
    %and3A_138 = arith.andi %get3A_128, %and3A_137 : vector<16xi32>
    %mul3A_139 = arith.constant 64 : i32
    %mul3A_140 = vector.broadcast %mul3A_139 : i32 to vector<16xi32>
    %mul3A_141 = arith.muli %and3A_138, %mul3A_140 : vector<16xi32>
    %swap3A_142 = arith.constant 0 : i32
    %swap3A_143 = arith.index_cast %swap3A_142 : i32 to index
    %swap3A_144 = arith.constant 96 : index
    %swap3A_145 = tpu.vector_load %arg7[%swap3A_143, %swap3A_144] {strides = array<i32>} : memref<2x128xi32, #tpu.memory_space<vmem>>, vector<16xi32>,
    tpu.vector_store %arg7[%swap3A_143, %swap3A_144], %mul3A_141 {strides = array<i32>} : memref<2x128xi32, #tpu.memory_space<vmem>>, vector<16xi32>,
    %get3A_146 = arith.constant 0 : i32
    %get3A_147 = arith.index_cast %get3A_146 : i32 to index
    %get3A_148 = arith.constant 112 : index
    %get3A_149 = tpu.vector_load %arg5[%get3A_147, %get3A_148] {strides = array<i32>} : memref<200x128xi32, #tpu.memory_space<vmem>>, vector<16xi32>,
    %shift_right_arithmetic3A_150 = arith.constant 1 : i32
    %shift_right_arithmetic3A_151 = vector.broadcast %shift_right_arithmetic3A_150 : i32 to vector<16xi32>
    %shift_right_arithmetic3A_152 = arith.shrsi %get3A_149, %shift_right_arithmetic3A_151 : vector<16xi32>
    %swap3A_153 = arith.constant 0 : i32
    %swap3A_154 = arith.index_cast %swap3A_153 : i32 to index
    %swap3A_155 = arith.constant 112 : index
    %swap3A_156 = tpu.vector_load %arg6[%swap3A_154, %swap3A_155] {strides = array<i32>} : memref<2x128xi32, #tpu.memory_space<vmem>>, vector<16xi32>,
    tpu.vector_store %arg6[%swap3A_154, %swap3A_155], %shift_right_arithmetic3A_152 {strides = array<i32>} : memref<2x128xi32, #tpu.memory_space<vmem>>, vector<16xi32>,
    %and3A_157 = arith.constant 1 : i32
    %and3A_158 = vector.broadcast %and3A_157 : i32 to vector<16xi32>
    %and3A_159 = arith.andi %get3A_149, %and3A_158 : vector<16xi32>
    %mul3A_160 = arith.constant 64 : i32
    %mul3A_161 = vector.broadcast %mul3A_160 : i32 to vector<16xi32>
    %mul3A_162 = arith.muli %and3A_159, %mul3A_161 : vector<16xi32>
    %swap3A_163 = arith.constant 0 : i32
    %swap3A_164 = arith.index_cast %swap3A_163 : i32 to index
    %swap3A_165 = arith.constant 112 : index
    %swap3A_166 = tpu.vector_load %arg7[%swap3A_164, %swap3A_165] {strides = array<i32>} : memref<2x128xi32, #tpu.memory_space<vmem>>, vector<16xi32>,
    tpu.vector_store %arg7[%swap3A_164, %swap3A_165], %mul3A_162 {strides = array<i32>} : memref<2x128xi32, #tpu.memory_space<vmem>>, vector<16xi32>,
    %dma_start3A = arith.constant 0 : i32
    %dma_start3A_167 = arith.constant 0 : i32
    %dma_start3A_168 = arith.constant 0 : i32
    %dma_start3A_169 = arith.constant 0 : i32
    %dma_start3A_170 = arith.constant 0 : i32
    %dma_start3A_171 = tpu.memref_slice %arg8[%dma_start3A_167, %dma_start3A_169, %dma_start3A_170] : memref<2x128x128xf32, #tpu.memory_space<vmem>> -> memref<1x128x128xf32, #tpu.memory_space<vmem>>
    %dma_start3A_172 = tpu.memref_squeeze %dma_start3A_171 : memref<1x128x128xf32, #tpu.memory_space<vmem>> -> memref<128x128xf32, #tpu.memory_space<vmem>>
    %dma_start3A_173 = arith.constant 0 : i32
    %dma_start3A_174 = tpu.memref_slice %arg6[%dma_start3A, %dma_start3A_173] : memref<2x128xi32, #tpu.memory_space<vmem>> -> memref<1x128xi32, #tpu.memory_space<vmem>>
    %dma_start3A_175 = tpu.memref_squeeze %dma_start3A_174 : memref<1x128xi32, #tpu.memory_space<vmem>> -> memref<128xi32, #tpu.memory_space<vmem>>
    %dma_start3A_176 = arith.constant 0 : i32
    %dma_start3A_177 = arith.constant 0 : i32
    %dma_start3A_178 = tpu.memref_slice %arg3[%dma_start3A_176, %dma_start3A_177] : memref<500000x128xf32, #tpu.memory_space<hbm>> -> memref<500000x128xf32, #tpu.memory_space<hbm>>
    %dma_start3A_179 = tpu.memref_slice %arg10[%dma_start3A_168] : memref<2x!tpu.dma_semaphore, #tpu.memory_space<semaphore_mem>> -> memref<1x!tpu.dma_semaphore, #tpu.memory_space<semaphore_mem>>
    %dma_start3A_180 = tpu.memref_squeeze %dma_start3A_179 : memref<1x!tpu.dma_semaphore, #tpu.memory_space<semaphore_mem>> -> memref<!tpu.dma_semaphore, #tpu.memory_space<semaphore_mem>>
    tpu.enqueue_indirect_dma source(%dma_start3A_178 : memref<500000x128xf32, #tpu.memory_space<hbm>>) target(%dma_start3A_172 : memref<128x128xf32, #tpu.memory_space<vmem>>) offsets(%dma_start3A_175 : memref<128xi32, #tpu.memory_space<vmem>>) semaphore(%dma_start3A_180 : memref<!tpu.dma_semaphore, #tpu.memory_space<semaphore_mem>>)
    %get3A_181 = arith.constant 1 : i32
    %get3A_182 = arith.index_cast %get3A_181 : i32 to index
    %get3A_183 = arith.constant 0 : index
    %get3A_184 = tpu.vector_load %arg5[%get3A_182, %get3A_183] {strides = array<i32>} : memref<200x128xi32, #tpu.memory_space<vmem>>, vector<16xi32>,
    %shift_right_arithmetic3A_185 = arith.constant 1 : i32
    %shift_right_arithmetic3A_186 = vector.broadcast %shift_right_arithmetic3A_185 : i32 to vector<16xi32>
    %shift_right_arithmetic3A_187 = arith.shrsi %get3A_184, %shift_right_arithmetic3A_186 : vector<16xi32>
    %swap3A_188 = arith.constant 1 : i32
    %swap3A_189 = arith.index_cast %swap3A_188 : i32 to index
    %swap3A_190 = arith.constant 0 : index
    %swap3A_191 = tpu.vector_load %arg6[%swap3A_189, %swap3A_190] {strides = array<i32>} : memref<2x128xi32, #tpu.memory_space<vmem>>, vector<16xi32>,
    tpu.vector_store %arg6[%swap3A_189, %swap3A_190], %shift_right_arithmetic3A_187 {strides = array<i32>} : memref<2x128xi32, #tpu.memory_space<vmem>>, vector<16xi32>,
    %and3A_192 = arith.constant 1 : i32
    %and3A_193 = vector.broadcast %and3A_192 : i32 to vector<16xi32>
    %and3A_194 = arith.andi %get3A_184, %and3A_193 : vector<16xi32>
    %mul3A_195 = arith.constant 64 : i32
    %mul3A_196 = vector.broadcast %mul3A_195 : i32 to vector<16xi32>
    %mul3A_197 = arith.muli %and3A_194, %mul3A_196 : vector<16xi32>
    %swap3A_198 = arith.constant 1 : i32
    %swap3A_199 = arith.index_cast %swap3A_198 : i32 to index
    %swap3A_200 = arith.constant 0 : index
    %swap3A_201 = tpu.vector_load %arg7[%swap3A_199, %swap3A_200] {strides = array<i32>} : memref<2x128xi32, #tpu.memory_space<vmem>>, vector<16xi32>,
    tpu.vector_store %arg7[%swap3A_199, %swap3A_200], %mul3A_197 {strides = array<i32>} : memref<2x128xi32, #tpu.memory_space<vmem>>, vector<16xi32>,
    %get3A_202 = arith.constant 1 : i32
    %get3A_203 = arith.index_cast %get3A_202 : i32 to index
    %get3A_204 = arith.constant 16 : index
    %get3A_205 = tpu.vector_load %arg5[%get3A_203, %get3A_204] {strides = array<i32>} : memref<200x128xi32, #tpu.memory_space<vmem>>, vector<16xi32>,
    %shift_right_arithmetic3A_206 = arith.constant 1 : i32
    %shift_right_arithmetic3A_207 = vector.broadcast %shift_right_arithmetic3A_206 : i32 to vector<16xi32>
    %shift_right_arithmetic3A_208 = arith.shrsi %get3A_205, %shift_right_arithmetic3A_207 : vector<16xi32>
    %swap3A_209 = arith.constant 1 : i32
    %swap3A_210 = arith.index_cast %swap3A_209 : i32 to index
    %swap3A_211 = arith.constant 16 : index
    %swap3A_212 = tpu.vector_load %arg6[%swap3A_210, %swap3A_211] {strides = array<i32>} : memref<2x128xi32, #tpu.memory_space<vmem>>, vector<16xi32>,
    tpu.vector_store %arg6[%swap3A_210, %swap3A_211], %shift_right_arithmetic3A_208 {strides = array<i32>} : memref<2x128xi32, #tpu.memory_space<vmem>>, vector<16xi32>,
    %and3A_213 = arith.constant 1 : i32
    %and3A_214 = vector.broadcast %and3A_213 : i32 to vector<16xi32>
    %and3A_215 = arith.andi %get3A_205, %and3A_214 : vector<16xi32>
    %mul3A_216 = arith.constant 64 : i32
    %mul3A_217 = vector.broadcast %mul3A_216 : i32 to vector<16xi32>
    %mul3A_218 = arith.muli %and3A_215, %mul3A_217 : vector<16xi32>
    %swap3A_219 = arith.constant 1 : i32
    %swap3A_220 = arith.index_cast %swap3A_219 : i32 to index
    %swap3A_221 = arith.constant 16 : index
    %swap3A_222 = tpu.vector_load %arg7[%swap3A_220, %swap3A_221] {strides = array<i32>} : memref<2x128xi32, #tpu.memory_space<vmem>>, vector<16xi32>,
    tpu.vector_store %arg7[%swap3A_220, %swap3A_221], %mul3A_218 {strides = array<i32>} : memref<2x128xi32, #tpu.memory_space<vmem>>, vector<16xi32>,
    %get3A_223 = arith.constant 1 : i32
    %get3A_224 = arith.index_cast %get3A_223 : i32 to index
    %get3A_225 = arith.constant 32 : index
    %get3A_226 = tpu.vector_load %arg5[%get3A_224, %get3A_225] {strides = array<i32>} : memref<200x128xi32, #tpu.memory_space<vmem>>, vector<16xi32>,
    %shift_right_arithmetic3A_227 = arith.constant 1 : i32
    %shift_right_arithmetic3A_228 = vector.broadcast %shift_right_arithmetic3A_227 : i32 to vector<16xi32>
    %shift_right_arithmetic3A_229 = arith.shrsi %get3A_226, %shift_right_arithmetic3A_228 : vector<16xi32>
    %swap3A_230 = arith.constant 1 : i32
    %swap3A_231 = arith.index_cast %swap3A_230 : i32 to index
    %swap3A_232 = arith.constant 32 : index
    %swap3A_233 = tpu.vector_load %arg6[%swap3A_231, %swap3A_232] {strides = array<i32>} : memref<2x128xi32, #tpu.memory_space<vmem>>, vector<16xi32>,
    tpu.vector_store %arg6[%swap3A_231, %swap3A_232], %shift_right_arithmetic3A_229 {strides = array<i32>} : memref<2x128xi32, #tpu.memory_space<vmem>>, vector<16xi32>,
    %and3A_234 = arith.constant 1 : i32
    %and3A_235 = vector.broadcast %and3A_234 : i32 to vector<16xi32>
    %and3A_236 = arith.andi %get3A_226, %and3A_235 : vector<16xi32>
    %mul3A_237 = arith.constant 64 : i32
    %mul3A_238 = vector.broadcast %mul3A_237 : i32 to vector<16xi32>
    %mul3A_239 = arith.muli %and3A_236, %mul3A_238 : vector<16xi32>
    %swap3A_240 = arith.constant 1 : i32
    %swap3A_241 = arith.index_cast %swap3A_240 : i32 to index
    %swap3A_242 = arith.constant 32 : index
    %swap3A_243 = tpu.vector_load %arg7[%swap3A_241, %swap3A_242] {strides = array<i32>} : memref<2x128xi32, #tpu.memory_space<vmem>>, vector<16xi32>,
    tpu.vector_store %arg7[%swap3A_241, %swap3A_242], %mul3A_239 {strides = array<i32>} : memref<2x128xi32, #tpu.memory_space<vmem>>, vector<16xi32>,
    %get3A_244 = arith.constant 1 : i32
    %get3A_245 = arith.index_cast %get3A_244 : i32 to index
    %get3A_246 = arith.constant 48 : index
    %get3A_247 = tpu.vector_load %arg5[%get3A_245, %get3A_246] {strides = array<i32>} : memref<200x128xi32, #tpu.memory_space<vmem>>, vector<16xi32>,
    %shift_right_arithmetic3A_248 = arith.constant 1 : i32
    %shift_right_arithmetic3A_249 = vector.broadcast %shift_right_arithmetic3A_248 : i32 to vector<16xi32>
    %shift_right_arithmetic3A_250 = arith.shrsi %get3A_247, %shift_right_arithmetic3A_249 : vector<16xi32>
    %swap3A_251 = arith.constant 1 : i32
    %swap3A_252 = arith.index_cast %swap3A_251 : i32 to index
    %swap3A_253 = arith.constant 48 : index
    %swap3A_254 = tpu.vector_load %arg6[%swap3A_252, %swap3A_253] {strides = array<i32>} : memref<2x128xi32, #tpu.memory_space<vmem>>, vector<16xi32>,
    tpu.vector_store %arg6[%swap3A_252, %swap3A_253], %shift_right_arithmetic3A_250 {strides = array<i32>} : memref<2x128xi32, #tpu.memory_space<vmem>>, vector<16xi32>,
    %and3A_255 = arith.constant 1 : i32
    %and3A_256 = vector.broadcast %and3A_255 : i32 to vector<16xi32>
    %and3A_257 = arith.andi %get3A_247, %and3A_256 : vector<16xi32>
    %mul3A_258 = arith.constant 64 : i32
    %mul3A_259 = vector.broadcast %mul3A_258 : i32 to vector<16xi32>
    %mul3A_260 = arith.muli %and3A_257, %mul3A_259 : vector<16xi32>
    %swap3A_261 = arith.constant 1 : i32
    %swap3A_262 = arith.index_cast %swap3A_261 : i32 to index
    %swap3A_263 = arith.constant 48 : index
    %swap3A_264 = tpu.vector_load %arg7[%swap3A_262, %swap3A_263] {strides = array<i32>} : memref<2x128xi32, #tpu.memory_space<vmem>>, vector<16xi32>,
    tpu.vector_store %arg7[%swap3A_262, %swap3A_263], %mul3A_260 {strides = array<i32>} : memref<2x128xi32, #tpu.memory_space<vmem>>, vector<16xi32>,
    %get3A_265 = arith.constant 1 : i32
    %get3A_266 = arith.index_cast %get3A_265 : i32 to index
    %get3A_267 = arith.constant 64 : index
    %get3A_268 = tpu.vector_load %arg5[%get3A_266, %get3A_267] {strides = array<i32>} : memref<200x128xi32, #tpu.memory_space<vmem>>, vector<16xi32>,
    %shift_right_arithmetic3A_269 = arith.constant 1 : i32
    %shift_right_arithmetic3A_270 = vector.broadcast %shift_right_arithmetic3A_269 : i32 to vector<16xi32>
    %shift_right_arithmetic3A_271 = arith.shrsi %get3A_268, %shift_right_arithmetic3A_270 : vector<16xi32>
    %swap3A_272 = arith.constant 1 : i32
    %swap3A_273 = arith.index_cast %swap3A_272 : i32 to index
    %swap3A_274 = arith.constant 64 : index
    %swap3A_275 = tpu.vector_load %arg6[%swap3A_273, %swap3A_274] {strides = array<i32>} : memref<2x128xi32, #tpu.memory_space<vmem>>, vector<16xi32>,
    tpu.vector_store %arg6[%swap3A_273, %swap3A_274], %shift_right_arithmetic3A_271 {strides = array<i32>} : memref<2x128xi32, #tpu.memory_space<vmem>>, vector<16xi32>,
    %and3A_276 = arith.constant 1 : i32
    %and3A_277 = vector.broadcast %and3A_276 : i32 to vector<16xi32>
    %and3A_278 = arith.andi %get3A_268, %and3A_277 : vector<16xi32>
    %mul3A_279 = arith.constant 64 : i32
    %mul3A_280 = vector.broadcast %mul3A_279 : i32 to vector<16xi32>
    %mul3A_281 = arith.muli %and3A_278, %mul3A_280 : vector<16xi32>
    %swap3A_282 = arith.constant 1 : i32
    %swap3A_283 = arith.index_cast %swap3A_282 : i32 to index
    %swap3A_284 = arith.constant 64 : index
    %swap3A_285 = tpu.vector_load %arg7[%swap3A_283, %swap3A_284] {strides = array<i32>} : memref<2x128xi32, #tpu.memory_space<vmem>>, vector<16xi32>,
    tpu.vector_store %arg7[%swap3A_283, %swap3A_284], %mul3A_281 {strides = array<i32>} : memref<2x128xi32, #tpu.memory_space<vmem>>, vector<16xi32>,
    %get3A_286 = arith.constant 1 : i32
    %get3A_287 = arith.index_cast %get3A_286 : i32 to index
    %get3A_288 = arith.constant 80 : index
    %get3A_289 = tpu.vector_load %arg5[%get3A_287, %get3A_288] {strides = array<i32>} : memref<200x128xi32, #tpu.memory_space<vmem>>, vector<16xi32>,
    %shift_right_arithmetic3A_290 = arith.constant 1 : i32
    %shift_right_arithmetic3A_291 = vector.broadcast %shift_right_arithmetic3A_290 : i32 to vector<16xi32>
    %shift_right_arithmetic3A_292 = arith.shrsi %get3A_289, %shift_right_arithmetic3A_291 : vector<16xi32>
    %swap3A_293 = arith.constant 1 : i32
    %swap3A_294 = arith.index_cast %swap3A_293 : i32 to index
    %swap3A_295 = arith.constant 80 : index
    %swap3A_296 = tpu.vector_load %arg6[%swap3A_294, %swap3A_295] {strides = array<i32>} : memref<2x128xi32, #tpu.memory_space<vmem>>, vector<16xi32>,
    tpu.vector_store %arg6[%swap3A_294, %swap3A_295], %shift_right_arithmetic3A_292 {strides = array<i32>} : memref<2x128xi32, #tpu.memory_space<vmem>>, vector<16xi32>,
    %and3A_297 = arith.constant 1 : i32
    %and3A_298 = vector.broadcast %and3A_297 : i32 to vector<16xi32>
    %and3A_299 = arith.andi %get3A_289, %and3A_298 : vector<16xi32>
    %mul3A_300 = arith.constant 64 : i32
    %mul3A_301 = vector.broadcast %mul3A_300 : i32 to vector<16xi32>
    %mul3A_302 = arith.muli %and3A_299, %mul3A_301 : vector<16xi32>
    %swap3A_303 = arith.constant 1 : i32
    %swap3A_304 = arith.index_cast %swap3A_303 : i32 to index
    %swap3A_305 = arith.constant 80 : index
    %swap3A_306 = tpu.vector_load %arg7[%swap3A_304, %swap3A_305] {strides = array<i32>} : memref<2x128xi32, #tpu.memory_space<vmem>>, vector<16xi32>,
    tpu.vector_store %arg7[%swap3A_304, %swap3A_305], %mul3A_302 {strides = array<i32>} : memref<2x128xi32, #tpu.memory_space<vmem>>, vector<16xi32>,
    %get3A_307 = arith.constant 1 : i32
    %get3A_308 = arith.index_cast %get3A_307 : i32 to index
    %get3A_309 = arith.constant 96 : index
    %get3A_310 = tpu.vector_load %arg5[%get3A_308, %get3A_309] {strides = array<i32>} : memref<200x128xi32, #tpu.memory_space<vmem>>, vector<16xi32>,
    %shift_right_arithmetic3A_311 = arith.constant 1 : i32
    %shift_right_arithmetic3A_312 = vector.broadcast %shift_right_arithmetic3A_311 : i32 to vector<16xi32>
    %shift_right_arithmetic3A_313 = arith.shrsi %get3A_310, %shift_right_arithmetic3A_312 : vector<16xi32>
    %swap3A_314 = arith.constant 1 : i32
    %swap3A_315 = arith.index_cast %swap3A_314 : i32 to index
    %swap3A_316 = arith.constant 96 : index
    %swap3A_317 = tpu.vector_load %arg6[%swap3A_315, %swap3A_316] {strides = array<i32>} : memref<2x128xi32, #tpu.memory_space<vmem>>, vector<16xi32>,
    tpu.vector_store %arg6[%swap3A_315, %swap3A_316], %shift_right_arithmetic3A_313 {strides = array<i32>} : memref<2x128xi32, #tpu.memory_space<vmem>>, vector<16xi32>,
    %and3A_318 = arith.constant 1 : i32
    %and3A_319 = vector.broadcast %and3A_318 : i32 to vector<16xi32>
    %and3A_320 = arith.andi %get3A_310, %and3A_319 : vector<16xi32>
    %mul3A_321 = arith.constant 64 : i32
    %mul3A_322 = vector.broadcast %mul3A_321 : i32 to vector<16xi32>
    %mul3A_323 = arith.muli %and3A_320, %mul3A_322 : vector<16xi32>
    %swap3A_324 = arith.constant 1 : i32
    %swap3A_325 = arith.index_cast %swap3A_324 : i32 to index
    %swap3A_326 = arith.constant 96 : index
    %swap3A_327 = tpu.vector_load %arg7[%swap3A_325, %swap3A_326] {strides = array<i32>} : memref<2x128xi32, #tpu.memory_space<vmem>>, vector<16xi32>,
    tpu.vector_store %arg7[%swap3A_325, %swap3A_326], %mul3A_323 {strides = array<i32>} : memref<2x128xi32, #tpu.memory_space<vmem>>, vector<16xi32>,
    %get3A_328 = arith.constant 1 : i32
    %get3A_329 = arith.index_cast %get3A_328 : i32 to index
    %get3A_330 = arith.constant 112 : index
    %get3A_331 = tpu.vector_load %arg5[%get3A_329, %get3A_330] {strides = array<i32>} : memref<200x128xi32, #tpu.memory_space<vmem>>, vector<16xi32>,
    %shift_right_arithmetic3A_332 = arith.constant 1 : i32
    %shift_right_arithmetic3A_333 = vector.broadcast %shift_right_arithmetic3A_332 : i32 to vector<16xi32>
    %shift_right_arithmetic3A_334 = arith.shrsi %get3A_331, %shift_right_arithmetic3A_333 : vector<16xi32>
    %swap3A_335 = arith.constant 1 : i32
    %swap3A_336 = arith.index_cast %swap3A_335 : i32 to index
    %swap3A_337 = arith.constant 112 : index
    %swap3A_338 = tpu.vector_load %arg6[%swap3A_336, %swap3A_337] {strides = array<i32>} : memref<2x128xi32, #tpu.memory_space<vmem>>, vector<16xi32>,
    tpu.vector_store %arg6[%swap3A_336, %swap3A_337], %shift_right_arithmetic3A_334 {strides = array<i32>} : memref<2x128xi32, #tpu.memory_space<vmem>>, vector<16xi32>,
    %and3A_339 = arith.constant 1 : i32
    %and3A_340 = vector.broadcast %and3A_339 : i32 to vector<16xi32>
    %and3A_341 = arith.andi %get3A_331, %and3A_340 : vector<16xi32>
    %mul3A_342 = arith.constant 64 : i32
    %mul3A_343 = vector.broadcast %mul3A_342 : i32 to vector<16xi32>
    %mul3A_344 = arith.muli %and3A_341, %mul3A_343 : vector<16xi32>
    %swap3A_345 = arith.constant 1 : i32
    %swap3A_346 = arith.index_cast %swap3A_345 : i32 to index
    %swap3A_347 = arith.constant 112 : index
    %swap3A_348 = tpu.vector_load %arg7[%swap3A_346, %swap3A_347] {strides = array<i32>} : memref<2x128xi32, #tpu.memory_space<vmem>>, vector<16xi32>,
    tpu.vector_store %arg7[%swap3A_346, %swap3A_347], %mul3A_344 {strides = array<i32>} : memref<2x128xi32, #tpu.memory_space<vmem>>, vector<16xi32>,
    %dma_start3A_349 = arith.constant 1 : i32
    %dma_start3A_350 = arith.constant 1 : i32
    %dma_start3A_351 = arith.constant 1 : i32
    %dma_start3A_352 = arith.constant 0 : i32
    %dma_start3A_353 = arith.constant 0 : i32
    %dma_start3A_354 = tpu.memref_slice %arg8[%dma_start3A_350, %dma_start3A_352, %dma_start3A_353] : memref<2x128x128xf32, #tpu.memory_space<vmem>> -> memref<1x128x128xf32, #tpu.memory_space<vmem>>
    %dma_start3A_355 = tpu.memref_squeeze %dma_start3A_354 : memref<1x128x128xf32, #tpu.memory_space<vmem>> -> memref<128x128xf32, #tpu.memory_space<vmem>>
    %dma_start3A_356 = arith.constant 0 : i32
    %dma_start3A_357 = tpu.memref_slice %arg6[%dma_start3A_349, %dma_start3A_356] : memref<2x128xi32, #tpu.memory_space<vmem>> -> memref<1x128xi32, #tpu.memory_space<vmem>>
    %dma_start3A_358 = tpu.memref_squeeze %dma_start3A_357 : memref<1x128xi32, #tpu.memory_space<vmem>> -> memref<128xi32, #tpu.memory_space<vmem>>
    %dma_start3A_359 = arith.constant 0 : i32
    %dma_start3A_360 = arith.constant 0 : i32
    %dma_start3A_361 = tpu.memref_slice %arg3[%dma_start3A_359, %dma_start3A_360] : memref<500000x128xf32, #tpu.memory_space<hbm>> -> memref<500000x128xf32, #tpu.memory_space<hbm>>
    %dma_start3A_362 = tpu.memref_slice %arg10[%dma_start3A_351] : memref<2x!tpu.dma_semaphore, #tpu.memory_space<semaphore_mem>> -> memref<1x!tpu.dma_semaphore, #tpu.memory_space<semaphore_mem>>
    %dma_start3A_363 = tpu.memref_squeeze %dma_start3A_362 : memref<1x!tpu.dma_semaphore, #tpu.memory_space<semaphore_mem>> -> memref<!tpu.dma_semaphore, #tpu.memory_space<semaphore_mem>>
    tpu.enqueue_indirect_dma source(%dma_start3A_361 : memref<500000x128xf32, #tpu.memory_space<hbm>>) target(%dma_start3A_355 : memref<128x128xf32, #tpu.memory_space<vmem>>) offsets(%dma_start3A_358 : memref<128xi32, #tpu.memory_space<vmem>>) semaphore(%dma_start3A_363 : memref<!tpu.dma_semaphore, #tpu.memory_space<semaphore_mem>>)
    %scan3A = arith.constant 0 : i32
    %scan3A_364 = arith.constant 0 : i32
    %scan3A_365 = arith.constant 100 : i32
    %scan3A_366 = arith.addi %scan3A_364, %scan3A_365 : i32
    %scan3A_367 = arith.constant 1 : i32
    scf.for %scan3A_420 = %scan3A_364 to %scan3A_366 step %scan3A_367  : i32 {
      %mul3A_421 = arith.constant 2 : i32
      %mul3A_422 = arith.muli %scan3A_420, %mul3A_421 : i32
      %add3A_423 = arith.constant 0 : i32
      %add3A_424 = arith.addi %mul3A_422, %add3A_423 : i32
      %dma_wait3A_425 = arith.constant 0 : i32
      %dma_wait3A_426 = arith.constant 0 : i32
      %dma_wait3A_427 = arith.constant 0 : i32
      %dma_wait3A_428 = arith.constant 0 : i32
      %dma_wait3A_429 = arith.constant 0 : i32
      %dma_wait3A_430 = tpu.memref_slice %arg8[%dma_wait3A_426, %dma_wait3A_428, %dma_wait3A_429] : memref<2x128x128xf32, #tpu.memory_space<vmem>> -> memref<1x128x128xf32, #tpu.memory_space<vmem>>
      %dma_wait3A_431 = tpu.memref_squeeze %dma_wait3A_430 : memref<1x128x128xf32, #tpu.memory_space<vmem>> -> memref<128x128xf32, #tpu.memory_space<vmem>>
      %dma_wait3A_432 = arith.constant 0 : i32
      %dma_wait3A_433 = tpu.memref_slice %arg6[%dma_wait3A_425, %dma_wait3A_432] : memref<2x128xi32, #tpu.memory_space<vmem>> -> memref<1x128xi32, #tpu.memory_space<vmem>>
      %dma_wait3A_434 = tpu.memref_squeeze %dma_wait3A_433 : memref<1x128xi32, #tpu.memory_space<vmem>> -> memref<128xi32, #tpu.memory_space<vmem>>
      %dma_wait3A_435 = arith.constant 0 : i32
      %dma_wait3A_436 = arith.constant 0 : i32
      %dma_wait3A_437 = tpu.memref_slice %arg3[%dma_wait3A_435, %dma_wait3A_436] : memref<500000x128xf32, #tpu.memory_space<hbm>> -> memref<500000x128xf32, #tpu.memory_space<hbm>>
      %dma_wait3A_438 = tpu.memref_slice %arg10[%dma_wait3A_427] : memref<2x!tpu.dma_semaphore, #tpu.memory_space<semaphore_mem>> -> memref<1x!tpu.dma_semaphore, #tpu.memory_space<semaphore_mem>>
      %dma_wait3A_439 = tpu.memref_squeeze %dma_wait3A_438 : memref<1x!tpu.dma_semaphore, #tpu.memory_space<semaphore_mem>> -> memref<!tpu.dma_semaphore, #tpu.memory_space<semaphore_mem>>
      tpu.wait_indirect_dma semaphore(%dma_wait3A_439 : memref<!tpu.dma_semaphore, #tpu.memory_space<semaphore_mem>>) src(%dma_wait3A_437 : memref<500000x128xf32, #tpu.memory_space<hbm>>) dst(%dma_wait3A_431 : memref<128x128xf32, #tpu.memory_space<vmem>>)
      %gt3A = arith.constant 0 : i32
      %gt3A_440 = arith.cmpi sgt, %scan3A_420, %gt3A : i32
      %convert_element_type3A = arith.extui %gt3A_440 : i1 to i32
      %cond3A = arith.constant 0 : i32
      %cond3A_441 = arith.cmpi ne, %convert_element_type3A, %cond3A : i32
      scf.if %cond3A_441 {
        %sub3A = arith.constant 2 : i32
        %sub3A_650 = arith.subi %add3A_424, %sub3A : i32
        %add3A_651 = arith.addi %mul3A_2, %sub3A_650 : i32
        %shift_right_arithmetic3A_652 = arith.constant 7 : i32
        %shift_right_arithmetic3A_653 = arith.shrsi %add3A_651, %shift_right_arithmetic3A_652 : i32
        %and3A_654 = arith.constant 127 : i32
        %and3A_655 = arith.andi %add3A_651, %and3A_654 : i32
        %mul3A_656 = arith.constant 128 : i32
        %mul3A_657 = arith.muli %and3A_655, %mul3A_656 : i32
        %dma_wait3A_658 = arith.constant 0 : i32
        %dma_wait3A_659 = arith.constant 0 : i32
        %dma_wait3A_660 = arith.constant 0 : i32
        %dma_wait3A_661 = arith.constant 0 : i32
        %dma_wait3A_662 = tpu.memref_slice %arg9[%dma_wait3A_658, %dma_wait3A_660, %dma_wait3A_661] : memref<2x64x128xf32, #tpu.memory_space<vmem>> -> memref<1x64x128xf32, #tpu.memory_space<vmem>>
        %dma_wait3A_663 = tpu.memref_squeeze %dma_wait3A_662 : memref<1x64x128xf32, #tpu.memory_space<vmem>> -> memref<64x128xf32, #tpu.memory_space<vmem>>
        %dma_wait3A_664 = arith.constant 0 : i32
        %dma_wait3A_665 = tpu.memref_slice %arg4[%shift_right_arithmetic3A_653, %dma_wait3A_664, %mul3A_657] : memref<50x64x16384xf32, #tpu.memory_space<hbm>> -> memref<1x64x128xf32, #tpu.memory_space<hbm>>
        %dma_wait3A_666 = tpu.memref_squeeze %dma_wait3A_665 : memref<1x64x128xf32, #tpu.memory_space<hbm>> -> memref<64x128xf32, #tpu.memory_space<hbm>>
        %dma_wait3A_667 = tpu.memref_slice %arg11[%dma_wait3A_659] : memref<2x!tpu.dma_semaphore, #tpu.memory_space<semaphore_mem>> -> memref<1x!tpu.dma_semaphore, #tpu.memory_space<semaphore_mem>>
        %dma_wait3A_668 = tpu.memref_squeeze %dma_wait3A_667 : memref<1x!tpu.dma_semaphore, #tpu.memory_space<semaphore_mem>> -> memref<!tpu.dma_semaphore, #tpu.memory_space<semaphore_mem>>
        %dma_wait3A_669 = arith.constant 0 : i32
        %dma_wait3A_670 = tpu.memref_slice %arg4[%shift_right_arithmetic3A_653, %dma_wait3A_669, %mul3A_657] : memref<50x64x16384xf32, #tpu.memory_space<hbm>> -> memref<1x64x128xf32, #tpu.memory_space<hbm>>
        %dma_wait3A_671 = tpu.memref_squeeze %dma_wait3A_670 : memref<1x64x128xf32, #tpu.memory_space<hbm>> -> memref<64x128xf32, #tpu.memory_space<hbm>>
        %dma_wait3A_672 = arith.constant 0 : i32
        %dma_wait3A_673 = arith.constant 0 : i32
        %dma_wait3A_674 = tpu.memref_slice %arg9[%dma_wait3A_658, %dma_wait3A_672, %dma_wait3A_673] : memref<2x64x128xf32, #tpu.memory_space<vmem>> -> memref<1x64x128xf32, #tpu.memory_space<vmem>>
        %dma_wait3A_675 = tpu.memref_squeeze %dma_wait3A_674 : memref<1x64x128xf32, #tpu.memory_space<vmem>> -> memref<64x128xf32, #tpu.memory_space<vmem>>
        tpu.wait_dma2 semaphore(%dma_wait3A_668 : memref<!tpu.dma_semaphore, #tpu.memory_space<semaphore_mem>>) src(%dma_wait3A_675 : memref<64x128xf32, #tpu.memory_space<vmem>>) dst(%dma_wait3A_671 : memref<64x128xf32, #tpu.memory_space<hbm>>)
      } else {
      }
      %iota3A = tpu.iota {dimensions = array<i32: 0>} : vector<16xi32>
      %add3A_442 = arith.constant 0 : i32
      %add3A_443 = vector.broadcast %add3A_442 : i32 to vector<16xi32>
      %add3A_444 = arith.addi %iota3A, %add3A_443 : vector<16xi32>
      %add3A_445 = arith.constant 16 : i32
      %add3A_446 = vector.broadcast %add3A_445 : i32 to vector<16xi32>
      %add3A_447 = arith.addi %iota3A, %add3A_446 : vector<16xi32>
      %add3A_448 = arith.constant 32 : i32
      %add3A_449 = vector.broadcast %add3A_448 : i32 to vector<16xi32>
      %add3A_450 = arith.addi %iota3A, %add3A_449 : vector<16xi32>
      %add3A_451 = arith.constant 48 : i32
      %add3A_452 = vector.broadcast %add3A_451 : i32 to vector<16xi32>
      %add3A_453 = arith.addi %iota3A, %add3A_452 : vector<16xi32>
      %add3A_454 = arith.constant 64 : i32
      %add3A_455 = vector.broadcast %add3A_454 : i32 to vector<16xi32>
      %add3A_456 = arith.addi %iota3A, %add3A_455 : vector<16xi32>
      %add3A_457 = arith.constant 80 : i32
      %add3A_458 = vector.broadcast %add3A_457 : i32 to vector<16xi32>
      %add3A_459 = arith.addi %iota3A, %add3A_458 : vector<16xi32>
      %add3A_460 = arith.constant 96 : i32
      %add3A_461 = vector.broadcast %add3A_460 : i32 to vector<16xi32>
      %add3A_462 = arith.addi %iota3A, %add3A_461 : vector<16xi32>
      %add3A_463 = arith.constant 112 : i32
      %add3A_464 = vector.broadcast %add3A_463 : i32 to vector<16xi32>
      %add3A_465 = arith.addi %iota3A, %add3A_464 : vector<16xi32>
      %get3A_466 = arith.constant 0 : i32
      %get3A_467 = arith.index_cast %get3A_466 : i32 to index
      %get3A_468 = arith.constant 0 : index
      %get3A_469 = tpu.vector_load %arg7[%get3A_467, %get3A_468] {strides = array<i32>} : memref<2x128xi32, #tpu.memory_space<vmem>>, vector<16xi32>,
      %get3A_470 = arith.constant 0 : i32
      %get3A_471 = arith.index_cast %get3A_470 : i32 to index
      %get3A_472 = arith.constant 16 : index
      %get3A_473 = tpu.vector_load %arg7[%get3A_471, %get3A_472] {strides = array<i32>} : memref<2x128xi32, #tpu.memory_space<vmem>>, vector<16xi32>,
      %get3A_474 = arith.constant 0 : i32
      %get3A_475 = arith.index_cast %get3A_474 : i32 to index
      %get3A_476 = arith.constant 32 : index
      %get3A_477 = tpu.vector_load %arg7[%get3A_475, %get3A_476] {strides = array<i32>} : memref<2x128xi32, #tpu.memory_space<vmem>>, vector<16xi32>,
      %get3A_478 = arith.constant 0 : i32
      %get3A_479 = arith.index_cast %get3A_478 : i32 to index
      %get3A_480 = arith.constant 48 : index
      %get3A_481 = tpu.vector_load %arg7[%get3A_479, %get3A_480] {strides = array<i32>} : memref<2x128xi32, #tpu.memory_space<vmem>>, vector<16xi32>,
      %get3A_482 = arith.constant 0 : i32
      %get3A_483 = arith.index_cast %get3A_482 : i32 to index
      %get3A_484 = arith.constant 64 : index
      %get3A_485 = tpu.vector_load %arg7[%get3A_483, %get3A_484] {strides = array<i32>} : memref<2x128xi32, #tpu.memory_space<vmem>>, vector<16xi32>,
      %get3A_486 = arith.constant 0 : i32
      %get3A_487 = arith.index_cast %get3A_486 : i32 to index
      %get3A_488 = arith.constant 80 : index
      %get3A_489 = tpu.vector_load %arg7[%get3A_487, %get3A_488] {strides = array<i32>} : memref<2x128xi32, #tpu.memory_space<vmem>>, vector<16xi32>,
      %get3A_490 = arith.constant 0 : i32
      %get3A_491 = arith.index_cast %get3A_490 : i32 to index
      %get3A_492 = arith.constant 96 : index
      %get3A_493 = tpu.vector_load %arg7[%get3A_491, %get3A_492] {strides = array<i32>} : memref<2x128xi32, #tpu.memory_space<vmem>>, vector<16xi32>,
      %get3A_494 = arith.constant 0 : i32
      %get3A_495 = arith.index_cast %get3A_494 : i32 to index
      %get3A_496 = arith.constant 112 : index
      %get3A_497 = tpu.vector_load %arg7[%get3A_495, %get3A_496] {strides = array<i32>} : memref<2x128xi32, #tpu.memory_space<vmem>>, vector<16xi32>,
      %scan3A_498 = arith.constant 0 : i32
      %scan3A_499 = arith.constant 0 : i32
      %scan3A_500 = arith.constant 8 : i32
      %scan3A_501 = arith.addi %scan3A_499, %scan3A_500 : i32
      %scan3A_502 = arith.constant 1 : i32
      scf.for %scan3A_650 = %scan3A_499 to %scan3A_501 step %scan3A_502  : i32 {
        %mul3A_651 = arith.constant 8 : i32
        %mul3A_652 = arith.muli %mul3A_651, %scan3A_650 : i32
        %add3A_653 = arith.constant 0 : i32
        %add3A_654 = arith.addi %mul3A_652, %add3A_653 : i32
        %add3A_655 = vector.broadcast %add3A_654 : i32 to vector<16xi32>
        %add3A_656 = arith.addi %add3A_655, %iota3A : vector<16xi32>
        %and3A_657 = arith.constant 63 : i32
        %and3A_658 = vector.broadcast %and3A_657 : i32 to vector<16xi32>
        %and3A_659 = arith.andi %add3A_656, %and3A_658 : vector<16xi32>
        %add3A_660 = arith.addi %get3A_469, %and3A_659 : vector<16xi32>
        %gather3A = arith.constant 0 : i32
        %gather3A_661 = arith.constant 0 : i32
        %gather3A_662 = arith.constant 0 : i32
        %gather3A_663 = tpu.memref_slice %arg8[%gather3A, %gather3A_661, %gather3A_662] : memref<2x128x128xf32, #tpu.memory_space<vmem>> -> memref<1x128x128xf32, #tpu.memory_space<vmem>>
        %gather3A_664 = tpu.memref_squeeze %gather3A_663 : memref<1x128x128xf32, #tpu.memory_space<vmem>> -> memref<128x128xf32, #tpu.memory_space<vmem>>
        %gather3A_665 = tpu.vector_load_idx %gather3A_664[%add3A_444, %add3A_660] : memref<128x128xf32, #tpu.memory_space<vmem>>[vector<16xi32>, vector<16xi32>], vector<16xf32>,
        %scatter3A = arith.constant 0 : i32
        %scatter3A_666 = arith.constant 0 : i32
        %scatter3A_667 = arith.constant 0 : i32
        %scatter3A_668 = tpu.memref_slice %arg9[%scatter3A, %scatter3A_666, %scatter3A_667] : memref<2x64x128xf32, #tpu.memory_space<vmem>> -> memref<1x64x128xf32, #tpu.memory_space<vmem>>
        %scatter3A_669 = tpu.memref_squeeze %scatter3A_668 : memref<1x64x128xf32, #tpu.memory_space<vmem>> -> memref<64x128xf32, #tpu.memory_space<vmem>>
        tpu.vector_store_idx %scatter3A_669[%and3A_659, %add3A_444], %gather3A_665 : memref<64x128xf32, #tpu.memory_space<vmem>>[vector<16xi32>, vector<16xi32>], vector<16xf32>,
        %add3A_670 = arith.addi %get3A_473, %and3A_659 : vector<16xi32>
        %gather3A_671 = arith.constant 0 : i32
        %gather3A_672 = arith.constant 0 : i32
        %gather3A_673 = arith.constant 0 : i32
        %gather3A_674 = tpu.memref_slice %arg8[%gather3A_671, %gather3A_672, %gather3A_673] : memref<2x128x128xf32, #tpu.memory_space<vmem>> -> memref<1x128x128xf32, #tpu.memory_space<vmem>>
        %gather3A_675 = tpu.memref_squeeze %gather3A_674 : memref<1x128x128xf32, #tpu.memory_space<vmem>> -> memref<128x128xf32, #tpu.memory_space<vmem>>
        %gather3A_676 = tpu.vector_load_idx %gather3A_675[%add3A_447, %add3A_670] : memref<128x128xf32, #tpu.memory_space<vmem>>[vector<16xi32>, vector<16xi32>], vector<16xf32>,
        %scatter3A_677 = arith.constant 0 : i32
        %scatter3A_678 = arith.constant 0 : i32
        %scatter3A_679 = arith.constant 0 : i32
        %scatter3A_680 = tpu.memref_slice %arg9[%scatter3A_677, %scatter3A_678, %scatter3A_679] : memref<2x64x128xf32, #tpu.memory_space<vmem>> -> memref<1x64x128xf32, #tpu.memory_space<vmem>>
        %scatter3A_681 = tpu.memref_squeeze %scatter3A_680 : memref<1x64x128xf32, #tpu.memory_space<vmem>> -> memref<64x128xf32, #tpu.memory_space<vmem>>
        tpu.vector_store_idx %scatter3A_681[%and3A_659, %add3A_447], %gather3A_676 : memref<64x128xf32, #tpu.memory_space<vmem>>[vector<16xi32>, vector<16xi32>], vector<16xf32>,
        %add3A_682 = arith.addi %get3A_477, %and3A_659 : vector<16xi32>
        %gather3A_683 = arith.constant 0 : i32
        %gather3A_684 = arith.constant 0 : i32
        %gather3A_685 = arith.constant 0 : i32
        %gather3A_686 = tpu.memref_slice %arg8[%gather3A_683, %gather3A_684, %gather3A_685] : memref<2x128x128xf32, #tpu.memory_space<vmem>> -> memref<1x128x128xf32, #tpu.memory_space<vmem>>
        %gather3A_687 = tpu.memref_squeeze %gather3A_686 : memref<1x128x128xf32, #tpu.memory_space<vmem>> -> memref<128x128xf32, #tpu.memory_space<vmem>>
        %gather3A_688 = tpu.vector_load_idx %gather3A_687[%add3A_450, %add3A_682] : memref<128x128xf32, #tpu.memory_space<vmem>>[vector<16xi32>, vector<16xi32>], vector<16xf32>,
        %scatter3A_689 = arith.constant 0 : i32
        %scatter3A_690 = arith.constant 0 : i32
        %scatter3A_691 = arith.constant 0 : i32
        %scatter3A_692 = tpu.memref_slice %arg9[%scatter3A_689, %scatter3A_690, %scatter3A_691] : memref<2x64x128xf32, #tpu.memory_space<vmem>> -> memref<1x64x128xf32, #tpu.memory_space<vmem>>
        %scatter3A_693 = tpu.memref_squeeze %scatter3A_692 : memref<1x64x128xf32, #tpu.memory_space<vmem>> -> memref<64x128xf32, #tpu.memory_space<vmem>>
        tpu.vector_store_idx %scatter3A_693[%and3A_659, %add3A_450], %gather3A_688 : memref<64x128xf32, #tpu.memory_space<vmem>>[vector<16xi32>, vector<16xi32>], vector<16xf32>,
        %add3A_694 = arith.addi %get3A_481, %and3A_659 : vector<16xi32>
        %gather3A_695 = arith.constant 0 : i32
        %gather3A_696 = arith.constant 0 : i32
        %gather3A_697 = arith.constant 0 : i32
        %gather3A_698 = tpu.memref_slice %arg8[%gather3A_695, %gather3A_696, %gather3A_697] : memref<2x128x128xf32, #tpu.memory_space<vmem>> -> memref<1x128x128xf32, #tpu.memory_space<vmem>>
        %gather3A_699 = tpu.memref_squeeze %gather3A_698 : memref<1x128x128xf32, #tpu.memory_space<vmem>> -> memref<128x128xf32, #tpu.memory_space<vmem>>
        %gather3A_700 = tpu.vector_load_idx %gather3A_699[%add3A_453, %add3A_694] : memref<128x128xf32, #tpu.memory_space<vmem>>[vector<16xi32>, vector<16xi32>], vector<16xf32>,
        %scatter3A_701 = arith.constant 0 : i32
        %scatter3A_702 = arith.constant 0 : i32
        %scatter3A_703 = arith.constant 0 : i32
        %scatter3A_704 = tpu.memref_slice %arg9[%scatter3A_701, %scatter3A_702, %scatter3A_703] : memref<2x64x128xf32, #tpu.memory_space<vmem>> -> memref<1x64x128xf32, #tpu.memory_space<vmem>>
        %scatter3A_705 = tpu.memref_squeeze %scatter3A_704 : memref<1x64x128xf32, #tpu.memory_space<vmem>> -> memref<64x128xf32, #tpu.memory_space<vmem>>
        tpu.vector_store_idx %scatter3A_705[%and3A_659, %add3A_453], %gather3A_700 : memref<64x128xf32, #tpu.memory_space<vmem>>[vector<16xi32>, vector<16xi32>], vector<16xf32>,
        %add3A_706 = arith.addi %get3A_485, %and3A_659 : vector<16xi32>
        %gather3A_707 = arith.constant 0 : i32
        %gather3A_708 = arith.constant 0 : i32
        %gather3A_709 = arith.constant 0 : i32
        %gather3A_710 = tpu.memref_slice %arg8[%gather3A_707, %gather3A_708, %gather3A_709] : memref<2x128x128xf32, #tpu.memory_space<vmem>> -> memref<1x128x128xf32, #tpu.memory_space<vmem>>
        %gather3A_711 = tpu.memref_squeeze %gather3A_710 : memref<1x128x128xf32, #tpu.memory_space<vmem>> -> memref<128x128xf32, #tpu.memory_space<vmem>>
        %gather3A_712 = tpu.vector_load_idx %gather3A_711[%add3A_456, %add3A_706] : memref<128x128xf32, #tpu.memory_space<vmem>>[vector<16xi32>, vector<16xi32>], vector<16xf32>,
        %scatter3A_713 = arith.constant 0 : i32
        %scatter3A_714 = arith.constant 0 : i32
        %scatter3A_715 = arith.constant 0 : i32
        %scatter3A_716 = tpu.memref_slice %arg9[%scatter3A_713, %scatter3A_714, %scatter3A_715] : memref<2x64x128xf32, #tpu.memory_space<vmem>> -> memref<1x64x128xf32, #tpu.memory_space<vmem>>
        %scatter3A_717 = tpu.memref_squeeze %scatter3A_716 : memref<1x64x128xf32, #tpu.memory_space<vmem>> -> memref<64x128xf32, #tpu.memory_space<vmem>>
        tpu.vector_store_idx %scatter3A_717[%and3A_659, %add3A_456], %gather3A_712 : memref<64x128xf32, #tpu.memory_space<vmem>>[vector<16xi32>, vector<16xi32>], vector<16xf32>,
        %add3A_718 = arith.addi %get3A_489, %and3A_659 : vector<16xi32>
        %gather3A_719 = arith.constant 0 : i32
        %gather3A_720 = arith.constant 0 : i32
        %gather3A_721 = arith.constant 0 : i32
        %gather3A_722 = tpu.memref_slice %arg8[%gather3A_719, %gather3A_720, %gather3A_721] : memref<2x128x128xf32, #tpu.memory_space<vmem>> -> memref<1x128x128xf32, #tpu.memory_space<vmem>>
        %gather3A_723 = tpu.memref_squeeze %gather3A_722 : memref<1x128x128xf32, #tpu.memory_space<vmem>> -> memref<128x128xf32, #tpu.memory_space<vmem>>
        %gather3A_724 = tpu.vector_load_idx %gather3A_723[%add3A_459, %add3A_718] : memref<128x128xf32, #tpu.memory_space<vmem>>[vector<16xi32>, vector<16xi32>], vector<16xf32>,
        %scatter3A_725 = arith.constant 0 : i32
        %scatter3A_726 = arith.constant 0 : i32
        %scatter3A_727 = arith.constant 0 : i32
        %scatter3A_728 = tpu.memref_slice %arg9[%scatter3A_725, %scatter3A_726, %scatter3A_727] : memref<2x64x128xf32, #tpu.memory_space<vmem>> -> memref<1x64x128xf32, #tpu.memory_space<vmem>>
        %scatter3A_729 = tpu.memref_squeeze %scatter3A_728 : memref<1x64x128xf32, #tpu.memory_space<vmem>> -> memref<64x128xf32, #tpu.memory_space<vmem>>
        tpu.vector_store_idx %scatter3A_729[%and3A_659, %add3A_459], %gather3A_724 : memref<64x128xf32, #tpu.memory_space<vmem>>[vector<16xi32>, vector<16xi32>], vector<16xf32>,
        %add3A_730 = arith.addi %get3A_493, %and3A_659 : vector<16xi32>
        %gather3A_731 = arith.constant 0 : i32
        %gather3A_732 = arith.constant 0 : i32
        %gather3A_733 = arith.constant 0 : i32
        %gather3A_734 = tpu.memref_slice %arg8[%gather3A_731, %gather3A_732, %gather3A_733] : memref<2x128x128xf32, #tpu.memory_space<vmem>> -> memref<1x128x128xf32, #tpu.memory_space<vmem>>
        %gather3A_735 = tpu.memref_squeeze %gather3A_734 : memref<1x128x128xf32, #tpu.memory_space<vmem>> -> memref<128x128xf32, #tpu.memory_space<vmem>>
        %gather3A_736 = tpu.vector_load_idx %gather3A_735[%add3A_462, %add3A_730] : memref<128x128xf32, #tpu.memory_space<vmem>>[vector<16xi32>, vector<16xi32>], vector<16xf32>,
        %scatter3A_737 = arith.constant 0 : i32
        %scatter3A_738 = arith.constant 0 : i32
        %scatter3A_739 = arith.constant 0 : i32
        %scatter3A_740 = tpu.memref_slice %arg9[%scatter3A_737, %scatter3A_738, %scatter3A_739] : memref<2x64x128xf32, #tpu.memory_space<vmem>> -> memref<1x64x128xf32, #tpu.memory_space<vmem>>
        %scatter3A_741 = tpu.memref_squeeze %scatter3A_740 : memref<1x64x128xf32, #tpu.memory_space<vmem>> -> memref<64x128xf32, #tpu.memory_space<vmem>>
        tpu.vector_store_idx %scatter3A_741[%and3A_659, %add3A_462], %gather3A_736 : memref<64x128xf32, #tpu.memory_space<vmem>>[vector<16xi32>, vector<16xi32>], vector<16xf32>,
        %add3A_742 = arith.addi %get3A_497, %and3A_659 : vector<16xi32>
        %gather3A_743 = arith.constant 0 : i32
        %gather3A_744 = arith.constant 0 : i32
        %gather3A_745 = arith.constant 0 : i32
        %gather3A_746 = tpu.memref_slice %arg8[%gather3A_743, %gather3A_744, %gather3A_745] : memref<2x128x128xf32, #tpu.memory_space<vmem>> -> memref<1x128x128xf32, #tpu.memory_space<vmem>>
        %gather3A_747 = tpu.memref_squeeze %gather3A_746 : memref<1x128x128xf32, #tpu.memory_space<vmem>> -> memref<128x128xf32, #tpu.memory_space<vmem>>
        %gather3A_748 = tpu.vector_load_idx %gather3A_747[%add3A_465, %add3A_742] : memref<128x128xf32, #tpu.memory_space<vmem>>[vector<16xi32>, vector<16xi32>], vector<16xf32>,
        %scatter3A_749 = arith.constant 0 : i32
        %scatter3A_750 = arith.constant 0 : i32
        %scatter3A_751 = arith.constant 0 : i32
        %scatter3A_752 = tpu.memref_slice %arg9[%scatter3A_749, %scatter3A_750, %scatter3A_751] : memref<2x64x128xf32, #tpu.memory_space<vmem>> -> memref<1x64x128xf32, #tpu.memory_space<vmem>>
        %scatter3A_753 = tpu.memref_squeeze %scatter3A_752 : memref<1x64x128xf32, #tpu.memory_space<vmem>> -> memref<64x128xf32, #tpu.memory_space<vmem>>
        tpu.vector_store_idx %scatter3A_753[%and3A_659, %add3A_465], %gather3A_748 : memref<64x128xf32, #tpu.memory_space<vmem>>[vector<16xi32>, vector<16xi32>], vector<16xf32>,
        %mul3A_754 = arith.constant 8 : i32
        %mul3A_755 = arith.muli %mul3A_754, %scan3A_650 : i32
        %add3A_756 = arith.constant 1 : i32
        %add3A_757 = arith.addi %mul3A_755, %add3A_756 : i32
        %add3A_758 = vector.broadcast %add3A_757 : i32 to vector<16xi32>
        %add3A_759 = arith.addi %add3A_758, %iota3A : vector<16xi32>
        %and3A_760 = arith.constant 63 : i32
        %and3A_761 = vector.broadcast %and3A_760 : i32 to vector<16xi32>
        %and3A_762 = arith.andi %add3A_759, %and3A_761 : vector<16xi32>
        %add3A_763 = arith.addi %get3A_469, %and3A_762 : vector<16xi32>
        %gather3A_764 = arith.constant 0 : i32
        %gather3A_765 = arith.constant 0 : i32
        %gather3A_766 = arith.constant 0 : i32
        %gather3A_767 = tpu.memref_slice %arg8[%gather3A_764, %gather3A_765, %gather3A_766] : memref<2x128x128xf32, #tpu.memory_space<vmem>> -> memref<1x128x128xf32, #tpu.memory_space<vmem>>
        %gather3A_768 = tpu.memref_squeeze %gather3A_767 : memref<1x128x128xf32, #tpu.memory_space<vmem>> -> memref<128x128xf32, #tpu.memory_space<vmem>>
        %gather3A_769 = tpu.vector_load_idx %gather3A_768[%add3A_444, %add3A_763] : memref<128x128xf32, #tpu.memory_space<vmem>>[vector<16xi32>, vector<16xi32>], vector<16xf32>,
        %scatter3A_770 = arith.constant 0 : i32
        %scatter3A_771 = arith.constant 0 : i32
        %scatter3A_772 = arith.constant 0 : i32
        %scatter3A_773 = tpu.memref_slice %arg9[%scatter3A_770, %scatter3A_771, %scatter3A_772] : memref<2x64x128xf32, #tpu.memory_space<vmem>> -> memref<1x64x128xf32, #tpu.memory_space<vmem>>
        %scatter3A_774 = tpu.memref_squeeze %scatter3A_773 : memref<1x64x128xf32, #tpu.memory_space<vmem>> -> memref<64x128xf32, #tpu.memory_space<vmem>>
        tpu.vector_store_idx %scatter3A_774[%and3A_762, %add3A_444], %gather3A_769 : memref<64x128xf32, #tpu.memory_space<vmem>>[vector<16xi32>, vector<16xi32>], vector<16xf32>,
        %add3A_775 = arith.addi %get3A_473, %and3A_762 : vector<16xi32>
        %gather3A_776 = arith.constant 0 : i32
        %gather3A_777 = arith.constant 0 : i32
        %gather3A_778 = arith.constant 0 : i32
        %gather3A_779 = tpu.memref_slice %arg8[%gather3A_776, %gather3A_777, %gather3A_778] : memref<2x128x128xf32, #tpu.memory_space<vmem>> -> memref<1x128x128xf32, #tpu.memory_space<vmem>>
        %gather3A_780 = tpu.memref_squeeze %gather3A_779 : memref<1x128x128xf32, #tpu.memory_space<vmem>> -> memref<128x128xf32, #tpu.memory_space<vmem>>
        %gather3A_781 = tpu.vector_load_idx %gather3A_780[%add3A_447, %add3A_775] : memref<128x128xf32, #tpu.memory_space<vmem>>[vector<16xi32>, vector<16xi32>], vector<16xf32>,
        %scatter3A_782 = arith.constant 0 : i32
        %scatter3A_783 = arith.constant 0 : i32
        %scatter3A_784 = arith.constant 0 : i32
        %scatter3A_785 = tpu.memref_slice %arg9[%scatter3A_782, %scatter3A_783, %scatter3A_784] : memref<2x64x128xf32, #tpu.memory_space<vmem>> -> memref<1x64x128xf32, #tpu.memory_space<vmem>>
        %scatter3A_786 = tpu.memref_squeeze %scatter3A_785 : memref<1x64x128xf32, #tpu.memory_space<vmem>> -> memref<64x128xf32, #tpu.memory_space<vmem>>
        tpu.vector_store_idx %scatter3A_786[%and3A_762, %add3A_447], %gather3A_781 : memref<64x128xf32, #tpu.memory_space<vmem>>[vector<16xi32>, vector<16xi32>], vector<16xf32>,
        %add3A_787 = arith.addi %get3A_477, %and3A_762 : vector<16xi32>
        %gather3A_788 = arith.constant 0 : i32
        %gather3A_789 = arith.constant 0 : i32
        %gather3A_790 = arith.constant 0 : i32
        %gather3A_791 = tpu.memref_slice %arg8[%gather3A_788, %gather3A_789, %gather3A_790] : memref<2x128x128xf32, #tpu.memory_space<vmem>> -> memref<1x128x128xf32, #tpu.memory_space<vmem>>
        %gather3A_792 = tpu.memref_squeeze %gather3A_791 : memref<1x128x128xf32, #tpu.memory_space<vmem>> -> memref<128x128xf32, #tpu.memory_space<vmem>>
        %gather3A_793 = tpu.vector_load_idx %gather3A_792[%add3A_450, %add3A_787] : memref<128x128xf32, #tpu.memory_space<vmem>>[vector<16xi32>, vector<16xi32>], vector<16xf32>,
        %scatter3A_794 = arith.constant 0 : i32
        %scatter3A_795 = arith.constant 0 : i32
        %scatter3A_796 = arith.constant 0 : i32
        %scatter3A_797 = tpu.memref_slice %arg9[%scatter3A_794, %scatter3A_795, %scatter3A_796] : memref<2x64x128xf32, #tpu.memory_space<vmem>> -> memref<1x64x128xf32, #tpu.memory_space<vmem>>
        %scatter3A_798 = tpu.memref_squeeze %scatter3A_797 : memref<1x64x128xf32, #tpu.memory_space<vmem>> -> memref<64x128xf32, #tpu.memory_space<vmem>>
        tpu.vector_store_idx %scatter3A_798[%and3A_762, %add3A_450], %gather3A_793 : memref<64x128xf32, #tpu.memory_space<vmem>>[vector<16xi32>, vector<16xi32>], vector<16xf32>,
        %add3A_799 = arith.addi %get3A_481, %and3A_762 : vector<16xi32>
        %gather3A_800 = arith.constant 0 : i32
        %gather3A_801 = arith.constant 0 : i32
        %gather3A_802 = arith.constant 0 : i32
        %gather3A_803 = tpu.memref_slice %arg8[%gather3A_800, %gather3A_801, %gather3A_802] : memref<2x128x128xf32, #tpu.memory_space<vmem>> -> memref<1x128x128xf32, #tpu.memory_space<vmem>>
        %gather3A_804 = tpu.memref_squeeze %gather3A_803 : memref<1x128x128xf32, #tpu.memory_space<vmem>> -> memref<128x128xf32, #tpu.memory_space<vmem>>
        %gather3A_805 = tpu.vector_load_idx %gather3A_804[%add3A_453, %add3A_799] : memref<128x128xf32, #tpu.memory_space<vmem>>[vector<16xi32>, vector<16xi32>], vector<16xf32>,
        %scatter3A_806 = arith.constant 0 : i32
        %scatter3A_807 = arith.constant 0 : i32
        %scatter3A_808 = arith.constant 0 : i32
        %scatter3A_809 = tpu.memref_slice %arg9[%scatter3A_806, %scatter3A_807, %scatter3A_808] : memref<2x64x128xf32, #tpu.memory_space<vmem>> -> memref<1x64x128xf32, #tpu.memory_space<vmem>>
        %scatter3A_810 = tpu.memref_squeeze %scatter3A_809 : memref<1x64x128xf32, #tpu.memory_space<vmem>> -> memref<64x128xf32, #tpu.memory_space<vmem>>
        tpu.vector_store_idx %scatter3A_810[%and3A_762, %add3A_453], %gather3A_805 : memref<64x128xf32, #tpu.memory_space<vmem>>[vector<16xi32>, vector<16xi32>], vector<16xf32>,
        %add3A_811 = arith.addi %get3A_485, %and3A_762 : vector<16xi32>
        %gather3A_812 = arith.constant 0 : i32
        %gather3A_813 = arith.constant 0 : i32
        %gather3A_814 = arith.constant 0 : i32
        %gather3A_815 = tpu.memref_slice %arg8[%gather3A_812, %gather3A_813, %gather3A_814] : memref<2x128x128xf32, #tpu.memory_space<vmem>> -> memref<1x128x128xf32, #tpu.memory_space<vmem>>
        %gather3A_816 = tpu.memref_squeeze %gather3A_815 : memref<1x128x128xf32, #tpu.memory_space<vmem>> -> memref<128x128xf32, #tpu.memory_space<vmem>>
        %gather3A_817 = tpu.vector_load_idx %gather3A_816[%add3A_456, %add3A_811] : memref<128x128xf32, #tpu.memory_space<vmem>>[vector<16xi32>, vector<16xi32>], vector<16xf32>,
        %scatter3A_818 = arith.constant 0 : i32
        %scatter3A_819 = arith.constant 0 : i32
        %scatter3A_820 = arith.constant 0 : i32
        %scatter3A_821 = tpu.memref_slice %arg9[%scatter3A_818, %scatter3A_819, %scatter3A_820] : memref<2x64x128xf32, #tpu.memory_space<vmem>> -> memref<1x64x128xf32, #tpu.memory_space<vmem>>
        %scatter3A_822 = tpu.memref_squeeze %scatter3A_821 : memref<1x64x128xf32, #tpu.memory_space<vmem>> -> memref<64x128xf32, #tpu.memory_space<vmem>>
        tpu.vector_store_idx %scatter3A_822[%and3A_762, %add3A_456], %gather3A_817 : memref<64x128xf32, #tpu.memory_space<vmem>>[vector<16xi32>, vector<16xi32>], vector<16xf32>,
        %add3A_823 = arith.addi %get3A_489, %and3A_762 : vector<16xi32>
        %gather3A_824 = arith.constant 0 : i32
        %gather3A_825 = arith.constant 0 : i32
        %gather3A_826 = arith.constant 0 : i32
        %gather3A_827 = tpu.memref_slice %arg8[%gather3A_824, %gather3A_825, %gather3A_826] : memref<2x128x128xf32, #tpu.memory_space<vmem>> -> memref<1x128x128xf32, #tpu.memory_space<vmem>>
        %gather3A_828 = tpu.memref_squeeze %gather3A_827 : memref<1x128x128xf32, #tpu.memory_space<vmem>> -> memref<128x128xf32, #tpu.memory_space<vmem>>
        %gather3A_829 = tpu.vector_load_idx %gather3A_828[%add3A_459, %add3A_823] : memref<128x128xf32, #tpu.memory_space<vmem>>[vector<16xi32>, vector<16xi32>], vector<16xf32>,
        %scatter3A_830 = arith.constant 0 : i32
        %scatter3A_831 = arith.constant 0 : i32
        %scatter3A_832 = arith.constant 0 : i32
        %scatter3A_833 = tpu.memref_slice %arg9[%scatter3A_830, %scatter3A_831, %scatter3A_832] : memref<2x64x128xf32, #tpu.memory_space<vmem>> -> memref<1x64x128xf32, #tpu.memory_space<vmem>>
        %scatter3A_834 = tpu.memref_squeeze %scatter3A_833 : memref<1x64x128xf32, #tpu.memory_space<vmem>> -> memref<64x128xf32, #tpu.memory_space<vmem>>
        tpu.vector_store_idx %scatter3A_834[%and3A_762, %add3A_459], %gather3A_829 : memref<64x128xf32, #tpu.memory_space<vmem>>[vector<16xi32>, vector<16xi32>], vector<16xf32>,
        %add3A_835 = arith.addi %get3A_493, %and3A_762 : vector<16xi32>
        %gather3A_836 = arith.constant 0 : i32
        %gather3A_837 = arith.constant 0 : i32
        %gather3A_838 = arith.constant 0 : i32
        %gather3A_839 = tpu.memref_slice %arg8[%gather3A_836, %gather3A_837, %gather3A_838] : memref<2x128x128xf32, #tpu.memory_space<vmem>> -> memref<1x128x128xf32, #tpu.memory_space<vmem>>
        %gather3A_840 = tpu.memref_squeeze %gather3A_839 : memref<1x128x128xf32, #tpu.memory_space<vmem>> -> memref<128x128xf32, #tpu.memory_space<vmem>>
        %gather3A_841 = tpu.vector_load_idx %gather3A_840[%add3A_462, %add3A_835] : memref<128x128xf32, #tpu.memory_space<vmem>>[vector<16xi32>, vector<16xi32>], vector<16xf32>,
        %scatter3A_842 = arith.constant 0 : i32
        %scatter3A_843 = arith.constant 0 : i32
        %scatter3A_844 = arith.constant 0 : i32
        %scatter3A_845 = tpu.memref_slice %arg9[%scatter3A_842, %scatter3A_843, %scatter3A_844] : memref<2x64x128xf32, #tpu.memory_space<vmem>> -> memref<1x64x128xf32, #tpu.memory_space<vmem>>
        %scatter3A_846 = tpu.memref_squeeze %scatter3A_845 : memref<1x64x128xf32, #tpu.memory_space<vmem>> -> memref<64x128xf32, #tpu.memory_space<vmem>>
        tpu.vector_store_idx %scatter3A_846[%and3A_762, %add3A_462], %gather3A_841 : memref<64x128xf32, #tpu.memory_space<vmem>>[vector<16xi32>, vector<16xi32>], vector<16xf32>,
        %add3A_847 = arith.addi %get3A_497, %and3A_762 : vector<16xi32>
        %gather3A_848 = arith.constant 0 : i32
        %gather3A_849 = arith.constant 0 : i32
        %gather3A_850 = arith.constant 0 : i32
        %gather3A_851 = tpu.memref_slice %arg8[%gather3A_848, %gather3A_849, %gather3A_850] : memref<2x128x128xf32, #tpu.memory_space<vmem>> -> memref<1x128x128xf32, #tpu.memory_space<vmem>>
        %gather3A_852 = tpu.memref_squeeze %gather3A_851 : memref<1x128x128xf32, #tpu.memory_space<vmem>> -> memref<128x128xf32, #tpu.memory_space<vmem>>
        %gather3A_853 = tpu.vector_load_idx %gather3A_852[%add3A_465, %add3A_847] : memref<128x128xf32, #tpu.memory_space<vmem>>[vector<16xi32>, vector<16xi32>], vector<16xf32>,
        %scatter3A_854 = arith.constant 0 : i32
        %scatter3A_855 = arith.constant 0 : i32
        %scatter3A_856 = arith.constant 0 : i32
        %scatter3A_857 = tpu.memref_slice %arg9[%scatter3A_854, %scatter3A_855, %scatter3A_856] : memref<2x64x128xf32, #tpu.memory_space<vmem>> -> memref<1x64x128xf32, #tpu.memory_space<vmem>>
        %scatter3A_858 = tpu.memref_squeeze %scatter3A_857 : memref<1x64x128xf32, #tpu.memory_space<vmem>> -> memref<64x128xf32, #tpu.memory_space<vmem>>
        tpu.vector_store_idx %scatter3A_858[%and3A_762, %add3A_465], %gather3A_853 : memref<64x128xf32, #tpu.memory_space<vmem>>[vector<16xi32>, vector<16xi32>], vector<16xf32>,
        %mul3A_859 = arith.constant 8 : i32
        %mul3A_860 = arith.muli %mul3A_859, %scan3A_650 : i32
        %add3A_861 = arith.constant 2 : i32
        %add3A_862 = arith.addi %mul3A_860, %add3A_861 : i32
        %add3A_863 = vector.broadcast %add3A_862 : i32 to vector<16xi32>
        %add3A_864 = arith.addi %add3A_863, %iota3A : vector<16xi32>
        %and3A_865 = arith.constant 63 : i32
        %and3A_866 = vector.broadcast %and3A_865 : i32 to vector<16xi32>
        %and3A_867 = arith.andi %add3A_864, %and3A_866 : vector<16xi32>
        %add3A_868 = arith.addi %get3A_469, %and3A_867 : vector<16xi32>
        %gather3A_869 = arith.constant 0 : i32
        %gather3A_870 = arith.constant 0 : i32
        %gather3A_871 = arith.constant 0 : i32
        %gather3A_872 = tpu.memref_slice %arg8[%gather3A_869, %gather3A_870, %gather3A_871] : memref<2x128x128xf32, #tpu.memory_space<vmem>> -> memref<1x128x128xf32, #tpu.memory_space<vmem>>
        %gather3A_873 = tpu.memref_squeeze %gather3A_872 : memref<1x128x128xf32, #tpu.memory_space<vmem>> -> memref<128x128xf32, #tpu.memory_space<vmem>>
        %gather3A_874 = tpu.vector_load_idx %gather3A_873[%add3A_444, %add3A_868] : memref<128x128xf32, #tpu.memory_space<vmem>>[vector<16xi32>, vector<16xi32>], vector<16xf32>,
        %scatter3A_875 = arith.constant 0 : i32
        %scatter3A_876 = arith.constant 0 : i32
        %scatter3A_877 = arith.constant 0 : i32
        %scatter3A_878 = tpu.memref_slice %arg9[%scatter3A_875, %scatter3A_876, %scatter3A_877] : memref<2x64x128xf32, #tpu.memory_space<vmem>> -> memref<1x64x128xf32, #tpu.memory_space<vmem>>
        %scatter3A_879 = tpu.memref_squeeze %scatter3A_878 : memref<1x64x128xf32, #tpu.memory_space<vmem>> -> memref<64x128xf32, #tpu.memory_space<vmem>>
        tpu.vector_store_idx %scatter3A_879[%and3A_867, %add3A_444], %gather3A_874 : memref<64x128xf32, #tpu.memory_space<vmem>>[vector<16xi32>, vector<16xi32>], vector<16xf32>,
        %add3A_880 = arith.addi %get3A_473, %and3A_867 : vector<16xi32>
        %gather3A_881 = arith.constant 0 : i32
        %gather3A_882 = arith.constant 0 : i32
        %gather3A_883 = arith.constant 0 : i32
        %gather3A_884 = tpu.memref_slice %arg8[%gather3A_881, %gather3A_882, %gather3A_883] : memref<2x128x128xf32, #tpu.memory_space<vmem>> -> memref<1x128x128xf32, #tpu.memory_space<vmem>>
        %gather3A_885 = tpu.memref_squeeze %gather3A_884 : memref<1x128x128xf32, #tpu.memory_space<vmem>> -> memref<128x128xf32, #tpu.memory_space<vmem>>
        %gather3A_886 = tpu.vector_load_idx %gather3A_885[%add3A_447, %add3A_880] : memref<128x128xf32, #tpu.memory_space<vmem>>[vector<16xi32>, vector<16xi32>], vector<16xf32>,
        %scatter3A_887 = arith.constant 0 : i32
        %scatter3A_888 = arith.constant 0 : i32
        %scatter3A_889 = arith.constant 0 : i32
        %scatter3A_890 = tpu.memref_slice %arg9[%scatter3A_887, %scatter3A_888, %scatter3A_889] : memref<2x64x128xf32, #tpu.memory_space<vmem>> -> memref<1x64x128xf32, #tpu.memory_space<vmem>>
        %scatter3A_891 = tpu.memref_squeeze %scatter3A_890 : memref<1x64x128xf32, #tpu.memory_space<vmem>> -> memref<64x128xf32, #tpu.memory_space<vmem>>
        tpu.vector_store_idx %scatter3A_891[%and3A_867, %add3A_447], %gather3A_886 : memref<64x128xf32, #tpu.memory_space<vmem>>[vector<16xi32>, vector<16xi32>], vector<16xf32>,
        %add3A_892 = arith.addi %get3A_477, %and3A_867 : vector<16xi32>
        %gather3A_893 = arith.constant 0 : i32
        %gather3A_894 = arith.constant 0 : i32
        %gather3A_895 = arith.constant 0 : i32
        %gather3A_896 = tpu.memref_slice %arg8[%gather3A_893, %gather3A_894, %gather3A_895] : memref<2x128x128xf32, #tpu.memory_space<vmem>> -> memref<1x128x128xf32, #tpu.memory_space<vmem>>
        %gather3A_897 = tpu.memref_squeeze %gather3A_896 : memref<1x128x128xf32, #tpu.memory_space<vmem>> -> memref<128x128xf32, #tpu.memory_space<vmem>>
        %gather3A_898 = tpu.vector_load_idx %gather3A_897[%add3A_450, %add3A_892] : memref<128x128xf32, #tpu.memory_space<vmem>>[vector<16xi32>, vector<16xi32>], vector<16xf32>,
        %scatter3A_899 = arith.constant 0 : i32
        %scatter3A_900 = arith.constant 0 : i32
        %scatter3A_901 = arith.constant 0 : i32
        %scatter3A_902 = tpu.memref_slice %arg9[%scatter3A_899, %scatter3A_900, %scatter3A_901] : memref<2x64x128xf32, #tpu.memory_space<vmem>> -> memref<1x64x128xf32, #tpu.memory_space<vmem>>
        %scatter3A_903 = tpu.memref_squeeze %scatter3A_902 : memref<1x64x128xf32, #tpu.memory_space<vmem>> -> memref<64x128xf32, #tpu.memory_space<vmem>>
        tpu.vector_store_idx %scatter3A_903[%and3A_867, %add3A_450], %gather3A_898 : memref<64x128xf32, #tpu.memory_space<vmem>>[vector<16xi32>, vector<16xi32>], vector<16xf32>,
        %add3A_904 = arith.addi %get3A_481, %and3A_867 : vector<16xi32>
        %gather3A_905 = arith.constant 0 : i32
        %gather3A_906 = arith.constant 0 : i32
        %gather3A_907 = arith.constant 0 : i32
        %gather3A_908 = tpu.memref_slice %arg8[%gather3A_905, %gather3A_906, %gather3A_907] : memref<2x128x128xf32, #tpu.memory_space<vmem>> -> memref<1x128x128xf32, #tpu.memory_space<vmem>>
        %gather3A_909 = tpu.memref_squeeze %gather3A_908 : memref<1x128x128xf32, #tpu.memory_space<vmem>> -> memref<128x128xf32, #tpu.memory_space<vmem>>
        %gather3A_910 = tpu.vector_load_idx %gather3A_909[%add3A_453, %add3A_904] : memref<128x128xf32, #tpu.memory_space<vmem>>[vector<16xi32>, vector<16xi32>], vector<16xf32>,
        %scatter3A_911 = arith.constant 0 : i32
        %scatter3A_912 = arith.constant 0 : i32
        %scatter3A_913 = arith.constant 0 : i32
        %scatter3A_914 = tpu.memref_slice %arg9[%scatter3A_911, %scatter3A_912, %scatter3A_913] : memref<2x64x128xf32, #tpu.memory_space<vmem>> -> memref<1x64x128xf32, #tpu.memory_space<vmem>>
        %scatter3A_915 = tpu.memref_squeeze %scatter3A_914 : memref<1x64x128xf32, #tpu.memory_space<vmem>> -> memref<64x128xf32, #tpu.memory_space<vmem>>
        tpu.vector_store_idx %scatter3A_915[%and3A_867, %add3A_453], %gather3A_910 : memref<64x128xf32, #tpu.memory_space<vmem>>[vector<16xi32>, vector<16xi32>], vector<16xf32>,
        %add3A_916 = arith.addi %get3A_485, %and3A_867 : vector<16xi32>
        %gather3A_917 = arith.constant 0 : i32
        %gather3A_918 = arith.constant 0 : i32
        %gather3A_919 = arith.constant 0 : i32
        %gather3A_920 = tpu.memref_slice %arg8[%gather3A_917, %gather3A_918, %gather3A_919] : memref<2x128x128xf32, #tpu.memory_space<vmem>> -> memref<1x128x128xf32, #tpu.memory_space<vmem>>
        %gather3A_921 = tpu.memref_squeeze %gather3A_920 : memref<1x128x128xf32, #tpu.memory_space<vmem>> -> memref<128x128xf32, #tpu.memory_space<vmem>>
        %gather3A_922 = tpu.vector_load_idx %gather3A_921[%add3A_456, %add3A_916] : memref<128x128xf32, #tpu.memory_space<vmem>>[vector<16xi32>, vector<16xi32>], vector<16xf32>,
        %scatter3A_923 = arith.constant 0 : i32
        %scatter3A_924 = arith.constant 0 : i32
        %scatter3A_925 = arith.constant 0 : i32
        %scatter3A_926 = tpu.memref_slice %arg9[%scatter3A_923, %scatter3A_924, %scatter3A_925] : memref<2x64x128xf32, #tpu.memory_space<vmem>> -> memref<1x64x128xf32, #tpu.memory_space<vmem>>
        %scatter3A_927 = tpu.memref_squeeze %scatter3A_926 : memref<1x64x128xf32, #tpu.memory_space<vmem>> -> memref<64x128xf32, #tpu.memory_space<vmem>>
        tpu.vector_store_idx %scatter3A_927[%and3A_867, %add3A_456], %gather3A_922 : memref<64x128xf32, #tpu.memory_space<vmem>>[vector<16xi32>, vector<16xi32>], vector<16xf32>,
        %add3A_928 = arith.addi %get3A_489, %and3A_867 : vector<16xi32>
        %gather3A_929 = arith.constant 0 : i32
        %gather3A_930 = arith.constant 0 : i32
        %gather3A_931 = arith.constant 0 : i32
        %gather3A_932 = tpu.memref_slice %arg8[%gather3A_929, %gather3A_930, %gather3A_931] : memref<2x128x128xf32, #tpu.memory_space<vmem>> -> memref<1x128x128xf32, #tpu.memory_space<vmem>>
        %gather3A_933 = tpu.memref_squeeze %gather3A_932 : memref<1x128x128xf32, #tpu.memory_space<vmem>> -> memref<128x128xf32, #tpu.memory_space<vmem>>
        %gather3A_934 = tpu.vector_load_idx %gather3A_933[%add3A_459, %add3A_928] : memref<128x128xf32, #tpu.memory_space<vmem>>[vector<16xi32>, vector<16xi32>], vector<16xf32>,
        %scatter3A_935 = arith.constant 0 : i32
        %scatter3A_936 = arith.constant 0 : i32
        %scatter3A_937 = arith.constant 0 : i32
        %scatter3A_938 = tpu.memref_slice %arg9[%scatter3A_935, %scatter3A_936, %scatter3A_937] : memref<2x64x128xf32, #tpu.memory_space<vmem>> -> memref<1x64x128xf32, #tpu.memory_space<vmem>>
        %scatter3A_939 = tpu.memref_squeeze %scatter3A_938 : memref<1x64x128xf32, #tpu.memory_space<vmem>> -> memref<64x128xf32, #tpu.memory_space<vmem>>
        tpu.vector_store_idx %scatter3A_939[%and3A_867, %add3A_459], %gather3A_934 : memref<64x128xf32, #tpu.memory_space<vmem>>[vector<16xi32>, vector<16xi32>], vector<16xf32>,
        %add3A_940 = arith.addi %get3A_493, %and3A_867 : vector<16xi32>
        %gather3A_941 = arith.constant 0 : i32
        %gather3A_942 = arith.constant 0 : i32
        %gather3A_943 = arith.constant 0 : i32
        %gather3A_944 = tpu.memref_slice %arg8[%gather3A_941, %gather3A_942, %gather3A_943] : memref<2x128x128xf32, #tpu.memory_space<vmem>> -> memref<1x128x128xf32, #tpu.memory_space<vmem>>
        %gather3A_945 = tpu.memref_squeeze %gather3A_944 : memref<1x128x128xf32, #tpu.memory_space<vmem>> -> memref<128x128xf32, #tpu.memory_space<vmem>>
        %gather3A_946 = tpu.vector_load_idx %gather3A_945[%add3A_462, %add3A_940] : memref<128x128xf32, #tpu.memory_space<vmem>>[vector<16xi32>, vector<16xi32>], vector<16xf32>,
        %scatter3A_947 = arith.constant 0 : i32
        %scatter3A_948 = arith.constant 0 : i32
        %scatter3A_949 = arith.constant 0 : i32
        %scatter3A_950 = tpu.memref_slice %arg9[%scatter3A_947, %scatter3A_948, %scatter3A_949] : memref<2x64x128xf32, #tpu.memory_space<vmem>> -> memref<1x64x128xf32, #tpu.memory_space<vmem>>
        %scatter3A_951 = tpu.memref_squeeze %scatter3A_950 : memref<1x64x128xf32, #tpu.memory_space<vmem>> -> memref<64x128xf32, #tpu.memory_space<vmem>>
        tpu.vector_store_idx %scatter3A_951[%and3A_867, %add3A_462], %gather3A_946 : memref<64x128xf32, #tpu.memory_space<vmem>>[vector<16xi32>, vector<16xi32>], vector<16xf32>,
        %add3A_952 = arith.addi %get3A_497, %and3A_867 : vector<16xi32>
        %gather3A_953 = arith.constant 0 : i32
        %gather3A_954 = arith.constant 0 : i32
        %gather3A_955 = arith.constant 0 : i32
        %gather3A_956 = tpu.memref_slice %arg8[%gather3A_953, %gather3A_954, %gather3A_955] : memref<2x128x128xf32, #tpu.memory_space<vmem>> -> memref<1x128x128xf32, #tpu.memory_space<vmem>>
        %gather3A_957 = tpu.memref_squeeze %gather3A_956 : memref<1x128x128xf32, #tpu.memory_space<vmem>> -> memref<128x128xf32, #tpu.memory_space<vmem>>
        %gather3A_958 = tpu.vector_load_idx %gather3A_957[%add3A_465, %add3A_952] : memref<128x128xf32, #tpu.memory_space<vmem>>[vector<16xi32>, vector<16xi32>], vector<16xf32>,
        %scatter3A_959 = arith.constant 0 : i32
        %scatter3A_960 = arith.constant 0 : i32
        %scatter3A_961 = arith.constant 0 : i32
        %scatter3A_962 = tpu.memref_slice %arg9[%scatter3A_959, %scatter3A_960, %scatter3A_961] : memref<2x64x128xf32, #tpu.memory_space<vmem>> -> memref<1x64x128xf32, #tpu.memory_space<vmem>>
        %scatter3A_963 = tpu.memref_squeeze %scatter3A_962 : memref<1x64x128xf32, #tpu.memory_space<vmem>> -> memref<64x128xf32, #tpu.memory_space<vmem>>
        tpu.vector_store_idx %scatter3A_963[%and3A_867, %add3A_465], %gather3A_958 : memref<64x128xf32, #tpu.memory_space<vmem>>[vector<16xi32>, vector<16xi32>], vector<16xf32>,
        %mul3A_964 = arith.constant 8 : i32
        %mul3A_965 = arith.muli %mul3A_964, %scan3A_650 : i32
        %add3A_966 = arith.constant 3 : i32
        %add3A_967 = arith.addi %mul3A_965, %add3A_966 : i32
        %add3A_968 = vector.broadcast %add3A_967 : i32 to vector<16xi32>
        %add3A_969 = arith.addi %add3A_968, %iota3A : vector<16xi32>
        %and3A_970 = arith.constant 63 : i32
        %and3A_971 = vector.broadcast %and3A_970 : i32 to vector<16xi32>
        %and3A_972 = arith.andi %add3A_969, %and3A_971 : vector<16xi32>
        %add3A_973 = arith.addi %get3A_469, %and3A_972 : vector<16xi32>
        %gather3A_974 = arith.constant 0 : i32
        %gather3A_975 = arith.constant 0 : i32
        %gather3A_976 = arith.constant 0 : i32
        %gather3A_977 = tpu.memref_slice %arg8[%gather3A_974, %gather3A_975, %gather3A_976] : memref<2x128x128xf32, #tpu.memory_space<vmem>> -> memref<1x128x128xf32, #tpu.memory_space<vmem>>
        %gather3A_978 = tpu.memref_squeeze %gather3A_977 : memref<1x128x128xf32, #tpu.memory_space<vmem>> -> memref<128x128xf32, #tpu.memory_space<vmem>>
        %gather3A_979 = tpu.vector_load_idx %gather3A_978[%add3A_444, %add3A_973] : memref<128x128xf32, #tpu.memory_space<vmem>>[vector<16xi32>, vector<16xi32>], vector<16xf32>,
        %scatter3A_980 = arith.constant 0 : i32
        %scatter3A_981 = arith.constant 0 : i32
        %scatter3A_982 = arith.constant 0 : i32
        %scatter3A_983 = tpu.memref_slice %arg9[%scatter3A_980, %scatter3A_981, %scatter3A_982] : memref<2x64x128xf32, #tpu.memory_space<vmem>> -> memref<1x64x128xf32, #tpu.memory_space<vmem>>
        %scatter3A_984 = tpu.memref_squeeze %scatter3A_983 : memref<1x64x128xf32, #tpu.memory_space<vmem>> -> memref<64x128xf32, #tpu.memory_space<vmem>>
        tpu.vector_store_idx %scatter3A_984[%and3A_972, %add3A_444], %gather3A_979 : memref<64x128xf32, #tpu.memory_space<vmem>>[vector<16xi32>, vector<16xi32>], vector<16xf32>,
        %add3A_985 = arith.addi %get3A_473, %and3A_972 : vector<16xi32>
        %gather3A_986 = arith.constant 0 : i32
        %gather3A_987 = arith.constant 0 : i32
        %gather3A_988 = arith.constant 0 : i32
        %gather3A_989 = tpu.memref_slice %arg8[%gather3A_986, %gather3A_987, %gather3A_988] : memref<2x128x128xf32, #tpu.memory_space<vmem>> -> memref<1x128x128xf32, #tpu.memory_space<vmem>>
        %gather3A_990 = tpu.memref_squeeze %gather3A_989 : memref<1x128x128xf32, #tpu.memory_space<vmem>> -> memref<128x128xf32, #tpu.memory_space<vmem>>
        %gather3A_991 = tpu.vector_load_idx %gather3A_990[%add3A_447, %add3A_985] : memref<128x128xf32, #tpu.memory_space<vmem>>[vector<16xi32>, vector<16xi32>], vector<16xf32>,
        %scatter3A_992 = arith.constant 0 : i32
        %scatter3A_993 = arith.constant 0 : i32
        %scatter3A_994 = arith.constant 0 : i32
        %scatter3A_995 = tpu.memref_slice %arg9[%scatter3A_992, %scatter3A_993, %scatter3A_994] : memref<2x64x128xf32, #tpu.memory_space<vmem>> -> memref<1x64x128xf32, #tpu.memory_space<vmem>>
        %scatter3A_996 = tpu.memref_squeeze %scatter3A_995 : memref<1x64x128xf32, #tpu.memory_space<vmem>> -> memref<64x128xf32, #tpu.memory_space<vmem>>
        tpu.vector_store_idx %scatter3A_996[%and3A_972, %add3A_447], %gather3A_991 : memref<64x128xf32, #tpu.memory_space<vmem>>[vector<16xi32>, vector<16xi32>], vector<16xf32>,
        %add3A_997 = arith.addi %get3A_477, %and3A_972 : vector<16xi32>
        %gather3A_998 = arith.constant 0 : i32
        %gather3A_999 = arith.constant 0 : i32
        %gather3A_1000 = arith.constant 0 : i32
        %gather3A_1001 = tpu.memref_slice %arg8[%gather3A_998, %gather3A_999, %gather3A_1000] : memref<2x128x128xf32, #tpu.memory_space<vmem>> -> memref<1x128x128xf32, #tpu.memory_space<vmem>>
        %gather3A_1002 = tpu.memref_squeeze %gather3A_1001 : memref<1x128x128xf32, #tpu.memory_space<vmem>> -> memref<128x128xf32, #tpu.memory_space<vmem>>
        %gather3A_1003 = tpu.vector_load_idx %gather3A_1002[%add3A_450, %add3A_997] : memref<128x128xf32, #tpu.memory_space<vmem>>[vector<16xi32>, vector<16xi32>], vector<16xf32>,
        %scatter3A_1004 = arith.constant 0 : i32
        %scatter3A_1005 = arith.constant 0 : i32
        %scatter3A_1006 = arith.constant 0 : i32
        %scatter3A_1007 = tpu.memref_slice %arg9[%scatter3A_1004, %scatter3A_1005, %scatter3A_1006] : memref<2x64x128xf32, #tpu.memory_space<vmem>> -> memref<1x64x128xf32, #tpu.memory_space<vmem>>
        %scatter3A_1008 = tpu.memref_squeeze %scatter3A_1007 : memref<1x64x128xf32, #tpu.memory_space<vmem>> -> memref<64x128xf32, #tpu.memory_space<vmem>>
        tpu.vector_store_idx %scatter3A_1008[%and3A_972, %add3A_450], %gather3A_1003 : memref<64x128xf32, #tpu.memory_space<vmem>>[vector<16xi32>, vector<16xi32>], vector<16xf32>,
        %add3A_1009 = arith.addi %get3A_481, %and3A_972 : vector<16xi32>
        %gather3A_1010 = arith.constant 0 : i32
        %gather3A_1011 = arith.constant 0 : i32
        %gather3A_1012 = arith.constant 0 : i32
        %gather3A_1013 = tpu.memref_slice %arg8[%gather3A_1010, %gather3A_1011, %gather3A_1012] : memref<2x128x128xf32, #tpu.memory_space<vmem>> -> memref<1x128x128xf32, #tpu.memory_space<vmem>>
        %gather3A_1014 = tpu.memref_squeeze %gather3A_1013 : memref<1x128x128xf32, #tpu.memory_space<vmem>> -> memref<128x128xf32, #tpu.memory_space<vmem>>
        %gather3A_1015 = tpu.vector_load_idx %gather3A_1014[%add3A_453, %add3A_1009] : memref<128x128xf32, #tpu.memory_space<vmem>>[vector<16xi32>, vector<16xi32>], vector<16xf32>,
        %scatter3A_1016 = arith.constant 0 : i32
        %scatter3A_1017 = arith.constant 0 : i32
        %scatter3A_1018 = arith.constant 0 : i32
        %scatter3A_1019 = tpu.memref_slice %arg9[%scatter3A_1016, %scatter3A_1017, %scatter3A_1018] : memref<2x64x128xf32, #tpu.memory_space<vmem>> -> memref<1x64x128xf32, #tpu.memory_space<vmem>>
        %scatter3A_1020 = tpu.memref_squeeze %scatter3A_1019 : memref<1x64x128xf32, #tpu.memory_space<vmem>> -> memref<64x128xf32, #tpu.memory_space<vmem>>
        tpu.vector_store_idx %scatter3A_1020[%and3A_972, %add3A_453], %gather3A_1015 : memref<64x128xf32, #tpu.memory_space<vmem>>[vector<16xi32>, vector<16xi32>], vector<16xf32>,
        %add3A_1021 = arith.addi %get3A_485, %and3A_972 : vector<16xi32>
        %gather3A_1022 = arith.constant 0 : i32
        %gather3A_1023 = arith.constant 0 : i32
        %gather3A_1024 = arith.constant 0 : i32
        %gather3A_1025 = tpu.memref_slice %arg8[%gather3A_1022, %gather3A_1023, %gather3A_1024] : memref<2x128x128xf32, #tpu.memory_space<vmem>> -> memref<1x128x128xf32, #tpu.memory_space<vmem>>
        %gather3A_1026 = tpu.memref_squeeze %gather3A_1025 : memref<1x128x128xf32, #tpu.memory_space<vmem>> -> memref<128x128xf32, #tpu.memory_space<vmem>>
        %gather3A_1027 = tpu.vector_load_idx %gather3A_1026[%add3A_456, %add3A_1021] : memref<128x128xf32, #tpu.memory_space<vmem>>[vector<16xi32>, vector<16xi32>], vector<16xf32>,
        %scatter3A_1028 = arith.constant 0 : i32
        %scatter3A_1029 = arith.constant 0 : i32
        %scatter3A_1030 = arith.constant 0 : i32
        %scatter3A_1031 = tpu.memref_slice %arg9[%scatter3A_1028, %scatter3A_1029, %scatter3A_1030] : memref<2x64x128xf32, #tpu.memory_space<vmem>> -> memref<1x64x128xf32, #tpu.memory_space<vmem>>
        %scatter3A_1032 = tpu.memref_squeeze %scatter3A_1031 : memref<1x64x128xf32, #tpu.memory_space<vmem>> -> memref<64x128xf32, #tpu.memory_space<vmem>>
        tpu.vector_store_idx %scatter3A_1032[%and3A_972, %add3A_456], %gather3A_1027 : memref<64x128xf32, #tpu.memory_space<vmem>>[vector<16xi32>, vector<16xi32>], vector<16xf32>,
        %add3A_1033 = arith.addi %get3A_489, %and3A_972 : vector<16xi32>
        %gather3A_1034 = arith.constant 0 : i32
        %gather3A_1035 = arith.constant 0 : i32
        %gather3A_1036 = arith.constant 0 : i32
        %gather3A_1037 = tpu.memref_slice %arg8[%gather3A_1034, %gather3A_1035, %gather3A_1036] : memref<2x128x128xf32, #tpu.memory_space<vmem>> -> memref<1x128x128xf32, #tpu.memory_space<vmem>>
        %gather3A_1038 = tpu.memref_squeeze %gather3A_1037 : memref<1x128x128xf32, #tpu.memory_space<vmem>> -> memref<128x128xf32, #tpu.memory_space<vmem>>
        %gather3A_1039 = tpu.vector_load_idx %gather3A_1038[%add3A_459, %add3A_1033] : memref<128x128xf32, #tpu.memory_space<vmem>>[vector<16xi32>, vector<16xi32>], vector<16xf32>,
        %scatter3A_1040 = arith.constant 0 : i32
        %scatter3A_1041 = arith.constant 0 : i32
        %scatter3A_1042 = arith.constant 0 : i32
        %scatter3A_1043 = tpu.memref_slice %arg9[%scatter3A_1040, %scatter3A_1041, %scatter3A_1042] : memref<2x64x128xf32, #tpu.memory_space<vmem>> -> memref<1x64x128xf32, #tpu.memory_space<vmem>>
        %scatter3A_1044 = tpu.memref_squeeze %scatter3A_1043 : memref<1x64x128xf32, #tpu.memory_space<vmem>> -> memref<64x128xf32, #tpu.memory_space<vmem>>
        tpu.vector_store_idx %scatter3A_1044[%and3A_972, %add3A_459], %gather3A_1039 : memref<64x128xf32, #tpu.memory_space<vmem>>[vector<16xi32>, vector<16xi32>], vector<16xf32>,
        %add3A_1045 = arith.addi %get3A_493, %and3A_972 : vector<16xi32>
        %gather3A_1046 = arith.constant 0 : i32
        %gather3A_1047 = arith.constant 0 : i32
        %gather3A_1048 = arith.constant 0 : i32
        %gather3A_1049 = tpu.memref_slice %arg8[%gather3A_1046, %gather3A_1047, %gather3A_1048] : memref<2x128x128xf32, #tpu.memory_space<vmem>> -> memref<1x128x128xf32, #tpu.memory_space<vmem>>
        %gather3A_1050 = tpu.memref_squeeze %gather3A_1049 : memref<1x128x128xf32, #tpu.memory_space<vmem>> -> memref<128x128xf32, #tpu.memory_space<vmem>>
        %gather3A_1051 = tpu.vector_load_idx %gather3A_1050[%add3A_462, %add3A_1045] : memref<128x128xf32, #tpu.memory_space<vmem>>[vector<16xi32>, vector<16xi32>], vector<16xf32>,
        %scatter3A_1052 = arith.constant 0 : i32
        %scatter3A_1053 = arith.constant 0 : i32
        %scatter3A_1054 = arith.constant 0 : i32
        %scatter3A_1055 = tpu.memref_slice %arg9[%scatter3A_1052, %scatter3A_1053, %scatter3A_1054] : memref<2x64x128xf32, #tpu.memory_space<vmem>> -> memref<1x64x128xf32, #tpu.memory_space<vmem>>
        %scatter3A_1056 = tpu.memref_squeeze %scatter3A_1055 : memref<1x64x128xf32, #tpu.memory_space<vmem>> -> memref<64x128xf32, #tpu.memory_space<vmem>>
        tpu.vector_store_idx %scatter3A_1056[%and3A_972, %add3A_462], %gather3A_1051 : memref<64x128xf32, #tpu.memory_space<vmem>>[vector<16xi32>, vector<16xi32>], vector<16xf32>,
        %add3A_1057 = arith.addi %get3A_497, %and3A_972 : vector<16xi32>
        %gather3A_1058 = arith.constant 0 : i32
        %gather3A_1059 = arith.constant 0 : i32
        %gather3A_1060 = arith.constant 0 : i32
        %gather3A_1061 = tpu.memref_slice %arg8[%gather3A_1058, %gather3A_1059, %gather3A_1060] : memref<2x128x128xf32, #tpu.memory_space<vmem>> -> memref<1x128x128xf32, #tpu.memory_space<vmem>>
        %gather3A_1062 = tpu.memref_squeeze %gather3A_1061 : memref<1x128x128xf32, #tpu.memory_space<vmem>> -> memref<128x128xf32, #tpu.memory_space<vmem>>
        %gather3A_1063 = tpu.vector_load_idx %gather3A_1062[%add3A_465, %add3A_1057] : memref<128x128xf32, #tpu.memory_space<vmem>>[vector<16xi32>, vector<16xi32>], vector<16xf32>,
        %scatter3A_1064 = arith.constant 0 : i32
        %scatter3A_1065 = arith.constant 0 : i32
        %scatter3A_1066 = arith.constant 0 : i32
        %scatter3A_1067 = tpu.memref_slice %arg9[%scatter3A_1064, %scatter3A_1065, %scatter3A_1066] : memref<2x64x128xf32, #tpu.memory_space<vmem>> -> memref<1x64x128xf32, #tpu.memory_space<vmem>>
        %scatter3A_1068 = tpu.memref_squeeze %scatter3A_1067 : memref<1x64x128xf32, #tpu.memory_space<vmem>> -> memref<64x128xf32, #tpu.memory_space<vmem>>
        tpu.vector_store_idx %scatter3A_1068[%and3A_972, %add3A_465], %gather3A_1063 : memref<64x128xf32, #tpu.memory_space<vmem>>[vector<16xi32>, vector<16xi32>], vector<16xf32>,
        %mul3A_1069 = arith.constant 8 : i32
        %mul3A_1070 = arith.muli %mul3A_1069, %scan3A_650 : i32
        %add3A_1071 = arith.constant 4 : i32
        %add3A_1072 = arith.addi %mul3A_1070, %add3A_1071 : i32
        %add3A_1073 = vector.broadcast %add3A_1072 : i32 to vector<16xi32>
        %add3A_1074 = arith.addi %add3A_1073, %iota3A : vector<16xi32>
        %and3A_1075 = arith.constant 63 : i32
        %and3A_1076 = vector.broadcast %and3A_1075 : i32 to vector<16xi32>
        %and3A_1077 = arith.andi %add3A_1074, %and3A_1076 : vector<16xi32>
        %add3A_1078 = arith.addi %get3A_469, %and3A_1077 : vector<16xi32>
        %gather3A_1079 = arith.constant 0 : i32
        %gather3A_1080 = arith.constant 0 : i32
        %gather3A_1081 = arith.constant 0 : i32
        %gather3A_1082 = tpu.memref_slice %arg8[%gather3A_1079, %gather3A_1080, %gather3A_1081] : memref<2x128x128xf32, #tpu.memory_space<vmem>> -> memref<1x128x128xf32, #tpu.memory_space<vmem>>
        %gather3A_1083 = tpu.memref_squeeze %gather3A_1082 : memref<1x128x128xf32, #tpu.memory_space<vmem>> -> memref<128x128xf32, #tpu.memory_space<vmem>>
        %gather3A_1084 = tpu.vector_load_idx %gather3A_1083[%add3A_444, %add3A_1078] : memref<128x128xf32, #tpu.memory_space<vmem>>[vector<16xi32>, vector<16xi32>], vector<16xf32>,
        %scatter3A_1085 = arith.constant 0 : i32
        %scatter3A_1086 = arith.constant 0 : i32
        %scatter3A_1087 = arith.constant 0 : i32
        %scatter3A_1088 = tpu.memref_slice %arg9[%scatter3A_1085, %scatter3A_1086, %scatter3A_1087] : memref<2x64x128xf32, #tpu.memory_space<vmem>> -> memref<1x64x128xf32, #tpu.memory_space<vmem>>
        %scatter3A_1089 = tpu.memref_squeeze %scatter3A_1088 : memref<1x64x128xf32, #tpu.memory_space<vmem>> -> memref<64x128xf32, #tpu.memory_space<vmem>>
        tpu.vector_store_idx %scatter3A_1089[%and3A_1077, %add3A_444], %gather3A_1084 : memref<64x128xf32, #tpu.memory_space<vmem>>[vector<16xi32>, vector<16xi32>], vector<16xf32>,
        %add3A_1090 = arith.addi %get3A_473, %and3A_1077 : vector<16xi32>
        %gather3A_1091 = arith.constant 0 : i32
        %gather3A_1092 = arith.constant 0 : i32
        %gather3A_1093 = arith.constant 0 : i32
        %gather3A_1094 = tpu.memref_slice %arg8[%gather3A_1091, %gather3A_1092, %gather3A_1093] : memref<2x128x128xf32, #tpu.memory_space<vmem>> -> memref<1x128x128xf32, #tpu.memory_space<vmem>>
        %gather3A_1095 = tpu.memref_squeeze %gather3A_1094 : memref<1x128x128xf32, #tpu.memory_space<vmem>> -> memref<128x128xf32, #tpu.memory_space<vmem>>
        %gather3A_1096 = tpu.vector_load_idx %gather3A_1095[%add3A_447, %add3A_1090] : memref<128x128xf32, #tpu.memory_space<vmem>>[vector<16xi32>, vector<16xi32>], vector<16xf32>,
        %scatter3A_1097 = arith.constant 0 : i32
        %scatter3A_1098 = arith.constant 0 : i32
        %scatter3A_1099 = arith.constant 0 : i32
        %scatter3A_1100 = tpu.memref_slice %arg9[%scatter3A_1097, %scatter3A_1098, %scatter3A_1099] : memref<2x64x128xf32, #tpu.memory_space<vmem>> -> memref<1x64x128xf32, #tpu.memory_space<vmem>>
        %scatter3A_1101 = tpu.memref_squeeze %scatter3A_1100 : memref<1x64x128xf32, #tpu.memory_space<vmem>> -> memref<64x128xf32, #tpu.memory_space<vmem>>
        tpu.vector_store_idx %scatter3A_1101[%and3A_1077, %add3A_447], %gather3A_1096 : memref<64x128xf32, #tpu.memory_space<vmem>>[vector<16xi32>, vector<16xi32>], vector<16xf32>,
        %add3A_1102 = arith.addi %get3A_477, %and3A_1077 : vector<16xi32>
        %gather3A_1103 = arith.constant 0 : i32
        %gather3A_1104 = arith.constant 0 : i32
        %gather3A_1105 = arith.constant 0 : i32
        %gather3A_1106 = tpu.memref_slice %arg8[%gather3A_1103, %gather3A_1104, %gather3A_1105] : memref<2x128x128xf32, #tpu.memory_space<vmem>> -> memref<1x128x128xf32, #tpu.memory_space<vmem>>
        %gather3A_1107 = tpu.memref_squeeze %gather3A_1106 : memref<1x128x128xf32, #tpu.memory_space<vmem>> -> memref<128x128xf32, #tpu.memory_space<vmem>>
        %gather3A_1108 = tpu.vector_load_idx %gather3A_1107[%add3A_450, %add3A_1102] : memref<128x128xf32, #tpu.memory_space<vmem>>[vector<16xi32>, vector<16xi32>], vector<16xf32>,
        %scatter3A_1109 = arith.constant 0 : i32
        %scatter3A_1110 = arith.constant 0 : i32
        %scatter3A_1111 = arith.constant 0 : i32
        %scatter3A_1112 = tpu.memref_slice %arg9[%scatter3A_1109, %scatter3A_1110, %scatter3A_1111] : memref<2x64x128xf32, #tpu.memory_space<vmem>> -> memref<1x64x128xf32, #tpu.memory_space<vmem>>
        %scatter3A_1113 = tpu.memref_squeeze %scatter3A_1112 : memref<1x64x128xf32, #tpu.memory_space<vmem>> -> memref<64x128xf32, #tpu.memory_space<vmem>>
        tpu.vector_store_idx %scatter3A_1113[%and3A_1077, %add3A_450], %gather3A_1108 : memref<64x128xf32, #tpu.memory_space<vmem>>[vector<16xi32>, vector<16xi32>], vector<16xf32>,
        %add3A_1114 = arith.addi %get3A_481, %and3A_1077 : vector<16xi32>
        %gather3A_1115 = arith.constant 0 : i32
        %gather3A_1116 = arith.constant 0 : i32
        %gather3A_1117 = arith.constant 0 : i32
        %gather3A_1118 = tpu.memref_slice %arg8[%gather3A_1115, %gather3A_1116, %gather3A_1117] : memref<2x128x128xf32, #tpu.memory_space<vmem>> -> memref<1x128x128xf32, #tpu.memory_space<vmem>>
        %gather3A_1119 = tpu.memref_squeeze %gather3A_1118 : memref<1x128x128xf32, #tpu.memory_space<vmem>> -> memref<128x128xf32, #tpu.memory_space<vmem>>
        %gather3A_1120 = tpu.vector_load_idx %gather3A_1119[%add3A_453, %add3A_1114] : memref<128x128xf32, #tpu.memory_space<vmem>>[vector<16xi32>, vector<16xi32>], vector<16xf32>,
        %scatter3A_1121 = arith.constant 0 : i32
        %scatter3A_1122 = arith.constant 0 : i32
        %scatter3A_1123 = arith.constant 0 : i32
        %scatter3A_1124 = tpu.memref_slice %arg9[%scatter3A_1121, %scatter3A_1122, %scatter3A_1123] : memref<2x64x128xf32, #tpu.memory_space<vmem>> -> memref<1x64x128xf32, #tpu.memory_space<vmem>>
        %scatter3A_1125 = tpu.memref_squeeze %scatter3A_1124 : memref<1x64x128xf32, #tpu.memory_space<vmem>> -> memref<64x128xf32, #tpu.memory_space<vmem>>
        tpu.vector_store_idx %scatter3A_1125[%and3A_1077, %add3A_453], %gather3A_1120 : memref<64x128xf32, #tpu.memory_space<vmem>>[vector<16xi32>, vector<16xi32>], vector<16xf32>,
        %add3A_1126 = arith.addi %get3A_485, %and3A_1077 : vector<16xi32>
        %gather3A_1127 = arith.constant 0 : i32
        %gather3A_1128 = arith.constant 0 : i32
        %gather3A_1129 = arith.constant 0 : i32
        %gather3A_1130 = tpu.memref_slice %arg8[%gather3A_1127, %gather3A_1128, %gather3A_1129] : memref<2x128x128xf32, #tpu.memory_space<vmem>> -> memref<1x128x128xf32, #tpu.memory_space<vmem>>
        %gather3A_1131 = tpu.memref_squeeze %gather3A_1130 : memref<1x128x128xf32, #tpu.memory_space<vmem>> -> memref<128x128xf32, #tpu.memory_space<vmem>>
        %gather3A_1132 = tpu.vector_load_idx %gather3A_1131[%add3A_456, %add3A_1126] : memref<128x128xf32, #tpu.memory_space<vmem>>[vector<16xi32>, vector<16xi32>], vector<16xf32>,
        %scatter3A_1133 = arith.constant 0 : i32
        %scatter3A_1134 = arith.constant 0 : i32
        %scatter3A_1135 = arith.constant 0 : i32
        %scatter3A_1136 = tpu.memref_slice %arg9[%scatter3A_1133, %scatter3A_1134, %scatter3A_1135] : memref<2x64x128xf32, #tpu.memory_space<vmem>> -> memref<1x64x128xf32, #tpu.memory_space<vmem>>
        %scatter3A_1137 = tpu.memref_squeeze %scatter3A_1136 : memref<1x64x128xf32, #tpu.memory_space<vmem>> -> memref<64x128xf32, #tpu.memory_space<vmem>>
        tpu.vector_store_idx %scatter3A_1137[%and3A_1077, %add3A_456], %gather3A_1132 : memref<64x128xf32, #tpu.memory_space<vmem>>[vector<16xi32>, vector<16xi32>], vector<16xf32>,
        %add3A_1138 = arith.addi %get3A_489, %and3A_1077 : vector<16xi32>
        %gather3A_1139 = arith.constant 0 : i32
        %gather3A_1140 = arith.constant 0 : i32
        %gather3A_1141 = arith.constant 0 : i32
        %gather3A_1142 = tpu.memref_slice %arg8[%gather3A_1139, %gather3A_1140, %gather3A_1141] : memref<2x128x128xf32, #tpu.memory_space<vmem>> -> memref<1x128x128xf32, #tpu.memory_space<vmem>>
        %gather3A_1143 = tpu.memref_squeeze %gather3A_1142 : memref<1x128x128xf32, #tpu.memory_space<vmem>> -> memref<128x128xf32, #tpu.memory_space<vmem>>
        %gather3A_1144 = tpu.vector_load_idx %gather3A_1143[%add3A_459, %add3A_1138] : memref<128x128xf32, #tpu.memory_space<vmem>>[vector<16xi32>, vector<16xi32>], vector<16xf32>,
        %scatter3A_1145 = arith.constant 0 : i32
        %scatter3A_1146 = arith.constant 0 : i32
        %scatter3A_1147 = arith.constant 0 : i32
        %scatter3A_1148 = tpu.memref_slice %arg9[%scatter3A_1145, %scatter3A_1146, %scatter3A_1147] : memref<2x64x128xf32, #tpu.memory_space<vmem>> -> memref<1x64x128xf32, #tpu.memory_space<vmem>>
        %scatter3A_1149 = tpu.memref_squeeze %scatter3A_1148 : memref<1x64x128xf32, #tpu.memory_space<vmem>> -> memref<64x128xf32, #tpu.memory_space<vmem>>
        tpu.vector_store_idx %scatter3A_1149[%and3A_1077, %add3A_459], %gather3A_1144 : memref<64x128xf32, #tpu.memory_space<vmem>>[vector<16xi32>, vector<16xi32>], vector<16xf32>,
        %add3A_1150 = arith.addi %get3A_493, %and3A_1077 : vector<16xi32>
        %gather3A_1151 = arith.constant 0 : i32
        %gather3A_1152 = arith.constant 0 : i32
        %gather3A_1153 = arith.constant 0 : i32
        %gather3A_1154 = tpu.memref_slice %arg8[%gather3A_1151, %gather3A_1152, %gather3A_1153] : memref<2x128x128xf32, #tpu.memory_space<vmem>> -> memref<1x128x128xf32, #tpu.memory_space<vmem>>
        %gather3A_1155 = tpu.memref_squeeze %gather3A_1154 : memref<1x128x128xf32, #tpu.memory_space<vmem>> -> memref<128x128xf32, #tpu.memory_space<vmem>>
        %gather3A_1156 = tpu.vector_load_idx %gather3A_1155[%add3A_462, %add3A_1150] : memref<128x128xf32, #tpu.memory_space<vmem>>[vector<16xi32>, vector<16xi32>], vector<16xf32>,
        %scatter3A_1157 = arith.constant 0 : i32
        %scatter3A_1158 = arith.constant 0 : i32
        %scatter3A_1159 = arith.constant 0 : i32
        %scatter3A_1160 = tpu.memref_slice %arg9[%scatter3A_1157, %scatter3A_1158, %scatter3A_1159] : memref<2x64x128xf32, #tpu.memory_space<vmem>> -> memref<1x64x128xf32, #tpu.memory_space<vmem>>
        %scatter3A_1161 = tpu.memref_squeeze %scatter3A_1160 : memref<1x64x128xf32, #tpu.memory_space<vmem>> -> memref<64x128xf32, #tpu.memory_space<vmem>>
        tpu.vector_store_idx %scatter3A_1161[%and3A_1077, %add3A_462], %gather3A_1156 : memref<64x128xf32, #tpu.memory_space<vmem>>[vector<16xi32>, vector<16xi32>], vector<16xf32>,
        %add3A_1162 = arith.addi %get3A_497, %and3A_1077 : vector<16xi32>
        %gather3A_1163 = arith.constant 0 : i32
        %gather3A_1164 = arith.constant 0 : i32
        %gather3A_1165 = arith.constant 0 : i32
        %gather3A_1166 = tpu.memref_slice %arg8[%gather3A_1163, %gather3A_1164, %gather3A_1165] : memref<2x128x128xf32, #tpu.memory_space<vmem>> -> memref<1x128x128xf32, #tpu.memory_space<vmem>>
        %gather3A_1167 = tpu.memref_squeeze %gather3A_1166 : memref<1x128x128xf32, #tpu.memory_space<vmem>> -> memref<128x128xf32, #tpu.memory_space<vmem>>
        %gather3A_1168 = tpu.vector_load_idx %gather3A_1167[%add3A_465, %add3A_1162] : memref<128x128xf32, #tpu.memory_space<vmem>>[vector<16xi32>, vector<16xi32>], vector<16xf32>,
        %scatter3A_1169 = arith.constant 0 : i32
        %scatter3A_1170 = arith.constant 0 : i32
        %scatter3A_1171 = arith.constant 0 : i32
        %scatter3A_1172 = tpu.memref_slice %arg9[%scatter3A_1169, %scatter3A_1170, %scatter3A_1171] : memref<2x64x128xf32, #tpu.memory_space<vmem>> -> memref<1x64x128xf32, #tpu.memory_space<vmem>>
        %scatter3A_1173 = tpu.memref_squeeze %scatter3A_1172 : memref<1x64x128xf32, #tpu.memory_space<vmem>> -> memref<64x128xf32, #tpu.memory_space<vmem>>
        tpu.vector_store_idx %scatter3A_1173[%and3A_1077, %add3A_465], %gather3A_1168 : memref<64x128xf32, #tpu.memory_space<vmem>>[vector<16xi32>, vector<16xi32>], vector<16xf32>,
        %mul3A_1174 = arith.constant 8 : i32
        %mul3A_1175 = arith.muli %mul3A_1174, %scan3A_650 : i32
        %add3A_1176 = arith.constant 5 : i32
        %add3A_1177 = arith.addi %mul3A_1175, %add3A_1176 : i32
        %add3A_1178 = vector.broadcast %add3A_1177 : i32 to vector<16xi32>
        %add3A_1179 = arith.addi %add3A_1178, %iota3A : vector<16xi32>
        %and3A_1180 = arith.constant 63 : i32
        %and3A_1181 = vector.broadcast %and3A_1180 : i32 to vector<16xi32>
        %and3A_1182 = arith.andi %add3A_1179, %and3A_1181 : vector<16xi32>
        %add3A_1183 = arith.addi %get3A_469, %and3A_1182 : vector<16xi32>
        %gather3A_1184 = arith.constant 0 : i32
        %gather3A_1185 = arith.constant 0 : i32
        %gather3A_1186 = arith.constant 0 : i32
        %gather3A_1187 = tpu.memref_slice %arg8[%gather3A_1184, %gather3A_1185, %gather3A_1186] : memref<2x128x128xf32, #tpu.memory_space<vmem>> -> memref<1x128x128xf32, #tpu.memory_space<vmem>>
        %gather3A_1188 = tpu.memref_squeeze %gather3A_1187 : memref<1x128x128xf32, #tpu.memory_space<vmem>> -> memref<128x128xf32, #tpu.memory_space<vmem>>
        %gather3A_1189 = tpu.vector_load_idx %gather3A_1188[%add3A_444, %add3A_1183] : memref<128x128xf32, #tpu.memory_space<vmem>>[vector<16xi32>, vector<16xi32>], vector<16xf32>,
        %scatter3A_1190 = arith.constant 0 : i32
        %scatter3A_1191 = arith.constant 0 : i32
        %scatter3A_1192 = arith.constant 0 : i32
        %scatter3A_1193 = tpu.memref_slice %arg9[%scatter3A_1190, %scatter3A_1191, %scatter3A_1192] : memref<2x64x128xf32, #tpu.memory_space<vmem>> -> memref<1x64x128xf32, #tpu.memory_space<vmem>>
        %scatter3A_1194 = tpu.memref_squeeze %scatter3A_1193 : memref<1x64x128xf32, #tpu.memory_space<vmem>> -> memref<64x128xf32, #tpu.memory_space<vmem>>
        tpu.vector_store_idx %scatter3A_1194[%and3A_1182, %add3A_444], %gather3A_1189 : memref<64x128xf32, #tpu.memory_space<vmem>>[vector<16xi32>, vector<16xi32>], vector<16xf32>,
        %add3A_1195 = arith.addi %get3A_473, %and3A_1182 : vector<16xi32>
        %gather3A_1196 = arith.constant 0 : i32
        %gather3A_1197 = arith.constant 0 : i32
        %gather3A_1198 = arith.constant 0 : i32
        %gather3A_1199 = tpu.memref_slice %arg8[%gather3A_1196, %gather3A_1197, %gather3A_1198] : memref<2x128x128xf32, #tpu.memory_space<vmem>> -> memref<1x128x128xf32, #tpu.memory_space<vmem>>
        %gather3A_1200 = tpu.memref_squeeze %gather3A_1199 : memref<1x128x128xf32, #tpu.memory_space<vmem>> -> memref<128x128xf32, #tpu.memory_space<vmem>>
        %gather3A_1201 = tpu.vector_load_idx %gather3A_1200[%add3A_447, %add3A_1195] : memref<128x128xf32, #tpu.memory_space<vmem>>[vector<16xi32>, vector<16xi32>], vector<16xf32>,
        %scatter3A_1202 = arith.constant 0 : i32
        %scatter3A_1203 = arith.constant 0 : i32
        %scatter3A_1204 = arith.constant 0 : i32
        %scatter3A_1205 = tpu.memref_slice %arg9[%scatter3A_1202, %scatter3A_1203, %scatter3A_1204] : memref<2x64x128xf32, #tpu.memory_space<vmem>> -> memref<1x64x128xf32, #tpu.memory_space<vmem>>
        %scatter3A_1206 = tpu.memref_squeeze %scatter3A_1205 : memref<1x64x128xf32, #tpu.memory_space<vmem>> -> memref<64x128xf32, #tpu.memory_space<vmem>>
        tpu.vector_store_idx %scatter3A_1206[%and3A_1182, %add3A_447], %gather3A_1201 : memref<64x128xf32, #tpu.memory_space<vmem>>[vector<16xi32>, vector<16xi32>], vector<16xf32>,
        %add3A_1207 = arith.addi %get3A_477, %and3A_1182 : vector<16xi32>
        %gather3A_1208 = arith.constant 0 : i32
        %gather3A_1209 = arith.constant 0 : i32
        %gather3A_1210 = arith.constant 0 : i32
        %gather3A_1211 = tpu.memref_slice %arg8[%gather3A_1208, %gather3A_1209, %gather3A_1210] : memref<2x128x128xf32, #tpu.memory_space<vmem>> -> memref<1x128x128xf32, #tpu.memory_space<vmem>>
        %gather3A_1212 = tpu.memref_squeeze %gather3A_1211 : memref<1x128x128xf32, #tpu.memory_space<vmem>> -> memref<128x128xf32, #tpu.memory_space<vmem>>
        %gather3A_1213 = tpu.vector_load_idx %gather3A_1212[%add3A_450, %add3A_1207] : memref<128x128xf32, #tpu.memory_space<vmem>>[vector<16xi32>, vector<16xi32>], vector<16xf32>,
        %scatter3A_1214 = arith.constant 0 : i32
        %scatter3A_1215 = arith.constant 0 : i32
        %scatter3A_1216 = arith.constant 0 : i32
        %scatter3A_1217 = tpu.memref_slice %arg9[%scatter3A_1214, %scatter3A_1215, %scatter3A_1216] : memref<2x64x128xf32, #tpu.memory_space<vmem>> -> memref<1x64x128xf32, #tpu.memory_space<vmem>>
        %scatter3A_1218 = tpu.memref_squeeze %scatter3A_1217 : memref<1x64x128xf32, #tpu.memory_space<vmem>> -> memref<64x128xf32, #tpu.memory_space<vmem>>
        tpu.vector_store_idx %scatter3A_1218[%and3A_1182, %add3A_450], %gather3A_1213 : memref<64x128xf32, #tpu.memory_space<vmem>>[vector<16xi32>, vector<16xi32>], vector<16xf32>,
        %add3A_1219 = arith.addi %get3A_481, %and3A_1182 : vector<16xi32>
        %gather3A_1220 = arith.constant 0 : i32
        %gather3A_1221 = arith.constant 0 : i32
        %gather3A_1222 = arith.constant 0 : i32
        %gather3A_1223 = tpu.memref_slice %arg8[%gather3A_1220, %gather3A_1221, %gather3A_1222] : memref<2x128x128xf32, #tpu.memory_space<vmem>> -> memref<1x128x128xf32, #tpu.memory_space<vmem>>
        %gather3A_1224 = tpu.memref_squeeze %gather3A_1223 : memref<1x128x128xf32, #tpu.memory_space<vmem>> -> memref<128x128xf32, #tpu.memory_space<vmem>>
        %gather3A_1225 = tpu.vector_load_idx %gather3A_1224[%add3A_453, %add3A_1219] : memref<128x128xf32, #tpu.memory_space<vmem>>[vector<16xi32>, vector<16xi32>], vector<16xf32>,
        %scatter3A_1226 = arith.constant 0 : i32
        %scatter3A_1227 = arith.constant 0 : i32
        %scatter3A_1228 = arith.constant 0 : i32
        %scatter3A_1229 = tpu.memref_slice %arg9[%scatter3A_1226, %scatter3A_1227, %scatter3A_1228] : memref<2x64x128xf32, #tpu.memory_space<vmem>> -> memref<1x64x128xf32, #tpu.memory_space<vmem>>
        %scatter3A_1230 = tpu.memref_squeeze %scatter3A_1229 : memref<1x64x128xf32, #tpu.memory_space<vmem>> -> memref<64x128xf32, #tpu.memory_space<vmem>>
        tpu.vector_store_idx %scatter3A_1230[%and3A_1182, %add3A_453], %gather3A_1225 : memref<64x128xf32, #tpu.memory_space<vmem>>[vector<16xi32>, vector<16xi32>], vector<16xf32>,
        %add3A_1231 = arith.addi %get3A_485, %and3A_1182 : vector<16xi32>
        %gather3A_1232 = arith.constant 0 : i32
        %gather3A_1233 = arith.constant 0 : i32
        %gather3A_1234 = arith.constant 0 : i32
        %gather3A_1235 = tpu.memref_slice %arg8[%gather3A_1232, %gather3A_1233, %gather3A_1234] : memref<2x128x128xf32, #tpu.memory_space<vmem>> -> memref<1x128x128xf32, #tpu.memory_space<vmem>>
        %gather3A_1236 = tpu.memref_squeeze %gather3A_1235 : memref<1x128x128xf32, #tpu.memory_space<vmem>> -> memref<128x128xf32, #tpu.memory_space<vmem>>
        %gather3A_1237 = tpu.vector_load_idx %gather3A_1236[%add3A_456, %add3A_1231] : memref<128x128xf32, #tpu.memory_space<vmem>>[vector<16xi32>, vector<16xi32>], vector<16xf32>,
        %scatter3A_1238 = arith.constant 0 : i32
        %scatter3A_1239 = arith.constant 0 : i32
        %scatter3A_1240 = arith.constant 0 : i32
        %scatter3A_1241 = tpu.memref_slice %arg9[%scatter3A_1238, %scatter3A_1239, %scatter3A_1240] : memref<2x64x128xf32, #tpu.memory_space<vmem>> -> memref<1x64x128xf32, #tpu.memory_space<vmem>>
        %scatter3A_1242 = tpu.memref_squeeze %scatter3A_1241 : memref<1x64x128xf32, #tpu.memory_space<vmem>> -> memref<64x128xf32, #tpu.memory_space<vmem>>
        tpu.vector_store_idx %scatter3A_1242[%and3A_1182, %add3A_456], %gather3A_1237 : memref<64x128xf32, #tpu.memory_space<vmem>>[vector<16xi32>, vector<16xi32>], vector<16xf32>,
        %add3A_1243 = arith.addi %get3A_489, %and3A_1182 : vector<16xi32>
        %gather3A_1244 = arith.constant 0 : i32
        %gather3A_1245 = arith.constant 0 : i32
        %gather3A_1246 = arith.constant 0 : i32
        %gather3A_1247 = tpu.memref_slice %arg8[%gather3A_1244, %gather3A_1245, %gather3A_1246] : memref<2x128x128xf32, #tpu.memory_space<vmem>> -> memref<1x128x128xf32, #tpu.memory_space<vmem>>
        %gather3A_1248 = tpu.memref_squeeze %gather3A_1247 : memref<1x128x128xf32, #tpu.memory_space<vmem>> -> memref<128x128xf32, #tpu.memory_space<vmem>>
        %gather3A_1249 = tpu.vector_load_idx %gather3A_1248[%add3A_459, %add3A_1243] : memref<128x128xf32, #tpu.memory_space<vmem>>[vector<16xi32>, vector<16xi32>], vector<16xf32>,
        %scatter3A_1250 = arith.constant 0 : i32
        %scatter3A_1251 = arith.constant 0 : i32
        %scatter3A_1252 = arith.constant 0 : i32
        %scatter3A_1253 = tpu.memref_slice %arg9[%scatter3A_1250, %scatter3A_1251, %scatter3A_1252] : memref<2x64x128xf32, #tpu.memory_space<vmem>> -> memref<1x64x128xf32, #tpu.memory_space<vmem>>
        %scatter3A_1254 = tpu.memref_squeeze %scatter3A_1253 : memref<1x64x128xf32, #tpu.memory_space<vmem>> -> memref<64x128xf32, #tpu.memory_space<vmem>>
        tpu.vector_store_idx %scatter3A_1254[%and3A_1182, %add3A_459], %gather3A_1249 : memref<64x128xf32, #tpu.memory_space<vmem>>[vector<16xi32>, vector<16xi32>], vector<16xf32>,
        %add3A_1255 = arith.addi %get3A_493, %and3A_1182 : vector<16xi32>
        %gather3A_1256 = arith.constant 0 : i32
        %gather3A_1257 = arith.constant 0 : i32
        %gather3A_1258 = arith.constant 0 : i32
        %gather3A_1259 = tpu.memref_slice %arg8[%gather3A_1256, %gather3A_1257, %gather3A_1258] : memref<2x128x128xf32, #tpu.memory_space<vmem>> -> memref<1x128x128xf32, #tpu.memory_space<vmem>>
        %gather3A_1260 = tpu.memref_squeeze %gather3A_1259 : memref<1x128x128xf32, #tpu.memory_space<vmem>> -> memref<128x128xf32, #tpu.memory_space<vmem>>
        %gather3A_1261 = tpu.vector_load_idx %gather3A_1260[%add3A_462, %add3A_1255] : memref<128x128xf32, #tpu.memory_space<vmem>>[vector<16xi32>, vector<16xi32>], vector<16xf32>,
        %scatter3A_1262 = arith.constant 0 : i32
        %scatter3A_1263 = arith.constant 0 : i32
        %scatter3A_1264 = arith.constant 0 : i32
        %scatter3A_1265 = tpu.memref_slice %arg9[%scatter3A_1262, %scatter3A_1263, %scatter3A_1264] : memref<2x64x128xf32, #tpu.memory_space<vmem>> -> memref<1x64x128xf32, #tpu.memory_space<vmem>>
        %scatter3A_1266 = tpu.memref_squeeze %scatter3A_1265 : memref<1x64x128xf32, #tpu.memory_space<vmem>> -> memref<64x128xf32, #tpu.memory_space<vmem>>
        tpu.vector_store_idx %scatter3A_1266[%and3A_1182, %add3A_462], %gather3A_1261 : memref<64x128xf32, #tpu.memory_space<vmem>>[vector<16xi32>, vector<16xi32>], vector<16xf32>,
        %add3A_1267 = arith.addi %get3A_497, %and3A_1182 : vector<16xi32>
        %gather3A_1268 = arith.constant 0 : i32
        %gather3A_1269 = arith.constant 0 : i32
        %gather3A_1270 = arith.constant 0 : i32
        %gather3A_1271 = tpu.memref_slice %arg8[%gather3A_1268, %gather3A_1269, %gather3A_1270] : memref<2x128x128xf32, #tpu.memory_space<vmem>> -> memref<1x128x128xf32, #tpu.memory_space<vmem>>
        %gather3A_1272 = tpu.memref_squeeze %gather3A_1271 : memref<1x128x128xf32, #tpu.memory_space<vmem>> -> memref<128x128xf32, #tpu.memory_space<vmem>>
        %gather3A_1273 = tpu.vector_load_idx %gather3A_1272[%add3A_465, %add3A_1267] : memref<128x128xf32, #tpu.memory_space<vmem>>[vector<16xi32>, vector<16xi32>], vector<16xf32>,
        %scatter3A_1274 = arith.constant 0 : i32
        %scatter3A_1275 = arith.constant 0 : i32
        %scatter3A_1276 = arith.constant 0 : i32
        %scatter3A_1277 = tpu.memref_slice %arg9[%scatter3A_1274, %scatter3A_1275, %scatter3A_1276] : memref<2x64x128xf32, #tpu.memory_space<vmem>> -> memref<1x64x128xf32, #tpu.memory_space<vmem>>
        %scatter3A_1278 = tpu.memref_squeeze %scatter3A_1277 : memref<1x64x128xf32, #tpu.memory_space<vmem>> -> memref<64x128xf32, #tpu.memory_space<vmem>>
        tpu.vector_store_idx %scatter3A_1278[%and3A_1182, %add3A_465], %gather3A_1273 : memref<64x128xf32, #tpu.memory_space<vmem>>[vector<16xi32>, vector<16xi32>], vector<16xf32>,
        %mul3A_1279 = arith.constant 8 : i32
        %mul3A_1280 = arith.muli %mul3A_1279, %scan3A_650 : i32
        %add3A_1281 = arith.constant 6 : i32
        %add3A_1282 = arith.addi %mul3A_1280, %add3A_1281 : i32
        %add3A_1283 = vector.broadcast %add3A_1282 : i32 to vector<16xi32>
        %add3A_1284 = arith.addi %add3A_1283, %iota3A : vector<16xi32>
        %and3A_1285 = arith.constant 63 : i32
        %and3A_1286 = vector.broadcast %and3A_1285 : i32 to vector<16xi32>
        %and3A_1287 = arith.andi %add3A_1284, %and3A_1286 : vector<16xi32>
        %add3A_1288 = arith.addi %get3A_469, %and3A_1287 : vector<16xi32>
        %gather3A_1289 = arith.constant 0 : i32
        %gather3A_1290 = arith.constant 0 : i32
        %gather3A_1291 = arith.constant 0 : i32
        %gather3A_1292 = tpu.memref_slice %arg8[%gather3A_1289, %gather3A_1290, %gather3A_1291] : memref<2x128x128xf32, #tpu.memory_space<vmem>> -> memref<1x128x128xf32, #tpu.memory_space<vmem>>
        %gather3A_1293 = tpu.memref_squeeze %gather3A_1292 : memref<1x128x128xf32, #tpu.memory_space<vmem>> -> memref<128x128xf32, #tpu.memory_space<vmem>>
        %gather3A_1294 = tpu.vector_load_idx %gather3A_1293[%add3A_444, %add3A_1288] : memref<128x128xf32, #tpu.memory_space<vmem>>[vector<16xi32>, vector<16xi32>], vector<16xf32>,
        %scatter3A_1295 = arith.constant 0 : i32
        %scatter3A_1296 = arith.constant 0 : i32
        %scatter3A_1297 = arith.constant 0 : i32
        %scatter3A_1298 = tpu.memref_slice %arg9[%scatter3A_1295, %scatter3A_1296, %scatter3A_1297] : memref<2x64x128xf32, #tpu.memory_space<vmem>> -> memref<1x64x128xf32, #tpu.memory_space<vmem>>
        %scatter3A_1299 = tpu.memref_squeeze %scatter3A_1298 : memref<1x64x128xf32, #tpu.memory_space<vmem>> -> memref<64x128xf32, #tpu.memory_space<vmem>>
        tpu.vector_store_idx %scatter3A_1299[%and3A_1287, %add3A_444], %gather3A_1294 : memref<64x128xf32, #tpu.memory_space<vmem>>[vector<16xi32>, vector<16xi32>], vector<16xf32>,
        %add3A_1300 = arith.addi %get3A_473, %and3A_1287 : vector<16xi32>
        %gather3A_1301 = arith.constant 0 : i32
        %gather3A_1302 = arith.constant 0 : i32
        %gather3A_1303 = arith.constant 0 : i32
        %gather3A_1304 = tpu.memref_slice %arg8[%gather3A_1301, %gather3A_1302, %gather3A_1303] : memref<2x128x128xf32, #tpu.memory_space<vmem>> -> memref<1x128x128xf32, #tpu.memory_space<vmem>>
        %gather3A_1305 = tpu.memref_squeeze %gather3A_1304 : memref<1x128x128xf32, #tpu.memory_space<vmem>> -> memref<128x128xf32, #tpu.memory_space<vmem>>
        %gather3A_1306 = tpu.vector_load_idx %gather3A_1305[%add3A_447, %add3A_1300] : memref<128x128xf32, #tpu.memory_space<vmem>>[vector<16xi32>, vector<16xi32>], vector<16xf32>,
        %scatter3A_1307 = arith.constant 0 : i32
        %scatter3A_1308 = arith.constant 0 : i32
        %scatter3A_1309 = arith.constant 0 : i32
        %scatter3A_1310 = tpu.memref_slice %arg9[%scatter3A_1307, %scatter3A_1308, %scatter3A_1309] : memref<2x64x128xf32, #tpu.memory_space<vmem>> -> memref<1x64x128xf32, #tpu.memory_space<vmem>>
        %scatter3A_1311 = tpu.memref_squeeze %scatter3A_1310 : memref<1x64x128xf32, #tpu.memory_space<vmem>> -> memref<64x128xf32, #tpu.memory_space<vmem>>
        tpu.vector_store_idx %scatter3A_1311[%and3A_1287, %add3A_447], %gather3A_1306 : memref<64x128xf32, #tpu.memory_space<vmem>>[vector<16xi32>, vector<16xi32>], vector<16xf32>,
        %add3A_1312 = arith.addi %get3A_477, %and3A_1287 : vector<16xi32>
        %gather3A_1313 = arith.constant 0 : i32
        %gather3A_1314 = arith.constant 0 : i32
        %gather3A_1315 = arith.constant 0 : i32
        %gather3A_1316 = tpu.memref_slice %arg8[%gather3A_1313, %gather3A_1314, %gather3A_1315] : memref<2x128x128xf32, #tpu.memory_space<vmem>> -> memref<1x128x128xf32, #tpu.memory_space<vmem>>
        %gather3A_1317 = tpu.memref_squeeze %gather3A_1316 : memref<1x128x128xf32, #tpu.memory_space<vmem>> -> memref<128x128xf32, #tpu.memory_space<vmem>>
        %gather3A_1318 = tpu.vector_load_idx %gather3A_1317[%add3A_450, %add3A_1312] : memref<128x128xf32, #tpu.memory_space<vmem>>[vector<16xi32>, vector<16xi32>], vector<16xf32>,
        %scatter3A_1319 = arith.constant 0 : i32
        %scatter3A_1320 = arith.constant 0 : i32
        %scatter3A_1321 = arith.constant 0 : i32
        %scatter3A_1322 = tpu.memref_slice %arg9[%scatter3A_1319, %scatter3A_1320, %scatter3A_1321] : memref<2x64x128xf32, #tpu.memory_space<vmem>> -> memref<1x64x128xf32, #tpu.memory_space<vmem>>
        %scatter3A_1323 = tpu.memref_squeeze %scatter3A_1322 : memref<1x64x128xf32, #tpu.memory_space<vmem>> -> memref<64x128xf32, #tpu.memory_space<vmem>>
        tpu.vector_store_idx %scatter3A_1323[%and3A_1287, %add3A_450], %gather3A_1318 : memref<64x128xf32, #tpu.memory_space<vmem>>[vector<16xi32>, vector<16xi32>], vector<16xf32>,
        %add3A_1324 = arith.addi %get3A_481, %and3A_1287 : vector<16xi32>
        %gather3A_1325 = arith.constant 0 : i32
        %gather3A_1326 = arith.constant 0 : i32
        %gather3A_1327 = arith.constant 0 : i32
        %gather3A_1328 = tpu.memref_slice %arg8[%gather3A_1325, %gather3A_1326, %gather3A_1327] : memref<2x128x128xf32, #tpu.memory_space<vmem>> -> memref<1x128x128xf32, #tpu.memory_space<vmem>>
        %gather3A_1329 = tpu.memref_squeeze %gather3A_1328 : memref<1x128x128xf32, #tpu.memory_space<vmem>> -> memref<128x128xf32, #tpu.memory_space<vmem>>
        %gather3A_1330 = tpu.vector_load_idx %gather3A_1329[%add3A_453, %add3A_1324] : memref<128x128xf32, #tpu.memory_space<vmem>>[vector<16xi32>, vector<16xi32>], vector<16xf32>,
        %scatter3A_1331 = arith.constant 0 : i32
        %scatter3A_1332 = arith.constant 0 : i32
        %scatter3A_1333 = arith.constant 0 : i32
        %scatter3A_1334 = tpu.memref_slice %arg9[%scatter3A_1331, %scatter3A_1332, %scatter3A_1333] : memref<2x64x128xf32, #tpu.memory_space<vmem>> -> memref<1x64x128xf32, #tpu.memory_space<vmem>>
        %scatter3A_1335 = tpu.memref_squeeze %scatter3A_1334 : memref<1x64x128xf32, #tpu.memory_space<vmem>> -> memref<64x128xf32, #tpu.memory_space<vmem>>
        tpu.vector_store_idx %scatter3A_1335[%and3A_1287, %add3A_453], %gather3A_1330 : memref<64x128xf32, #tpu.memory_space<vmem>>[vector<16xi32>, vector<16xi32>], vector<16xf32>,
        %add3A_1336 = arith.addi %get3A_485, %and3A_1287 : vector<16xi32>
        %gather3A_1337 = arith.constant 0 : i32
        %gather3A_1338 = arith.constant 0 : i32
        %gather3A_1339 = arith.constant 0 : i32
        %gather3A_1340 = tpu.memref_slice %arg8[%gather3A_1337, %gather3A_1338, %gather3A_1339] : memref<2x128x128xf32, #tpu.memory_space<vmem>> -> memref<1x128x128xf32, #tpu.memory_space<vmem>>
        %gather3A_1341 = tpu.memref_squeeze %gather3A_1340 : memref<1x128x128xf32, #tpu.memory_space<vmem>> -> memref<128x128xf32, #tpu.memory_space<vmem>>
        %gather3A_1342 = tpu.vector_load_idx %gather3A_1341[%add3A_456, %add3A_1336] : memref<128x128xf32, #tpu.memory_space<vmem>>[vector<16xi32>, vector<16xi32>], vector<16xf32>,
        %scatter3A_1343 = arith.constant 0 : i32
        %scatter3A_1344 = arith.constant 0 : i32
        %scatter3A_1345 = arith.constant 0 : i32
        %scatter3A_1346 = tpu.memref_slice %arg9[%scatter3A_1343, %scatter3A_1344, %scatter3A_1345] : memref<2x64x128xf32, #tpu.memory_space<vmem>> -> memref<1x64x128xf32, #tpu.memory_space<vmem>>
        %scatter3A_1347 = tpu.memref_squeeze %scatter3A_1346 : memref<1x64x128xf32, #tpu.memory_space<vmem>> -> memref<64x128xf32, #tpu.memory_space<vmem>>
        tpu.vector_store_idx %scatter3A_1347[%and3A_1287, %add3A_456], %gather3A_1342 : memref<64x128xf32, #tpu.memory_space<vmem>>[vector<16xi32>, vector<16xi32>], vector<16xf32>,
        %add3A_1348 = arith.addi %get3A_489, %and3A_1287 : vector<16xi32>
        %gather3A_1349 = arith.constant 0 : i32
        %gather3A_1350 = arith.constant 0 : i32
        %gather3A_1351 = arith.constant 0 : i32
        %gather3A_1352 = tpu.memref_slice %arg8[%gather3A_1349, %gather3A_1350, %gather3A_1351] : memref<2x128x128xf32, #tpu.memory_space<vmem>> -> memref<1x128x128xf32, #tpu.memory_space<vmem>>
        %gather3A_1353 = tpu.memref_squeeze %gather3A_1352 : memref<1x128x128xf32, #tpu.memory_space<vmem>> -> memref<128x128xf32, #tpu.memory_space<vmem>>
        %gather3A_1354 = tpu.vector_load_idx %gather3A_1353[%add3A_459, %add3A_1348] : memref<128x128xf32, #tpu.memory_space<vmem>>[vector<16xi32>, vector<16xi32>], vector<16xf32>,
        %scatter3A_1355 = arith.constant 0 : i32
        %scatter3A_1356 = arith.constant 0 : i32
        %scatter3A_1357 = arith.constant 0 : i32
        %scatter3A_1358 = tpu.memref_slice %arg9[%scatter3A_1355, %scatter3A_1356, %scatter3A_1357] : memref<2x64x128xf32, #tpu.memory_space<vmem>> -> memref<1x64x128xf32, #tpu.memory_space<vmem>>
        %scatter3A_1359 = tpu.memref_squeeze %scatter3A_1358 : memref<1x64x128xf32, #tpu.memory_space<vmem>> -> memref<64x128xf32, #tpu.memory_space<vmem>>
        tpu.vector_store_idx %scatter3A_1359[%and3A_1287, %add3A_459], %gather3A_1354 : memref<64x128xf32, #tpu.memory_space<vmem>>[vector<16xi32>, vector<16xi32>], vector<16xf32>,
        %add3A_1360 = arith.addi %get3A_493, %and3A_1287 : vector<16xi32>
        %gather3A_1361 = arith.constant 0 : i32
        %gather3A_1362 = arith.constant 0 : i32
        %gather3A_1363 = arith.constant 0 : i32
        %gather3A_1364 = tpu.memref_slice %arg8[%gather3A_1361, %gather3A_1362, %gather3A_1363] : memref<2x128x128xf32, #tpu.memory_space<vmem>> -> memref<1x128x128xf32, #tpu.memory_space<vmem>>
        %gather3A_1365 = tpu.memref_squeeze %gather3A_1364 : memref<1x128x128xf32, #tpu.memory_space<vmem>> -> memref<128x128xf32, #tpu.memory_space<vmem>>
        %gather3A_1366 = tpu.vector_load_idx %gather3A_1365[%add3A_462, %add3A_1360] : memref<128x128xf32, #tpu.memory_space<vmem>>[vector<16xi32>, vector<16xi32>], vector<16xf32>,
        %scatter3A_1367 = arith.constant 0 : i32
        %scatter3A_1368 = arith.constant 0 : i32
        %scatter3A_1369 = arith.constant 0 : i32
        %scatter3A_1370 = tpu.memref_slice %arg9[%scatter3A_1367, %scatter3A_1368, %scatter3A_1369] : memref<2x64x128xf32, #tpu.memory_space<vmem>> -> memref<1x64x128xf32, #tpu.memory_space<vmem>>
        %scatter3A_1371 = tpu.memref_squeeze %scatter3A_1370 : memref<1x64x128xf32, #tpu.memory_space<vmem>> -> memref<64x128xf32, #tpu.memory_space<vmem>>
        tpu.vector_store_idx %scatter3A_1371[%and3A_1287, %add3A_462], %gather3A_1366 : memref<64x128xf32, #tpu.memory_space<vmem>>[vector<16xi32>, vector<16xi32>], vector<16xf32>,
        %add3A_1372 = arith.addi %get3A_497, %and3A_1287 : vector<16xi32>
        %gather3A_1373 = arith.constant 0 : i32
        %gather3A_1374 = arith.constant 0 : i32
        %gather3A_1375 = arith.constant 0 : i32
        %gather3A_1376 = tpu.memref_slice %arg8[%gather3A_1373, %gather3A_1374, %gather3A_1375] : memref<2x128x128xf32, #tpu.memory_space<vmem>> -> memref<1x128x128xf32, #tpu.memory_space<vmem>>
        %gather3A_1377 = tpu.memref_squeeze %gather3A_1376 : memref<1x128x128xf32, #tpu.memory_space<vmem>> -> memref<128x128xf32, #tpu.memory_space<vmem>>
        %gather3A_1378 = tpu.vector_load_idx %gather3A_1377[%add3A_465, %add3A_1372] : memref<128x128xf32, #tpu.memory_space<vmem>>[vector<16xi32>, vector<16xi32>], vector<16xf32>,
        %scatter3A_1379 = arith.constant 0 : i32
        %scatter3A_1380 = arith.constant 0 : i32
        %scatter3A_1381 = arith.constant 0 : i32
        %scatter3A_1382 = tpu.memref_slice %arg9[%scatter3A_1379, %scatter3A_1380, %scatter3A_1381] : memref<2x64x128xf32, #tpu.memory_space<vmem>> -> memref<1x64x128xf32, #tpu.memory_space<vmem>>
        %scatter3A_1383 = tpu.memref_squeeze %scatter3A_1382 : memref<1x64x128xf32, #tpu.memory_space<vmem>> -> memref<64x128xf32, #tpu.memory_space<vmem>>
        tpu.vector_store_idx %scatter3A_1383[%and3A_1287, %add3A_465], %gather3A_1378 : memref<64x128xf32, #tpu.memory_space<vmem>>[vector<16xi32>, vector<16xi32>], vector<16xf32>,
        %mul3A_1384 = arith.constant 8 : i32
        %mul3A_1385 = arith.muli %mul3A_1384, %scan3A_650 : i32
        %add3A_1386 = arith.constant 7 : i32
        %add3A_1387 = arith.addi %mul3A_1385, %add3A_1386 : i32
        %add3A_1388 = vector.broadcast %add3A_1387 : i32 to vector<16xi32>
        %add3A_1389 = arith.addi %add3A_1388, %iota3A : vector<16xi32>
        %and3A_1390 = arith.constant 63 : i32
        %and3A_1391 = vector.broadcast %and3A_1390 : i32 to vector<16xi32>
        %and3A_1392 = arith.andi %add3A_1389, %and3A_1391 : vector<16xi32>
        %add3A_1393 = arith.addi %get3A_469, %and3A_1392 : vector<16xi32>
        %gather3A_1394 = arith.constant 0 : i32
        %gather3A_1395 = arith.constant 0 : i32
        %gather3A_1396 = arith.constant 0 : i32
        %gather3A_1397 = tpu.memref_slice %arg8[%gather3A_1394, %gather3A_1395, %gather3A_1396] : memref<2x128x128xf32, #tpu.memory_space<vmem>> -> memref<1x128x128xf32, #tpu.memory_space<vmem>>
        %gather3A_1398 = tpu.memref_squeeze %gather3A_1397 : memref<1x128x128xf32, #tpu.memory_space<vmem>> -> memref<128x128xf32, #tpu.memory_space<vmem>>
        %gather3A_1399 = tpu.vector_load_idx %gather3A_1398[%add3A_444, %add3A_1393] : memref<128x128xf32, #tpu.memory_space<vmem>>[vector<16xi32>, vector<16xi32>], vector<16xf32>,
        %scatter3A_1400 = arith.constant 0 : i32
        %scatter3A_1401 = arith.constant 0 : i32
        %scatter3A_1402 = arith.constant 0 : i32
        %scatter3A_1403 = tpu.memref_slice %arg9[%scatter3A_1400, %scatter3A_1401, %scatter3A_1402] : memref<2x64x128xf32, #tpu.memory_space<vmem>> -> memref<1x64x128xf32, #tpu.memory_space<vmem>>
        %scatter3A_1404 = tpu.memref_squeeze %scatter3A_1403 : memref<1x64x128xf32, #tpu.memory_space<vmem>> -> memref<64x128xf32, #tpu.memory_space<vmem>>
        tpu.vector_store_idx %scatter3A_1404[%and3A_1392, %add3A_444], %gather3A_1399 : memref<64x128xf32, #tpu.memory_space<vmem>>[vector<16xi32>, vector<16xi32>], vector<16xf32>,
        %add3A_1405 = arith.addi %get3A_473, %and3A_1392 : vector<16xi32>
        %gather3A_1406 = arith.constant 0 : i32
        %gather3A_1407 = arith.constant 0 : i32
        %gather3A_1408 = arith.constant 0 : i32
        %gather3A_1409 = tpu.memref_slice %arg8[%gather3A_1406, %gather3A_1407, %gather3A_1408] : memref<2x128x128xf32, #tpu.memory_space<vmem>> -> memref<1x128x128xf32, #tpu.memory_space<vmem>>
        %gather3A_1410 = tpu.memref_squeeze %gather3A_1409 : memref<1x128x128xf32, #tpu.memory_space<vmem>> -> memref<128x128xf32, #tpu.memory_space<vmem>>
        %gather3A_1411 = tpu.vector_load_idx %gather3A_1410[%add3A_447, %add3A_1405] : memref<128x128xf32, #tpu.memory_space<vmem>>[vector<16xi32>, vector<16xi32>], vector<16xf32>,
        %scatter3A_1412 = arith.constant 0 : i32
        %scatter3A_1413 = arith.constant 0 : i32
        %scatter3A_1414 = arith.constant 0 : i32
        %scatter3A_1415 = tpu.memref_slice %arg9[%scatter3A_1412, %scatter3A_1413, %scatter3A_1414] : memref<2x64x128xf32, #tpu.memory_space<vmem>> -> memref<1x64x128xf32, #tpu.memory_space<vmem>>
        %scatter3A_1416 = tpu.memref_squeeze %scatter3A_1415 : memref<1x64x128xf32, #tpu.memory_space<vmem>> -> memref<64x128xf32, #tpu.memory_space<vmem>>
        tpu.vector_store_idx %scatter3A_1416[%and3A_1392, %add3A_447], %gather3A_1411 : memref<64x128xf32, #tpu.memory_space<vmem>>[vector<16xi32>, vector<16xi32>], vector<16xf32>,
        %add3A_1417 = arith.addi %get3A_477, %and3A_1392 : vector<16xi32>
        %gather3A_1418 = arith.constant 0 : i32
        %gather3A_1419 = arith.constant 0 : i32
        %gather3A_1420 = arith.constant 0 : i32
        %gather3A_1421 = tpu.memref_slice %arg8[%gather3A_1418, %gather3A_1419, %gather3A_1420] : memref<2x128x128xf32, #tpu.memory_space<vmem>> -> memref<1x128x128xf32, #tpu.memory_space<vmem>>
        %gather3A_1422 = tpu.memref_squeeze %gather3A_1421 : memref<1x128x128xf32, #tpu.memory_space<vmem>> -> memref<128x128xf32, #tpu.memory_space<vmem>>
        %gather3A_1423 = tpu.vector_load_idx %gather3A_1422[%add3A_450, %add3A_1417] : memref<128x128xf32, #tpu.memory_space<vmem>>[vector<16xi32>, vector<16xi32>], vector<16xf32>,
        %scatter3A_1424 = arith.constant 0 : i32
        %scatter3A_1425 = arith.constant 0 : i32
        %scatter3A_1426 = arith.constant 0 : i32
        %scatter3A_1427 = tpu.memref_slice %arg9[%scatter3A_1424, %scatter3A_1425, %scatter3A_1426] : memref<2x64x128xf32, #tpu.memory_space<vmem>> -> memref<1x64x128xf32, #tpu.memory_space<vmem>>
        %scatter3A_1428 = tpu.memref_squeeze %scatter3A_1427 : memref<1x64x128xf32, #tpu.memory_space<vmem>> -> memref<64x128xf32, #tpu.memory_space<vmem>>
        tpu.vector_store_idx %scatter3A_1428[%and3A_1392, %add3A_450], %gather3A_1423 : memref<64x128xf32, #tpu.memory_space<vmem>>[vector<16xi32>, vector<16xi32>], vector<16xf32>,
        %add3A_1429 = arith.addi %get3A_481, %and3A_1392 : vector<16xi32>
        %gather3A_1430 = arith.constant 0 : i32
        %gather3A_1431 = arith.constant 0 : i32
        %gather3A_1432 = arith.constant 0 : i32
        %gather3A_1433 = tpu.memref_slice %arg8[%gather3A_1430, %gather3A_1431, %gather3A_1432] : memref<2x128x128xf32, #tpu.memory_space<vmem>> -> memref<1x128x128xf32, #tpu.memory_space<vmem>>
        %gather3A_1434 = tpu.memref_squeeze %gather3A_1433 : memref<1x128x128xf32, #tpu.memory_space<vmem>> -> memref<128x128xf32, #tpu.memory_space<vmem>>
        %gather3A_1435 = tpu.vector_load_idx %gather3A_1434[%add3A_453, %add3A_1429] : memref<128x128xf32, #tpu.memory_space<vmem>>[vector<16xi32>, vector<16xi32>], vector<16xf32>,
        %scatter3A_1436 = arith.constant 0 : i32
        %scatter3A_1437 = arith.constant 0 : i32
        %scatter3A_1438 = arith.constant 0 : i32
        %scatter3A_1439 = tpu.memref_slice %arg9[%scatter3A_1436, %scatter3A_1437, %scatter3A_1438] : memref<2x64x128xf32, #tpu.memory_space<vmem>> -> memref<1x64x128xf32, #tpu.memory_space<vmem>>
        %scatter3A_1440 = tpu.memref_squeeze %scatter3A_1439 : memref<1x64x128xf32, #tpu.memory_space<vmem>> -> memref<64x128xf32, #tpu.memory_space<vmem>>
        tpu.vector_store_idx %scatter3A_1440[%and3A_1392, %add3A_453], %gather3A_1435 : memref<64x128xf32, #tpu.memory_space<vmem>>[vector<16xi32>, vector<16xi32>], vector<16xf32>,
        %add3A_1441 = arith.addi %get3A_485, %and3A_1392 : vector<16xi32>
        %gather3A_1442 = arith.constant 0 : i32
        %gather3A_1443 = arith.constant 0 : i32
        %gather3A_1444 = arith.constant 0 : i32
        %gather3A_1445 = tpu.memref_slice %arg8[%gather3A_1442, %gather3A_1443, %gather3A_1444] : memref<2x128x128xf32, #tpu.memory_space<vmem>> -> memref<1x128x128xf32, #tpu.memory_space<vmem>>
        %gather3A_1446 = tpu.memref_squeeze %gather3A_1445 : memref<1x128x128xf32, #tpu.memory_space<vmem>> -> memref<128x128xf32, #tpu.memory_space<vmem>>
        %gather3A_1447 = tpu.vector_load_idx %gather3A_1446[%add3A_456, %add3A_1441] : memref<128x128xf32, #tpu.memory_space<vmem>>[vector<16xi32>, vector<16xi32>], vector<16xf32>,
        %scatter3A_1448 = arith.constant 0 : i32
        %scatter3A_1449 = arith.constant 0 : i32
        %scatter3A_1450 = arith.constant 0 : i32
        %scatter3A_1451 = tpu.memref_slice %arg9[%scatter3A_1448, %scatter3A_1449, %scatter3A_1450] : memref<2x64x128xf32, #tpu.memory_space<vmem>> -> memref<1x64x128xf32, #tpu.memory_space<vmem>>
        %scatter3A_1452 = tpu.memref_squeeze %scatter3A_1451 : memref<1x64x128xf32, #tpu.memory_space<vmem>> -> memref<64x128xf32, #tpu.memory_space<vmem>>
        tpu.vector_store_idx %scatter3A_1452[%and3A_1392, %add3A_456], %gather3A_1447 : memref<64x128xf32, #tpu.memory_space<vmem>>[vector<16xi32>, vector<16xi32>], vector<16xf32>,
        %add3A_1453 = arith.addi %get3A_489, %and3A_1392 : vector<16xi32>
        %gather3A_1454 = arith.constant 0 : i32
        %gather3A_1455 = arith.constant 0 : i32
        %gather3A_1456 = arith.constant 0 : i32
        %gather3A_1457 = tpu.memref_slice %arg8[%gather3A_1454, %gather3A_1455, %gather3A_1456] : memref<2x128x128xf32, #tpu.memory_space<vmem>> -> memref<1x128x128xf32, #tpu.memory_space<vmem>>
        %gather3A_1458 = tpu.memref_squeeze %gather3A_1457 : memref<1x128x128xf32, #tpu.memory_space<vmem>> -> memref<128x128xf32, #tpu.memory_space<vmem>>
        %gather3A_1459 = tpu.vector_load_idx %gather3A_1458[%add3A_459, %add3A_1453] : memref<128x128xf32, #tpu.memory_space<vmem>>[vector<16xi32>, vector<16xi32>], vector<16xf32>,
        %scatter3A_1460 = arith.constant 0 : i32
        %scatter3A_1461 = arith.constant 0 : i32
        %scatter3A_1462 = arith.constant 0 : i32
        %scatter3A_1463 = tpu.memref_slice %arg9[%scatter3A_1460, %scatter3A_1461, %scatter3A_1462] : memref<2x64x128xf32, #tpu.memory_space<vmem>> -> memref<1x64x128xf32, #tpu.memory_space<vmem>>
        %scatter3A_1464 = tpu.memref_squeeze %scatter3A_1463 : memref<1x64x128xf32, #tpu.memory_space<vmem>> -> memref<64x128xf32, #tpu.memory_space<vmem>>
        tpu.vector_store_idx %scatter3A_1464[%and3A_1392, %add3A_459], %gather3A_1459 : memref<64x128xf32, #tpu.memory_space<vmem>>[vector<16xi32>, vector<16xi32>], vector<16xf32>,
        %add3A_1465 = arith.addi %get3A_493, %and3A_1392 : vector<16xi32>
        %gather3A_1466 = arith.constant 0 : i32
        %gather3A_1467 = arith.constant 0 : i32
        %gather3A_1468 = arith.constant 0 : i32
        %gather3A_1469 = tpu.memref_slice %arg8[%gather3A_1466, %gather3A_1467, %gather3A_1468] : memref<2x128x128xf32, #tpu.memory_space<vmem>> -> memref<1x128x128xf32, #tpu.memory_space<vmem>>
        %gather3A_1470 = tpu.memref_squeeze %gather3A_1469 : memref<1x128x128xf32, #tpu.memory_space<vmem>> -> memref<128x128xf32, #tpu.memory_space<vmem>>
        %gather3A_1471 = tpu.vector_load_idx %gather3A_1470[%add3A_462, %add3A_1465] : memref<128x128xf32, #tpu.memory_space<vmem>>[vector<16xi32>, vector<16xi32>], vector<16xf32>,
        %scatter3A_1472 = arith.constant 0 : i32
        %scatter3A_1473 = arith.constant 0 : i32
        %scatter3A_1474 = arith.constant 0 : i32
        %scatter3A_1475 = tpu.memref_slice %arg9[%scatter3A_1472, %scatter3A_1473, %scatter3A_1474] : memref<2x64x128xf32, #tpu.memory_space<vmem>> -> memref<1x64x128xf32, #tpu.memory_space<vmem>>
        %scatter3A_1476 = tpu.memref_squeeze %scatter3A_1475 : memref<1x64x128xf32, #tpu.memory_space<vmem>> -> memref<64x128xf32, #tpu.memory_space<vmem>>
        tpu.vector_store_idx %scatter3A_1476[%and3A_1392, %add3A_462], %gather3A_1471 : memref<64x128xf32, #tpu.memory_space<vmem>>[vector<16xi32>, vector<16xi32>], vector<16xf32>,
        %add3A_1477 = arith.addi %get3A_497, %and3A_1392 : vector<16xi32>
        %gather3A_1478 = arith.constant 0 : i32
        %gather3A_1479 = arith.constant 0 : i32
        %gather3A_1480 = arith.constant 0 : i32
        %gather3A_1481 = tpu.memref_slice %arg8[%gather3A_1478, %gather3A_1479, %gather3A_1480] : memref<2x128x128xf32, #tpu.memory_space<vmem>> -> memref<1x128x128xf32, #tpu.memory_space<vmem>>
        %gather3A_1482 = tpu.memref_squeeze %gather3A_1481 : memref<1x128x128xf32, #tpu.memory_space<vmem>> -> memref<128x128xf32, #tpu.memory_space<vmem>>
        %gather3A_1483 = tpu.vector_load_idx %gather3A_1482[%add3A_465, %add3A_1477] : memref<128x128xf32, #tpu.memory_space<vmem>>[vector<16xi32>, vector<16xi32>], vector<16xf32>,
        %scatter3A_1484 = arith.constant 0 : i32
        %scatter3A_1485 = arith.constant 0 : i32
        %scatter3A_1486 = arith.constant 0 : i32
        %scatter3A_1487 = tpu.memref_slice %arg9[%scatter3A_1484, %scatter3A_1485, %scatter3A_1486] : memref<2x64x128xf32, #tpu.memory_space<vmem>> -> memref<1x64x128xf32, #tpu.memory_space<vmem>>
        %scatter3A_1488 = tpu.memref_squeeze %scatter3A_1487 : memref<1x64x128xf32, #tpu.memory_space<vmem>> -> memref<64x128xf32, #tpu.memory_space<vmem>>
        tpu.vector_store_idx %scatter3A_1488[%and3A_1392, %add3A_465], %gather3A_1483 : memref<64x128xf32, #tpu.memory_space<vmem>>[vector<16xi32>, vector<16xi32>], vector<16xf32>,
      }
      %scan3A_503 = arith.constant 8 : i32
      %lt3A = arith.constant 99 : i32
      %lt3A_504 = arith.cmpi slt, %scan3A_420, %lt3A : i32
      %convert_element_type3A_505 = arith.extui %lt3A_504 : i1 to i32
      %cond3A_506 = arith.constant 0 : i32
      %cond3A_507 = arith.cmpi ne, %convert_element_type3A_505, %cond3A_506 : i32
      scf.if %cond3A_507 {
        %add3A_650 = arith.constant 2 : i32
        %add3A_651 = arith.addi %add3A_424, %add3A_650 : i32
        %get3A_652 = arith.index_cast %add3A_651 : i32 to index
        %get3A_653 = arith.constant 0 : index
        %get3A_654 = tpu.vector_load %arg5[%get3A_652, %get3A_653] {strides = array<i32>} : memref<200x128xi32, #tpu.memory_space<vmem>>, vector<16xi32>,
        %shift_right_arithmetic3A_655 = arith.constant 1 : i32
        %shift_right_arithmetic3A_656 = vector.broadcast %shift_right_arithmetic3A_655 : i32 to vector<16xi32>
        %shift_right_arithmetic3A_657 = arith.shrsi %get3A_654, %shift_right_arithmetic3A_656 : vector<16xi32>
        %swap3A_658 = arith.constant 0 : i32
        %swap3A_659 = arith.index_cast %swap3A_658 : i32 to index
        %swap3A_660 = arith.constant 0 : index
        %swap3A_661 = tpu.vector_load %arg6[%swap3A_659, %swap3A_660] {strides = array<i32>} : memref<2x128xi32, #tpu.memory_space<vmem>>, vector<16xi32>,
        tpu.vector_store %arg6[%swap3A_659, %swap3A_660], %shift_right_arithmetic3A_657 {strides = array<i32>} : memref<2x128xi32, #tpu.memory_space<vmem>>, vector<16xi32>,
        %and3A_662 = arith.constant 1 : i32
        %and3A_663 = vector.broadcast %and3A_662 : i32 to vector<16xi32>
        %and3A_664 = arith.andi %get3A_654, %and3A_663 : vector<16xi32>
        %mul3A_665 = arith.constant 64 : i32
        %mul3A_666 = vector.broadcast %mul3A_665 : i32 to vector<16xi32>
        %mul3A_667 = arith.muli %and3A_664, %mul3A_666 : vector<16xi32>
        %swap3A_668 = arith.constant 0 : i32
        %swap3A_669 = arith.index_cast %swap3A_668 : i32 to index
        %swap3A_670 = arith.constant 0 : index
        %swap3A_671 = tpu.vector_load %arg7[%swap3A_669, %swap3A_670] {strides = array<i32>} : memref<2x128xi32, #tpu.memory_space<vmem>>, vector<16xi32>,
        tpu.vector_store %arg7[%swap3A_669, %swap3A_670], %mul3A_667 {strides = array<i32>} : memref<2x128xi32, #tpu.memory_space<vmem>>, vector<16xi32>,
        %get3A_672 = arith.index_cast %add3A_651 : i32 to index
        %get3A_673 = arith.constant 16 : index
        %get3A_674 = tpu.vector_load %arg5[%get3A_672, %get3A_673] {strides = array<i32>} : memref<200x128xi32, #tpu.memory_space<vmem>>, vector<16xi32>,
        %shift_right_arithmetic3A_675 = arith.constant 1 : i32
        %shift_right_arithmetic3A_676 = vector.broadcast %shift_right_arithmetic3A_675 : i32 to vector<16xi32>
        %shift_right_arithmetic3A_677 = arith.shrsi %get3A_674, %shift_right_arithmetic3A_676 : vector<16xi32>
        %swap3A_678 = arith.constant 0 : i32
        %swap3A_679 = arith.index_cast %swap3A_678 : i32 to index
        %swap3A_680 = arith.constant 16 : index
        %swap3A_681 = tpu.vector_load %arg6[%swap3A_679, %swap3A_680] {strides = array<i32>} : memref<2x128xi32, #tpu.memory_space<vmem>>, vector<16xi32>,
        tpu.vector_store %arg6[%swap3A_679, %swap3A_680], %shift_right_arithmetic3A_677 {strides = array<i32>} : memref<2x128xi32, #tpu.memory_space<vmem>>, vector<16xi32>,
        %and3A_682 = arith.constant 1 : i32
        %and3A_683 = vector.broadcast %and3A_682 : i32 to vector<16xi32>
        %and3A_684 = arith.andi %get3A_674, %and3A_683 : vector<16xi32>
        %mul3A_685 = arith.constant 64 : i32
        %mul3A_686 = vector.broadcast %mul3A_685 : i32 to vector<16xi32>
        %mul3A_687 = arith.muli %and3A_684, %mul3A_686 : vector<16xi32>
        %swap3A_688 = arith.constant 0 : i32
        %swap3A_689 = arith.index_cast %swap3A_688 : i32 to index
        %swap3A_690 = arith.constant 16 : index
        %swap3A_691 = tpu.vector_load %arg7[%swap3A_689, %swap3A_690] {strides = array<i32>} : memref<2x128xi32, #tpu.memory_space<vmem>>, vector<16xi32>,
        tpu.vector_store %arg7[%swap3A_689, %swap3A_690], %mul3A_687 {strides = array<i32>} : memref<2x128xi32, #tpu.memory_space<vmem>>, vector<16xi32>,
        %get3A_692 = arith.index_cast %add3A_651 : i32 to index
        %get3A_693 = arith.constant 32 : index
        %get3A_694 = tpu.vector_load %arg5[%get3A_692, %get3A_693] {strides = array<i32>} : memref<200x128xi32, #tpu.memory_space<vmem>>, vector<16xi32>,
        %shift_right_arithmetic3A_695 = arith.constant 1 : i32
        %shift_right_arithmetic3A_696 = vector.broadcast %shift_right_arithmetic3A_695 : i32 to vector<16xi32>
        %shift_right_arithmetic3A_697 = arith.shrsi %get3A_694, %shift_right_arithmetic3A_696 : vector<16xi32>
        %swap3A_698 = arith.constant 0 : i32
        %swap3A_699 = arith.index_cast %swap3A_698 : i32 to index
        %swap3A_700 = arith.constant 32 : index
        %swap3A_701 = tpu.vector_load %arg6[%swap3A_699, %swap3A_700] {strides = array<i32>} : memref<2x128xi32, #tpu.memory_space<vmem>>, vector<16xi32>,
        tpu.vector_store %arg6[%swap3A_699, %swap3A_700], %shift_right_arithmetic3A_697 {strides = array<i32>} : memref<2x128xi32, #tpu.memory_space<vmem>>, vector<16xi32>,
        %and3A_702 = arith.constant 1 : i32
        %and3A_703 = vector.broadcast %and3A_702 : i32 to vector<16xi32>
        %and3A_704 = arith.andi %get3A_694, %and3A_703 : vector<16xi32>
        %mul3A_705 = arith.constant 64 : i32
        %mul3A_706 = vector.broadcast %mul3A_705 : i32 to vector<16xi32>
        %mul3A_707 = arith.muli %and3A_704, %mul3A_706 : vector<16xi32>
        %swap3A_708 = arith.constant 0 : i32
        %swap3A_709 = arith.index_cast %swap3A_708 : i32 to index
        %swap3A_710 = arith.constant 32 : index
        %swap3A_711 = tpu.vector_load %arg7[%swap3A_709, %swap3A_710] {strides = array<i32>} : memref<2x128xi32, #tpu.memory_space<vmem>>, vector<16xi32>,
        tpu.vector_store %arg7[%swap3A_709, %swap3A_710], %mul3A_707 {strides = array<i32>} : memref<2x128xi32, #tpu.memory_space<vmem>>, vector<16xi32>,
        %get3A_712 = arith.index_cast %add3A_651 : i32 to index
        %get3A_713 = arith.constant 48 : index
        %get3A_714 = tpu.vector_load %arg5[%get3A_712, %get3A_713] {strides = array<i32>} : memref<200x128xi32, #tpu.memory_space<vmem>>, vector<16xi32>,
        %shift_right_arithmetic3A_715 = arith.constant 1 : i32
        %shift_right_arithmetic3A_716 = vector.broadcast %shift_right_arithmetic3A_715 : i32 to vector<16xi32>
        %shift_right_arithmetic3A_717 = arith.shrsi %get3A_714, %shift_right_arithmetic3A_716 : vector<16xi32>
        %swap3A_718 = arith.constant 0 : i32
        %swap3A_719 = arith.index_cast %swap3A_718 : i32 to index
        %swap3A_720 = arith.constant 48 : index
        %swap3A_721 = tpu.vector_load %arg6[%swap3A_719, %swap3A_720] {strides = array<i32>} : memref<2x128xi32, #tpu.memory_space<vmem>>, vector<16xi32>,
        tpu.vector_store %arg6[%swap3A_719, %swap3A_720], %shift_right_arithmetic3A_717 {strides = array<i32>} : memref<2x128xi32, #tpu.memory_space<vmem>>, vector<16xi32>,
        %and3A_722 = arith.constant 1 : i32
        %and3A_723 = vector.broadcast %and3A_722 : i32 to vector<16xi32>
        %and3A_724 = arith.andi %get3A_714, %and3A_723 : vector<16xi32>
        %mul3A_725 = arith.constant 64 : i32
        %mul3A_726 = vector.broadcast %mul3A_725 : i32 to vector<16xi32>
        %mul3A_727 = arith.muli %and3A_724, %mul3A_726 : vector<16xi32>
        %swap3A_728 = arith.constant 0 : i32
        %swap3A_729 = arith.index_cast %swap3A_728 : i32 to index
        %swap3A_730 = arith.constant 48 : index
        %swap3A_731 = tpu.vector_load %arg7[%swap3A_729, %swap3A_730] {strides = array<i32>} : memref<2x128xi32, #tpu.memory_space<vmem>>, vector<16xi32>,
        tpu.vector_store %arg7[%swap3A_729, %swap3A_730], %mul3A_727 {strides = array<i32>} : memref<2x128xi32, #tpu.memory_space<vmem>>, vector<16xi32>,
        %get3A_732 = arith.index_cast %add3A_651 : i32 to index
        %get3A_733 = arith.constant 64 : index
        %get3A_734 = tpu.vector_load %arg5[%get3A_732, %get3A_733] {strides = array<i32>} : memref<200x128xi32, #tpu.memory_space<vmem>>, vector<16xi32>,
        %shift_right_arithmetic3A_735 = arith.constant 1 : i32
        %shift_right_arithmetic3A_736 = vector.broadcast %shift_right_arithmetic3A_735 : i32 to vector<16xi32>
        %shift_right_arithmetic3A_737 = arith.shrsi %get3A_734, %shift_right_arithmetic3A_736 : vector<16xi32>
        %swap3A_738 = arith.constant 0 : i32
        %swap3A_739 = arith.index_cast %swap3A_738 : i32 to index
        %swap3A_740 = arith.constant 64 : index
        %swap3A_741 = tpu.vector_load %arg6[%swap3A_739, %swap3A_740] {strides = array<i32>} : memref<2x128xi32, #tpu.memory_space<vmem>>, vector<16xi32>,
        tpu.vector_store %arg6[%swap3A_739, %swap3A_740], %shift_right_arithmetic3A_737 {strides = array<i32>} : memref<2x128xi32, #tpu.memory_space<vmem>>, vector<16xi32>,
        %and3A_742 = arith.constant 1 : i32
        %and3A_743 = vector.broadcast %and3A_742 : i32 to vector<16xi32>
        %and3A_744 = arith.andi %get3A_734, %and3A_743 : vector<16xi32>
        %mul3A_745 = arith.constant 64 : i32
        %mul3A_746 = vector.broadcast %mul3A_745 : i32 to vector<16xi32>
        %mul3A_747 = arith.muli %and3A_744, %mul3A_746 : vector<16xi32>
        %swap3A_748 = arith.constant 0 : i32
        %swap3A_749 = arith.index_cast %swap3A_748 : i32 to index
        %swap3A_750 = arith.constant 64 : index
        %swap3A_751 = tpu.vector_load %arg7[%swap3A_749, %swap3A_750] {strides = array<i32>} : memref<2x128xi32, #tpu.memory_space<vmem>>, vector<16xi32>,
        tpu.vector_store %arg7[%swap3A_749, %swap3A_750], %mul3A_747 {strides = array<i32>} : memref<2x128xi32, #tpu.memory_space<vmem>>, vector<16xi32>,
        %get3A_752 = arith.index_cast %add3A_651 : i32 to index
        %get3A_753 = arith.constant 80 : index
        %get3A_754 = tpu.vector_load %arg5[%get3A_752, %get3A_753] {strides = array<i32>} : memref<200x128xi32, #tpu.memory_space<vmem>>, vector<16xi32>,
        %shift_right_arithmetic3A_755 = arith.constant 1 : i32
        %shift_right_arithmetic3A_756 = vector.broadcast %shift_right_arithmetic3A_755 : i32 to vector<16xi32>
        %shift_right_arithmetic3A_757 = arith.shrsi %get3A_754, %shift_right_arithmetic3A_756 : vector<16xi32>
        %swap3A_758 = arith.constant 0 : i32
        %swap3A_759 = arith.index_cast %swap3A_758 : i32 to index
        %swap3A_760 = arith.constant 80 : index
        %swap3A_761 = tpu.vector_load %arg6[%swap3A_759, %swap3A_760] {strides = array<i32>} : memref<2x128xi32, #tpu.memory_space<vmem>>, vector<16xi32>,
        tpu.vector_store %arg6[%swap3A_759, %swap3A_760], %shift_right_arithmetic3A_757 {strides = array<i32>} : memref<2x128xi32, #tpu.memory_space<vmem>>, vector<16xi32>,
        %and3A_762 = arith.constant 1 : i32
        %and3A_763 = vector.broadcast %and3A_762 : i32 to vector<16xi32>
        %and3A_764 = arith.andi %get3A_754, %and3A_763 : vector<16xi32>
        %mul3A_765 = arith.constant 64 : i32
        %mul3A_766 = vector.broadcast %mul3A_765 : i32 to vector<16xi32>
        %mul3A_767 = arith.muli %and3A_764, %mul3A_766 : vector<16xi32>
        %swap3A_768 = arith.constant 0 : i32
        %swap3A_769 = arith.index_cast %swap3A_768 : i32 to index
        %swap3A_770 = arith.constant 80 : index
        %swap3A_771 = tpu.vector_load %arg7[%swap3A_769, %swap3A_770] {strides = array<i32>} : memref<2x128xi32, #tpu.memory_space<vmem>>, vector<16xi32>,
        tpu.vector_store %arg7[%swap3A_769, %swap3A_770], %mul3A_767 {strides = array<i32>} : memref<2x128xi32, #tpu.memory_space<vmem>>, vector<16xi32>,
        %get3A_772 = arith.index_cast %add3A_651 : i32 to index
        %get3A_773 = arith.constant 96 : index
        %get3A_774 = tpu.vector_load %arg5[%get3A_772, %get3A_773] {strides = array<i32>} : memref<200x128xi32, #tpu.memory_space<vmem>>, vector<16xi32>,
        %shift_right_arithmetic3A_775 = arith.constant 1 : i32
        %shift_right_arithmetic3A_776 = vector.broadcast %shift_right_arithmetic3A_775 : i32 to vector<16xi32>
        %shift_right_arithmetic3A_777 = arith.shrsi %get3A_774, %shift_right_arithmetic3A_776 : vector<16xi32>
        %swap3A_778 = arith.constant 0 : i32
        %swap3A_779 = arith.index_cast %swap3A_778 : i32 to index
        %swap3A_780 = arith.constant 96 : index
        %swap3A_781 = tpu.vector_load %arg6[%swap3A_779, %swap3A_780] {strides = array<i32>} : memref<2x128xi32, #tpu.memory_space<vmem>>, vector<16xi32>,
        tpu.vector_store %arg6[%swap3A_779, %swap3A_780], %shift_right_arithmetic3A_777 {strides = array<i32>} : memref<2x128xi32, #tpu.memory_space<vmem>>, vector<16xi32>,
        %and3A_782 = arith.constant 1 : i32
        %and3A_783 = vector.broadcast %and3A_782 : i32 to vector<16xi32>
        %and3A_784 = arith.andi %get3A_774, %and3A_783 : vector<16xi32>
        %mul3A_785 = arith.constant 64 : i32
        %mul3A_786 = vector.broadcast %mul3A_785 : i32 to vector<16xi32>
        %mul3A_787 = arith.muli %and3A_784, %mul3A_786 : vector<16xi32>
        %swap3A_788 = arith.constant 0 : i32
        %swap3A_789 = arith.index_cast %swap3A_788 : i32 to index
        %swap3A_790 = arith.constant 96 : index
        %swap3A_791 = tpu.vector_load %arg7[%swap3A_789, %swap3A_790] {strides = array<i32>} : memref<2x128xi32, #tpu.memory_space<vmem>>, vector<16xi32>,
        tpu.vector_store %arg7[%swap3A_789, %swap3A_790], %mul3A_787 {strides = array<i32>} : memref<2x128xi32, #tpu.memory_space<vmem>>, vector<16xi32>,
        %get3A_792 = arith.index_cast %add3A_651 : i32 to index
        %get3A_793 = arith.constant 112 : index
        %get3A_794 = tpu.vector_load %arg5[%get3A_792, %get3A_793] {strides = array<i32>} : memref<200x128xi32, #tpu.memory_space<vmem>>, vector<16xi32>,
        %shift_right_arithmetic3A_795 = arith.constant 1 : i32
        %shift_right_arithmetic3A_796 = vector.broadcast %shift_right_arithmetic3A_795 : i32 to vector<16xi32>
        %shift_right_arithmetic3A_797 = arith.shrsi %get3A_794, %shift_right_arithmetic3A_796 : vector<16xi32>
        %swap3A_798 = arith.constant 0 : i32
        %swap3A_799 = arith.index_cast %swap3A_798 : i32 to index
        %swap3A_800 = arith.constant 112 : index
        %swap3A_801 = tpu.vector_load %arg6[%swap3A_799, %swap3A_800] {strides = array<i32>} : memref<2x128xi32, #tpu.memory_space<vmem>>, vector<16xi32>,
        tpu.vector_store %arg6[%swap3A_799, %swap3A_800], %shift_right_arithmetic3A_797 {strides = array<i32>} : memref<2x128xi32, #tpu.memory_space<vmem>>, vector<16xi32>,
        %and3A_802 = arith.constant 1 : i32
        %and3A_803 = vector.broadcast %and3A_802 : i32 to vector<16xi32>
        %and3A_804 = arith.andi %get3A_794, %and3A_803 : vector<16xi32>
        %mul3A_805 = arith.constant 64 : i32
        %mul3A_806 = vector.broadcast %mul3A_805 : i32 to vector<16xi32>
        %mul3A_807 = arith.muli %and3A_804, %mul3A_806 : vector<16xi32>
        %swap3A_808 = arith.constant 0 : i32
        %swap3A_809 = arith.index_cast %swap3A_808 : i32 to index
        %swap3A_810 = arith.constant 112 : index
        %swap3A_811 = tpu.vector_load %arg7[%swap3A_809, %swap3A_810] {strides = array<i32>} : memref<2x128xi32, #tpu.memory_space<vmem>>, vector<16xi32>,
        tpu.vector_store %arg7[%swap3A_809, %swap3A_810], %mul3A_807 {strides = array<i32>} : memref<2x128xi32, #tpu.memory_space<vmem>>, vector<16xi32>,
        %add3A_812 = arith.constant 2 : i32
        %add3A_813 = arith.addi %add3A_424, %add3A_812 : i32
        %dma_start3A_814 = arith.constant 0 : i32
        %dma_start3A_815 = arith.constant 0 : i32
        %dma_start3A_816 = arith.constant 0 : i32
        %dma_start3A_817 = arith.constant 0 : i32
        %dma_start3A_818 = arith.constant 0 : i32
        %dma_start3A_819 = tpu.memref_slice %arg8[%dma_start3A_815, %dma_start3A_817, %dma_start3A_818] : memref<2x128x128xf32, #tpu.memory_space<vmem>> -> memref<1x128x128xf32, #tpu.memory_space<vmem>>
        %dma_start3A_820 = tpu.memref_squeeze %dma_start3A_819 : memref<1x128x128xf32, #tpu.memory_space<vmem>> -> memref<128x128xf32, #tpu.memory_space<vmem>>
        %dma_start3A_821 = arith.constant 0 : i32
        %dma_start3A_822 = tpu.memref_slice %arg6[%dma_start3A_814, %dma_start3A_821] : memref<2x128xi32, #tpu.memory_space<vmem>> -> memref<1x128xi32, #tpu.memory_space<vmem>>
        %dma_start3A_823 = tpu.memref_squeeze %dma_start3A_822 : memref<1x128xi32, #tpu.memory_space<vmem>> -> memref<128xi32, #tpu.memory_space<vmem>>
        %dma_start3A_824 = arith.constant 0 : i32
        %dma_start3A_825 = arith.constant 0 : i32
        %dma_start3A_826 = tpu.memref_slice %arg3[%dma_start3A_824, %dma_start3A_825] : memref<500000x128xf32, #tpu.memory_space<hbm>> -> memref<500000x128xf32, #tpu.memory_space<hbm>>
        %dma_start3A_827 = tpu.memref_slice %arg10[%dma_start3A_816] : memref<2x!tpu.dma_semaphore, #tpu.memory_space<semaphore_mem>> -> memref<1x!tpu.dma_semaphore, #tpu.memory_space<semaphore_mem>>
        %dma_start3A_828 = tpu.memref_squeeze %dma_start3A_827 : memref<1x!tpu.dma_semaphore, #tpu.memory_space<semaphore_mem>> -> memref<!tpu.dma_semaphore, #tpu.memory_space<semaphore_mem>>
        tpu.enqueue_indirect_dma source(%dma_start3A_826 : memref<500000x128xf32, #tpu.memory_space<hbm>>) target(%dma_start3A_820 : memref<128x128xf32, #tpu.memory_space<vmem>>) offsets(%dma_start3A_823 : memref<128xi32, #tpu.memory_space<vmem>>) semaphore(%dma_start3A_828 : memref<!tpu.dma_semaphore, #tpu.memory_space<semaphore_mem>>)
      } else {
      }
      %add3A_508 = arith.addi %mul3A_2, %add3A_424 : i32
      %shift_right_arithmetic3A_509 = arith.constant 7 : i32
      %shift_right_arithmetic3A_510 = arith.shrsi %add3A_508, %shift_right_arithmetic3A_509 : i32
      %and3A_511 = arith.constant 127 : i32
      %and3A_512 = arith.andi %add3A_508, %and3A_511 : i32
      %mul3A_513 = arith.constant 128 : i32
      %mul3A_514 = arith.muli %and3A_512, %mul3A_513 : i32
      %dma_start3A_515 = arith.constant 0 : i32
      %dma_start3A_516 = arith.constant 0 : i32
      %dma_start3A_517 = arith.constant 0 : i32
      %dma_start3A_518 = arith.constant 0 : i32
      %dma_start3A_519 = tpu.memref_slice %arg9[%dma_start3A_515, %dma_start3A_517, %dma_start3A_518] : memref<2x64x128xf32, #tpu.memory_space<vmem>> -> memref<1x64x128xf32, #tpu.memory_space<vmem>>
      %dma_start3A_520 = tpu.memref_squeeze %dma_start3A_519 : memref<1x64x128xf32, #tpu.memory_space<vmem>> -> memref<64x128xf32, #tpu.memory_space<vmem>>
      %dma_start3A_521 = arith.constant 0 : i32
      %dma_start3A_522 = tpu.memref_slice %arg4[%shift_right_arithmetic3A_510, %dma_start3A_521, %mul3A_514] : memref<50x64x16384xf32, #tpu.memory_space<hbm>> -> memref<1x64x128xf32, #tpu.memory_space<hbm>>
      %dma_start3A_523 = tpu.memref_squeeze %dma_start3A_522 : memref<1x64x128xf32, #tpu.memory_space<hbm>> -> memref<64x128xf32, #tpu.memory_space<hbm>>
      %dma_start3A_524 = tpu.memref_slice %arg11[%dma_start3A_516] : memref<2x!tpu.dma_semaphore, #tpu.memory_space<semaphore_mem>> -> memref<1x!tpu.dma_semaphore, #tpu.memory_space<semaphore_mem>>
      %dma_start3A_525 = tpu.memref_squeeze %dma_start3A_524 : memref<1x!tpu.dma_semaphore, #tpu.memory_space<semaphore_mem>> -> memref<!tpu.dma_semaphore, #tpu.memory_space<semaphore_mem>>
      %dma_start3A_526 = arith.constant 0 : i32
      %dma_start3A_527 = tpu.memref_slice %arg4[%shift_right_arithmetic3A_510, %dma_start3A_526, %mul3A_514] : memref<50x64x16384xf32, #tpu.memory_space<hbm>> -> memref<1x64x128xf32, #tpu.memory_space<hbm>>
      %dma_start3A_528 = tpu.memref_squeeze %dma_start3A_527 : memref<1x64x128xf32, #tpu.memory_space<hbm>> -> memref<64x128xf32, #tpu.memory_space<hbm>>
      %dma_start3A_529 = arith.constant 0 : i32
      %dma_start3A_530 = arith.constant 0 : i32
      %dma_start3A_531 = tpu.memref_slice %arg9[%dma_start3A_515, %dma_start3A_529, %dma_start3A_530] : memref<2x64x128xf32, #tpu.memory_space<vmem>> -> memref<1x64x128xf32, #tpu.memory_space<vmem>>
      %dma_start3A_532 = tpu.memref_squeeze %dma_start3A_531 : memref<1x64x128xf32, #tpu.memory_space<vmem>> -> memref<64x128xf32, #tpu.memory_space<vmem>>
      tpu.enqueue_dma source(%dma_start3A_532 : memref<64x128xf32, #tpu.memory_space<vmem>>) target(%dma_start3A_528 : memref<64x128xf32, #tpu.memory_space<hbm>>) target_semaphore(%dma_start3A_525 : memref<!tpu.dma_semaphore, #tpu.memory_space<semaphore_mem>>)
      %mul3A_533 = arith.constant 2 : i32
      %mul3A_534 = arith.muli %scan3A_420, %mul3A_533 : i32
      %add3A_535 = arith.constant 1 : i32
      %add3A_536 = arith.addi %mul3A_534, %add3A_535 : i32
      %dma_wait3A_537 = arith.constant 1 : i32
      %dma_wait3A_538 = arith.constant 1 : i32
      %dma_wait3A_539 = arith.constant 1 : i32
      %dma_wait3A_540 = arith.constant 0 : i32
      %dma_wait3A_541 = arith.constant 0 : i32
      %dma_wait3A_542 = tpu.memref_slice %arg8[%dma_wait3A_538, %dma_wait3A_540, %dma_wait3A_541] : memref<2x128x128xf32, #tpu.memory_space<vmem>> -> memref<1x128x128xf32, #tpu.memory_space<vmem>>
      %dma_wait3A_543 = tpu.memref_squeeze %dma_wait3A_542 : memref<1x128x128xf32, #tpu.memory_space<vmem>> -> memref<128x128xf32, #tpu.memory_space<vmem>>
      %dma_wait3A_544 = arith.constant 0 : i32
      %dma_wait3A_545 = tpu.memref_slice %arg6[%dma_wait3A_537, %dma_wait3A_544] : memref<2x128xi32, #tpu.memory_space<vmem>> -> memref<1x128xi32, #tpu.memory_space<vmem>>
      %dma_wait3A_546 = tpu.memref_squeeze %dma_wait3A_545 : memref<1x128xi32, #tpu.memory_space<vmem>> -> memref<128xi32, #tpu.memory_space<vmem>>
      %dma_wait3A_547 = arith.constant 0 : i32
      %dma_wait3A_548 = arith.constant 0 : i32
      %dma_wait3A_549 = tpu.memref_slice %arg3[%dma_wait3A_547, %dma_wait3A_548] : memref<500000x128xf32, #tpu.memory_space<hbm>> -> memref<500000x128xf32, #tpu.memory_space<hbm>>
      %dma_wait3A_550 = tpu.memref_slice %arg10[%dma_wait3A_539] : memref<2x!tpu.dma_semaphore, #tpu.memory_space<semaphore_mem>> -> memref<1x!tpu.dma_semaphore, #tpu.memory_space<semaphore_mem>>
      %dma_wait3A_551 = tpu.memref_squeeze %dma_wait3A_550 : memref<1x!tpu.dma_semaphore, #tpu.memory_space<semaphore_mem>> -> memref<!tpu.dma_semaphore, #tpu.memory_space<semaphore_mem>>
      tpu.wait_indirect_dma semaphore(%dma_wait3A_551 : memref<!tpu.dma_semaphore, #tpu.memory_space<semaphore_mem>>) src(%dma_wait3A_549 : memref<500000x128xf32, #tpu.memory_space<hbm>>) dst(%dma_wait3A_543 : memref<128x128xf32, #tpu.memory_space<vmem>>)
      %gt3A_552 = arith.constant 0 : i32
      %gt3A_553 = arith.cmpi sgt, %scan3A_420, %gt3A_552 : i32
      %convert_element_type3A_554 = arith.extui %gt3A_553 : i1 to i32
      %cond3A_555 = arith.constant 0 : i32
      %cond3A_556 = arith.cmpi ne, %convert_element_type3A_554, %cond3A_555 : i32
      scf.if %cond3A_556 {
        %sub3A = arith.constant 2 : i32
        %sub3A_650 = arith.subi %add3A_536, %sub3A : i32
        %add3A_651 = arith.addi %mul3A_2, %sub3A_650 : i32
        %shift_right_arithmetic3A_652 = arith.constant 7 : i32
        %shift_right_arithmetic3A_653 = arith.shrsi %add3A_651, %shift_right_arithmetic3A_652 : i32
        %and3A_654 = arith.constant 127 : i32
        %and3A_655 = arith.andi %add3A_651, %and3A_654 : i32
        %mul3A_656 = arith.constant 128 : i32
        %mul3A_657 = arith.muli %and3A_655, %mul3A_656 : i32
        %dma_wait3A_658 = arith.constant 1 : i32
        %dma_wait3A_659 = arith.constant 1 : i32
        %dma_wait3A_660 = arith.constant 0 : i32
        %dma_wait3A_661 = arith.constant 0 : i32
        %dma_wait3A_662 = tpu.memref_slice %arg9[%dma_wait3A_658, %dma_wait3A_660, %dma_wait3A_661] : memref<2x64x128xf32, #tpu.memory_space<vmem>> -> memref<1x64x128xf32, #tpu.memory_space<vmem>>
        %dma_wait3A_663 = tpu.memref_squeeze %dma_wait3A_662 : memref<1x64x128xf32, #tpu.memory_space<vmem>> -> memref<64x128xf32, #tpu.memory_space<vmem>>
        %dma_wait3A_664 = arith.constant 0 : i32
        %dma_wait3A_665 = tpu.memref_slice %arg4[%shift_right_arithmetic3A_653, %dma_wait3A_664, %mul3A_657] : memref<50x64x16384xf32, #tpu.memory_space<hbm>> -> memref<1x64x128xf32, #tpu.memory_space<hbm>>
        %dma_wait3A_666 = tpu.memref_squeeze %dma_wait3A_665 : memref<1x64x128xf32, #tpu.memory_space<hbm>> -> memref<64x128xf32, #tpu.memory_space<hbm>>
        %dma_wait3A_667 = tpu.memref_slice %arg11[%dma_wait3A_659] : memref<2x!tpu.dma_semaphore, #tpu.memory_space<semaphore_mem>> -> memref<1x!tpu.dma_semaphore, #tpu.memory_space<semaphore_mem>>
        %dma_wait3A_668 = tpu.memref_squeeze %dma_wait3A_667 : memref<1x!tpu.dma_semaphore, #tpu.memory_space<semaphore_mem>> -> memref<!tpu.dma_semaphore, #tpu.memory_space<semaphore_mem>>
        %dma_wait3A_669 = arith.constant 0 : i32
        %dma_wait3A_670 = tpu.memref_slice %arg4[%shift_right_arithmetic3A_653, %dma_wait3A_669, %mul3A_657] : memref<50x64x16384xf32, #tpu.memory_space<hbm>> -> memref<1x64x128xf32, #tpu.memory_space<hbm>>
        %dma_wait3A_671 = tpu.memref_squeeze %dma_wait3A_670 : memref<1x64x128xf32, #tpu.memory_space<hbm>> -> memref<64x128xf32, #tpu.memory_space<hbm>>
        %dma_wait3A_672 = arith.constant 0 : i32
        %dma_wait3A_673 = arith.constant 0 : i32
        %dma_wait3A_674 = tpu.memref_slice %arg9[%dma_wait3A_658, %dma_wait3A_672, %dma_wait3A_673] : memref<2x64x128xf32, #tpu.memory_space<vmem>> -> memref<1x64x128xf32, #tpu.memory_space<vmem>>
        %dma_wait3A_675 = tpu.memref_squeeze %dma_wait3A_674 : memref<1x64x128xf32, #tpu.memory_space<vmem>> -> memref<64x128xf32, #tpu.memory_space<vmem>>
        tpu.wait_dma2 semaphore(%dma_wait3A_668 : memref<!tpu.dma_semaphore, #tpu.memory_space<semaphore_mem>>) src(%dma_wait3A_675 : memref<64x128xf32, #tpu.memory_space<vmem>>) dst(%dma_wait3A_671 : memref<64x128xf32, #tpu.memory_space<hbm>>)
      } else {
      }
      %iota3A_557 = tpu.iota {dimensions = array<i32: 0>} : vector<16xi32>
      %add3A_558 = arith.constant 0 : i32
      %add3A_559 = vector.broadcast %add3A_558 : i32 to vector<16xi32>
      %add3A_560 = arith.addi %iota3A_557, %add3A_559 : vector<16xi32>
      %add3A_561 = arith.constant 16 : i32
      %add3A_562 = vector.broadcast %add3A_561 : i32 to vector<16xi32>
      %add3A_563 = arith.addi %iota3A_557, %add3A_562 : vector<16xi32>
      %add3A_564 = arith.constant 32 : i32
      %add3A_565 = vector.broadcast %add3A_564 : i32 to vector<16xi32>
      %add3A_566 = arith.addi %iota3A_557, %add3A_565 : vector<16xi32>
      %add3A_567 = arith.constant 48 : i32
      %add3A_568 = vector.broadcast %add3A_567 : i32 to vector<16xi32>
      %add3A_569 = arith.addi %iota3A_557, %add3A_568 : vector<16xi32>
      %add3A_570 = arith.constant 64 : i32
      %add3A_571 = vector.broadcast %add3A_570 : i32 to vector<16xi32>
      %add3A_572 = arith.addi %iota3A_557, %add3A_571 : vector<16xi32>
      %add3A_573 = arith.constant 80 : i32
      %add3A_574 = vector.broadcast %add3A_573 : i32 to vector<16xi32>
      %add3A_575 = arith.addi %iota3A_557, %add3A_574 : vector<16xi32>
      %add3A_576 = arith.constant 96 : i32
      %add3A_577 = vector.broadcast %add3A_576 : i32 to vector<16xi32>
      %add3A_578 = arith.addi %iota3A_557, %add3A_577 : vector<16xi32>
      %add3A_579 = arith.constant 112 : i32
      %add3A_580 = vector.broadcast %add3A_579 : i32 to vector<16xi32>
      %add3A_581 = arith.addi %iota3A_557, %add3A_580 : vector<16xi32>
      %get3A_582 = arith.constant 1 : i32
      %get3A_583 = arith.index_cast %get3A_582 : i32 to index
      %get3A_584 = arith.constant 0 : index
      %get3A_585 = tpu.vector_load %arg7[%get3A_583, %get3A_584] {strides = array<i32>} : memref<2x128xi32, #tpu.memory_space<vmem>>, vector<16xi32>,
      %get3A_586 = arith.constant 1 : i32
      %get3A_587 = arith.index_cast %get3A_586 : i32 to index
      %get3A_588 = arith.constant 16 : index
      %get3A_589 = tpu.vector_load %arg7[%get3A_587, %get3A_588] {strides = array<i32>} : memref<2x128xi32, #tpu.memory_space<vmem>>, vector<16xi32>,
      %get3A_590 = arith.constant 1 : i32
      %get3A_591 = arith.index_cast %get3A_590 : i32 to index
      %get3A_592 = arith.constant 32 : index
      %get3A_593 = tpu.vector_load %arg7[%get3A_591, %get3A_592] {strides = array<i32>} : memref<2x128xi32, #tpu.memory_space<vmem>>, vector<16xi32>,
      %get3A_594 = arith.constant 1 : i32
      %get3A_595 = arith.index_cast %get3A_594 : i32 to index
      %get3A_596 = arith.constant 48 : index
      %get3A_597 = tpu.vector_load %arg7[%get3A_595, %get3A_596] {strides = array<i32>} : memref<2x128xi32, #tpu.memory_space<vmem>>, vector<16xi32>,
      %get3A_598 = arith.constant 1 : i32
      %get3A_599 = arith.index_cast %get3A_598 : i32 to index
      %get3A_600 = arith.constant 64 : index
      %get3A_601 = tpu.vector_load %arg7[%get3A_599, %get3A_600] {strides = array<i32>} : memref<2x128xi32, #tpu.memory_space<vmem>>, vector<16xi32>,
      %get3A_602 = arith.constant 1 : i32
      %get3A_603 = arith.index_cast %get3A_602 : i32 to index
      %get3A_604 = arith.constant 80 : index
      %get3A_605 = tpu.vector_load %arg7[%get3A_603, %get3A_604] {strides = array<i32>} : memref<2x128xi32, #tpu.memory_space<vmem>>, vector<16xi32>,
      %get3A_606 = arith.constant 1 : i32
      %get3A_607 = arith.index_cast %get3A_606 : i32 to index
      %get3A_608 = arith.constant 96 : index
      %get3A_609 = tpu.vector_load %arg7[%get3A_607, %get3A_608] {strides = array<i32>} : memref<2x128xi32, #tpu.memory_space<vmem>>, vector<16xi32>,
      %get3A_610 = arith.constant 1 : i32
      %get3A_611 = arith.index_cast %get3A_610 : i32 to index
      %get3A_612 = arith.constant 112 : index
      %get3A_613 = tpu.vector_load %arg7[%get3A_611, %get3A_612] {strides = array<i32>} : memref<2x128xi32, #tpu.memory_space<vmem>>, vector<16xi32>,
      %scan3A_614 = arith.constant 0 : i32
      %scan3A_615 = arith.constant 0 : i32
      %scan3A_616 = arith.constant 8 : i32
      %scan3A_617 = arith.addi %scan3A_615, %scan3A_616 : i32
      %scan3A_618 = arith.constant 1 : i32
      scf.for %scan3A_650 = %scan3A_615 to %scan3A_617 step %scan3A_618  : i32 {
        %mul3A_651 = arith.constant 8 : i32
        %mul3A_652 = arith.muli %mul3A_651, %scan3A_650 : i32
        %add3A_653 = arith.constant 0 : i32
        %add3A_654 = arith.addi %mul3A_652, %add3A_653 : i32
        %add3A_655 = vector.broadcast %add3A_654 : i32 to vector<16xi32>
        %add3A_656 = arith.addi %add3A_655, %iota3A_557 : vector<16xi32>
        %and3A_657 = arith.constant 63 : i32
        %and3A_658 = vector.broadcast %and3A_657 : i32 to vector<16xi32>
        %and3A_659 = arith.andi %add3A_656, %and3A_658 : vector<16xi32>
        %add3A_660 = arith.addi %get3A_585, %and3A_659 : vector<16xi32>
        %gather3A = arith.constant 1 : i32
        %gather3A_661 = arith.constant 0 : i32
        %gather3A_662 = arith.constant 0 : i32
        %gather3A_663 = tpu.memref_slice %arg8[%gather3A, %gather3A_661, %gather3A_662] : memref<2x128x128xf32, #tpu.memory_space<vmem>> -> memref<1x128x128xf32, #tpu.memory_space<vmem>>
        %gather3A_664 = tpu.memref_squeeze %gather3A_663 : memref<1x128x128xf32, #tpu.memory_space<vmem>> -> memref<128x128xf32, #tpu.memory_space<vmem>>
        %gather3A_665 = tpu.vector_load_idx %gather3A_664[%add3A_560, %add3A_660] : memref<128x128xf32, #tpu.memory_space<vmem>>[vector<16xi32>, vector<16xi32>], vector<16xf32>,
        %scatter3A = arith.constant 1 : i32
        %scatter3A_666 = arith.constant 0 : i32
        %scatter3A_667 = arith.constant 0 : i32
        %scatter3A_668 = tpu.memref_slice %arg9[%scatter3A, %scatter3A_666, %scatter3A_667] : memref<2x64x128xf32, #tpu.memory_space<vmem>> -> memref<1x64x128xf32, #tpu.memory_space<vmem>>
        %scatter3A_669 = tpu.memref_squeeze %scatter3A_668 : memref<1x64x128xf32, #tpu.memory_space<vmem>> -> memref<64x128xf32, #tpu.memory_space<vmem>>
        tpu.vector_store_idx %scatter3A_669[%and3A_659, %add3A_560], %gather3A_665 : memref<64x128xf32, #tpu.memory_space<vmem>>[vector<16xi32>, vector<16xi32>], vector<16xf32>,
        %add3A_670 = arith.addi %get3A_589, %and3A_659 : vector<16xi32>
        %gather3A_671 = arith.constant 1 : i32
        %gather3A_672 = arith.constant 0 : i32
        %gather3A_673 = arith.constant 0 : i32
        %gather3A_674 = tpu.memref_slice %arg8[%gather3A_671, %gather3A_672, %gather3A_673] : memref<2x128x128xf32, #tpu.memory_space<vmem>> -> memref<1x128x128xf32, #tpu.memory_space<vmem>>
        %gather3A_675 = tpu.memref_squeeze %gather3A_674 : memref<1x128x128xf32, #tpu.memory_space<vmem>> -> memref<128x128xf32, #tpu.memory_space<vmem>>
        %gather3A_676 = tpu.vector_load_idx %gather3A_675[%add3A_563, %add3A_670] : memref<128x128xf32, #tpu.memory_space<vmem>>[vector<16xi32>, vector<16xi32>], vector<16xf32>,
        %scatter3A_677 = arith.constant 1 : i32
        %scatter3A_678 = arith.constant 0 : i32
        %scatter3A_679 = arith.constant 0 : i32
        %scatter3A_680 = tpu.memref_slice %arg9[%scatter3A_677, %scatter3A_678, %scatter3A_679] : memref<2x64x128xf32, #tpu.memory_space<vmem>> -> memref<1x64x128xf32, #tpu.memory_space<vmem>>
        %scatter3A_681 = tpu.memref_squeeze %scatter3A_680 : memref<1x64x128xf32, #tpu.memory_space<vmem>> -> memref<64x128xf32, #tpu.memory_space<vmem>>
        tpu.vector_store_idx %scatter3A_681[%and3A_659, %add3A_563], %gather3A_676 : memref<64x128xf32, #tpu.memory_space<vmem>>[vector<16xi32>, vector<16xi32>], vector<16xf32>,
        %add3A_682 = arith.addi %get3A_593, %and3A_659 : vector<16xi32>
        %gather3A_683 = arith.constant 1 : i32
        %gather3A_684 = arith.constant 0 : i32
        %gather3A_685 = arith.constant 0 : i32
        %gather3A_686 = tpu.memref_slice %arg8[%gather3A_683, %gather3A_684, %gather3A_685] : memref<2x128x128xf32, #tpu.memory_space<vmem>> -> memref<1x128x128xf32, #tpu.memory_space<vmem>>
        %gather3A_687 = tpu.memref_squeeze %gather3A_686 : memref<1x128x128xf32, #tpu.memory_space<vmem>> -> memref<128x128xf32, #tpu.memory_space<vmem>>
        %gather3A_688 = tpu.vector_load_idx %gather3A_687[%add3A_566, %add3A_682] : memref<128x128xf32, #tpu.memory_space<vmem>>[vector<16xi32>, vector<16xi32>], vector<16xf32>,
        %scatter3A_689 = arith.constant 1 : i32
        %scatter3A_690 = arith.constant 0 : i32
        %scatter3A_691 = arith.constant 0 : i32
        %scatter3A_692 = tpu.memref_slice %arg9[%scatter3A_689, %scatter3A_690, %scatter3A_691] : memref<2x64x128xf32, #tpu.memory_space<vmem>> -> memref<1x64x128xf32, #tpu.memory_space<vmem>>
        %scatter3A_693 = tpu.memref_squeeze %scatter3A_692 : memref<1x64x128xf32, #tpu.memory_space<vmem>> -> memref<64x128xf32, #tpu.memory_space<vmem>>
        tpu.vector_store_idx %scatter3A_693[%and3A_659, %add3A_566], %gather3A_688 : memref<64x128xf32, #tpu.memory_space<vmem>>[vector<16xi32>, vector<16xi32>], vector<16xf32>,
        %add3A_694 = arith.addi %get3A_597, %and3A_659 : vector<16xi32>
        %gather3A_695 = arith.constant 1 : i32
        %gather3A_696 = arith.constant 0 : i32
        %gather3A_697 = arith.constant 0 : i32
        %gather3A_698 = tpu.memref_slice %arg8[%gather3A_695, %gather3A_696, %gather3A_697] : memref<2x128x128xf32, #tpu.memory_space<vmem>> -> memref<1x128x128xf32, #tpu.memory_space<vmem>>
        %gather3A_699 = tpu.memref_squeeze %gather3A_698 : memref<1x128x128xf32, #tpu.memory_space<vmem>> -> memref<128x128xf32, #tpu.memory_space<vmem>>
        %gather3A_700 = tpu.vector_load_idx %gather3A_699[%add3A_569, %add3A_694] : memref<128x128xf32, #tpu.memory_space<vmem>>[vector<16xi32>, vector<16xi32>], vector<16xf32>,
        %scatter3A_701 = arith.constant 1 : i32
        %scatter3A_702 = arith.constant 0 : i32
        %scatter3A_703 = arith.constant 0 : i32
        %scatter3A_704 = tpu.memref_slice %arg9[%scatter3A_701, %scatter3A_702, %scatter3A_703] : memref<2x64x128xf32, #tpu.memory_space<vmem>> -> memref<1x64x128xf32, #tpu.memory_space<vmem>>
        %scatter3A_705 = tpu.memref_squeeze %scatter3A_704 : memref<1x64x128xf32, #tpu.memory_space<vmem>> -> memref<64x128xf32, #tpu.memory_space<vmem>>
        tpu.vector_store_idx %scatter3A_705[%and3A_659, %add3A_569], %gather3A_700 : memref<64x128xf32, #tpu.memory_space<vmem>>[vector<16xi32>, vector<16xi32>], vector<16xf32>,
        %add3A_706 = arith.addi %get3A_601, %and3A_659 : vector<16xi32>
        %gather3A_707 = arith.constant 1 : i32
        %gather3A_708 = arith.constant 0 : i32
        %gather3A_709 = arith.constant 0 : i32
        %gather3A_710 = tpu.memref_slice %arg8[%gather3A_707, %gather3A_708, %gather3A_709] : memref<2x128x128xf32, #tpu.memory_space<vmem>> -> memref<1x128x128xf32, #tpu.memory_space<vmem>>
        %gather3A_711 = tpu.memref_squeeze %gather3A_710 : memref<1x128x128xf32, #tpu.memory_space<vmem>> -> memref<128x128xf32, #tpu.memory_space<vmem>>
        %gather3A_712 = tpu.vector_load_idx %gather3A_711[%add3A_572, %add3A_706] : memref<128x128xf32, #tpu.memory_space<vmem>>[vector<16xi32>, vector<16xi32>], vector<16xf32>,
        %scatter3A_713 = arith.constant 1 : i32
        %scatter3A_714 = arith.constant 0 : i32
        %scatter3A_715 = arith.constant 0 : i32
        %scatter3A_716 = tpu.memref_slice %arg9[%scatter3A_713, %scatter3A_714, %scatter3A_715] : memref<2x64x128xf32, #tpu.memory_space<vmem>> -> memref<1x64x128xf32, #tpu.memory_space<vmem>>
        %scatter3A_717 = tpu.memref_squeeze %scatter3A_716 : memref<1x64x128xf32, #tpu.memory_space<vmem>> -> memref<64x128xf32, #tpu.memory_space<vmem>>
        tpu.vector_store_idx %scatter3A_717[%and3A_659, %add3A_572], %gather3A_712 : memref<64x128xf32, #tpu.memory_space<vmem>>[vector<16xi32>, vector<16xi32>], vector<16xf32>,
        %add3A_718 = arith.addi %get3A_605, %and3A_659 : vector<16xi32>
        %gather3A_719 = arith.constant 1 : i32
        %gather3A_720 = arith.constant 0 : i32
        %gather3A_721 = arith.constant 0 : i32
        %gather3A_722 = tpu.memref_slice %arg8[%gather3A_719, %gather3A_720, %gather3A_721] : memref<2x128x128xf32, #tpu.memory_space<vmem>> -> memref<1x128x128xf32, #tpu.memory_space<vmem>>
        %gather3A_723 = tpu.memref_squeeze %gather3A_722 : memref<1x128x128xf32, #tpu.memory_space<vmem>> -> memref<128x128xf32, #tpu.memory_space<vmem>>
        %gather3A_724 = tpu.vector_load_idx %gather3A_723[%add3A_575, %add3A_718] : memref<128x128xf32, #tpu.memory_space<vmem>>[vector<16xi32>, vector<16xi32>], vector<16xf32>,
        %scatter3A_725 = arith.constant 1 : i32
        %scatter3A_726 = arith.constant 0 : i32
        %scatter3A_727 = arith.constant 0 : i32
        %scatter3A_728 = tpu.memref_slice %arg9[%scatter3A_725, %scatter3A_726, %scatter3A_727] : memref<2x64x128xf32, #tpu.memory_space<vmem>> -> memref<1x64x128xf32, #tpu.memory_space<vmem>>
        %scatter3A_729 = tpu.memref_squeeze %scatter3A_728 : memref<1x64x128xf32, #tpu.memory_space<vmem>> -> memref<64x128xf32, #tpu.memory_space<vmem>>
        tpu.vector_store_idx %scatter3A_729[%and3A_659, %add3A_575], %gather3A_724 : memref<64x128xf32, #tpu.memory_space<vmem>>[vector<16xi32>, vector<16xi32>], vector<16xf32>,
        %add3A_730 = arith.addi %get3A_609, %and3A_659 : vector<16xi32>
        %gather3A_731 = arith.constant 1 : i32
        %gather3A_732 = arith.constant 0 : i32
        %gather3A_733 = arith.constant 0 : i32
        %gather3A_734 = tpu.memref_slice %arg8[%gather3A_731, %gather3A_732, %gather3A_733] : memref<2x128x128xf32, #tpu.memory_space<vmem>> -> memref<1x128x128xf32, #tpu.memory_space<vmem>>
        %gather3A_735 = tpu.memref_squeeze %gather3A_734 : memref<1x128x128xf32, #tpu.memory_space<vmem>> -> memref<128x128xf32, #tpu.memory_space<vmem>>
        %gather3A_736 = tpu.vector_load_idx %gather3A_735[%add3A_578, %add3A_730] : memref<128x128xf32, #tpu.memory_space<vmem>>[vector<16xi32>, vector<16xi32>], vector<16xf32>,
        %scatter3A_737 = arith.constant 1 : i32
        %scatter3A_738 = arith.constant 0 : i32
        %scatter3A_739 = arith.constant 0 : i32
        %scatter3A_740 = tpu.memref_slice %arg9[%scatter3A_737, %scatter3A_738, %scatter3A_739] : memref<2x64x128xf32, #tpu.memory_space<vmem>> -> memref<1x64x128xf32, #tpu.memory_space<vmem>>
        %scatter3A_741 = tpu.memref_squeeze %scatter3A_740 : memref<1x64x128xf32, #tpu.memory_space<vmem>> -> memref<64x128xf32, #tpu.memory_space<vmem>>
        tpu.vector_store_idx %scatter3A_741[%and3A_659, %add3A_578], %gather3A_736 : memref<64x128xf32, #tpu.memory_space<vmem>>[vector<16xi32>, vector<16xi32>], vector<16xf32>,
        %add3A_742 = arith.addi %get3A_613, %and3A_659 : vector<16xi32>
        %gather3A_743 = arith.constant 1 : i32
        %gather3A_744 = arith.constant 0 : i32
        %gather3A_745 = arith.constant 0 : i32
        %gather3A_746 = tpu.memref_slice %arg8[%gather3A_743, %gather3A_744, %gather3A_745] : memref<2x128x128xf32, #tpu.memory_space<vmem>> -> memref<1x128x128xf32, #tpu.memory_space<vmem>>
        %gather3A_747 = tpu.memref_squeeze %gather3A_746 : memref<1x128x128xf32, #tpu.memory_space<vmem>> -> memref<128x128xf32, #tpu.memory_space<vmem>>
        %gather3A_748 = tpu.vector_load_idx %gather3A_747[%add3A_581, %add3A_742] : memref<128x128xf32, #tpu.memory_space<vmem>>[vector<16xi32>, vector<16xi32>], vector<16xf32>,
        %scatter3A_749 = arith.constant 1 : i32
        %scatter3A_750 = arith.constant 0 : i32
        %scatter3A_751 = arith.constant 0 : i32
        %scatter3A_752 = tpu.memref_slice %arg9[%scatter3A_749, %scatter3A_750, %scatter3A_751] : memref<2x64x128xf32, #tpu.memory_space<vmem>> -> memref<1x64x128xf32, #tpu.memory_space<vmem>>
        %scatter3A_753 = tpu.memref_squeeze %scatter3A_752 : memref<1x64x128xf32, #tpu.memory_space<vmem>> -> memref<64x128xf32, #tpu.memory_space<vmem>>
        tpu.vector_store_idx %scatter3A_753[%and3A_659, %add3A_581], %gather3A_748 : memref<64x128xf32, #tpu.memory_space<vmem>>[vector<16xi32>, vector<16xi32>], vector<16xf32>,
        %mul3A_754 = arith.constant 8 : i32
        %mul3A_755 = arith.muli %mul3A_754, %scan3A_650 : i32
        %add3A_756 = arith.constant 1 : i32
        %add3A_757 = arith.addi %mul3A_755, %add3A_756 : i32
        %add3A_758 = vector.broadcast %add3A_757 : i32 to vector<16xi32>
        %add3A_759 = arith.addi %add3A_758, %iota3A_557 : vector<16xi32>
        %and3A_760 = arith.constant 63 : i32
        %and3A_761 = vector.broadcast %and3A_760 : i32 to vector<16xi32>
        %and3A_762 = arith.andi %add3A_759, %and3A_761 : vector<16xi32>
        %add3A_763 = arith.addi %get3A_585, %and3A_762 : vector<16xi32>
        %gather3A_764 = arith.constant 1 : i32
        %gather3A_765 = arith.constant 0 : i32
        %gather3A_766 = arith.constant 0 : i32
        %gather3A_767 = tpu.memref_slice %arg8[%gather3A_764, %gather3A_765, %gather3A_766] : memref<2x128x128xf32, #tpu.memory_space<vmem>> -> memref<1x128x128xf32, #tpu.memory_space<vmem>>
        %gather3A_768 = tpu.memref_squeeze %gather3A_767 : memref<1x128x128xf32, #tpu.memory_space<vmem>> -> memref<128x128xf32, #tpu.memory_space<vmem>>
        %gather3A_769 = tpu.vector_load_idx %gather3A_768[%add3A_560, %add3A_763] : memref<128x128xf32, #tpu.memory_space<vmem>>[vector<16xi32>, vector<16xi32>], vector<16xf32>,
        %scatter3A_770 = arith.constant 1 : i32
        %scatter3A_771 = arith.constant 0 : i32
        %scatter3A_772 = arith.constant 0 : i32
        %scatter3A_773 = tpu.memref_slice %arg9[%scatter3A_770, %scatter3A_771, %scatter3A_772] : memref<2x64x128xf32, #tpu.memory_space<vmem>> -> memref<1x64x128xf32, #tpu.memory_space<vmem>>
        %scatter3A_774 = tpu.memref_squeeze %scatter3A_773 : memref<1x64x128xf32, #tpu.memory_space<vmem>> -> memref<64x128xf32, #tpu.memory_space<vmem>>
        tpu.vector_store_idx %scatter3A_774[%and3A_762, %add3A_560], %gather3A_769 : memref<64x128xf32, #tpu.memory_space<vmem>>[vector<16xi32>, vector<16xi32>], vector<16xf32>,
        %add3A_775 = arith.addi %get3A_589, %and3A_762 : vector<16xi32>
        %gather3A_776 = arith.constant 1 : i32
        %gather3A_777 = arith.constant 0 : i32
        %gather3A_778 = arith.constant 0 : i32
        %gather3A_779 = tpu.memref_slice %arg8[%gather3A_776, %gather3A_777, %gather3A_778] : memref<2x128x128xf32, #tpu.memory_space<vmem>> -> memref<1x128x128xf32, #tpu.memory_space<vmem>>
        %gather3A_780 = tpu.memref_squeeze %gather3A_779 : memref<1x128x128xf32, #tpu.memory_space<vmem>> -> memref<128x128xf32, #tpu.memory_space<vmem>>
        %gather3A_781 = tpu.vector_load_idx %gather3A_780[%add3A_563, %add3A_775] : memref<128x128xf32, #tpu.memory_space<vmem>>[vector<16xi32>, vector<16xi32>], vector<16xf32>,
        %scatter3A_782 = arith.constant 1 : i32
        %scatter3A_783 = arith.constant 0 : i32
        %scatter3A_784 = arith.constant 0 : i32
        %scatter3A_785 = tpu.memref_slice %arg9[%scatter3A_782, %scatter3A_783, %scatter3A_784] : memref<2x64x128xf32, #tpu.memory_space<vmem>> -> memref<1x64x128xf32, #tpu.memory_space<vmem>>
        %scatter3A_786 = tpu.memref_squeeze %scatter3A_785 : memref<1x64x128xf32, #tpu.memory_space<vmem>> -> memref<64x128xf32, #tpu.memory_space<vmem>>
        tpu.vector_store_idx %scatter3A_786[%and3A_762, %add3A_563], %gather3A_781 : memref<64x128xf32, #tpu.memory_space<vmem>>[vector<16xi32>, vector<16xi32>], vector<16xf32>,
        %add3A_787 = arith.addi %get3A_593, %and3A_762 : vector<16xi32>
        %gather3A_788 = arith.constant 1 : i32
        %gather3A_789 = arith.constant 0 : i32
        %gather3A_790 = arith.constant 0 : i32
        %gather3A_791 = tpu.memref_slice %arg8[%gather3A_788, %gather3A_789, %gather3A_790] : memref<2x128x128xf32, #tpu.memory_space<vmem>> -> memref<1x128x128xf32, #tpu.memory_space<vmem>>
        %gather3A_792 = tpu.memref_squeeze %gather3A_791 : memref<1x128x128xf32, #tpu.memory_space<vmem>> -> memref<128x128xf32, #tpu.memory_space<vmem>>
        %gather3A_793 = tpu.vector_load_idx %gather3A_792[%add3A_566, %add3A_787] : memref<128x128xf32, #tpu.memory_space<vmem>>[vector<16xi32>, vector<16xi32>], vector<16xf32>,
        %scatter3A_794 = arith.constant 1 : i32
        %scatter3A_795 = arith.constant 0 : i32
        %scatter3A_796 = arith.constant 0 : i32
        %scatter3A_797 = tpu.memref_slice %arg9[%scatter3A_794, %scatter3A_795, %scatter3A_796] : memref<2x64x128xf32, #tpu.memory_space<vmem>> -> memref<1x64x128xf32, #tpu.memory_space<vmem>>
        %scatter3A_798 = tpu.memref_squeeze %scatter3A_797 : memref<1x64x128xf32, #tpu.memory_space<vmem>> -> memref<64x128xf32, #tpu.memory_space<vmem>>
        tpu.vector_store_idx %scatter3A_798[%and3A_762, %add3A_566], %gather3A_793 : memref<64x128xf32, #tpu.memory_space<vmem>>[vector<16xi32>, vector<16xi32>], vector<16xf32>,
        %add3A_799 = arith.addi %get3A_597, %and3A_762 : vector<16xi32>
        %gather3A_800 = arith.constant 1 : i32
        %gather3A_801 = arith.constant 0 : i32
        %gather3A_802 = arith.constant 0 : i32
        %gather3A_803 = tpu.memref_slice %arg8[%gather3A_800, %gather3A_801, %gather3A_802] : memref<2x128x128xf32, #tpu.memory_space<vmem>> -> memref<1x128x128xf32, #tpu.memory_space<vmem>>
        %gather3A_804 = tpu.memref_squeeze %gather3A_803 : memref<1x128x128xf32, #tpu.memory_space<vmem>> -> memref<128x128xf32, #tpu.memory_space<vmem>>
        %gather3A_805 = tpu.vector_load_idx %gather3A_804[%add3A_569, %add3A_799] : memref<128x128xf32, #tpu.memory_space<vmem>>[vector<16xi32>, vector<16xi32>], vector<16xf32>,
        %scatter3A_806 = arith.constant 1 : i32
        %scatter3A_807 = arith.constant 0 : i32
        %scatter3A_808 = arith.constant 0 : i32
        %scatter3A_809 = tpu.memref_slice %arg9[%scatter3A_806, %scatter3A_807, %scatter3A_808] : memref<2x64x128xf32, #tpu.memory_space<vmem>> -> memref<1x64x128xf32, #tpu.memory_space<vmem>>
        %scatter3A_810 = tpu.memref_squeeze %scatter3A_809 : memref<1x64x128xf32, #tpu.memory_space<vmem>> -> memref<64x128xf32, #tpu.memory_space<vmem>>
        tpu.vector_store_idx %scatter3A_810[%and3A_762, %add3A_569], %gather3A_805 : memref<64x128xf32, #tpu.memory_space<vmem>>[vector<16xi32>, vector<16xi32>], vector<16xf32>,
        %add3A_811 = arith.addi %get3A_601, %and3A_762 : vector<16xi32>
        %gather3A_812 = arith.constant 1 : i32
        %gather3A_813 = arith.constant 0 : i32
        %gather3A_814 = arith.constant 0 : i32
        %gather3A_815 = tpu.memref_slice %arg8[%gather3A_812, %gather3A_813, %gather3A_814] : memref<2x128x128xf32, #tpu.memory_space<vmem>> -> memref<1x128x128xf32, #tpu.memory_space<vmem>>
        %gather3A_816 = tpu.memref_squeeze %gather3A_815 : memref<1x128x128xf32, #tpu.memory_space<vmem>> -> memref<128x128xf32, #tpu.memory_space<vmem>>
        %gather3A_817 = tpu.vector_load_idx %gather3A_816[%add3A_572, %add3A_811] : memref<128x128xf32, #tpu.memory_space<vmem>>[vector<16xi32>, vector<16xi32>], vector<16xf32>,
        %scatter3A_818 = arith.constant 1 : i32
        %scatter3A_819 = arith.constant 0 : i32
        %scatter3A_820 = arith.constant 0 : i32
        %scatter3A_821 = tpu.memref_slice %arg9[%scatter3A_818, %scatter3A_819, %scatter3A_820] : memref<2x64x128xf32, #tpu.memory_space<vmem>> -> memref<1x64x128xf32, #tpu.memory_space<vmem>>
        %scatter3A_822 = tpu.memref_squeeze %scatter3A_821 : memref<1x64x128xf32, #tpu.memory_space<vmem>> -> memref<64x128xf32, #tpu.memory_space<vmem>>
        tpu.vector_store_idx %scatter3A_822[%and3A_762, %add3A_572], %gather3A_817 : memref<64x128xf32, #tpu.memory_space<vmem>>[vector<16xi32>, vector<16xi32>], vector<16xf32>,
        %add3A_823 = arith.addi %get3A_605, %and3A_762 : vector<16xi32>
        %gather3A_824 = arith.constant 1 : i32
        %gather3A_825 = arith.constant 0 : i32
        %gather3A_826 = arith.constant 0 : i32
        %gather3A_827 = tpu.memref_slice %arg8[%gather3A_824, %gather3A_825, %gather3A_826] : memref<2x128x128xf32, #tpu.memory_space<vmem>> -> memref<1x128x128xf32, #tpu.memory_space<vmem>>
        %gather3A_828 = tpu.memref_squeeze %gather3A_827 : memref<1x128x128xf32, #tpu.memory_space<vmem>> -> memref<128x128xf32, #tpu.memory_space<vmem>>
        %gather3A_829 = tpu.vector_load_idx %gather3A_828[%add3A_575, %add3A_823] : memref<128x128xf32, #tpu.memory_space<vmem>>[vector<16xi32>, vector<16xi32>], vector<16xf32>,
        %scatter3A_830 = arith.constant 1 : i32
        %scatter3A_831 = arith.constant 0 : i32
        %scatter3A_832 = arith.constant 0 : i32
        %scatter3A_833 = tpu.memref_slice %arg9[%scatter3A_830, %scatter3A_831, %scatter3A_832] : memref<2x64x128xf32, #tpu.memory_space<vmem>> -> memref<1x64x128xf32, #tpu.memory_space<vmem>>
        %scatter3A_834 = tpu.memref_squeeze %scatter3A_833 : memref<1x64x128xf32, #tpu.memory_space<vmem>> -> memref<64x128xf32, #tpu.memory_space<vmem>>
        tpu.vector_store_idx %scatter3A_834[%and3A_762, %add3A_575], %gather3A_829 : memref<64x128xf32, #tpu.memory_space<vmem>>[vector<16xi32>, vector<16xi32>], vector<16xf32>,
        %add3A_835 = arith.addi %get3A_609, %and3A_762 : vector<16xi32>
        %gather3A_836 = arith.constant 1 : i32
        %gather3A_837 = arith.constant 0 : i32
        %gather3A_838 = arith.constant 0 : i32
        %gather3A_839 = tpu.memref_slice %arg8[%gather3A_836, %gather3A_837, %gather3A_838] : memref<2x128x128xf32, #tpu.memory_space<vmem>> -> memref<1x128x128xf32, #tpu.memory_space<vmem>>
        %gather3A_840 = tpu.memref_squeeze %gather3A_839 : memref<1x128x128xf32, #tpu.memory_space<vmem>> -> memref<128x128xf32, #tpu.memory_space<vmem>>
        %gather3A_841 = tpu.vector_load_idx %gather3A_840[%add3A_578, %add3A_835] : memref<128x128xf32, #tpu.memory_space<vmem>>[vector<16xi32>, vector<16xi32>], vector<16xf32>,
        %scatter3A_842 = arith.constant 1 : i32
        %scatter3A_843 = arith.constant 0 : i32
        %scatter3A_844 = arith.constant 0 : i32
        %scatter3A_845 = tpu.memref_slice %arg9[%scatter3A_842, %scatter3A_843, %scatter3A_844] : memref<2x64x128xf32, #tpu.memory_space<vmem>> -> memref<1x64x128xf32, #tpu.memory_space<vmem>>
        %scatter3A_846 = tpu.memref_squeeze %scatter3A_845 : memref<1x64x128xf32, #tpu.memory_space<vmem>> -> memref<64x128xf32, #tpu.memory_space<vmem>>
        tpu.vector_store_idx %scatter3A_846[%and3A_762, %add3A_578], %gather3A_841 : memref<64x128xf32, #tpu.memory_space<vmem>>[vector<16xi32>, vector<16xi32>], vector<16xf32>,
        %add3A_847 = arith.addi %get3A_613, %and3A_762 : vector<16xi32>
        %gather3A_848 = arith.constant 1 : i32
        %gather3A_849 = arith.constant 0 : i32
        %gather3A_850 = arith.constant 0 : i32
        %gather3A_851 = tpu.memref_slice %arg8[%gather3A_848, %gather3A_849, %gather3A_850] : memref<2x128x128xf32, #tpu.memory_space<vmem>> -> memref<1x128x128xf32, #tpu.memory_space<vmem>>
        %gather3A_852 = tpu.memref_squeeze %gather3A_851 : memref<1x128x128xf32, #tpu.memory_space<vmem>> -> memref<128x128xf32, #tpu.memory_space<vmem>>
        %gather3A_853 = tpu.vector_load_idx %gather3A_852[%add3A_581, %add3A_847] : memref<128x128xf32, #tpu.memory_space<vmem>>[vector<16xi32>, vector<16xi32>], vector<16xf32>,
        %scatter3A_854 = arith.constant 1 : i32
        %scatter3A_855 = arith.constant 0 : i32
        %scatter3A_856 = arith.constant 0 : i32
        %scatter3A_857 = tpu.memref_slice %arg9[%scatter3A_854, %scatter3A_855, %scatter3A_856] : memref<2x64x128xf32, #tpu.memory_space<vmem>> -> memref<1x64x128xf32, #tpu.memory_space<vmem>>
        %scatter3A_858 = tpu.memref_squeeze %scatter3A_857 : memref<1x64x128xf32, #tpu.memory_space<vmem>> -> memref<64x128xf32, #tpu.memory_space<vmem>>
        tpu.vector_store_idx %scatter3A_858[%and3A_762, %add3A_581], %gather3A_853 : memref<64x128xf32, #tpu.memory_space<vmem>>[vector<16xi32>, vector<16xi32>], vector<16xf32>,
        %mul3A_859 = arith.constant 8 : i32
        %mul3A_860 = arith.muli %mul3A_859, %scan3A_650 : i32
        %add3A_861 = arith.constant 2 : i32
        %add3A_862 = arith.addi %mul3A_860, %add3A_861 : i32
        %add3A_863 = vector.broadcast %add3A_862 : i32 to vector<16xi32>
        %add3A_864 = arith.addi %add3A_863, %iota3A_557 : vector<16xi32>
        %and3A_865 = arith.constant 63 : i32
        %and3A_866 = vector.broadcast %and3A_865 : i32 to vector<16xi32>
        %and3A_867 = arith.andi %add3A_864, %and3A_866 : vector<16xi32>
        %add3A_868 = arith.addi %get3A_585, %and3A_867 : vector<16xi32>
        %gather3A_869 = arith.constant 1 : i32
        %gather3A_870 = arith.constant 0 : i32
        %gather3A_871 = arith.constant 0 : i32
        %gather3A_872 = tpu.memref_slice %arg8[%gather3A_869, %gather3A_870, %gather3A_871] : memref<2x128x128xf32, #tpu.memory_space<vmem>> -> memref<1x128x128xf32, #tpu.memory_space<vmem>>
        %gather3A_873 = tpu.memref_squeeze %gather3A_872 : memref<1x128x128xf32, #tpu.memory_space<vmem>> -> memref<128x128xf32, #tpu.memory_space<vmem>>
        %gather3A_874 = tpu.vector_load_idx %gather3A_873[%add3A_560, %add3A_868] : memref<128x128xf32, #tpu.memory_space<vmem>>[vector<16xi32>, vector<16xi32>], vector<16xf32>,
        %scatter3A_875 = arith.constant 1 : i32
        %scatter3A_876 = arith.constant 0 : i32
        %scatter3A_877 = arith.constant 0 : i32
        %scatter3A_878 = tpu.memref_slice %arg9[%scatter3A_875, %scatter3A_876, %scatter3A_877] : memref<2x64x128xf32, #tpu.memory_space<vmem>> -> memref<1x64x128xf32, #tpu.memory_space<vmem>>
        %scatter3A_879 = tpu.memref_squeeze %scatter3A_878 : memref<1x64x128xf32, #tpu.memory_space<vmem>> -> memref<64x128xf32, #tpu.memory_space<vmem>>
        tpu.vector_store_idx %scatter3A_879[%and3A_867, %add3A_560], %gather3A_874 : memref<64x128xf32, #tpu.memory_space<vmem>>[vector<16xi32>, vector<16xi32>], vector<16xf32>,
        %add3A_880 = arith.addi %get3A_589, %and3A_867 : vector<16xi32>
        %gather3A_881 = arith.constant 1 : i32
        %gather3A_882 = arith.constant 0 : i32
        %gather3A_883 = arith.constant 0 : i32
        %gather3A_884 = tpu.memref_slice %arg8[%gather3A_881, %gather3A_882, %gather3A_883] : memref<2x128x128xf32, #tpu.memory_space<vmem>> -> memref<1x128x128xf32, #tpu.memory_space<vmem>>
        %gather3A_885 = tpu.memref_squeeze %gather3A_884 : memref<1x128x128xf32, #tpu.memory_space<vmem>> -> memref<128x128xf32, #tpu.memory_space<vmem>>
        %gather3A_886 = tpu.vector_load_idx %gather3A_885[%add3A_563, %add3A_880] : memref<128x128xf32, #tpu.memory_space<vmem>>[vector<16xi32>, vector<16xi32>], vector<16xf32>,
        %scatter3A_887 = arith.constant 1 : i32
        %scatter3A_888 = arith.constant 0 : i32
        %scatter3A_889 = arith.constant 0 : i32
        %scatter3A_890 = tpu.memref_slice %arg9[%scatter3A_887, %scatter3A_888, %scatter3A_889] : memref<2x64x128xf32, #tpu.memory_space<vmem>> -> memref<1x64x128xf32, #tpu.memory_space<vmem>>
        %scatter3A_891 = tpu.memref_squeeze %scatter3A_890 : memref<1x64x128xf32, #tpu.memory_space<vmem>> -> memref<64x128xf32, #tpu.memory_space<vmem>>
        tpu.vector_store_idx %scatter3A_891[%and3A_867, %add3A_563], %gather3A_886 : memref<64x128xf32, #tpu.memory_space<vmem>>[vector<16xi32>, vector<16xi32>], vector<16xf32>,
        %add3A_892 = arith.addi %get3A_593, %and3A_867 : vector<16xi32>
        %gather3A_893 = arith.constant 1 : i32
        %gather3A_894 = arith.constant 0 : i32
        %gather3A_895 = arith.constant 0 : i32
        %gather3A_896 = tpu.memref_slice %arg8[%gather3A_893, %gather3A_894, %gather3A_895] : memref<2x128x128xf32, #tpu.memory_space<vmem>> -> memref<1x128x128xf32, #tpu.memory_space<vmem>>
        %gather3A_897 = tpu.memref_squeeze %gather3A_896 : memref<1x128x128xf32, #tpu.memory_space<vmem>> -> memref<128x128xf32, #tpu.memory_space<vmem>>
        %gather3A_898 = tpu.vector_load_idx %gather3A_897[%add3A_566, %add3A_892] : memref<128x128xf32, #tpu.memory_space<vmem>>[vector<16xi32>, vector<16xi32>], vector<16xf32>,
        %scatter3A_899 = arith.constant 1 : i32
        %scatter3A_900 = arith.constant 0 : i32
        %scatter3A_901 = arith.constant 0 : i32
        %scatter3A_902 = tpu.memref_slice %arg9[%scatter3A_899, %scatter3A_900, %scatter3A_901] : memref<2x64x128xf32, #tpu.memory_space<vmem>> -> memref<1x64x128xf32, #tpu.memory_space<vmem>>
        %scatter3A_903 = tpu.memref_squeeze %scatter3A_902 : memref<1x64x128xf32, #tpu.memory_space<vmem>> -> memref<64x128xf32, #tpu.memory_space<vmem>>
        tpu.vector_store_idx %scatter3A_903[%and3A_867, %add3A_566], %gather3A_898 : memref<64x128xf32, #tpu.memory_space<vmem>>[vector<16xi32>, vector<16xi32>], vector<16xf32>,
        %add3A_904 = arith.addi %get3A_597, %and3A_867 : vector<16xi32>
        %gather3A_905 = arith.constant 1 : i32
        %gather3A_906 = arith.constant 0 : i32
        %gather3A_907 = arith.constant 0 : i32
        %gather3A_908 = tpu.memref_slice %arg8[%gather3A_905, %gather3A_906, %gather3A_907] : memref<2x128x128xf32, #tpu.memory_space<vmem>> -> memref<1x128x128xf32, #tpu.memory_space<vmem>>
        %gather3A_909 = tpu.memref_squeeze %gather3A_908 : memref<1x128x128xf32, #tpu.memory_space<vmem>> -> memref<128x128xf32, #tpu.memory_space<vmem>>
        %gather3A_910 = tpu.vector_load_idx %gather3A_909[%add3A_569, %add3A_904] : memref<128x128xf32, #tpu.memory_space<vmem>>[vector<16xi32>, vector<16xi32>], vector<16xf32>,
        %scatter3A_911 = arith.constant 1 : i32
        %scatter3A_912 = arith.constant 0 : i32
        %scatter3A_913 = arith.constant 0 : i32
        %scatter3A_914 = tpu.memref_slice %arg9[%scatter3A_911, %scatter3A_912, %scatter3A_913] : memref<2x64x128xf32, #tpu.memory_space<vmem>> -> memref<1x64x128xf32, #tpu.memory_space<vmem>>
        %scatter3A_915 = tpu.memref_squeeze %scatter3A_914 : memref<1x64x128xf32, #tpu.memory_space<vmem>> -> memref<64x128xf32, #tpu.memory_space<vmem>>
        tpu.vector_store_idx %scatter3A_915[%and3A_867, %add3A_569], %gather3A_910 : memref<64x128xf32, #tpu.memory_space<vmem>>[vector<16xi32>, vector<16xi32>], vector<16xf32>,
        %add3A_916 = arith.addi %get3A_601, %and3A_867 : vector<16xi32>
        %gather3A_917 = arith.constant 1 : i32
        %gather3A_918 = arith.constant 0 : i32
        %gather3A_919 = arith.constant 0 : i32
        %gather3A_920 = tpu.memref_slice %arg8[%gather3A_917, %gather3A_918, %gather3A_919] : memref<2x128x128xf32, #tpu.memory_space<vmem>> -> memref<1x128x128xf32, #tpu.memory_space<vmem>>
        %gather3A_921 = tpu.memref_squeeze %gather3A_920 : memref<1x128x128xf32, #tpu.memory_space<vmem>> -> memref<128x128xf32, #tpu.memory_space<vmem>>
        %gather3A_922 = tpu.vector_load_idx %gather3A_921[%add3A_572, %add3A_916] : memref<128x128xf32, #tpu.memory_space<vmem>>[vector<16xi32>, vector<16xi32>], vector<16xf32>,
        %scatter3A_923 = arith.constant 1 : i32
        %scatter3A_924 = arith.constant 0 : i32
        %scatter3A_925 = arith.constant 0 : i32
        %scatter3A_926 = tpu.memref_slice %arg9[%scatter3A_923, %scatter3A_924, %scatter3A_925] : memref<2x64x128xf32, #tpu.memory_space<vmem>> -> memref<1x64x128xf32, #tpu.memory_space<vmem>>
        %scatter3A_927 = tpu.memref_squeeze %scatter3A_926 : memref<1x64x128xf32, #tpu.memory_space<vmem>> -> memref<64x128xf32, #tpu.memory_space<vmem>>
        tpu.vector_store_idx %scatter3A_927[%and3A_867, %add3A_572], %gather3A_922 : memref<64x128xf32, #tpu.memory_space<vmem>>[vector<16xi32>, vector<16xi32>], vector<16xf32>,
        %add3A_928 = arith.addi %get3A_605, %and3A_867 : vector<16xi32>
        %gather3A_929 = arith.constant 1 : i32
        %gather3A_930 = arith.constant 0 : i32
        %gather3A_931 = arith.constant 0 : i32
        %gather3A_932 = tpu.memref_slice %arg8[%gather3A_929, %gather3A_930, %gather3A_931] : memref<2x128x128xf32, #tpu.memory_space<vmem>> -> memref<1x128x128xf32, #tpu.memory_space<vmem>>
        %gather3A_933 = tpu.memref_squeeze %gather3A_932 : memref<1x128x128xf32, #tpu.memory_space<vmem>> -> memref<128x128xf32, #tpu.memory_space<vmem>>
        %gather3A_934 = tpu.vector_load_idx %gather3A_933[%add3A_575, %add3A_928] : memref<128x128xf32, #tpu.memory_space<vmem>>[vector<16xi32>, vector<16xi32>], vector<16xf32>,
        %scatter3A_935 = arith.constant 1 : i32
        %scatter3A_936 = arith.constant 0 : i32
        %scatter3A_937 = arith.constant 0 : i32
        %scatter3A_938 = tpu.memref_slice %arg9[%scatter3A_935, %scatter3A_936, %scatter3A_937] : memref<2x64x128xf32, #tpu.memory_space<vmem>> -> memref<1x64x128xf32, #tpu.memory_space<vmem>>
        %scatter3A_939 = tpu.memref_squeeze %scatter3A_938 : memref<1x64x128xf32, #tpu.memory_space<vmem>> -> memref<64x128xf32, #tpu.memory_space<vmem>>
        tpu.vector_store_idx %scatter3A_939[%and3A_867, %add3A_575], %gather3A_934 : memref<64x128xf32, #tpu.memory_space<vmem>>[vector<16xi32>, vector<16xi32>], vector<16xf32>,
        %add3A_940 = arith.addi %get3A_609, %and3A_867 : vector<16xi32>
        %gather3A_941 = arith.constant 1 : i32
        %gather3A_942 = arith.constant 0 : i32
        %gather3A_943 = arith.constant 0 : i32
        %gather3A_944 = tpu.memref_slice %arg8[%gather3A_941, %gather3A_942, %gather3A_943] : memref<2x128x128xf32, #tpu.memory_space<vmem>> -> memref<1x128x128xf32, #tpu.memory_space<vmem>>
        %gather3A_945 = tpu.memref_squeeze %gather3A_944 : memref<1x128x128xf32, #tpu.memory_space<vmem>> -> memref<128x128xf32, #tpu.memory_space<vmem>>
        %gather3A_946 = tpu.vector_load_idx %gather3A_945[%add3A_578, %add3A_940] : memref<128x128xf32, #tpu.memory_space<vmem>>[vector<16xi32>, vector<16xi32>], vector<16xf32>,
        %scatter3A_947 = arith.constant 1 : i32
        %scatter3A_948 = arith.constant 0 : i32
        %scatter3A_949 = arith.constant 0 : i32
        %scatter3A_950 = tpu.memref_slice %arg9[%scatter3A_947, %scatter3A_948, %scatter3A_949] : memref<2x64x128xf32, #tpu.memory_space<vmem>> -> memref<1x64x128xf32, #tpu.memory_space<vmem>>
        %scatter3A_951 = tpu.memref_squeeze %scatter3A_950 : memref<1x64x128xf32, #tpu.memory_space<vmem>> -> memref<64x128xf32, #tpu.memory_space<vmem>>
        tpu.vector_store_idx %scatter3A_951[%and3A_867, %add3A_578], %gather3A_946 : memref<64x128xf32, #tpu.memory_space<vmem>>[vector<16xi32>, vector<16xi32>], vector<16xf32>,
        %add3A_952 = arith.addi %get3A_613, %and3A_867 : vector<16xi32>
        %gather3A_953 = arith.constant 1 : i32
        %gather3A_954 = arith.constant 0 : i32
        %gather3A_955 = arith.constant 0 : i32
        %gather3A_956 = tpu.memref_slice %arg8[%gather3A_953, %gather3A_954, %gather3A_955] : memref<2x128x128xf32, #tpu.memory_space<vmem>> -> memref<1x128x128xf32, #tpu.memory_space<vmem>>
        %gather3A_957 = tpu.memref_squeeze %gather3A_956 : memref<1x128x128xf32, #tpu.memory_space<vmem>> -> memref<128x128xf32, #tpu.memory_space<vmem>>
        %gather3A_958 = tpu.vector_load_idx %gather3A_957[%add3A_581, %add3A_952] : memref<128x128xf32, #tpu.memory_space<vmem>>[vector<16xi32>, vector<16xi32>], vector<16xf32>,
        %scatter3A_959 = arith.constant 1 : i32
        %scatter3A_960 = arith.constant 0 : i32
        %scatter3A_961 = arith.constant 0 : i32
        %scatter3A_962 = tpu.memref_slice %arg9[%scatter3A_959, %scatter3A_960, %scatter3A_961] : memref<2x64x128xf32, #tpu.memory_space<vmem>> -> memref<1x64x128xf32, #tpu.memory_space<vmem>>
        %scatter3A_963 = tpu.memref_squeeze %scatter3A_962 : memref<1x64x128xf32, #tpu.memory_space<vmem>> -> memref<64x128xf32, #tpu.memory_space<vmem>>
        tpu.vector_store_idx %scatter3A_963[%and3A_867, %add3A_581], %gather3A_958 : memref<64x128xf32, #tpu.memory_space<vmem>>[vector<16xi32>, vector<16xi32>], vector<16xf32>,
        %mul3A_964 = arith.constant 8 : i32
        %mul3A_965 = arith.muli %mul3A_964, %scan3A_650 : i32
        %add3A_966 = arith.constant 3 : i32
        %add3A_967 = arith.addi %mul3A_965, %add3A_966 : i32
        %add3A_968 = vector.broadcast %add3A_967 : i32 to vector<16xi32>
        %add3A_969 = arith.addi %add3A_968, %iota3A_557 : vector<16xi32>
        %and3A_970 = arith.constant 63 : i32
        %and3A_971 = vector.broadcast %and3A_970 : i32 to vector<16xi32>
        %and3A_972 = arith.andi %add3A_969, %and3A_971 : vector<16xi32>
        %add3A_973 = arith.addi %get3A_585, %and3A_972 : vector<16xi32>
        %gather3A_974 = arith.constant 1 : i32
        %gather3A_975 = arith.constant 0 : i32
        %gather3A_976 = arith.constant 0 : i32
        %gather3A_977 = tpu.memref_slice %arg8[%gather3A_974, %gather3A_975, %gather3A_976] : memref<2x128x128xf32, #tpu.memory_space<vmem>> -> memref<1x128x128xf32, #tpu.memory_space<vmem>>
        %gather3A_978 = tpu.memref_squeeze %gather3A_977 : memref<1x128x128xf32, #tpu.memory_space<vmem>> -> memref<128x128xf32, #tpu.memory_space<vmem>>
        %gather3A_979 = tpu.vector_load_idx %gather3A_978[%add3A_560, %add3A_973] : memref<128x128xf32, #tpu.memory_space<vmem>>[vector<16xi32>, vector<16xi32>], vector<16xf32>,
        %scatter3A_980 = arith.constant 1 : i32
        %scatter3A_981 = arith.constant 0 : i32
        %scatter3A_982 = arith.constant 0 : i32
        %scatter3A_983 = tpu.memref_slice %arg9[%scatter3A_980, %scatter3A_981, %scatter3A_982] : memref<2x64x128xf32, #tpu.memory_space<vmem>> -> memref<1x64x128xf32, #tpu.memory_space<vmem>>
        %scatter3A_984 = tpu.memref_squeeze %scatter3A_983 : memref<1x64x128xf32, #tpu.memory_space<vmem>> -> memref<64x128xf32, #tpu.memory_space<vmem>>
        tpu.vector_store_idx %scatter3A_984[%and3A_972, %add3A_560], %gather3A_979 : memref<64x128xf32, #tpu.memory_space<vmem>>[vector<16xi32>, vector<16xi32>], vector<16xf32>,
        %add3A_985 = arith.addi %get3A_589, %and3A_972 : vector<16xi32>
        %gather3A_986 = arith.constant 1 : i32
        %gather3A_987 = arith.constant 0 : i32
        %gather3A_988 = arith.constant 0 : i32
        %gather3A_989 = tpu.memref_slice %arg8[%gather3A_986, %gather3A_987, %gather3A_988] : memref<2x128x128xf32, #tpu.memory_space<vmem>> -> memref<1x128x128xf32, #tpu.memory_space<vmem>>
        %gather3A_990 = tpu.memref_squeeze %gather3A_989 : memref<1x128x128xf32, #tpu.memory_space<vmem>> -> memref<128x128xf32, #tpu.memory_space<vmem>>
        %gather3A_991 = tpu.vector_load_idx %gather3A_990[%add3A_563, %add3A_985] : memref<128x128xf32, #tpu.memory_space<vmem>>[vector<16xi32>, vector<16xi32>], vector<16xf32>,
        %scatter3A_992 = arith.constant 1 : i32
        %scatter3A_993 = arith.constant 0 : i32
        %scatter3A_994 = arith.constant 0 : i32
        %scatter3A_995 = tpu.memref_slice %arg9[%scatter3A_992, %scatter3A_993, %scatter3A_994] : memref<2x64x128xf32, #tpu.memory_space<vmem>> -> memref<1x64x128xf32, #tpu.memory_space<vmem>>
        %scatter3A_996 = tpu.memref_squeeze %scatter3A_995 : memref<1x64x128xf32, #tpu.memory_space<vmem>> -> memref<64x128xf32, #tpu.memory_space<vmem>>
        tpu.vector_store_idx %scatter3A_996[%and3A_972, %add3A_563], %gather3A_991 : memref<64x128xf32, #tpu.memory_space<vmem>>[vector<16xi32>, vector<16xi32>], vector<16xf32>,
        %add3A_997 = arith.addi %get3A_593, %and3A_972 : vector<16xi32>
        %gather3A_998 = arith.constant 1 : i32
        %gather3A_999 = arith.constant 0 : i32
        %gather3A_1000 = arith.constant 0 : i32
        %gather3A_1001 = tpu.memref_slice %arg8[%gather3A_998, %gather3A_999, %gather3A_1000] : memref<2x128x128xf32, #tpu.memory_space<vmem>> -> memref<1x128x128xf32, #tpu.memory_space<vmem>>
        %gather3A_1002 = tpu.memref_squeeze %gather3A_1001 : memref<1x128x128xf32, #tpu.memory_space<vmem>> -> memref<128x128xf32, #tpu.memory_space<vmem>>
        %gather3A_1003 = tpu.vector_load_idx %gather3A_1002[%add3A_566, %add3A_997] : memref<128x128xf32, #tpu.memory_space<vmem>>[vector<16xi32>, vector<16xi32>], vector<16xf32>,
        %scatter3A_1004 = arith.constant 1 : i32
        %scatter3A_1005 = arith.constant 0 : i32
        %scatter3A_1006 = arith.constant 0 : i32
        %scatter3A_1007 = tpu.memref_slice %arg9[%scatter3A_1004, %scatter3A_1005, %scatter3A_1006] : memref<2x64x128xf32, #tpu.memory_space<vmem>> -> memref<1x64x128xf32, #tpu.memory_space<vmem>>
        %scatter3A_1008 = tpu.memref_squeeze %scatter3A_1007 : memref<1x64x128xf32, #tpu.memory_space<vmem>> -> memref<64x128xf32, #tpu.memory_space<vmem>>
        tpu.vector_store_idx %scatter3A_1008[%and3A_972, %add3A_566], %gather3A_1003 : memref<64x128xf32, #tpu.memory_space<vmem>>[vector<16xi32>, vector<16xi32>], vector<16xf32>,
        %add3A_1009 = arith.addi %get3A_597, %and3A_972 : vector<16xi32>
        %gather3A_1010 = arith.constant 1 : i32
        %gather3A_1011 = arith.constant 0 : i32
        %gather3A_1012 = arith.constant 0 : i32
        %gather3A_1013 = tpu.memref_slice %arg8[%gather3A_1010, %gather3A_1011, %gather3A_1012] : memref<2x128x128xf32, #tpu.memory_space<vmem>> -> memref<1x128x128xf32, #tpu.memory_space<vmem>>
        %gather3A_1014 = tpu.memref_squeeze %gather3A_1013 : memref<1x128x128xf32, #tpu.memory_space<vmem>> -> memref<128x128xf32, #tpu.memory_space<vmem>>
        %gather3A_1015 = tpu.vector_load_idx %gather3A_1014[%add3A_569, %add3A_1009] : memref<128x128xf32, #tpu.memory_space<vmem>>[vector<16xi32>, vector<16xi32>], vector<16xf32>,
        %scatter3A_1016 = arith.constant 1 : i32
        %scatter3A_1017 = arith.constant 0 : i32
        %scatter3A_1018 = arith.constant 0 : i32
        %scatter3A_1019 = tpu.memref_slice %arg9[%scatter3A_1016, %scatter3A_1017, %scatter3A_1018] : memref<2x64x128xf32, #tpu.memory_space<vmem>> -> memref<1x64x128xf32, #tpu.memory_space<vmem>>
        %scatter3A_1020 = tpu.memref_squeeze %scatter3A_1019 : memref<1x64x128xf32, #tpu.memory_space<vmem>> -> memref<64x128xf32, #tpu.memory_space<vmem>>
        tpu.vector_store_idx %scatter3A_1020[%and3A_972, %add3A_569], %gather3A_1015 : memref<64x128xf32, #tpu.memory_space<vmem>>[vector<16xi32>, vector<16xi32>], vector<16xf32>,
        %add3A_1021 = arith.addi %get3A_601, %and3A_972 : vector<16xi32>
        %gather3A_1022 = arith.constant 1 : i32
        %gather3A_1023 = arith.constant 0 : i32
        %gather3A_1024 = arith.constant 0 : i32
        %gather3A_1025 = tpu.memref_slice %arg8[%gather3A_1022, %gather3A_1023, %gather3A_1024] : memref<2x128x128xf32, #tpu.memory_space<vmem>> -> memref<1x128x128xf32, #tpu.memory_space<vmem>>
        %gather3A_1026 = tpu.memref_squeeze %gather3A_1025 : memref<1x128x128xf32, #tpu.memory_space<vmem>> -> memref<128x128xf32, #tpu.memory_space<vmem>>
        %gather3A_1027 = tpu.vector_load_idx %gather3A_1026[%add3A_572, %add3A_1021] : memref<128x128xf32, #tpu.memory_space<vmem>>[vector<16xi32>, vector<16xi32>], vector<16xf32>,
        %scatter3A_1028 = arith.constant 1 : i32
        %scatter3A_1029 = arith.constant 0 : i32
        %scatter3A_1030 = arith.constant 0 : i32
        %scatter3A_1031 = tpu.memref_slice %arg9[%scatter3A_1028, %scatter3A_1029, %scatter3A_1030] : memref<2x64x128xf32, #tpu.memory_space<vmem>> -> memref<1x64x128xf32, #tpu.memory_space<vmem>>
        %scatter3A_1032 = tpu.memref_squeeze %scatter3A_1031 : memref<1x64x128xf32, #tpu.memory_space<vmem>> -> memref<64x128xf32, #tpu.memory_space<vmem>>
        tpu.vector_store_idx %scatter3A_1032[%and3A_972, %add3A_572], %gather3A_1027 : memref<64x128xf32, #tpu.memory_space<vmem>>[vector<16xi32>, vector<16xi32>], vector<16xf32>,
        %add3A_1033 = arith.addi %get3A_605, %and3A_972 : vector<16xi32>
        %gather3A_1034 = arith.constant 1 : i32
        %gather3A_1035 = arith.constant 0 : i32
        %gather3A_1036 = arith.constant 0 : i32
        %gather3A_1037 = tpu.memref_slice %arg8[%gather3A_1034, %gather3A_1035, %gather3A_1036] : memref<2x128x128xf32, #tpu.memory_space<vmem>> -> memref<1x128x128xf32, #tpu.memory_space<vmem>>
        %gather3A_1038 = tpu.memref_squeeze %gather3A_1037 : memref<1x128x128xf32, #tpu.memory_space<vmem>> -> memref<128x128xf32, #tpu.memory_space<vmem>>
        %gather3A_1039 = tpu.vector_load_idx %gather3A_1038[%add3A_575, %add3A_1033] : memref<128x128xf32, #tpu.memory_space<vmem>>[vector<16xi32>, vector<16xi32>], vector<16xf32>,
        %scatter3A_1040 = arith.constant 1 : i32
        %scatter3A_1041 = arith.constant 0 : i32
        %scatter3A_1042 = arith.constant 0 : i32
        %scatter3A_1043 = tpu.memref_slice %arg9[%scatter3A_1040, %scatter3A_1041, %scatter3A_1042] : memref<2x64x128xf32, #tpu.memory_space<vmem>> -> memref<1x64x128xf32, #tpu.memory_space<vmem>>
        %scatter3A_1044 = tpu.memref_squeeze %scatter3A_1043 : memref<1x64x128xf32, #tpu.memory_space<vmem>> -> memref<64x128xf32, #tpu.memory_space<vmem>>
        tpu.vector_store_idx %scatter3A_1044[%and3A_972, %add3A_575], %gather3A_1039 : memref<64x128xf32, #tpu.memory_space<vmem>>[vector<16xi32>, vector<16xi32>], vector<16xf32>,
        %add3A_1045 = arith.addi %get3A_609, %and3A_972 : vector<16xi32>
        %gather3A_1046 = arith.constant 1 : i32
        %gather3A_1047 = arith.constant 0 : i32
        %gather3A_1048 = arith.constant 0 : i32
        %gather3A_1049 = tpu.memref_slice %arg8[%gather3A_1046, %gather3A_1047, %gather3A_1048] : memref<2x128x128xf32, #tpu.memory_space<vmem>> -> memref<1x128x128xf32, #tpu.memory_space<vmem>>
        %gather3A_1050 = tpu.memref_squeeze %gather3A_1049 : memref<1x128x128xf32, #tpu.memory_space<vmem>> -> memref<128x128xf32, #tpu.memory_space<vmem>>
        %gather3A_1051 = tpu.vector_load_idx %gather3A_1050[%add3A_578, %add3A_1045] : memref<128x128xf32, #tpu.memory_space<vmem>>[vector<16xi32>, vector<16xi32>], vector<16xf32>,
        %scatter3A_1052 = arith.constant 1 : i32
        %scatter3A_1053 = arith.constant 0 : i32
        %scatter3A_1054 = arith.constant 0 : i32
        %scatter3A_1055 = tpu.memref_slice %arg9[%scatter3A_1052, %scatter3A_1053, %scatter3A_1054] : memref<2x64x128xf32, #tpu.memory_space<vmem>> -> memref<1x64x128xf32, #tpu.memory_space<vmem>>
        %scatter3A_1056 = tpu.memref_squeeze %scatter3A_1055 : memref<1x64x128xf32, #tpu.memory_space<vmem>> -> memref<64x128xf32, #tpu.memory_space<vmem>>
        tpu.vector_store_idx %scatter3A_1056[%and3A_972, %add3A_578], %gather3A_1051 : memref<64x128xf32, #tpu.memory_space<vmem>>[vector<16xi32>, vector<16xi32>], vector<16xf32>,
        %add3A_1057 = arith.addi %get3A_613, %and3A_972 : vector<16xi32>
        %gather3A_1058 = arith.constant 1 : i32
        %gather3A_1059 = arith.constant 0 : i32
        %gather3A_1060 = arith.constant 0 : i32
        %gather3A_1061 = tpu.memref_slice %arg8[%gather3A_1058, %gather3A_1059, %gather3A_1060] : memref<2x128x128xf32, #tpu.memory_space<vmem>> -> memref<1x128x128xf32, #tpu.memory_space<vmem>>
        %gather3A_1062 = tpu.memref_squeeze %gather3A_1061 : memref<1x128x128xf32, #tpu.memory_space<vmem>> -> memref<128x128xf32, #tpu.memory_space<vmem>>
        %gather3A_1063 = tpu.vector_load_idx %gather3A_1062[%add3A_581, %add3A_1057] : memref<128x128xf32, #tpu.memory_space<vmem>>[vector<16xi32>, vector<16xi32>], vector<16xf32>,
        %scatter3A_1064 = arith.constant 1 : i32
        %scatter3A_1065 = arith.constant 0 : i32
        %scatter3A_1066 = arith.constant 0 : i32
        %scatter3A_1067 = tpu.memref_slice %arg9[%scatter3A_1064, %scatter3A_1065, %scatter3A_1066] : memref<2x64x128xf32, #tpu.memory_space<vmem>> -> memref<1x64x128xf32, #tpu.memory_space<vmem>>
        %scatter3A_1068 = tpu.memref_squeeze %scatter3A_1067 : memref<1x64x128xf32, #tpu.memory_space<vmem>> -> memref<64x128xf32, #tpu.memory_space<vmem>>
        tpu.vector_store_idx %scatter3A_1068[%and3A_972, %add3A_581], %gather3A_1063 : memref<64x128xf32, #tpu.memory_space<vmem>>[vector<16xi32>, vector<16xi32>], vector<16xf32>,
        %mul3A_1069 = arith.constant 8 : i32
        %mul3A_1070 = arith.muli %mul3A_1069, %scan3A_650 : i32
        %add3A_1071 = arith.constant 4 : i32
        %add3A_1072 = arith.addi %mul3A_1070, %add3A_1071 : i32
        %add3A_1073 = vector.broadcast %add3A_1072 : i32 to vector<16xi32>
        %add3A_1074 = arith.addi %add3A_1073, %iota3A_557 : vector<16xi32>
        %and3A_1075 = arith.constant 63 : i32
        %and3A_1076 = vector.broadcast %and3A_1075 : i32 to vector<16xi32>
        %and3A_1077 = arith.andi %add3A_1074, %and3A_1076 : vector<16xi32>
        %add3A_1078 = arith.addi %get3A_585, %and3A_1077 : vector<16xi32>
        %gather3A_1079 = arith.constant 1 : i32
        %gather3A_1080 = arith.constant 0 : i32
        %gather3A_1081 = arith.constant 0 : i32
        %gather3A_1082 = tpu.memref_slice %arg8[%gather3A_1079, %gather3A_1080, %gather3A_1081] : memref<2x128x128xf32, #tpu.memory_space<vmem>> -> memref<1x128x128xf32, #tpu.memory_space<vmem>>
        %gather3A_1083 = tpu.memref_squeeze %gather3A_1082 : memref<1x128x128xf32, #tpu.memory_space<vmem>> -> memref<128x128xf32, #tpu.memory_space<vmem>>
        %gather3A_1084 = tpu.vector_load_idx %gather3A_1083[%add3A_560, %add3A_1078] : memref<128x128xf32, #tpu.memory_space<vmem>>[vector<16xi32>, vector<16xi32>], vector<16xf32>,
        %scatter3A_1085 = arith.constant 1 : i32
        %scatter3A_1086 = arith.constant 0 : i32
        %scatter3A_1087 = arith.constant 0 : i32
        %scatter3A_1088 = tpu.memref_slice %arg9[%scatter3A_1085, %scatter3A_1086, %scatter3A_1087] : memref<2x64x128xf32, #tpu.memory_space<vmem>> -> memref<1x64x128xf32, #tpu.memory_space<vmem>>
        %scatter3A_1089 = tpu.memref_squeeze %scatter3A_1088 : memref<1x64x128xf32, #tpu.memory_space<vmem>> -> memref<64x128xf32, #tpu.memory_space<vmem>>
        tpu.vector_store_idx %scatter3A_1089[%and3A_1077, %add3A_560], %gather3A_1084 : memref<64x128xf32, #tpu.memory_space<vmem>>[vector<16xi32>, vector<16xi32>], vector<16xf32>,
        %add3A_1090 = arith.addi %get3A_589, %and3A_1077 : vector<16xi32>
        %gather3A_1091 = arith.constant 1 : i32
        %gather3A_1092 = arith.constant 0 : i32
        %gather3A_1093 = arith.constant 0 : i32
        %gather3A_1094 = tpu.memref_slice %arg8[%gather3A_1091, %gather3A_1092, %gather3A_1093] : memref<2x128x128xf32, #tpu.memory_space<vmem>> -> memref<1x128x128xf32, #tpu.memory_space<vmem>>
        %gather3A_1095 = tpu.memref_squeeze %gather3A_1094 : memref<1x128x128xf32, #tpu.memory_space<vmem>> -> memref<128x128xf32, #tpu.memory_space<vmem>>
        %gather3A_1096 = tpu.vector_load_idx %gather3A_1095[%add3A_563, %add3A_1090] : memref<128x128xf32, #tpu.memory_space<vmem>>[vector<16xi32>, vector<16xi32>], vector<16xf32>,
        %scatter3A_1097 = arith.constant 1 : i32
        %scatter3A_1098 = arith.constant 0 : i32
        %scatter3A_1099 = arith.constant 0 : i32
        %scatter3A_1100 = tpu.memref_slice %arg9[%scatter3A_1097, %scatter3A_1098, %scatter3A_1099] : memref<2x64x128xf32, #tpu.memory_space<vmem>> -> memref<1x64x128xf32, #tpu.memory_space<vmem>>
        %scatter3A_1101 = tpu.memref_squeeze %scatter3A_1100 : memref<1x64x128xf32, #tpu.memory_space<vmem>> -> memref<64x128xf32, #tpu.memory_space<vmem>>
        tpu.vector_store_idx %scatter3A_1101[%and3A_1077, %add3A_563], %gather3A_1096 : memref<64x128xf32, #tpu.memory_space<vmem>>[vector<16xi32>, vector<16xi32>], vector<16xf32>,
        %add3A_1102 = arith.addi %get3A_593, %and3A_1077 : vector<16xi32>
        %gather3A_1103 = arith.constant 1 : i32
        %gather3A_1104 = arith.constant 0 : i32
        %gather3A_1105 = arith.constant 0 : i32
        %gather3A_1106 = tpu.memref_slice %arg8[%gather3A_1103, %gather3A_1104, %gather3A_1105] : memref<2x128x128xf32, #tpu.memory_space<vmem>> -> memref<1x128x128xf32, #tpu.memory_space<vmem>>
        %gather3A_1107 = tpu.memref_squeeze %gather3A_1106 : memref<1x128x128xf32, #tpu.memory_space<vmem>> -> memref<128x128xf32, #tpu.memory_space<vmem>>
        %gather3A_1108 = tpu.vector_load_idx %gather3A_1107[%add3A_566, %add3A_1102] : memref<128x128xf32, #tpu.memory_space<vmem>>[vector<16xi32>, vector<16xi32>], vector<16xf32>,
        %scatter3A_1109 = arith.constant 1 : i32
        %scatter3A_1110 = arith.constant 0 : i32
        %scatter3A_1111 = arith.constant 0 : i32
        %scatter3A_1112 = tpu.memref_slice %arg9[%scatter3A_1109, %scatter3A_1110, %scatter3A_1111] : memref<2x64x128xf32, #tpu.memory_space<vmem>> -> memref<1x64x128xf32, #tpu.memory_space<vmem>>
        %scatter3A_1113 = tpu.memref_squeeze %scatter3A_1112 : memref<1x64x128xf32, #tpu.memory_space<vmem>> -> memref<64x128xf32, #tpu.memory_space<vmem>>
        tpu.vector_store_idx %scatter3A_1113[%and3A_1077, %add3A_566], %gather3A_1108 : memref<64x128xf32, #tpu.memory_space<vmem>>[vector<16xi32>, vector<16xi32>], vector<16xf32>,
        %add3A_1114 = arith.addi %get3A_597, %and3A_1077 : vector<16xi32>
        %gather3A_1115 = arith.constant 1 : i32
        %gather3A_1116 = arith.constant 0 : i32
        %gather3A_1117 = arith.constant 0 : i32
        %gather3A_1118 = tpu.memref_slice %arg8[%gather3A_1115, %gather3A_1116, %gather3A_1117] : memref<2x128x128xf32, #tpu.memory_space<vmem>> -> memref<1x128x128xf32, #tpu.memory_space<vmem>>
        %gather3A_1119 = tpu.memref_squeeze %gather3A_1118 : memref<1x128x128xf32, #tpu.memory_space<vmem>> -> memref<128x128xf32, #tpu.memory_space<vmem>>
        %gather3A_1120 = tpu.vector_load_idx %gather3A_1119[%add3A_569, %add3A_1114] : memref<128x128xf32, #tpu.memory_space<vmem>>[vector<16xi32>, vector<16xi32>], vector<16xf32>,
        %scatter3A_1121 = arith.constant 1 : i32
        %scatter3A_1122 = arith.constant 0 : i32
        %scatter3A_1123 = arith.constant 0 : i32
        %scatter3A_1124 = tpu.memref_slice %arg9[%scatter3A_1121, %scatter3A_1122, %scatter3A_1123] : memref<2x64x128xf32, #tpu.memory_space<vmem>> -> memref<1x64x128xf32, #tpu.memory_space<vmem>>
        %scatter3A_1125 = tpu.memref_squeeze %scatter3A_1124 : memref<1x64x128xf32, #tpu.memory_space<vmem>> -> memref<64x128xf32, #tpu.memory_space<vmem>>
        tpu.vector_store_idx %scatter3A_1125[%and3A_1077, %add3A_569], %gather3A_1120 : memref<64x128xf32, #tpu.memory_space<vmem>>[vector<16xi32>, vector<16xi32>], vector<16xf32>,
        %add3A_1126 = arith.addi %get3A_601, %and3A_1077 : vector<16xi32>
        %gather3A_1127 = arith.constant 1 : i32
        %gather3A_1128 = arith.constant 0 : i32
        %gather3A_1129 = arith.constant 0 : i32
        %gather3A_1130 = tpu.memref_slice %arg8[%gather3A_1127, %gather3A_1128, %gather3A_1129] : memref<2x128x128xf32, #tpu.memory_space<vmem>> -> memref<1x128x128xf32, #tpu.memory_space<vmem>>
        %gather3A_1131 = tpu.memref_squeeze %gather3A_1130 : memref<1x128x128xf32, #tpu.memory_space<vmem>> -> memref<128x128xf32, #tpu.memory_space<vmem>>
        %gather3A_1132 = tpu.vector_load_idx %gather3A_1131[%add3A_572, %add3A_1126] : memref<128x128xf32, #tpu.memory_space<vmem>>[vector<16xi32>, vector<16xi32>], vector<16xf32>,
        %scatter3A_1133 = arith.constant 1 : i32
        %scatter3A_1134 = arith.constant 0 : i32
        %scatter3A_1135 = arith.constant 0 : i32
        %scatter3A_1136 = tpu.memref_slice %arg9[%scatter3A_1133, %scatter3A_1134, %scatter3A_1135] : memref<2x64x128xf32, #tpu.memory_space<vmem>> -> memref<1x64x128xf32, #tpu.memory_space<vmem>>
        %scatter3A_1137 = tpu.memref_squeeze %scatter3A_1136 : memref<1x64x128xf32, #tpu.memory_space<vmem>> -> memref<64x128xf32, #tpu.memory_space<vmem>>
        tpu.vector_store_idx %scatter3A_1137[%and3A_1077, %add3A_572], %gather3A_1132 : memref<64x128xf32, #tpu.memory_space<vmem>>[vector<16xi32>, vector<16xi32>], vector<16xf32>,
        %add3A_1138 = arith.addi %get3A_605, %and3A_1077 : vector<16xi32>
        %gather3A_1139 = arith.constant 1 : i32
        %gather3A_1140 = arith.constant 0 : i32
        %gather3A_1141 = arith.constant 0 : i32
        %gather3A_1142 = tpu.memref_slice %arg8[%gather3A_1139, %gather3A_1140, %gather3A_1141] : memref<2x128x128xf32, #tpu.memory_space<vmem>> -> memref<1x128x128xf32, #tpu.memory_space<vmem>>
        %gather3A_1143 = tpu.memref_squeeze %gather3A_1142 : memref<1x128x128xf32, #tpu.memory_space<vmem>> -> memref<128x128xf32, #tpu.memory_space<vmem>>
        %gather3A_1144 = tpu.vector_load_idx %gather3A_1143[%add3A_575, %add3A_1138] : memref<128x128xf32, #tpu.memory_space<vmem>>[vector<16xi32>, vector<16xi32>], vector<16xf32>,
        %scatter3A_1145 = arith.constant 1 : i32
        %scatter3A_1146 = arith.constant 0 : i32
        %scatter3A_1147 = arith.constant 0 : i32
        %scatter3A_1148 = tpu.memref_slice %arg9[%scatter3A_1145, %scatter3A_1146, %scatter3A_1147] : memref<2x64x128xf32, #tpu.memory_space<vmem>> -> memref<1x64x128xf32, #tpu.memory_space<vmem>>
        %scatter3A_1149 = tpu.memref_squeeze %scatter3A_1148 : memref<1x64x128xf32, #tpu.memory_space<vmem>> -> memref<64x128xf32, #tpu.memory_space<vmem>>
        tpu.vector_store_idx %scatter3A_1149[%and3A_1077, %add3A_575], %gather3A_1144 : memref<64x128xf32, #tpu.memory_space<vmem>>[vector<16xi32>, vector<16xi32>], vector<16xf32>,
        %add3A_1150 = arith.addi %get3A_609, %and3A_1077 : vector<16xi32>
        %gather3A_1151 = arith.constant 1 : i32
        %gather3A_1152 = arith.constant 0 : i32
        %gather3A_1153 = arith.constant 0 : i32
        %gather3A_1154 = tpu.memref_slice %arg8[%gather3A_1151, %gather3A_1152, %gather3A_1153] : memref<2x128x128xf32, #tpu.memory_space<vmem>> -> memref<1x128x128xf32, #tpu.memory_space<vmem>>
        %gather3A_1155 = tpu.memref_squeeze %gather3A_1154 : memref<1x128x128xf32, #tpu.memory_space<vmem>> -> memref<128x128xf32, #tpu.memory_space<vmem>>
        %gather3A_1156 = tpu.vector_load_idx %gather3A_1155[%add3A_578, %add3A_1150] : memref<128x128xf32, #tpu.memory_space<vmem>>[vector<16xi32>, vector<16xi32>], vector<16xf32>,
        %scatter3A_1157 = arith.constant 1 : i32
        %scatter3A_1158 = arith.constant 0 : i32
        %scatter3A_1159 = arith.constant 0 : i32
        %scatter3A_1160 = tpu.memref_slice %arg9[%scatter3A_1157, %scatter3A_1158, %scatter3A_1159] : memref<2x64x128xf32, #tpu.memory_space<vmem>> -> memref<1x64x128xf32, #tpu.memory_space<vmem>>
        %scatter3A_1161 = tpu.memref_squeeze %scatter3A_1160 : memref<1x64x128xf32, #tpu.memory_space<vmem>> -> memref<64x128xf32, #tpu.memory_space<vmem>>
        tpu.vector_store_idx %scatter3A_1161[%and3A_1077, %add3A_578], %gather3A_1156 : memref<64x128xf32, #tpu.memory_space<vmem>>[vector<16xi32>, vector<16xi32>], vector<16xf32>,
        %add3A_1162 = arith.addi %get3A_613, %and3A_1077 : vector<16xi32>
        %gather3A_1163 = arith.constant 1 : i32
        %gather3A_1164 = arith.constant 0 : i32
        %gather3A_1165 = arith.constant 0 : i32
        %gather3A_1166 = tpu.memref_slice %arg8[%gather3A_1163, %gather3A_1164, %gather3A_1165] : memref<2x128x128xf32, #tpu.memory_space<vmem>> -> memref<1x128x128xf32, #tpu.memory_space<vmem>>
        %gather3A_1167 = tpu.memref_squeeze %gather3A_1166 : memref<1x128x128xf32, #tpu.memory_space<vmem>> -> memref<128x128xf32, #tpu.memory_space<vmem>>
        %gather3A_1168 = tpu.vector_load_idx %gather3A_1167[%add3A_581, %add3A_1162] : memref<128x128xf32, #tpu.memory_space<vmem>>[vector<16xi32>, vector<16xi32>], vector<16xf32>,
        %scatter3A_1169 = arith.constant 1 : i32
        %scatter3A_1170 = arith.constant 0 : i32
        %scatter3A_1171 = arith.constant 0 : i32
        %scatter3A_1172 = tpu.memref_slice %arg9[%scatter3A_1169, %scatter3A_1170, %scatter3A_1171] : memref<2x64x128xf32, #tpu.memory_space<vmem>> -> memref<1x64x128xf32, #tpu.memory_space<vmem>>
        %scatter3A_1173 = tpu.memref_squeeze %scatter3A_1172 : memref<1x64x128xf32, #tpu.memory_space<vmem>> -> memref<64x128xf32, #tpu.memory_space<vmem>>
        tpu.vector_store_idx %scatter3A_1173[%and3A_1077, %add3A_581], %gather3A_1168 : memref<64x128xf32, #tpu.memory_space<vmem>>[vector<16xi32>, vector<16xi32>], vector<16xf32>,
        %mul3A_1174 = arith.constant 8 : i32
        %mul3A_1175 = arith.muli %mul3A_1174, %scan3A_650 : i32
        %add3A_1176 = arith.constant 5 : i32
        %add3A_1177 = arith.addi %mul3A_1175, %add3A_1176 : i32
        %add3A_1178 = vector.broadcast %add3A_1177 : i32 to vector<16xi32>
        %add3A_1179 = arith.addi %add3A_1178, %iota3A_557 : vector<16xi32>
        %and3A_1180 = arith.constant 63 : i32
        %and3A_1181 = vector.broadcast %and3A_1180 : i32 to vector<16xi32>
        %and3A_1182 = arith.andi %add3A_1179, %and3A_1181 : vector<16xi32>
        %add3A_1183 = arith.addi %get3A_585, %and3A_1182 : vector<16xi32>
        %gather3A_1184 = arith.constant 1 : i32
        %gather3A_1185 = arith.constant 0 : i32
        %gather3A_1186 = arith.constant 0 : i32
        %gather3A_1187 = tpu.memref_slice %arg8[%gather3A_1184, %gather3A_1185, %gather3A_1186] : memref<2x128x128xf32, #tpu.memory_space<vmem>> -> memref<1x128x128xf32, #tpu.memory_space<vmem>>
        %gather3A_1188 = tpu.memref_squeeze %gather3A_1187 : memref<1x128x128xf32, #tpu.memory_space<vmem>> -> memref<128x128xf32, #tpu.memory_space<vmem>>
        %gather3A_1189 = tpu.vector_load_idx %gather3A_1188[%add3A_560, %add3A_1183] : memref<128x128xf32, #tpu.memory_space<vmem>>[vector<16xi32>, vector<16xi32>], vector<16xf32>,
        %scatter3A_1190 = arith.constant 1 : i32
        %scatter3A_1191 = arith.constant 0 : i32
        %scatter3A_1192 = arith.constant 0 : i32
        %scatter3A_1193 = tpu.memref_slice %arg9[%scatter3A_1190, %scatter3A_1191, %scatter3A_1192] : memref<2x64x128xf32, #tpu.memory_space<vmem>> -> memref<1x64x128xf32, #tpu.memory_space<vmem>>
        %scatter3A_1194 = tpu.memref_squeeze %scatter3A_1193 : memref<1x64x128xf32, #tpu.memory_space<vmem>> -> memref<64x128xf32, #tpu.memory_space<vmem>>
        tpu.vector_store_idx %scatter3A_1194[%and3A_1182, %add3A_560], %gather3A_1189 : memref<64x128xf32, #tpu.memory_space<vmem>>[vector<16xi32>, vector<16xi32>], vector<16xf32>,
        %add3A_1195 = arith.addi %get3A_589, %and3A_1182 : vector<16xi32>
        %gather3A_1196 = arith.constant 1 : i32
        %gather3A_1197 = arith.constant 0 : i32
        %gather3A_1198 = arith.constant 0 : i32
        %gather3A_1199 = tpu.memref_slice %arg8[%gather3A_1196, %gather3A_1197, %gather3A_1198] : memref<2x128x128xf32, #tpu.memory_space<vmem>> -> memref<1x128x128xf32, #tpu.memory_space<vmem>>
        %gather3A_1200 = tpu.memref_squeeze %gather3A_1199 : memref<1x128x128xf32, #tpu.memory_space<vmem>> -> memref<128x128xf32, #tpu.memory_space<vmem>>
        %gather3A_1201 = tpu.vector_load_idx %gather3A_1200[%add3A_563, %add3A_1195] : memref<128x128xf32, #tpu.memory_space<vmem>>[vector<16xi32>, vector<16xi32>], vector<16xf32>,
        %scatter3A_1202 = arith.constant 1 : i32
        %scatter3A_1203 = arith.constant 0 : i32
        %scatter3A_1204 = arith.constant 0 : i32
        %scatter3A_1205 = tpu.memref_slice %arg9[%scatter3A_1202, %scatter3A_1203, %scatter3A_1204] : memref<2x64x128xf32, #tpu.memory_space<vmem>> -> memref<1x64x128xf32, #tpu.memory_space<vmem>>
        %scatter3A_1206 = tpu.memref_squeeze %scatter3A_1205 : memref<1x64x128xf32, #tpu.memory_space<vmem>> -> memref<64x128xf32, #tpu.memory_space<vmem>>
        tpu.vector_store_idx %scatter3A_1206[%and3A_1182, %add3A_563], %gather3A_1201 : memref<64x128xf32, #tpu.memory_space<vmem>>[vector<16xi32>, vector<16xi32>], vector<16xf32>,
        %add3A_1207 = arith.addi %get3A_593, %and3A_1182 : vector<16xi32>
        %gather3A_1208 = arith.constant 1 : i32
        %gather3A_1209 = arith.constant 0 : i32
        %gather3A_1210 = arith.constant 0 : i32
        %gather3A_1211 = tpu.memref_slice %arg8[%gather3A_1208, %gather3A_1209, %gather3A_1210] : memref<2x128x128xf32, #tpu.memory_space<vmem>> -> memref<1x128x128xf32, #tpu.memory_space<vmem>>
        %gather3A_1212 = tpu.memref_squeeze %gather3A_1211 : memref<1x128x128xf32, #tpu.memory_space<vmem>> -> memref<128x128xf32, #tpu.memory_space<vmem>>
        %gather3A_1213 = tpu.vector_load_idx %gather3A_1212[%add3A_566, %add3A_1207] : memref<128x128xf32, #tpu.memory_space<vmem>>[vector<16xi32>, vector<16xi32>], vector<16xf32>,
        %scatter3A_1214 = arith.constant 1 : i32
        %scatter3A_1215 = arith.constant 0 : i32
        %scatter3A_1216 = arith.constant 0 : i32
        %scatter3A_1217 = tpu.memref_slice %arg9[%scatter3A_1214, %scatter3A_1215, %scatter3A_1216] : memref<2x64x128xf32, #tpu.memory_space<vmem>> -> memref<1x64x128xf32, #tpu.memory_space<vmem>>
        %scatter3A_1218 = tpu.memref_squeeze %scatter3A_1217 : memref<1x64x128xf32, #tpu.memory_space<vmem>> -> memref<64x128xf32, #tpu.memory_space<vmem>>
        tpu.vector_store_idx %scatter3A_1218[%and3A_1182, %add3A_566], %gather3A_1213 : memref<64x128xf32, #tpu.memory_space<vmem>>[vector<16xi32>, vector<16xi32>], vector<16xf32>,
        %add3A_1219 = arith.addi %get3A_597, %and3A_1182 : vector<16xi32>
        %gather3A_1220 = arith.constant 1 : i32
        %gather3A_1221 = arith.constant 0 : i32
        %gather3A_1222 = arith.constant 0 : i32
        %gather3A_1223 = tpu.memref_slice %arg8[%gather3A_1220, %gather3A_1221, %gather3A_1222] : memref<2x128x128xf32, #tpu.memory_space<vmem>> -> memref<1x128x128xf32, #tpu.memory_space<vmem>>
        %gather3A_1224 = tpu.memref_squeeze %gather3A_1223 : memref<1x128x128xf32, #tpu.memory_space<vmem>> -> memref<128x128xf32, #tpu.memory_space<vmem>>
        %gather3A_1225 = tpu.vector_load_idx %gather3A_1224[%add3A_569, %add3A_1219] : memref<128x128xf32, #tpu.memory_space<vmem>>[vector<16xi32>, vector<16xi32>], vector<16xf32>,
        %scatter3A_1226 = arith.constant 1 : i32
        %scatter3A_1227 = arith.constant 0 : i32
        %scatter3A_1228 = arith.constant 0 : i32
        %scatter3A_1229 = tpu.memref_slice %arg9[%scatter3A_1226, %scatter3A_1227, %scatter3A_1228] : memref<2x64x128xf32, #tpu.memory_space<vmem>> -> memref<1x64x128xf32, #tpu.memory_space<vmem>>
        %scatter3A_1230 = tpu.memref_squeeze %scatter3A_1229 : memref<1x64x128xf32, #tpu.memory_space<vmem>> -> memref<64x128xf32, #tpu.memory_space<vmem>>
        tpu.vector_store_idx %scatter3A_1230[%and3A_1182, %add3A_569], %gather3A_1225 : memref<64x128xf32, #tpu.memory_space<vmem>>[vector<16xi32>, vector<16xi32>], vector<16xf32>,
        %add3A_1231 = arith.addi %get3A_601, %and3A_1182 : vector<16xi32>
        %gather3A_1232 = arith.constant 1 : i32
        %gather3A_1233 = arith.constant 0 : i32
        %gather3A_1234 = arith.constant 0 : i32
        %gather3A_1235 = tpu.memref_slice %arg8[%gather3A_1232, %gather3A_1233, %gather3A_1234] : memref<2x128x128xf32, #tpu.memory_space<vmem>> -> memref<1x128x128xf32, #tpu.memory_space<vmem>>
        %gather3A_1236 = tpu.memref_squeeze %gather3A_1235 : memref<1x128x128xf32, #tpu.memory_space<vmem>> -> memref<128x128xf32, #tpu.memory_space<vmem>>
        %gather3A_1237 = tpu.vector_load_idx %gather3A_1236[%add3A_572, %add3A_1231] : memref<128x128xf32, #tpu.memory_space<vmem>>[vector<16xi32>, vector<16xi32>], vector<16xf32>,
        %scatter3A_1238 = arith.constant 1 : i32
        %scatter3A_1239 = arith.constant 0 : i32
        %scatter3A_1240 = arith.constant 0 : i32
        %scatter3A_1241 = tpu.memref_slice %arg9[%scatter3A_1238, %scatter3A_1239, %scatter3A_1240] : memref<2x64x128xf32, #tpu.memory_space<vmem>> -> memref<1x64x128xf32, #tpu.memory_space<vmem>>
        %scatter3A_1242 = tpu.memref_squeeze %scatter3A_1241 : memref<1x64x128xf32, #tpu.memory_space<vmem>> -> memref<64x128xf32, #tpu.memory_space<vmem>>
        tpu.vector_store_idx %scatter3A_1242[%and3A_1182, %add3A_572], %gather3A_1237 : memref<64x128xf32, #tpu.memory_space<vmem>>[vector<16xi32>, vector<16xi32>], vector<16xf32>,
        %add3A_1243 = arith.addi %get3A_605, %and3A_1182 : vector<16xi32>
        %gather3A_1244 = arith.constant 1 : i32
        %gather3A_1245 = arith.constant 0 : i32
        %gather3A_1246 = arith.constant 0 : i32
        %gather3A_1247 = tpu.memref_slice %arg8[%gather3A_1244, %gather3A_1245, %gather3A_1246] : memref<2x128x128xf32, #tpu.memory_space<vmem>> -> memref<1x128x128xf32, #tpu.memory_space<vmem>>
        %gather3A_1248 = tpu.memref_squeeze %gather3A_1247 : memref<1x128x128xf32, #tpu.memory_space<vmem>> -> memref<128x128xf32, #tpu.memory_space<vmem>>
        %gather3A_1249 = tpu.vector_load_idx %gather3A_1248[%add3A_575, %add3A_1243] : memref<128x128xf32, #tpu.memory_space<vmem>>[vector<16xi32>, vector<16xi32>], vector<16xf32>,
        %scatter3A_1250 = arith.constant 1 : i32
        %scatter3A_1251 = arith.constant 0 : i32
        %scatter3A_1252 = arith.constant 0 : i32
        %scatter3A_1253 = tpu.memref_slice %arg9[%scatter3A_1250, %scatter3A_1251, %scatter3A_1252] : memref<2x64x128xf32, #tpu.memory_space<vmem>> -> memref<1x64x128xf32, #tpu.memory_space<vmem>>
        %scatter3A_1254 = tpu.memref_squeeze %scatter3A_1253 : memref<1x64x128xf32, #tpu.memory_space<vmem>> -> memref<64x128xf32, #tpu.memory_space<vmem>>
        tpu.vector_store_idx %scatter3A_1254[%and3A_1182, %add3A_575], %gather3A_1249 : memref<64x128xf32, #tpu.memory_space<vmem>>[vector<16xi32>, vector<16xi32>], vector<16xf32>,
        %add3A_1255 = arith.addi %get3A_609, %and3A_1182 : vector<16xi32>
        %gather3A_1256 = arith.constant 1 : i32
        %gather3A_1257 = arith.constant 0 : i32
        %gather3A_1258 = arith.constant 0 : i32
        %gather3A_1259 = tpu.memref_slice %arg8[%gather3A_1256, %gather3A_1257, %gather3A_1258] : memref<2x128x128xf32, #tpu.memory_space<vmem>> -> memref<1x128x128xf32, #tpu.memory_space<vmem>>
        %gather3A_1260 = tpu.memref_squeeze %gather3A_1259 : memref<1x128x128xf32, #tpu.memory_space<vmem>> -> memref<128x128xf32, #tpu.memory_space<vmem>>
        %gather3A_1261 = tpu.vector_load_idx %gather3A_1260[%add3A_578, %add3A_1255] : memref<128x128xf32, #tpu.memory_space<vmem>>[vector<16xi32>, vector<16xi32>], vector<16xf32>,
        %scatter3A_1262 = arith.constant 1 : i32
        %scatter3A_1263 = arith.constant 0 : i32
        %scatter3A_1264 = arith.constant 0 : i32
        %scatter3A_1265 = tpu.memref_slice %arg9[%scatter3A_1262, %scatter3A_1263, %scatter3A_1264] : memref<2x64x128xf32, #tpu.memory_space<vmem>> -> memref<1x64x128xf32, #tpu.memory_space<vmem>>
        %scatter3A_1266 = tpu.memref_squeeze %scatter3A_1265 : memref<1x64x128xf32, #tpu.memory_space<vmem>> -> memref<64x128xf32, #tpu.memory_space<vmem>>
        tpu.vector_store_idx %scatter3A_1266[%and3A_1182, %add3A_578], %gather3A_1261 : memref<64x128xf32, #tpu.memory_space<vmem>>[vector<16xi32>, vector<16xi32>], vector<16xf32>,
        %add3A_1267 = arith.addi %get3A_613, %and3A_1182 : vector<16xi32>
        %gather3A_1268 = arith.constant 1 : i32
        %gather3A_1269 = arith.constant 0 : i32
        %gather3A_1270 = arith.constant 0 : i32
        %gather3A_1271 = tpu.memref_slice %arg8[%gather3A_1268, %gather3A_1269, %gather3A_1270] : memref<2x128x128xf32, #tpu.memory_space<vmem>> -> memref<1x128x128xf32, #tpu.memory_space<vmem>>
        %gather3A_1272 = tpu.memref_squeeze %gather3A_1271 : memref<1x128x128xf32, #tpu.memory_space<vmem>> -> memref<128x128xf32, #tpu.memory_space<vmem>>
        %gather3A_1273 = tpu.vector_load_idx %gather3A_1272[%add3A_581, %add3A_1267] : memref<128x128xf32, #tpu.memory_space<vmem>>[vector<16xi32>, vector<16xi32>], vector<16xf32>,
        %scatter3A_1274 = arith.constant 1 : i32
        %scatter3A_1275 = arith.constant 0 : i32
        %scatter3A_1276 = arith.constant 0 : i32
        %scatter3A_1277 = tpu.memref_slice %arg9[%scatter3A_1274, %scatter3A_1275, %scatter3A_1276] : memref<2x64x128xf32, #tpu.memory_space<vmem>> -> memref<1x64x128xf32, #tpu.memory_space<vmem>>
        %scatter3A_1278 = tpu.memref_squeeze %scatter3A_1277 : memref<1x64x128xf32, #tpu.memory_space<vmem>> -> memref<64x128xf32, #tpu.memory_space<vmem>>
        tpu.vector_store_idx %scatter3A_1278[%and3A_1182, %add3A_581], %gather3A_1273 : memref<64x128xf32, #tpu.memory_space<vmem>>[vector<16xi32>, vector<16xi32>], vector<16xf32>,
        %mul3A_1279 = arith.constant 8 : i32
        %mul3A_1280 = arith.muli %mul3A_1279, %scan3A_650 : i32
        %add3A_1281 = arith.constant 6 : i32
        %add3A_1282 = arith.addi %mul3A_1280, %add3A_1281 : i32
        %add3A_1283 = vector.broadcast %add3A_1282 : i32 to vector<16xi32>
        %add3A_1284 = arith.addi %add3A_1283, %iota3A_557 : vector<16xi32>
        %and3A_1285 = arith.constant 63 : i32
        %and3A_1286 = vector.broadcast %and3A_1285 : i32 to vector<16xi32>
        %and3A_1287 = arith.andi %add3A_1284, %and3A_1286 : vector<16xi32>
        %add3A_1288 = arith.addi %get3A_585, %and3A_1287 : vector<16xi32>
        %gather3A_1289 = arith.constant 1 : i32
        %gather3A_1290 = arith.constant 0 : i32
        %gather3A_1291 = arith.constant 0 : i32
        %gather3A_1292 = tpu.memref_slice %arg8[%gather3A_1289, %gather3A_1290, %gather3A_1291] : memref<2x128x128xf32, #tpu.memory_space<vmem>> -> memref<1x128x128xf32, #tpu.memory_space<vmem>>
        %gather3A_1293 = tpu.memref_squeeze %gather3A_1292 : memref<1x128x128xf32, #tpu.memory_space<vmem>> -> memref<128x128xf32, #tpu.memory_space<vmem>>
        %gather3A_1294 = tpu.vector_load_idx %gather3A_1293[%add3A_560, %add3A_1288] : memref<128x128xf32, #tpu.memory_space<vmem>>[vector<16xi32>, vector<16xi32>], vector<16xf32>,
        %scatter3A_1295 = arith.constant 1 : i32
        %scatter3A_1296 = arith.constant 0 : i32
        %scatter3A_1297 = arith.constant 0 : i32
        %scatter3A_1298 = tpu.memref_slice %arg9[%scatter3A_1295, %scatter3A_1296, %scatter3A_1297] : memref<2x64x128xf32, #tpu.memory_space<vmem>> -> memref<1x64x128xf32, #tpu.memory_space<vmem>>
        %scatter3A_1299 = tpu.memref_squeeze %scatter3A_1298 : memref<1x64x128xf32, #tpu.memory_space<vmem>> -> memref<64x128xf32, #tpu.memory_space<vmem>>
        tpu.vector_store_idx %scatter3A_1299[%and3A_1287, %add3A_560], %gather3A_1294 : memref<64x128xf32, #tpu.memory_space<vmem>>[vector<16xi32>, vector<16xi32>], vector<16xf32>,
        %add3A_1300 = arith.addi %get3A_589, %and3A_1287 : vector<16xi32>
        %gather3A_1301 = arith.constant 1 : i32
        %gather3A_1302 = arith.constant 0 : i32
        %gather3A_1303 = arith.constant 0 : i32
        %gather3A_1304 = tpu.memref_slice %arg8[%gather3A_1301, %gather3A_1302, %gather3A_1303] : memref<2x128x128xf32, #tpu.memory_space<vmem>> -> memref<1x128x128xf32, #tpu.memory_space<vmem>>
        %gather3A_1305 = tpu.memref_squeeze %gather3A_1304 : memref<1x128x128xf32, #tpu.memory_space<vmem>> -> memref<128x128xf32, #tpu.memory_space<vmem>>
        %gather3A_1306 = tpu.vector_load_idx %gather3A_1305[%add3A_563, %add3A_1300] : memref<128x128xf32, #tpu.memory_space<vmem>>[vector<16xi32>, vector<16xi32>], vector<16xf32>,
        %scatter3A_1307 = arith.constant 1 : i32
        %scatter3A_1308 = arith.constant 0 : i32
        %scatter3A_1309 = arith.constant 0 : i32
        %scatter3A_1310 = tpu.memref_slice %arg9[%scatter3A_1307, %scatter3A_1308, %scatter3A_1309] : memref<2x64x128xf32, #tpu.memory_space<vmem>> -> memref<1x64x128xf32, #tpu.memory_space<vmem>>
        %scatter3A_1311 = tpu.memref_squeeze %scatter3A_1310 : memref<1x64x128xf32, #tpu.memory_space<vmem>> -> memref<64x128xf32, #tpu.memory_space<vmem>>
        tpu.vector_store_idx %scatter3A_1311[%and3A_1287, %add3A_563], %gather3A_1306 : memref<64x128xf32, #tpu.memory_space<vmem>>[vector<16xi32>, vector<16xi32>], vector<16xf32>,
        %add3A_1312 = arith.addi %get3A_593, %and3A_1287 : vector<16xi32>
        %gather3A_1313 = arith.constant 1 : i32
        %gather3A_1314 = arith.constant 0 : i32
        %gather3A_1315 = arith.constant 0 : i32
        %gather3A_1316 = tpu.memref_slice %arg8[%gather3A_1313, %gather3A_1314, %gather3A_1315] : memref<2x128x128xf32, #tpu.memory_space<vmem>> -> memref<1x128x128xf32, #tpu.memory_space<vmem>>
        %gather3A_1317 = tpu.memref_squeeze %gather3A_1316 : memref<1x128x128xf32, #tpu.memory_space<vmem>> -> memref<128x128xf32, #tpu.memory_space<vmem>>
        %gather3A_1318 = tpu.vector_load_idx %gather3A_1317[%add3A_566, %add3A_1312] : memref<128x128xf32, #tpu.memory_space<vmem>>[vector<16xi32>, vector<16xi32>], vector<16xf32>,
        %scatter3A_1319 = arith.constant 1 : i32
        %scatter3A_1320 = arith.constant 0 : i32
        %scatter3A_1321 = arith.constant 0 : i32
        %scatter3A_1322 = tpu.memref_slice %arg9[%scatter3A_1319, %scatter3A_1320, %scatter3A_1321] : memref<2x64x128xf32, #tpu.memory_space<vmem>> -> memref<1x64x128xf32, #tpu.memory_space<vmem>>
        %scatter3A_1323 = tpu.memref_squeeze %scatter3A_1322 : memref<1x64x128xf32, #tpu.memory_space<vmem>> -> memref<64x128xf32, #tpu.memory_space<vmem>>
        tpu.vector_store_idx %scatter3A_1323[%and3A_1287, %add3A_566], %gather3A_1318 : memref<64x128xf32, #tpu.memory_space<vmem>>[vector<16xi32>, vector<16xi32>], vector<16xf32>,
        %add3A_1324 = arith.addi %get3A_597, %and3A_1287 : vector<16xi32>
        %gather3A_1325 = arith.constant 1 : i32
        %gather3A_1326 = arith.constant 0 : i32
        %gather3A_1327 = arith.constant 0 : i32
        %gather3A_1328 = tpu.memref_slice %arg8[%gather3A_1325, %gather3A_1326, %gather3A_1327] : memref<2x128x128xf32, #tpu.memory_space<vmem>> -> memref<1x128x128xf32, #tpu.memory_space<vmem>>
        %gather3A_1329 = tpu.memref_squeeze %gather3A_1328 : memref<1x128x128xf32, #tpu.memory_space<vmem>> -> memref<128x128xf32, #tpu.memory_space<vmem>>
        %gather3A_1330 = tpu.vector_load_idx %gather3A_1329[%add3A_569, %add3A_1324] : memref<128x128xf32, #tpu.memory_space<vmem>>[vector<16xi32>, vector<16xi32>], vector<16xf32>,
        %scatter3A_1331 = arith.constant 1 : i32
        %scatter3A_1332 = arith.constant 0 : i32
        %scatter3A_1333 = arith.constant 0 : i32
        %scatter3A_1334 = tpu.memref_slice %arg9[%scatter3A_1331, %scatter3A_1332, %scatter3A_1333] : memref<2x64x128xf32, #tpu.memory_space<vmem>> -> memref<1x64x128xf32, #tpu.memory_space<vmem>>
        %scatter3A_1335 = tpu.memref_squeeze %scatter3A_1334 : memref<1x64x128xf32, #tpu.memory_space<vmem>> -> memref<64x128xf32, #tpu.memory_space<vmem>>
        tpu.vector_store_idx %scatter3A_1335[%and3A_1287, %add3A_569], %gather3A_1330 : memref<64x128xf32, #tpu.memory_space<vmem>>[vector<16xi32>, vector<16xi32>], vector<16xf32>,
        %add3A_1336 = arith.addi %get3A_601, %and3A_1287 : vector<16xi32>
        %gather3A_1337 = arith.constant 1 : i32
        %gather3A_1338 = arith.constant 0 : i32
        %gather3A_1339 = arith.constant 0 : i32
        %gather3A_1340 = tpu.memref_slice %arg8[%gather3A_1337, %gather3A_1338, %gather3A_1339] : memref<2x128x128xf32, #tpu.memory_space<vmem>> -> memref<1x128x128xf32, #tpu.memory_space<vmem>>
        %gather3A_1341 = tpu.memref_squeeze %gather3A_1340 : memref<1x128x128xf32, #tpu.memory_space<vmem>> -> memref<128x128xf32, #tpu.memory_space<vmem>>
        %gather3A_1342 = tpu.vector_load_idx %gather3A_1341[%add3A_572, %add3A_1336] : memref<128x128xf32, #tpu.memory_space<vmem>>[vector<16xi32>, vector<16xi32>], vector<16xf32>,
        %scatter3A_1343 = arith.constant 1 : i32
        %scatter3A_1344 = arith.constant 0 : i32
        %scatter3A_1345 = arith.constant 0 : i32
        %scatter3A_1346 = tpu.memref_slice %arg9[%scatter3A_1343, %scatter3A_1344, %scatter3A_1345] : memref<2x64x128xf32, #tpu.memory_space<vmem>> -> memref<1x64x128xf32, #tpu.memory_space<vmem>>
        %scatter3A_1347 = tpu.memref_squeeze %scatter3A_1346 : memref<1x64x128xf32, #tpu.memory_space<vmem>> -> memref<64x128xf32, #tpu.memory_space<vmem>>
        tpu.vector_store_idx %scatter3A_1347[%and3A_1287, %add3A_572], %gather3A_1342 : memref<64x128xf32, #tpu.memory_space<vmem>>[vector<16xi32>, vector<16xi32>], vector<16xf32>,
        %add3A_1348 = arith.addi %get3A_605, %and3A_1287 : vector<16xi32>
        %gather3A_1349 = arith.constant 1 : i32
        %gather3A_1350 = arith.constant 0 : i32
        %gather3A_1351 = arith.constant 0 : i32
        %gather3A_1352 = tpu.memref_slice %arg8[%gather3A_1349, %gather3A_1350, %gather3A_1351] : memref<2x128x128xf32, #tpu.memory_space<vmem>> -> memref<1x128x128xf32, #tpu.memory_space<vmem>>
        %gather3A_1353 = tpu.memref_squeeze %gather3A_1352 : memref<1x128x128xf32, #tpu.memory_space<vmem>> -> memref<128x128xf32, #tpu.memory_space<vmem>>
        %gather3A_1354 = tpu.vector_load_idx %gather3A_1353[%add3A_575, %add3A_1348] : memref<128x128xf32, #tpu.memory_space<vmem>>[vector<16xi32>, vector<16xi32>], vector<16xf32>,
        %scatter3A_1355 = arith.constant 1 : i32
        %scatter3A_1356 = arith.constant 0 : i32
        %scatter3A_1357 = arith.constant 0 : i32
        %scatter3A_1358 = tpu.memref_slice %arg9[%scatter3A_1355, %scatter3A_1356, %scatter3A_1357] : memref<2x64x128xf32, #tpu.memory_space<vmem>> -> memref<1x64x128xf32, #tpu.memory_space<vmem>>
        %scatter3A_1359 = tpu.memref_squeeze %scatter3A_1358 : memref<1x64x128xf32, #tpu.memory_space<vmem>> -> memref<64x128xf32, #tpu.memory_space<vmem>>
        tpu.vector_store_idx %scatter3A_1359[%and3A_1287, %add3A_575], %gather3A_1354 : memref<64x128xf32, #tpu.memory_space<vmem>>[vector<16xi32>, vector<16xi32>], vector<16xf32>,
        %add3A_1360 = arith.addi %get3A_609, %and3A_1287 : vector<16xi32>
        %gather3A_1361 = arith.constant 1 : i32
        %gather3A_1362 = arith.constant 0 : i32
        %gather3A_1363 = arith.constant 0 : i32
        %gather3A_1364 = tpu.memref_slice %arg8[%gather3A_1361, %gather3A_1362, %gather3A_1363] : memref<2x128x128xf32, #tpu.memory_space<vmem>> -> memref<1x128x128xf32, #tpu.memory_space<vmem>>
        %gather3A_1365 = tpu.memref_squeeze %gather3A_1364 : memref<1x128x128xf32, #tpu.memory_space<vmem>> -> memref<128x128xf32, #tpu.memory_space<vmem>>
        %gather3A_1366 = tpu.vector_load_idx %gather3A_1365[%add3A_578, %add3A_1360] : memref<128x128xf32, #tpu.memory_space<vmem>>[vector<16xi32>, vector<16xi32>], vector<16xf32>,
        %scatter3A_1367 = arith.constant 1 : i32
        %scatter3A_1368 = arith.constant 0 : i32
        %scatter3A_1369 = arith.constant 0 : i32
        %scatter3A_1370 = tpu.memref_slice %arg9[%scatter3A_1367, %scatter3A_1368, %scatter3A_1369] : memref<2x64x128xf32, #tpu.memory_space<vmem>> -> memref<1x64x128xf32, #tpu.memory_space<vmem>>
        %scatter3A_1371 = tpu.memref_squeeze %scatter3A_1370 : memref<1x64x128xf32, #tpu.memory_space<vmem>> -> memref<64x128xf32, #tpu.memory_space<vmem>>
        tpu.vector_store_idx %scatter3A_1371[%and3A_1287, %add3A_578], %gather3A_1366 : memref<64x128xf32, #tpu.memory_space<vmem>>[vector<16xi32>, vector<16xi32>], vector<16xf32>,
        %add3A_1372 = arith.addi %get3A_613, %and3A_1287 : vector<16xi32>
        %gather3A_1373 = arith.constant 1 : i32
        %gather3A_1374 = arith.constant 0 : i32
        %gather3A_1375 = arith.constant 0 : i32
        %gather3A_1376 = tpu.memref_slice %arg8[%gather3A_1373, %gather3A_1374, %gather3A_1375] : memref<2x128x128xf32, #tpu.memory_space<vmem>> -> memref<1x128x128xf32, #tpu.memory_space<vmem>>
        %gather3A_1377 = tpu.memref_squeeze %gather3A_1376 : memref<1x128x128xf32, #tpu.memory_space<vmem>> -> memref<128x128xf32, #tpu.memory_space<vmem>>
        %gather3A_1378 = tpu.vector_load_idx %gather3A_1377[%add3A_581, %add3A_1372] : memref<128x128xf32, #tpu.memory_space<vmem>>[vector<16xi32>, vector<16xi32>], vector<16xf32>,
        %scatter3A_1379 = arith.constant 1 : i32
        %scatter3A_1380 = arith.constant 0 : i32
        %scatter3A_1381 = arith.constant 0 : i32
        %scatter3A_1382 = tpu.memref_slice %arg9[%scatter3A_1379, %scatter3A_1380, %scatter3A_1381] : memref<2x64x128xf32, #tpu.memory_space<vmem>> -> memref<1x64x128xf32, #tpu.memory_space<vmem>>
        %scatter3A_1383 = tpu.memref_squeeze %scatter3A_1382 : memref<1x64x128xf32, #tpu.memory_space<vmem>> -> memref<64x128xf32, #tpu.memory_space<vmem>>
        tpu.vector_store_idx %scatter3A_1383[%and3A_1287, %add3A_581], %gather3A_1378 : memref<64x128xf32, #tpu.memory_space<vmem>>[vector<16xi32>, vector<16xi32>], vector<16xf32>,
        %mul3A_1384 = arith.constant 8 : i32
        %mul3A_1385 = arith.muli %mul3A_1384, %scan3A_650 : i32
        %add3A_1386 = arith.constant 7 : i32
        %add3A_1387 = arith.addi %mul3A_1385, %add3A_1386 : i32
        %add3A_1388 = vector.broadcast %add3A_1387 : i32 to vector<16xi32>
        %add3A_1389 = arith.addi %add3A_1388, %iota3A_557 : vector<16xi32>
        %and3A_1390 = arith.constant 63 : i32
        %and3A_1391 = vector.broadcast %and3A_1390 : i32 to vector<16xi32>
        %and3A_1392 = arith.andi %add3A_1389, %and3A_1391 : vector<16xi32>
        %add3A_1393 = arith.addi %get3A_585, %and3A_1392 : vector<16xi32>
        %gather3A_1394 = arith.constant 1 : i32
        %gather3A_1395 = arith.constant 0 : i32
        %gather3A_1396 = arith.constant 0 : i32
        %gather3A_1397 = tpu.memref_slice %arg8[%gather3A_1394, %gather3A_1395, %gather3A_1396] : memref<2x128x128xf32, #tpu.memory_space<vmem>> -> memref<1x128x128xf32, #tpu.memory_space<vmem>>
        %gather3A_1398 = tpu.memref_squeeze %gather3A_1397 : memref<1x128x128xf32, #tpu.memory_space<vmem>> -> memref<128x128xf32, #tpu.memory_space<vmem>>
        %gather3A_1399 = tpu.vector_load_idx %gather3A_1398[%add3A_560, %add3A_1393] : memref<128x128xf32, #tpu.memory_space<vmem>>[vector<16xi32>, vector<16xi32>], vector<16xf32>,
        %scatter3A_1400 = arith.constant 1 : i32
        %scatter3A_1401 = arith.constant 0 : i32
        %scatter3A_1402 = arith.constant 0 : i32
        %scatter3A_1403 = tpu.memref_slice %arg9[%scatter3A_1400, %scatter3A_1401, %scatter3A_1402] : memref<2x64x128xf32, #tpu.memory_space<vmem>> -> memref<1x64x128xf32, #tpu.memory_space<vmem>>
        %scatter3A_1404 = tpu.memref_squeeze %scatter3A_1403 : memref<1x64x128xf32, #tpu.memory_space<vmem>> -> memref<64x128xf32, #tpu.memory_space<vmem>>
        tpu.vector_store_idx %scatter3A_1404[%and3A_1392, %add3A_560], %gather3A_1399 : memref<64x128xf32, #tpu.memory_space<vmem>>[vector<16xi32>, vector<16xi32>], vector<16xf32>,
        %add3A_1405 = arith.addi %get3A_589, %and3A_1392 : vector<16xi32>
        %gather3A_1406 = arith.constant 1 : i32
        %gather3A_1407 = arith.constant 0 : i32
        %gather3A_1408 = arith.constant 0 : i32
        %gather3A_1409 = tpu.memref_slice %arg8[%gather3A_1406, %gather3A_1407, %gather3A_1408] : memref<2x128x128xf32, #tpu.memory_space<vmem>> -> memref<1x128x128xf32, #tpu.memory_space<vmem>>
        %gather3A_1410 = tpu.memref_squeeze %gather3A_1409 : memref<1x128x128xf32, #tpu.memory_space<vmem>> -> memref<128x128xf32, #tpu.memory_space<vmem>>
        %gather3A_1411 = tpu.vector_load_idx %gather3A_1410[%add3A_563, %add3A_1405] : memref<128x128xf32, #tpu.memory_space<vmem>>[vector<16xi32>, vector<16xi32>], vector<16xf32>,
        %scatter3A_1412 = arith.constant 1 : i32
        %scatter3A_1413 = arith.constant 0 : i32
        %scatter3A_1414 = arith.constant 0 : i32
        %scatter3A_1415 = tpu.memref_slice %arg9[%scatter3A_1412, %scatter3A_1413, %scatter3A_1414] : memref<2x64x128xf32, #tpu.memory_space<vmem>> -> memref<1x64x128xf32, #tpu.memory_space<vmem>>
        %scatter3A_1416 = tpu.memref_squeeze %scatter3A_1415 : memref<1x64x128xf32, #tpu.memory_space<vmem>> -> memref<64x128xf32, #tpu.memory_space<vmem>>
        tpu.vector_store_idx %scatter3A_1416[%and3A_1392, %add3A_563], %gather3A_1411 : memref<64x128xf32, #tpu.memory_space<vmem>>[vector<16xi32>, vector<16xi32>], vector<16xf32>,
        %add3A_1417 = arith.addi %get3A_593, %and3A_1392 : vector<16xi32>
        %gather3A_1418 = arith.constant 1 : i32
        %gather3A_1419 = arith.constant 0 : i32
        %gather3A_1420 = arith.constant 0 : i32
        %gather3A_1421 = tpu.memref_slice %arg8[%gather3A_1418, %gather3A_1419, %gather3A_1420] : memref<2x128x128xf32, #tpu.memory_space<vmem>> -> memref<1x128x128xf32, #tpu.memory_space<vmem>>
        %gather3A_1422 = tpu.memref_squeeze %gather3A_1421 : memref<1x128x128xf32, #tpu.memory_space<vmem>> -> memref<128x128xf32, #tpu.memory_space<vmem>>
        %gather3A_1423 = tpu.vector_load_idx %gather3A_1422[%add3A_566, %add3A_1417] : memref<128x128xf32, #tpu.memory_space<vmem>>[vector<16xi32>, vector<16xi32>], vector<16xf32>,
        %scatter3A_1424 = arith.constant 1 : i32
        %scatter3A_1425 = arith.constant 0 : i32
        %scatter3A_1426 = arith.constant 0 : i32
        %scatter3A_1427 = tpu.memref_slice %arg9[%scatter3A_1424, %scatter3A_1425, %scatter3A_1426] : memref<2x64x128xf32, #tpu.memory_space<vmem>> -> memref<1x64x128xf32, #tpu.memory_space<vmem>>
        %scatter3A_1428 = tpu.memref_squeeze %scatter3A_1427 : memref<1x64x128xf32, #tpu.memory_space<vmem>> -> memref<64x128xf32, #tpu.memory_space<vmem>>
        tpu.vector_store_idx %scatter3A_1428[%and3A_1392, %add3A_566], %gather3A_1423 : memref<64x128xf32, #tpu.memory_space<vmem>>[vector<16xi32>, vector<16xi32>], vector<16xf32>,
        %add3A_1429 = arith.addi %get3A_597, %and3A_1392 : vector<16xi32>
        %gather3A_1430 = arith.constant 1 : i32
        %gather3A_1431 = arith.constant 0 : i32
        %gather3A_1432 = arith.constant 0 : i32
        %gather3A_1433 = tpu.memref_slice %arg8[%gather3A_1430, %gather3A_1431, %gather3A_1432] : memref<2x128x128xf32, #tpu.memory_space<vmem>> -> memref<1x128x128xf32, #tpu.memory_space<vmem>>
        %gather3A_1434 = tpu.memref_squeeze %gather3A_1433 : memref<1x128x128xf32, #tpu.memory_space<vmem>> -> memref<128x128xf32, #tpu.memory_space<vmem>>
        %gather3A_1435 = tpu.vector_load_idx %gather3A_1434[%add3A_569, %add3A_1429] : memref<128x128xf32, #tpu.memory_space<vmem>>[vector<16xi32>, vector<16xi32>], vector<16xf32>,
        %scatter3A_1436 = arith.constant 1 : i32
        %scatter3A_1437 = arith.constant 0 : i32
        %scatter3A_1438 = arith.constant 0 : i32
        %scatter3A_1439 = tpu.memref_slice %arg9[%scatter3A_1436, %scatter3A_1437, %scatter3A_1438] : memref<2x64x128xf32, #tpu.memory_space<vmem>> -> memref<1x64x128xf32, #tpu.memory_space<vmem>>
        %scatter3A_1440 = tpu.memref_squeeze %scatter3A_1439 : memref<1x64x128xf32, #tpu.memory_space<vmem>> -> memref<64x128xf32, #tpu.memory_space<vmem>>
        tpu.vector_store_idx %scatter3A_1440[%and3A_1392, %add3A_569], %gather3A_1435 : memref<64x128xf32, #tpu.memory_space<vmem>>[vector<16xi32>, vector<16xi32>], vector<16xf32>,
        %add3A_1441 = arith.addi %get3A_601, %and3A_1392 : vector<16xi32>
        %gather3A_1442 = arith.constant 1 : i32
        %gather3A_1443 = arith.constant 0 : i32
        %gather3A_1444 = arith.constant 0 : i32
        %gather3A_1445 = tpu.memref_slice %arg8[%gather3A_1442, %gather3A_1443, %gather3A_1444] : memref<2x128x128xf32, #tpu.memory_space<vmem>> -> memref<1x128x128xf32, #tpu.memory_space<vmem>>
        %gather3A_1446 = tpu.memref_squeeze %gather3A_1445 : memref<1x128x128xf32, #tpu.memory_space<vmem>> -> memref<128x128xf32, #tpu.memory_space<vmem>>
        %gather3A_1447 = tpu.vector_load_idx %gather3A_1446[%add3A_572, %add3A_1441] : memref<128x128xf32, #tpu.memory_space<vmem>>[vector<16xi32>, vector<16xi32>], vector<16xf32>,
        %scatter3A_1448 = arith.constant 1 : i32
        %scatter3A_1449 = arith.constant 0 : i32
        %scatter3A_1450 = arith.constant 0 : i32
        %scatter3A_1451 = tpu.memref_slice %arg9[%scatter3A_1448, %scatter3A_1449, %scatter3A_1450] : memref<2x64x128xf32, #tpu.memory_space<vmem>> -> memref<1x64x128xf32, #tpu.memory_space<vmem>>
        %scatter3A_1452 = tpu.memref_squeeze %scatter3A_1451 : memref<1x64x128xf32, #tpu.memory_space<vmem>> -> memref<64x128xf32, #tpu.memory_space<vmem>>
        tpu.vector_store_idx %scatter3A_1452[%and3A_1392, %add3A_572], %gather3A_1447 : memref<64x128xf32, #tpu.memory_space<vmem>>[vector<16xi32>, vector<16xi32>], vector<16xf32>,
        %add3A_1453 = arith.addi %get3A_605, %and3A_1392 : vector<16xi32>
        %gather3A_1454 = arith.constant 1 : i32
        %gather3A_1455 = arith.constant 0 : i32
        %gather3A_1456 = arith.constant 0 : i32
        %gather3A_1457 = tpu.memref_slice %arg8[%gather3A_1454, %gather3A_1455, %gather3A_1456] : memref<2x128x128xf32, #tpu.memory_space<vmem>> -> memref<1x128x128xf32, #tpu.memory_space<vmem>>
        %gather3A_1458 = tpu.memref_squeeze %gather3A_1457 : memref<1x128x128xf32, #tpu.memory_space<vmem>> -> memref<128x128xf32, #tpu.memory_space<vmem>>
        %gather3A_1459 = tpu.vector_load_idx %gather3A_1458[%add3A_575, %add3A_1453] : memref<128x128xf32, #tpu.memory_space<vmem>>[vector<16xi32>, vector<16xi32>], vector<16xf32>,
        %scatter3A_1460 = arith.constant 1 : i32
        %scatter3A_1461 = arith.constant 0 : i32
        %scatter3A_1462 = arith.constant 0 : i32
        %scatter3A_1463 = tpu.memref_slice %arg9[%scatter3A_1460, %scatter3A_1461, %scatter3A_1462] : memref<2x64x128xf32, #tpu.memory_space<vmem>> -> memref<1x64x128xf32, #tpu.memory_space<vmem>>
        %scatter3A_1464 = tpu.memref_squeeze %scatter3A_1463 : memref<1x64x128xf32, #tpu.memory_space<vmem>> -> memref<64x128xf32, #tpu.memory_space<vmem>>
        tpu.vector_store_idx %scatter3A_1464[%and3A_1392, %add3A_575], %gather3A_1459 : memref<64x128xf32, #tpu.memory_space<vmem>>[vector<16xi32>, vector<16xi32>], vector<16xf32>,
        %add3A_1465 = arith.addi %get3A_609, %and3A_1392 : vector<16xi32>
        %gather3A_1466 = arith.constant 1 : i32
        %gather3A_1467 = arith.constant 0 : i32
        %gather3A_1468 = arith.constant 0 : i32
        %gather3A_1469 = tpu.memref_slice %arg8[%gather3A_1466, %gather3A_1467, %gather3A_1468] : memref<2x128x128xf32, #tpu.memory_space<vmem>> -> memref<1x128x128xf32, #tpu.memory_space<vmem>>
        %gather3A_1470 = tpu.memref_squeeze %gather3A_1469 : memref<1x128x128xf32, #tpu.memory_space<vmem>> -> memref<128x128xf32, #tpu.memory_space<vmem>>
        %gather3A_1471 = tpu.vector_load_idx %gather3A_1470[%add3A_578, %add3A_1465] : memref<128x128xf32, #tpu.memory_space<vmem>>[vector<16xi32>, vector<16xi32>], vector<16xf32>,
        %scatter3A_1472 = arith.constant 1 : i32
        %scatter3A_1473 = arith.constant 0 : i32
        %scatter3A_1474 = arith.constant 0 : i32
        %scatter3A_1475 = tpu.memref_slice %arg9[%scatter3A_1472, %scatter3A_1473, %scatter3A_1474] : memref<2x64x128xf32, #tpu.memory_space<vmem>> -> memref<1x64x128xf32, #tpu.memory_space<vmem>>
        %scatter3A_1476 = tpu.memref_squeeze %scatter3A_1475 : memref<1x64x128xf32, #tpu.memory_space<vmem>> -> memref<64x128xf32, #tpu.memory_space<vmem>>
        tpu.vector_store_idx %scatter3A_1476[%and3A_1392, %add3A_578], %gather3A_1471 : memref<64x128xf32, #tpu.memory_space<vmem>>[vector<16xi32>, vector<16xi32>], vector<16xf32>,
        %add3A_1477 = arith.addi %get3A_613, %and3A_1392 : vector<16xi32>
        %gather3A_1478 = arith.constant 1 : i32
        %gather3A_1479 = arith.constant 0 : i32
        %gather3A_1480 = arith.constant 0 : i32
        %gather3A_1481 = tpu.memref_slice %arg8[%gather3A_1478, %gather3A_1479, %gather3A_1480] : memref<2x128x128xf32, #tpu.memory_space<vmem>> -> memref<1x128x128xf32, #tpu.memory_space<vmem>>
        %gather3A_1482 = tpu.memref_squeeze %gather3A_1481 : memref<1x128x128xf32, #tpu.memory_space<vmem>> -> memref<128x128xf32, #tpu.memory_space<vmem>>
        %gather3A_1483 = tpu.vector_load_idx %gather3A_1482[%add3A_581, %add3A_1477] : memref<128x128xf32, #tpu.memory_space<vmem>>[vector<16xi32>, vector<16xi32>], vector<16xf32>,
        %scatter3A_1484 = arith.constant 1 : i32
        %scatter3A_1485 = arith.constant 0 : i32
        %scatter3A_1486 = arith.constant 0 : i32
        %scatter3A_1487 = tpu.memref_slice %arg9[%scatter3A_1484, %scatter3A_1485, %scatter3A_1486] : memref<2x64x128xf32, #tpu.memory_space<vmem>> -> memref<1x64x128xf32, #tpu.memory_space<vmem>>
        %scatter3A_1488 = tpu.memref_squeeze %scatter3A_1487 : memref<1x64x128xf32, #tpu.memory_space<vmem>> -> memref<64x128xf32, #tpu.memory_space<vmem>>
        tpu.vector_store_idx %scatter3A_1488[%and3A_1392, %add3A_581], %gather3A_1483 : memref<64x128xf32, #tpu.memory_space<vmem>>[vector<16xi32>, vector<16xi32>], vector<16xf32>,
      }
      %scan3A_619 = arith.constant 8 : i32
      %lt3A_620 = arith.constant 99 : i32
      %lt3A_621 = arith.cmpi slt, %scan3A_420, %lt3A_620 : i32
      %convert_element_type3A_622 = arith.extui %lt3A_621 : i1 to i32
      %cond3A_623 = arith.constant 0 : i32
      %cond3A_624 = arith.cmpi ne, %convert_element_type3A_622, %cond3A_623 : i32
      scf.if %cond3A_624 {
        %add3A_650 = arith.constant 2 : i32
        %add3A_651 = arith.addi %add3A_536, %add3A_650 : i32
        %get3A_652 = arith.index_cast %add3A_651 : i32 to index
        %get3A_653 = arith.constant 0 : index
        %get3A_654 = tpu.vector_load %arg5[%get3A_652, %get3A_653] {strides = array<i32>} : memref<200x128xi32, #tpu.memory_space<vmem>>, vector<16xi32>,
        %shift_right_arithmetic3A_655 = arith.constant 1 : i32
        %shift_right_arithmetic3A_656 = vector.broadcast %shift_right_arithmetic3A_655 : i32 to vector<16xi32>
        %shift_right_arithmetic3A_657 = arith.shrsi %get3A_654, %shift_right_arithmetic3A_656 : vector<16xi32>
        %swap3A_658 = arith.constant 1 : i32
        %swap3A_659 = arith.index_cast %swap3A_658 : i32 to index
        %swap3A_660 = arith.constant 0 : index
        %swap3A_661 = tpu.vector_load %arg6[%swap3A_659, %swap3A_660] {strides = array<i32>} : memref<2x128xi32, #tpu.memory_space<vmem>>, vector<16xi32>,
        tpu.vector_store %arg6[%swap3A_659, %swap3A_660], %shift_right_arithmetic3A_657 {strides = array<i32>} : memref<2x128xi32, #tpu.memory_space<vmem>>, vector<16xi32>,
        %and3A_662 = arith.constant 1 : i32
        %and3A_663 = vector.broadcast %and3A_662 : i32 to vector<16xi32>
        %and3A_664 = arith.andi %get3A_654, %and3A_663 : vector<16xi32>
        %mul3A_665 = arith.constant 64 : i32
        %mul3A_666 = vector.broadcast %mul3A_665 : i32 to vector<16xi32>
        %mul3A_667 = arith.muli %and3A_664, %mul3A_666 : vector<16xi32>
        %swap3A_668 = arith.constant 1 : i32
        %swap3A_669 = arith.index_cast %swap3A_668 : i32 to index
        %swap3A_670 = arith.constant 0 : index
        %swap3A_671 = tpu.vector_load %arg7[%swap3A_669, %swap3A_670] {strides = array<i32>} : memref<2x128xi32, #tpu.memory_space<vmem>>, vector<16xi32>,
        tpu.vector_store %arg7[%swap3A_669, %swap3A_670], %mul3A_667 {strides = array<i32>} : memref<2x128xi32, #tpu.memory_space<vmem>>, vector<16xi32>,
        %get3A_672 = arith.index_cast %add3A_651 : i32 to index
        %get3A_673 = arith.constant 16 : index
        %get3A_674 = tpu.vector_load %arg5[%get3A_672, %get3A_673] {strides = array<i32>} : memref<200x128xi32, #tpu.memory_space<vmem>>, vector<16xi32>,
        %shift_right_arithmetic3A_675 = arith.constant 1 : i32
        %shift_right_arithmetic3A_676 = vector.broadcast %shift_right_arithmetic3A_675 : i32 to vector<16xi32>
        %shift_right_arithmetic3A_677 = arith.shrsi %get3A_674, %shift_right_arithmetic3A_676 : vector<16xi32>
        %swap3A_678 = arith.constant 1 : i32
        %swap3A_679 = arith.index_cast %swap3A_678 : i32 to index
        %swap3A_680 = arith.constant 16 : index
        %swap3A_681 = tpu.vector_load %arg6[%swap3A_679, %swap3A_680] {strides = array<i32>} : memref<2x128xi32, #tpu.memory_space<vmem>>, vector<16xi32>,
        tpu.vector_store %arg6[%swap3A_679, %swap3A_680], %shift_right_arithmetic3A_677 {strides = array<i32>} : memref<2x128xi32, #tpu.memory_space<vmem>>, vector<16xi32>,
        %and3A_682 = arith.constant 1 : i32
        %and3A_683 = vector.broadcast %and3A_682 : i32 to vector<16xi32>
        %and3A_684 = arith.andi %get3A_674, %and3A_683 : vector<16xi32>
        %mul3A_685 = arith.constant 64 : i32
        %mul3A_686 = vector.broadcast %mul3A_685 : i32 to vector<16xi32>
        %mul3A_687 = arith.muli %and3A_684, %mul3A_686 : vector<16xi32>
        %swap3A_688 = arith.constant 1 : i32
        %swap3A_689 = arith.index_cast %swap3A_688 : i32 to index
        %swap3A_690 = arith.constant 16 : index
        %swap3A_691 = tpu.vector_load %arg7[%swap3A_689, %swap3A_690] {strides = array<i32>} : memref<2x128xi32, #tpu.memory_space<vmem>>, vector<16xi32>,
        tpu.vector_store %arg7[%swap3A_689, %swap3A_690], %mul3A_687 {strides = array<i32>} : memref<2x128xi32, #tpu.memory_space<vmem>>, vector<16xi32>,
        %get3A_692 = arith.index_cast %add3A_651 : i32 to index
        %get3A_693 = arith.constant 32 : index
        %get3A_694 = tpu.vector_load %arg5[%get3A_692, %get3A_693] {strides = array<i32>} : memref<200x128xi32, #tpu.memory_space<vmem>>, vector<16xi32>,
        %shift_right_arithmetic3A_695 = arith.constant 1 : i32
        %shift_right_arithmetic3A_696 = vector.broadcast %shift_right_arithmetic3A_695 : i32 to vector<16xi32>
        %shift_right_arithmetic3A_697 = arith.shrsi %get3A_694, %shift_right_arithmetic3A_696 : vector<16xi32>
        %swap3A_698 = arith.constant 1 : i32
        %swap3A_699 = arith.index_cast %swap3A_698 : i32 to index
        %swap3A_700 = arith.constant 32 : index
        %swap3A_701 = tpu.vector_load %arg6[%swap3A_699, %swap3A_700] {strides = array<i32>} : memref<2x128xi32, #tpu.memory_space<vmem>>, vector<16xi32>,
        tpu.vector_store %arg6[%swap3A_699, %swap3A_700], %shift_right_arithmetic3A_697 {strides = array<i32>} : memref<2x128xi32, #tpu.memory_space<vmem>>, vector<16xi32>,
        %and3A_702 = arith.constant 1 : i32
        %and3A_703 = vector.broadcast %and3A_702 : i32 to vector<16xi32>
        %and3A_704 = arith.andi %get3A_694, %and3A_703 : vector<16xi32>
        %mul3A_705 = arith.constant 64 : i32
        %mul3A_706 = vector.broadcast %mul3A_705 : i32 to vector<16xi32>
        %mul3A_707 = arith.muli %and3A_704, %mul3A_706 : vector<16xi32>
        %swap3A_708 = arith.constant 1 : i32
        %swap3A_709 = arith.index_cast %swap3A_708 : i32 to index
        %swap3A_710 = arith.constant 32 : index
        %swap3A_711 = tpu.vector_load %arg7[%swap3A_709, %swap3A_710] {strides = array<i32>} : memref<2x128xi32, #tpu.memory_space<vmem>>, vector<16xi32>,
        tpu.vector_store %arg7[%swap3A_709, %swap3A_710], %mul3A_707 {strides = array<i32>} : memref<2x128xi32, #tpu.memory_space<vmem>>, vector<16xi32>,
        %get3A_712 = arith.index_cast %add3A_651 : i32 to index
        %get3A_713 = arith.constant 48 : index
        %get3A_714 = tpu.vector_load %arg5[%get3A_712, %get3A_713] {strides = array<i32>} : memref<200x128xi32, #tpu.memory_space<vmem>>, vector<16xi32>,
        %shift_right_arithmetic3A_715 = arith.constant 1 : i32
        %shift_right_arithmetic3A_716 = vector.broadcast %shift_right_arithmetic3A_715 : i32 to vector<16xi32>
        %shift_right_arithmetic3A_717 = arith.shrsi %get3A_714, %shift_right_arithmetic3A_716 : vector<16xi32>
        %swap3A_718 = arith.constant 1 : i32
        %swap3A_719 = arith.index_cast %swap3A_718 : i32 to index
        %swap3A_720 = arith.constant 48 : index
        %swap3A_721 = tpu.vector_load %arg6[%swap3A_719, %swap3A_720] {strides = array<i32>} : memref<2x128xi32, #tpu.memory_space<vmem>>, vector<16xi32>,
        tpu.vector_store %arg6[%swap3A_719, %swap3A_720], %shift_right_arithmetic3A_717 {strides = array<i32>} : memref<2x128xi32, #tpu.memory_space<vmem>>, vector<16xi32>,
        %and3A_722 = arith.constant 1 : i32
        %and3A_723 = vector.broadcast %and3A_722 : i32 to vector<16xi32>
        %and3A_724 = arith.andi %get3A_714, %and3A_723 : vector<16xi32>
        %mul3A_725 = arith.constant 64 : i32
        %mul3A_726 = vector.broadcast %mul3A_725 : i32 to vector<16xi32>
        %mul3A_727 = arith.muli %and3A_724, %mul3A_726 : vector<16xi32>
        %swap3A_728 = arith.constant 1 : i32
        %swap3A_729 = arith.index_cast %swap3A_728 : i32 to index
        %swap3A_730 = arith.constant 48 : index
        %swap3A_731 = tpu.vector_load %arg7[%swap3A_729, %swap3A_730] {strides = array<i32>} : memref<2x128xi32, #tpu.memory_space<vmem>>, vector<16xi32>,
        tpu.vector_store %arg7[%swap3A_729, %swap3A_730], %mul3A_727 {strides = array<i32>} : memref<2x128xi32, #tpu.memory_space<vmem>>, vector<16xi32>,
        %get3A_732 = arith.index_cast %add3A_651 : i32 to index
        %get3A_733 = arith.constant 64 : index
        %get3A_734 = tpu.vector_load %arg5[%get3A_732, %get3A_733] {strides = array<i32>} : memref<200x128xi32, #tpu.memory_space<vmem>>, vector<16xi32>,
        %shift_right_arithmetic3A_735 = arith.constant 1 : i32
        %shift_right_arithmetic3A_736 = vector.broadcast %shift_right_arithmetic3A_735 : i32 to vector<16xi32>
        %shift_right_arithmetic3A_737 = arith.shrsi %get3A_734, %shift_right_arithmetic3A_736 : vector<16xi32>
        %swap3A_738 = arith.constant 1 : i32
        %swap3A_739 = arith.index_cast %swap3A_738 : i32 to index
        %swap3A_740 = arith.constant 64 : index
        %swap3A_741 = tpu.vector_load %arg6[%swap3A_739, %swap3A_740] {strides = array<i32>} : memref<2x128xi32, #tpu.memory_space<vmem>>, vector<16xi32>,
        tpu.vector_store %arg6[%swap3A_739, %swap3A_740], %shift_right_arithmetic3A_737 {strides = array<i32>} : memref<2x128xi32, #tpu.memory_space<vmem>>, vector<16xi32>,
        %and3A_742 = arith.constant 1 : i32
        %and3A_743 = vector.broadcast %and3A_742 : i32 to vector<16xi32>
        %and3A_744 = arith.andi %get3A_734, %and3A_743 : vector<16xi32>
        %mul3A_745 = arith.constant 64 : i32
        %mul3A_746 = vector.broadcast %mul3A_745 : i32 to vector<16xi32>
        %mul3A_747 = arith.muli %and3A_744, %mul3A_746 : vector<16xi32>
        %swap3A_748 = arith.constant 1 : i32
        %swap3A_749 = arith.index_cast %swap3A_748 : i32 to index
        %swap3A_750 = arith.constant 64 : index
        %swap3A_751 = tpu.vector_load %arg7[%swap3A_749, %swap3A_750] {strides = array<i32>} : memref<2x128xi32, #tpu.memory_space<vmem>>, vector<16xi32>,
        tpu.vector_store %arg7[%swap3A_749, %swap3A_750], %mul3A_747 {strides = array<i32>} : memref<2x128xi32, #tpu.memory_space<vmem>>, vector<16xi32>,
        %get3A_752 = arith.index_cast %add3A_651 : i32 to index
        %get3A_753 = arith.constant 80 : index
        %get3A_754 = tpu.vector_load %arg5[%get3A_752, %get3A_753] {strides = array<i32>} : memref<200x128xi32, #tpu.memory_space<vmem>>, vector<16xi32>,
        %shift_right_arithmetic3A_755 = arith.constant 1 : i32
        %shift_right_arithmetic3A_756 = vector.broadcast %shift_right_arithmetic3A_755 : i32 to vector<16xi32>
        %shift_right_arithmetic3A_757 = arith.shrsi %get3A_754, %shift_right_arithmetic3A_756 : vector<16xi32>
        %swap3A_758 = arith.constant 1 : i32
        %swap3A_759 = arith.index_cast %swap3A_758 : i32 to index
        %swap3A_760 = arith.constant 80 : index
        %swap3A_761 = tpu.vector_load %arg6[%swap3A_759, %swap3A_760] {strides = array<i32>} : memref<2x128xi32, #tpu.memory_space<vmem>>, vector<16xi32>,
        tpu.vector_store %arg6[%swap3A_759, %swap3A_760], %shift_right_arithmetic3A_757 {strides = array<i32>} : memref<2x128xi32, #tpu.memory_space<vmem>>, vector<16xi32>,
        %and3A_762 = arith.constant 1 : i32
        %and3A_763 = vector.broadcast %and3A_762 : i32 to vector<16xi32>
        %and3A_764 = arith.andi %get3A_754, %and3A_763 : vector<16xi32>
        %mul3A_765 = arith.constant 64 : i32
        %mul3A_766 = vector.broadcast %mul3A_765 : i32 to vector<16xi32>
        %mul3A_767 = arith.muli %and3A_764, %mul3A_766 : vector<16xi32>
        %swap3A_768 = arith.constant 1 : i32
        %swap3A_769 = arith.index_cast %swap3A_768 : i32 to index
        %swap3A_770 = arith.constant 80 : index
        %swap3A_771 = tpu.vector_load %arg7[%swap3A_769, %swap3A_770] {strides = array<i32>} : memref<2x128xi32, #tpu.memory_space<vmem>>, vector<16xi32>,
        tpu.vector_store %arg7[%swap3A_769, %swap3A_770], %mul3A_767 {strides = array<i32>} : memref<2x128xi32, #tpu.memory_space<vmem>>, vector<16xi32>,
        %get3A_772 = arith.index_cast %add3A_651 : i32 to index
        %get3A_773 = arith.constant 96 : index
        %get3A_774 = tpu.vector_load %arg5[%get3A_772, %get3A_773] {strides = array<i32>} : memref<200x128xi32, #tpu.memory_space<vmem>>, vector<16xi32>,
        %shift_right_arithmetic3A_775 = arith.constant 1 : i32
        %shift_right_arithmetic3A_776 = vector.broadcast %shift_right_arithmetic3A_775 : i32 to vector<16xi32>
        %shift_right_arithmetic3A_777 = arith.shrsi %get3A_774, %shift_right_arithmetic3A_776 : vector<16xi32>
        %swap3A_778 = arith.constant 1 : i32
        %swap3A_779 = arith.index_cast %swap3A_778 : i32 to index
        %swap3A_780 = arith.constant 96 : index
        %swap3A_781 = tpu.vector_load %arg6[%swap3A_779, %swap3A_780] {strides = array<i32>} : memref<2x128xi32, #tpu.memory_space<vmem>>, vector<16xi32>,
        tpu.vector_store %arg6[%swap3A_779, %swap3A_780], %shift_right_arithmetic3A_777 {strides = array<i32>} : memref<2x128xi32, #tpu.memory_space<vmem>>, vector<16xi32>,
        %and3A_782 = arith.constant 1 : i32
        %and3A_783 = vector.broadcast %and3A_782 : i32 to vector<16xi32>
        %and3A_784 = arith.andi %get3A_774, %and3A_783 : vector<16xi32>
        %mul3A_785 = arith.constant 64 : i32
        %mul3A_786 = vector.broadcast %mul3A_785 : i32 to vector<16xi32>
        %mul3A_787 = arith.muli %and3A_784, %mul3A_786 : vector<16xi32>
        %swap3A_788 = arith.constant 1 : i32
        %swap3A_789 = arith.index_cast %swap3A_788 : i32 to index
        %swap3A_790 = arith.constant 96 : index
        %swap3A_791 = tpu.vector_load %arg7[%swap3A_789, %swap3A_790] {strides = array<i32>} : memref<2x128xi32, #tpu.memory_space<vmem>>, vector<16xi32>,
        tpu.vector_store %arg7[%swap3A_789, %swap3A_790], %mul3A_787 {strides = array<i32>} : memref<2x128xi32, #tpu.memory_space<vmem>>, vector<16xi32>,
        %get3A_792 = arith.index_cast %add3A_651 : i32 to index
        %get3A_793 = arith.constant 112 : index
        %get3A_794 = tpu.vector_load %arg5[%get3A_792, %get3A_793] {strides = array<i32>} : memref<200x128xi32, #tpu.memory_space<vmem>>, vector<16xi32>,
        %shift_right_arithmetic3A_795 = arith.constant 1 : i32
        %shift_right_arithmetic3A_796 = vector.broadcast %shift_right_arithmetic3A_795 : i32 to vector<16xi32>
        %shift_right_arithmetic3A_797 = arith.shrsi %get3A_794, %shift_right_arithmetic3A_796 : vector<16xi32>
        %swap3A_798 = arith.constant 1 : i32
        %swap3A_799 = arith.index_cast %swap3A_798 : i32 to index
        %swap3A_800 = arith.constant 112 : index
        %swap3A_801 = tpu.vector_load %arg6[%swap3A_799, %swap3A_800] {strides = array<i32>} : memref<2x128xi32, #tpu.memory_space<vmem>>, vector<16xi32>,
        tpu.vector_store %arg6[%swap3A_799, %swap3A_800], %shift_right_arithmetic3A_797 {strides = array<i32>} : memref<2x128xi32, #tpu.memory_space<vmem>>, vector<16xi32>,
        %and3A_802 = arith.constant 1 : i32
        %and3A_803 = vector.broadcast %and3A_802 : i32 to vector<16xi32>
        %and3A_804 = arith.andi %get3A_794, %and3A_803 : vector<16xi32>
        %mul3A_805 = arith.constant 64 : i32
        %mul3A_806 = vector.broadcast %mul3A_805 : i32 to vector<16xi32>
        %mul3A_807 = arith.muli %and3A_804, %mul3A_806 : vector<16xi32>
        %swap3A_808 = arith.constant 1 : i32
        %swap3A_809 = arith.index_cast %swap3A_808 : i32 to index
        %swap3A_810 = arith.constant 112 : index
        %swap3A_811 = tpu.vector_load %arg7[%swap3A_809, %swap3A_810] {strides = array<i32>} : memref<2x128xi32, #tpu.memory_space<vmem>>, vector<16xi32>,
        tpu.vector_store %arg7[%swap3A_809, %swap3A_810], %mul3A_807 {strides = array<i32>} : memref<2x128xi32, #tpu.memory_space<vmem>>, vector<16xi32>,
        %add3A_812 = arith.constant 2 : i32
        %add3A_813 = arith.addi %add3A_536, %add3A_812 : i32
        %dma_start3A_814 = arith.constant 1 : i32
        %dma_start3A_815 = arith.constant 1 : i32
        %dma_start3A_816 = arith.constant 1 : i32
        %dma_start3A_817 = arith.constant 0 : i32
        %dma_start3A_818 = arith.constant 0 : i32
        %dma_start3A_819 = tpu.memref_slice %arg8[%dma_start3A_815, %dma_start3A_817, %dma_start3A_818] : memref<2x128x128xf32, #tpu.memory_space<vmem>> -> memref<1x128x128xf32, #tpu.memory_space<vmem>>
        %dma_start3A_820 = tpu.memref_squeeze %dma_start3A_819 : memref<1x128x128xf32, #tpu.memory_space<vmem>> -> memref<128x128xf32, #tpu.memory_space<vmem>>
        %dma_start3A_821 = arith.constant 0 : i32
        %dma_start3A_822 = tpu.memref_slice %arg6[%dma_start3A_814, %dma_start3A_821] : memref<2x128xi32, #tpu.memory_space<vmem>> -> memref<1x128xi32, #tpu.memory_space<vmem>>
        %dma_start3A_823 = tpu.memref_squeeze %dma_start3A_822 : memref<1x128xi32, #tpu.memory_space<vmem>> -> memref<128xi32, #tpu.memory_space<vmem>>
        %dma_start3A_824 = arith.constant 0 : i32
        %dma_start3A_825 = arith.constant 0 : i32
        %dma_start3A_826 = tpu.memref_slice %arg3[%dma_start3A_824, %dma_start3A_825] : memref<500000x128xf32, #tpu.memory_space<hbm>> -> memref<500000x128xf32, #tpu.memory_space<hbm>>
        %dma_start3A_827 = tpu.memref_slice %arg10[%dma_start3A_816] : memref<2x!tpu.dma_semaphore, #tpu.memory_space<semaphore_mem>> -> memref<1x!tpu.dma_semaphore, #tpu.memory_space<semaphore_mem>>
        %dma_start3A_828 = tpu.memref_squeeze %dma_start3A_827 : memref<1x!tpu.dma_semaphore, #tpu.memory_space<semaphore_mem>> -> memref<!tpu.dma_semaphore, #tpu.memory_space<semaphore_mem>>
        tpu.enqueue_indirect_dma source(%dma_start3A_826 : memref<500000x128xf32, #tpu.memory_space<hbm>>) target(%dma_start3A_820 : memref<128x128xf32, #tpu.memory_space<vmem>>) offsets(%dma_start3A_823 : memref<128xi32, #tpu.memory_space<vmem>>) semaphore(%dma_start3A_828 : memref<!tpu.dma_semaphore, #tpu.memory_space<semaphore_mem>>)
      } else {
      }
      %add3A_625 = arith.addi %mul3A_2, %add3A_536 : i32
      %shift_right_arithmetic3A_626 = arith.constant 7 : i32
      %shift_right_arithmetic3A_627 = arith.shrsi %add3A_625, %shift_right_arithmetic3A_626 : i32
      %and3A_628 = arith.constant 127 : i32
      %and3A_629 = arith.andi %add3A_625, %and3A_628 : i32
      %mul3A_630 = arith.constant 128 : i32
      %mul3A_631 = arith.muli %and3A_629, %mul3A_630 : i32
      %dma_start3A_632 = arith.constant 1 : i32
      %dma_start3A_633 = arith.constant 1 : i32
      %dma_start3A_634 = arith.constant 0 : i32
      %dma_start3A_635 = arith.constant 0 : i32
      %dma_start3A_636 = tpu.memref_slice %arg9[%dma_start3A_632, %dma_start3A_634, %dma_start3A_635] : memref<2x64x128xf32, #tpu.memory_space<vmem>> -> memref<1x64x128xf32, #tpu.memory_space<vmem>>
      %dma_start3A_637 = tpu.memref_squeeze %dma_start3A_636 : memref<1x64x128xf32, #tpu.memory_space<vmem>> -> memref<64x128xf32, #tpu.memory_space<vmem>>
      %dma_start3A_638 = arith.constant 0 : i32
      %dma_start3A_639 = tpu.memref_slice %arg4[%shift_right_arithmetic3A_627, %dma_start3A_638, %mul3A_631] : memref<50x64x16384xf32, #tpu.memory_space<hbm>> -> memref<1x64x128xf32, #tpu.memory_space<hbm>>
      %dma_start3A_640 = tpu.memref_squeeze %dma_start3A_639 : memref<1x64x128xf32, #tpu.memory_space<hbm>> -> memref<64x128xf32, #tpu.memory_space<hbm>>
      %dma_start3A_641 = tpu.memref_slice %arg11[%dma_start3A_633] : memref<2x!tpu.dma_semaphore, #tpu.memory_space<semaphore_mem>> -> memref<1x!tpu.dma_semaphore, #tpu.memory_space<semaphore_mem>>
      %dma_start3A_642 = tpu.memref_squeeze %dma_start3A_641 : memref<1x!tpu.dma_semaphore, #tpu.memory_space<semaphore_mem>> -> memref<!tpu.dma_semaphore, #tpu.memory_space<semaphore_mem>>
      %dma_start3A_643 = arith.constant 0 : i32
      %dma_start3A_644 = tpu.memref_slice %arg4[%shift_right_arithmetic3A_627, %dma_start3A_643, %mul3A_631] : memref<50x64x16384xf32, #tpu.memory_space<hbm>> -> memref<1x64x128xf32, #tpu.memory_space<hbm>>
      %dma_start3A_645 = tpu.memref_squeeze %dma_start3A_644 : memref<1x64x128xf32, #tpu.memory_space<hbm>> -> memref<64x128xf32, #tpu.memory_space<hbm>>
      %dma_start3A_646 = arith.constant 0 : i32
      %dma_start3A_647 = arith.constant 0 : i32
      %dma_start3A_648 = tpu.memref_slice %arg9[%dma_start3A_632, %dma_start3A_646, %dma_start3A_647] : memref<2x64x128xf32, #tpu.memory_space<vmem>> -> memref<1x64x128xf32, #tpu.memory_space<vmem>>
      %dma_start3A_649 = tpu.memref_squeeze %dma_start3A_648 : memref<1x64x128xf32, #tpu.memory_space<vmem>> -> memref<64x128xf32, #tpu.memory_space<vmem>>
      tpu.enqueue_dma source(%dma_start3A_649 : memref<64x128xf32, #tpu.memory_space<vmem>>) target(%dma_start3A_645 : memref<64x128xf32, #tpu.memory_space<hbm>>) target_semaphore(%dma_start3A_642 : memref<!tpu.dma_semaphore, #tpu.memory_space<semaphore_mem>>)
    }
    %scan3A_368 = arith.constant 100 : i32
    %add3A_369 = arith.constant 198 : i32
    %add3A_370 = arith.addi %mul3A_2, %add3A_369 : i32
    %shift_right_arithmetic3A_371 = arith.constant 7 : i32
    %shift_right_arithmetic3A_372 = arith.shrsi %add3A_370, %shift_right_arithmetic3A_371 : i32
    %and3A_373 = arith.constant 127 : i32
    %and3A_374 = arith.andi %add3A_370, %and3A_373 : i32
    %mul3A_375 = arith.constant 128 : i32
    %mul3A_376 = arith.muli %and3A_374, %mul3A_375 : i32
    %dma_wait3A = arith.constant 0 : i32
    %dma_wait3A_377 = arith.constant 0 : i32
    %dma_wait3A_378 = arith.constant 0 : i32
    %dma_wait3A_379 = arith.constant 0 : i32
    %dma_wait3A_380 = tpu.memref_slice %arg9[%dma_wait3A, %dma_wait3A_378, %dma_wait3A_379] : memref<2x64x128xf32, #tpu.memory_space<vmem>> -> memref<1x64x128xf32, #tpu.memory_space<vmem>>
    %dma_wait3A_381 = tpu.memref_squeeze %dma_wait3A_380 : memref<1x64x128xf32, #tpu.memory_space<vmem>> -> memref<64x128xf32, #tpu.memory_space<vmem>>
    %dma_wait3A_382 = arith.constant 0 : i32
    %dma_wait3A_383 = tpu.memref_slice %arg4[%shift_right_arithmetic3A_372, %dma_wait3A_382, %mul3A_376] : memref<50x64x16384xf32, #tpu.memory_space<hbm>> -> memref<1x64x128xf32, #tpu.memory_space<hbm>>
    %dma_wait3A_384 = tpu.memref_squeeze %dma_wait3A_383 : memref<1x64x128xf32, #tpu.memory_space<hbm>> -> memref<64x128xf32, #tpu.memory_space<hbm>>
    %dma_wait3A_385 = tpu.memref_slice %arg11[%dma_wait3A_377] : memref<2x!tpu.dma_semaphore, #tpu.memory_space<semaphore_mem>> -> memref<1x!tpu.dma_semaphore, #tpu.memory_space<semaphore_mem>>
    %dma_wait3A_386 = tpu.memref_squeeze %dma_wait3A_385 : memref<1x!tpu.dma_semaphore, #tpu.memory_space<semaphore_mem>> -> memref<!tpu.dma_semaphore, #tpu.memory_space<semaphore_mem>>
    %dma_wait3A_387 = arith.constant 0 : i32
    %dma_wait3A_388 = tpu.memref_slice %arg4[%shift_right_arithmetic3A_372, %dma_wait3A_387, %mul3A_376] : memref<50x64x16384xf32, #tpu.memory_space<hbm>> -> memref<1x64x128xf32, #tpu.memory_space<hbm>>
    %dma_wait3A_389 = tpu.memref_squeeze %dma_wait3A_388 : memref<1x64x128xf32, #tpu.memory_space<hbm>> -> memref<64x128xf32, #tpu.memory_space<hbm>>
    %dma_wait3A_390 = arith.constant 0 : i32
    %dma_wait3A_391 = arith.constant 0 : i32
    %dma_wait3A_392 = tpu.memref_slice %arg9[%dma_wait3A, %dma_wait3A_390, %dma_wait3A_391] : memref<2x64x128xf32, #tpu.memory_space<vmem>> -> memref<1x64x128xf32, #tpu.memory_space<vmem>>
    %dma_wait3A_393 = tpu.memref_squeeze %dma_wait3A_392 : memref<1x64x128xf32, #tpu.memory_space<vmem>> -> memref<64x128xf32, #tpu.memory_space<vmem>>
    tpu.wait_dma2 semaphore(%dma_wait3A_386 : memref<!tpu.dma_semaphore, #tpu.memory_space<semaphore_mem>>) src(%dma_wait3A_393 : memref<64x128xf32, #tpu.memory_space<vmem>>) dst(%dma_wait3A_389 : memref<64x128xf32, #tpu.memory_space<hbm>>)
    %add3A_394 = arith.constant 199 : i32
    %add3A_395 = arith.addi %mul3A_2, %add3A_394 : i32
    %shift_right_arithmetic3A_396 = arith.constant 7 : i32
    %shift_right_arithmetic3A_397 = arith.shrsi %add3A_395, %shift_right_arithmetic3A_396 : i32
    %and3A_398 = arith.constant 127 : i32
    %and3A_399 = arith.andi %add3A_395, %and3A_398 : i32
    %mul3A_400 = arith.constant 128 : i32
    %mul3A_401 = arith.muli %and3A_399, %mul3A_400 : i32
    %dma_wait3A_402 = arith.constant 1 : i32
    %dma_wait3A_403 = arith.constant 1 : i32
    %dma_wait3A_404 = arith.constant 0 : i32
    %dma_wait3A_405 = arith.constant 0 : i32
    %dma_wait3A_406 = tpu.memref_slice %arg9[%dma_wait3A_402, %dma_wait3A_404, %dma_wait3A_405] : memref<2x64x128xf32, #tpu.memory_space<vmem>> -> memref<1x64x128xf32, #tpu.memory_space<vmem>>
    %dma_wait3A_407 = tpu.memref_squeeze %dma_wait3A_406 : memref<1x64x128xf32, #tpu.memory_space<vmem>> -> memref<64x128xf32, #tpu.memory_space<vmem>>
    %dma_wait3A_408 = arith.constant 0 : i32
    %dma_wait3A_409 = tpu.memref_slice %arg4[%shift_right_arithmetic3A_397, %dma_wait3A_408, %mul3A_401] : memref<50x64x16384xf32, #tpu.memory_space<hbm>> -> memref<1x64x128xf32, #tpu.memory_space<hbm>>
    %dma_wait3A_410 = tpu.memref_squeeze %dma_wait3A_409 : memref<1x64x128xf32, #tpu.memory_space<hbm>> -> memref<64x128xf32, #tpu.memory_space<hbm>>
    %dma_wait3A_411 = tpu.memref_slice %arg11[%dma_wait3A_403] : memref<2x!tpu.dma_semaphore, #tpu.memory_space<semaphore_mem>> -> memref<1x!tpu.dma_semaphore, #tpu.memory_space<semaphore_mem>>
    %dma_wait3A_412 = tpu.memref_squeeze %dma_wait3A_411 : memref<1x!tpu.dma_semaphore, #tpu.memory_space<semaphore_mem>> -> memref<!tpu.dma_semaphore, #tpu.memory_space<semaphore_mem>>
    %dma_wait3A_413 = arith.constant 0 : i32
    %dma_wait3A_414 = tpu.memref_slice %arg4[%shift_right_arithmetic3A_397, %dma_wait3A_413, %mul3A_401] : memref<50x64x16384xf32, #tpu.memory_space<hbm>> -> memref<1x64x128xf32, #tpu.memory_space<hbm>>
    %dma_wait3A_415 = tpu.memref_squeeze %dma_wait3A_414 : memref<1x64x128xf32, #tpu.memory_space<hbm>> -> memref<64x128xf32, #tpu.memory_space<hbm>>
    %dma_wait3A_416 = arith.constant 0 : i32
    %dma_wait3A_417 = arith.constant 0 : i32
    %dma_wait3A_418 = tpu.memref_slice %arg9[%dma_wait3A_402, %dma_wait3A_416, %dma_wait3A_417] : memref<2x64x128xf32, #tpu.memory_space<vmem>> -> memref<1x64x128xf32, #tpu.memory_space<vmem>>
    %dma_wait3A_419 = tpu.memref_squeeze %dma_wait3A_418 : memref<1x64x128xf32, #tpu.memory_space<vmem>> -> memref<64x128xf32, #tpu.memory_space<vmem>>
    tpu.wait_dma2 semaphore(%dma_wait3A_412 : memref<!tpu.dma_semaphore, #tpu.memory_space<semaphore_mem>>) src(%dma_wait3A_419 : memref<64x128xf32, #tpu.memory_space<vmem>>) dst(%dma_wait3A_415 : memref<64x128xf32, #tpu.memory_space<hbm>>)
    return
  }
}

</mosaic_0001>

<sc_bundles>
// kernel: kernel.3.cloned.1.call-start
scs
__scs_entry_jumppad:
0x0: {  	(pc) =	sbr.rel $0x88, $3  }
0x1: {  	(tag) =	ssettag $0x0;
	lr =	simm.s32 $0x1  }
0x2: {  	[smem:$0x3F9F] =	sst lr;
	_ =	strace $0xD0000000  }
0x3: {  	_ = 	snop  }
0x4: {  	_ = 	snop  }
0x5: {  	_ = 	snop  }
0x6: {  	_ = 	snop  }
0x7: {  	_ = 	snop  }
__scs_overlays_trampoline_lowered:
0x8: {  	[smem:$0x3FAE] =	sst s0  }
0x9: {  	[smem:$0x3FAF] =	sst s1  }
0xa: {  	[smem:$0x3FB0] =	sst s2  }
0xb: {  	[smem:$0x3FB1] =	sst s3  }
0xc: {  	[smem:$0x3FB2] =	sst s4  }
0xd: {  	[smem:$0x3FB3] =	sst s5  }
0xe: {  	[smem:$0x3FB4] =	sst s6  }
0xf: {  	[smem:$0x3FB5] =	sst s7  }
0x10: {  	[smem:$0x3FB6] =	sst s8  }
0x11: {  	[smem:$0x3FB7] =	sst s9;
	s0 =	simm.s32 @!p0 $0x0  }
0x12: {  	s1 =	sld [smem:$0x3F9D];
	s0 =	simm.s32 @p0 $0x1  }
0x13: {  	[smem:$0x3FB8] =	sst s0;
	s0 =	simm.s32 @!p1 $0x0  }
0x14: {  	s2 =	sld [smem:$0x3F9C];
	s0 =	simm.s32 @p1 $0x1  }
0x15: {  	[smem:$0x3FB9] =	sst s0;
	s0 =	simm.s32 @!p2 $0x0  }
0x16: {  	s3 =	sld [smem:$0x3FDB];
	s0 =	simm.s32 @p2 $0x1  }
0x17: {  	s4 =	simm.s32 $0x1BF5;
	[smem:$0x3FBB] =	sst s0  }
0x18: {  	s0 =	sld [smem:$0x3F9E];
	_ =	swait.ge [sflag:s4], $0x0  }
0x19: {  	s7 =	sld [smem:$0x3F9F]  }
0x1a: {  	s8 =	sadd.s32 $0xFFFFE003, lr  }
0x1b: {  	s9 =	sadd.s32 $0xFFFFFEF7, lr;
	s5 =	simm.s32 $0xFFFFFFFF;
	p2 =	slt.u32 s8, $0xFFFFF086  }
0x1c: {  	p1 =	slt.u32 s9, $0xF7A;
	s5 =	simm.s32 @!p2 $0x0  }
0x1d: {  	s5 =	simm.s32 @p1 $0x1;
	p0 =	seq.s32 s7, s2  }
0x1e: {  	s7 =	smul.u32 @!p0 $0xF7A, s2;
	p2 =	seq.s32 @!p0 s5, $0x0  }
0x1f: {  	s9 =	smul.u32 $0xF7A, s1;
	s8 =	simm.s32 @!p0 $0x1BF5;
	p2 =	por !p2, p0  }
0x20: {  	[sflag:s8] =	ssyncset.s32 @!p0 $0xFFFFF086;
	s6 =	sadd.s32 @!p0 s3, s7;
	s7 =	simm.s32 @!p0 $0x108  }
0x21: {  	s3 =	sadd.s32 s3, s9;
	s6 =	sadd.s32 @!p0 $0x88, s6;
	s7 =	simm.s32 @p2 $0x1082  }
0x22: {  	[simem:s7], [sflag:s8] =	dma.local @!p0 [hbm:s6], $0xF7A  }
0x23: {  	s9 =	sor.u32 $0xD0000000, s2;
	s6 =	simm.s32 $0x108;
	_ =	swait.ge @!p0 [sflag:s8], $0x0  }
0x24: {  	s3 =	sadd.s32 $0x88, s3;
	s6 =	simm.s32 @!p1 $0x1082;
	[sflag:s4] =	ssyncset.s32 $0xFFFFF086  }
0x25: {  	[simem:s6], [sflag:s4] =	dma.local [hbm:s3], $0xF7A  }
0x26: {  	[smem:$0x3F9F] =	sst s1;
	(tag) =	ssettag s2;
	_ =	strace s9  }
0x27: {  	s1 =	sld [smem:$0x3FAF]  }
0x28: {  	s2 =	sld [smem:$0x3FB0]  }
0x29: {  	s4 =	sld [smem:$0x3FB2]  }
0x2a: {  	p0 =	seq.s32 s5, $0x0;
	s5 =	sld [smem:$0x3FB3]  }
0x2b: {  	s6 =	sld [smem:$0x3FB4]  }
0x2c: {  	s7 =	sld [smem:$0x3FB5]  }
0x2d: {  	s3 =	simm.s32 $0x108;
	s8 =	sld [smem:$0x3FB6]  }
0x2e: {  	s3 =	simm.s32 @!p0 $0x1082;
	s9 =	sld [smem:$0x3FB7]  }
0x2f: {  	lr =	sadd.s32 s0, s3;
	s0 =	sld [smem:$0x3FAE]  }
0x30: {  	s3 =	sld [smem:$0x3FB1]  }
0x31: {  	[smem:$0x3FBA] =	sst s10  }
0x32: {  	s10 =	sld [smem:$0x3FB8];
	_ =	sdelay $0x3  }
0x33: {  	p0 =	seq.s32 s10, $0x1;
	s10 =	sld [smem:$0x3FBA];
	_ =	sdelay $0x3  }
0x34: {  	[smem:$0x3FBA] =	sst s10  }
0x35: {  	s10 =	sld [smem:$0x3FB9];
	_ =	sdelay $0x3  }
0x36: {  	p1 =	seq.s32 s10, $0x1;
	s10 =	sld [smem:$0x3FBA];
	_ =	sdelay $0x3  }
0x37: {  	[smem:$0x3FBA] =	sst s10  }
0x38: {  	s10 =	sld [smem:$0x3FBB]  }
0x39: {  	_ = 	snop;
	(pc) =	sbr.ind lr, $3  }
0x3a: {  	_ = 	snop  }
0x3b: {  	_ = 	snop  }
0x3c: {  	p2 =	seq.s32 s10, $0x1;
	s10 =	sld [smem:$0x3FBA]  }
0x3d: {  	_ =	shalt  }
0x3e: {  	_ =	shalt  }
0x3f: {  	_ =	shalt  }
0x40: {  	_ =	shalt  }
0x41: {  	_ =	shalt  }
0x42: {  	_ =	shalt  }
0x43: {  	_ =	shalt  }
0x44: {  	_ =	shalt  }
0x45: {  	_ =	shalt  }
0x46: {  	_ =	shalt  }
0x47: {  	_ =	shalt  }
0x48: {  	_ =	shalt  }
0x49: {  	_ =	shalt  }
0x4a: {  	_ =	shalt  }
0x4b: {  	_ =	shalt  }
0x4c: {  	_ =	shalt  }
0x4d: {  	_ =	shalt  }
0x4e: {  	_ =	shalt  }
0x4f: {  	_ =	shalt  }
0x50: {  	_ =	shalt  }
0x51: {  	_ =	shalt  }
0x52: {  	_ =	shalt  }
0x53: {  	_ =	shalt  }
0x54: {  	_ =	shalt  }
0x55: {  	_ =	shalt  }
0x56: {  	_ =	shalt  }
0x57: {  	_ =	shalt  }
0x58: {  	_ =	shalt  }
0x59: {  	_ =	shalt  }
0x5a: {  	_ =	shalt  }
0x5b: {  	_ =	shalt  }
0x5c: {  	_ =	shalt  }
0x5d: {  	_ =	shalt  }
0x5e: {  	_ =	shalt  }
0x5f: {  	_ =	shalt  }
0x60: {  	_ =	shalt  }
0x61: {  	_ =	shalt  }
0x62: {  	_ =	shalt  }
0x63: {  	_ =	shalt  }
0x64: {  	_ =	shalt  }
0x65: {  	_ =	shalt  }
0x66: {  	_ =	shalt  }
0x67: {  	_ =	shalt  }
0x68: {  	_ =	shalt  }
0x69: {  	_ =	shalt  }
0x6a: {  	_ =	shalt  }
0x6b: {  	_ =	shalt  }
0x6c: {  	_ =	shalt  }
0x6d: {  	_ =	shalt  }
0x6e: {  	_ =	shalt  }
0x6f: {  	_ =	shalt  }
0x70: {  	_ =	shalt  }
0x71: {  	_ =	shalt  }
0x72: {  	_ =	shalt  }
0x73: {  	_ =	shalt  }
0x74: {  	_ =	shalt  }
0x75: {  	_ =	shalt  }
0x76: {  	_ =	shalt  }
0x77: {  	_ =	shalt  }
0x78: {  	_ =	shalt  }
0x79: {  	_ =	shalt  }
0x7a: {  	_ =	shalt  }
0x7b: {  	_ =	shalt  }
0x7c: {  	_ =	shalt  }
0x7d: {  	_ =	shalt  }
0x7e: {  	_ =	shalt  }
0x7f: {  	_ =	shalt  }
0x80: {  	_ =	shalt  }
0x81: {  	_ =	shalt  }
0x82: {  	_ =	shalt  }
0x83: {  	_ =	shalt  }
0x84: {  	_ =	shalt  }
0x85: {  	_ =	shalt  }
0x86: {  	_ =	shalt  }
0x87: {  	_ =	shalt  }
.Lfunc_end0:
.L_simem_size_0:
called_computation_lowered:
.L_overlay_start_0:
0x88: {  	s2 =	sld [smem:$0x3FD9]  }
0x89: {  	s3 =	sld [smem:$0x3FFE];
	_ =	sdelay $0x1  }
0x8a: {  	s1 =	srdreg.scid  }
0x8b: {  	s0 =	sand.u32 $0x1, s1  }
0x8c: {  	s17 =	sshll.u32 s0, $0xA;
	s2 =	sadd.s32 s3, s2  }
0x8d: {  	s2 =	sadd.s32 s2, s17  }
0x8e: {  	[smem:$0x3FC6] =	sst s2  }
0x8f: {  	_ = 	snop  }
0x90: {  	s2 =	sld [smem:$0x3FD0];
	(tm) =	ssettm $0x1  }
0x91: {  	s18 =	sld [smem:$0x3FFB];
	_ =	sdelay $0x3  }
0x92: {  	_ =	strace s18  }
0x93: {  	s3 =	sld [smem:$0x3FFC];
	_ =	sdelay $0x3  }
0x94: {  	_ =	strace s3  }
0x95: {  	s3 =	sld [smem:$0x3FFD];
	_ =	sdelay $0x3  }
0x96: {  	_ =	strace s3  }
0x97: {  	_ =	strace $0x8FFFFFFF  }
0x98: {  	s19 =	sld [smem:$0x3FDB];
	_ =	sdelay $0x1  }
0x99: {  	s4 =	simm.s32 $_scs_section_size  }
0x9a: {  	s5 =	simm.s32 $_size__tile_overlayer_lowered;
	s6 =	simm.s32 $_tile_overlayer_lowered  }
0x9b: {  	s22 =	simm.s32 $0x1BFF;
	s21 =	sshll.u32 s6, $0x1;
	s3 =	sadd.s32 s4, s19  }
0x9c: {  	s7 =	simm.s32 $0x0;
	s20 =	sshll.u32 s5, $0x1;
	s5 =	sadd.s32 s21, s3  }
0x9d: {  	[timem:s7], [sflag:s22] =	dma.local [hbm:s5], s20  }
0x9e: {  	_ =	swait.ge [sflag:s22], s20  }
0x9f: {  	s4 =	ssub.s32 $0x0, s20;
	[sflag:s22] =	ssyncset.done $0x0  }
0xa0: {  	[sflag:s22] =	ssyncadd.s32 s4;
	_ =	sdelay $0x1  }
0xa1: {  	s23 =	simm.s32 $0x1B8B  }
0xa2: {  	_ =	swait.ge [sflag:s23], $0x1  }
0xa3: {  	[sflag:s23] =	ssyncset.done $0x0  }
0xa4: {  	s25 =	simm.s32 $0x1B8E;
	s24 =	sld [smem:$0x3FFE];
	[sflag:s23] =	ssyncadd.s32 $0xFFFFFFFF  }
0xa5: {  	s26 =	simm.s32 $execute0_lowered;
	[smem:$0x3FD2] =	sst s25  }
0xa6: {  	s5 =	sshll.u32 s26, $0x1;
	_ =	strace $0x80000046;
	[dreg:$0x1] =	wrdreg $0xFFFFFFFF  }
0xa7: {  	s28 =	simm.s32 $_size_execute0_lowered;
	s3 =	sadd.s32 s3, s5;
	[dreg:$0x0] =	wrdreg $0x0  }
0xa8: {  	s5 =	sshll.u32 s28, $0x1;
	[dreg:$0x2] =	wrdreg s3  }
0xa9: {  	[dreg:$0x3] =	wrdreg s5  }
0xaa: {  	[dreg:$0x4] =	wrdreg $0xC0  }
0xab: {  	_ =	task [dreg:s7], $0x5FFFF  }
0xac: {  	[dreg:$0x1] =	wrdreg $0xFFFFFFFF  }
0xad: {  	[dreg:$0x0] =	wrdreg $0x60  }
0xae: {  	[dreg:$0x2] =	wrdreg s24  }
0xaf: {  	[dreg:$0x3] =	wrdreg s2  }
0xb0: {  	[dreg:$0x4] =	wrdreg $0x9  }
0xb1: {  	_ =	task.clear_ibuf [dreg:s7], $0x5FFFF;
	_ =	strace $0x90000046  }
0xb2: {  	s29 =	simm.s32 $0x9;
	_ =	strace $0x80000048  }
0xb3: {  	_ =	swait.ge [sflag:s29], $0x1  }
0xb4: {  	[sflag:s29] =	ssyncadd.s32 $0xFFFFFFFF  }
0xb5: {  	_ =	strace $0x90000048  }
0xb6: {  	_ =	sfence  }
0xb7: {  	s30 =	sld [smem:$0x0];
	_ =	sdelay $0x2  }
0xb8: {  	s31 =	sshll.u32 s1, $0xD;
	s1 =	sshrl.u32 s1, $0x2  }
0xb9: {  	s3 =	sand.u32 $0x4000, s31;
	s1 =	sadd.s32 s1, s30  }
0xba: {  	s0 =	sor.u32 s3, s0;
	s1 =	sshll.u32 s1, $0x11  }
0xbb: {  	s0 =	sor.u32 s1, s0  }
0xbc: {  	s0 =	sadd.s32 $0x8F2B, s0  }
0xbd: {  	[sflag:s0] =	ssyncadd.remote.s32 $0x1  }
0xbe: {  	_ =	sfence.sel $0xFFFF  }
0xbf: {  	[dreg:$0x0] =	wrdreg $0xFFFFFFFF;
	(pc) =	sbr.abs _section_cstart, $3  }
0xc0: {  	[dreg:$0x1] =	wrdreg $0xFFFFFFFF  }
0xc1: {  	_ =	task.clear_ibuf [dreg:s7], $0x2FFFF;
	_ =	strace $0x9FFFFFFF  }
0xc2: {  	(tm) =	ssettm $0x7FFFFFFF  }
0xc3: {  	_ =	shalt  }
tec
execute0_lowered:
.L_overlay_start_1:
0x0: {  	(tag) =	ssettag $0x1  }
0x1: {  	s4 =	rddreg [dreg:$0x0];
	s1 =	srdreg.scid  }
0x2: {  	s0 =	stileid.u32;
	s2 =	rddreg [dreg:$0x1];
	s3 =	simm.s32 $0x0  }
0x3: {  	s9 =	simm.s32 $0x80;
	s10 =	simm.s32 $0x6400;
	s11 =	simm.s32 $0x6600  }
0x4: {  	s12 =	simm.s32 $0x6480;
	s13 =	simm.s32 $0xA600;
	s14 =	simm.s32 $0x1  }
0x5: {  	s15 =	simm.s32 $0xE600;
	s16 =	simm.s32 $0x400;
	s17 =	simm.s32 $0x20000  }
0x6: {  	s18 =	simm.s32 $0x2;
	s19 =	simm.s32 $0x10600;
	s20 =	simm.s32 $0x3  }
0x7: {  	v0 =	vlaneseq.u32;
	s21 =	simm.s32 $0x4;
	s5 =	sand.u32 $0x1, s1;
	s6 =	sshll.u32 s0, $0x1  }
0x8: {  	s22 =	simm.s32 $0x0;
	v1 =	vmul.u32 $0x80, v0;
	v3 =	vor.u32 $0x10, v0;
	v5 =	vor.u32 $0x20, v0;
	s6 =	sor.u32 s5, s6;
	s5 =	ssub.s32 $0x2, s5  }
0x9: {  	[smem:$0x7FF] =	sst s3;
	v7 =	vor.u32 $0x30, v0;
	v9 =	vor.u32 $0x40, v0;
	v11 =	vor.u32 $0x50, v0;
	s7 =	smul.u32 $0xC80, s6;
	s8 =	sshrl.u32 s5, $0x1  }
0xa: {  	s1 =	rddreg [dreg:$0x2];
	v13 =	vor.u32 $0x60, v0;
	v15 =	vor.u32 $0x70, v0;
	_ =	strace $0x80000047;
	v2 =	vor.u32 $0x800, v1;
	s8 =	ssub.s32 s5, s8  }
0xb: {  	v4 =	vor.u32 $0x1000, v1;
	v6 =	vor.u32 $0x1800, v1;
	v8 =	vor.u32 $0x2000, v1;
	s5 =	smul.u32 $0xC8, s6;
	s7 =	sadd.s32 s7, s4;
	s4 =	sadd.s32 $0xF42A00, s4  }
0xc: {  	v10 =	vor.u32 $0x2800, v1;
	v12 =	vor.u32 $0x3000, v1;
	v14 =	vor.u32 $0x3800, v1;
	s6 =	sadd.s32 $0x600, s7;
	s7 =	smax.u32 s8, $0x1;
	s8 =	simm.s32 $0x5  }
.LBB2_1:
0xd: {  	[tilespmem:s3], [sflag:$0x5] =	stream.linear.gather [hbm4b:s6+s3], $0x6400, $0x38;
	[tilespmem:$0x12600] =	vst v63  }
0xe: {  	_ =	swait.ge [sflag:s8], $0x6400  }
0xf: {  	[sflag:s8] =	ssyncset.done $0x0  }
0x10: {  	[sflag:s8] =	ssyncadd.s32 $0xFFFF9C00  }
0x11: {  	v16 =	vld [tilespmem:$0x0];
	_ =	sdelay $0x1  }
0x12: {  	v17 =	vld [tilespmem:$0x10];
	_ =	sdelay $0x1  }
0x13: {  	v18 =	vld [tilespmem:$0x20]  }
0x14: {  	v19 =	vshra.s32 v16, $0x1;
	v16 =	vshll.u32 v16, $0x6  }
0x15: {  	v54 =	vld [tilespmem:$0x30];
	[tilespmem:$0x6400] =	vst v19;
	v16 =	vand.u32 $0x40, v16  }
0x16: {  	[tilespmem:$0x6500] =	vst v16;
	v16 =	vshra.s32 v17, $0x1;
	v17 =	vshll.u32 v17, $0x6  }
0x17: {  	[tilespmem:$0x6410] =	vst v16;
	v16 =	vand.u32 $0x40, v17;
	v17 =	vld [tilespmem:$0x40]  }
0x18: {  	[tilespmem:$0x6510] =	vst v16;
	v16 =	vshra.s32 v18, $0x1;
	v18 =	vshll.u32 v18, $0x6  }
0x19: {  	v55 =	vld [tilespmem:$0x50];
	[tilespmem:$0x6420] =	vst v16;
	v16 =	vand.u32 $0x40, v18  }
0x1a: {  	v19 =	vshll.u32 v54, $0x6;
	[tilespmem:$0x6520] =	vst v16;
	v16 =	vshra.s32 v54, $0x1  }
0x1b: {  	v56 =	vld [tilespmem:$0x60];
	[tilespmem:$0x6430] =	vst v16;
	v16 =	vand.u32 $0x40, v19  }
0x1c: {  	[tilespmem:$0x6530] =	vst v16;
	v16 =	vshra.s32 v17, $0x1;
	v17 =	vshll.u32 v17, $0x6  }
0x1d: {  	[tilespmem:$0x6440] =	vst v16;
	v16 =	vand.u32 $0x40, v17;
	v17 =	vld [tilespmem:$0x70]  }
0x1e: {  	v18 =	vshll.u32 v55, $0x6;
	[tilespmem:$0x6540] =	vst v16;
	v16 =	vshra.s32 v55, $0x1  }
0x1f: {  	[tilespmem:$0x6450] =	vst v16;
	v16 =	vand.u32 $0x40, v18  }
0x20: {  	v57 =	vshll.u32 v56, $0x6;
	[tilespmem:$0x6550] =	vst v16;
	v16 =	vshra.s32 v56, $0x1  }
0x21: {  	[tilespmem:$0x6460] =	vst v16;
	v16 =	vand.u32 $0x40, v57  }
0x22: {  	[tilespmem:$0x6560] =	vst v16;
	v16 =	vshra.s32 v17, $0x1;
	v17 =	vshll.u32 v17, $0x6  }
0x23: {  	[tilespmem:$0x6470] =	vst v16;
	v16 =	vand.u32 $0x40, v17  }
0x24: {  	[tilespmem:$0x6570] =	vst v16  }
0x25: {  	[tilespmem:s11], [sflag:$0x1] =	stream.indirect.gather [hbm4b:s4+s9], $0x80, s10, s9, $0xb8;
	[tilespmem:$0x12600] =	vst v63  }
0x26: {  	v16 =	vld [tilespmem:$0x80];
	_ =	sdelay $0x1  }
0x27: {  	v17 =	vld [tilespmem:$0x90];
	_ =	sdelay $0x1  }
0x28: {  	v58 =	vld [tilespmem:$0xA0]  }
0x29: {  	v59 =	vshra.s32 v16, $0x1;
	v16 =	vshll.u32 v16, $0x6  }
0x2a: {  	v60 =	vld [tilespmem:$0xB0];
	[tilespmem:$0x6480] =	vst v59;
	v16 =	vand.u32 $0x40, v16  }
0x2b: {  	[tilespmem:$0x6580] =	vst v16;
	v16 =	vshra.s32 v17, $0x1;
	v17 =	vshll.u32 v17, $0x6  }
0x2c: {  	[tilespmem:$0x6490] =	vst v16;
	v16 =	vand.u32 $0x40, v17;
	v17 =	vld [tilespmem:$0xC0]  }
0x2d: {  	v18 =	vshll.u32 v58, $0x6;
	[tilespmem:$0x6590] =	vst v16;
	v16 =	vshra.s32 v58, $0x1  }
0x2e: {  	v61 =	vld [tilespmem:$0xD0];
	[tilespmem:$0x64A0] =	vst v16;
	v16 =	vand.u32 $0x40, v18  }
0x2f: {  	v19 =	vshll.u32 v60, $0x6;
	[tilespmem:$0x65A0] =	vst v16;
	v16 =	vshra.s32 v60, $0x1  }
0x30: {  	v62 =	vld [tilespmem:$0xE0];
	[tilespmem:$0x64B0] =	vst v16;
	v16 =	vand.u32 $0x40, v19  }
0x31: {  	[tilespmem:$0x65B0] =	vst v16;
	v16 =	vshra.s32 v17, $0x1;
	v17 =	vshll.u32 v17, $0x6  }
0x32: {  	[tilespmem:$0x64C0] =	vst v16;
	v16 =	vand.u32 $0x40, v17;
	v17 =	vld [tilespmem:$0xF0]  }
0x33: {  	v18 =	vshll.u32 v61, $0x6;
	[tilespmem:$0x65C0] =	vst v16;
	v16 =	vshra.s32 v61, $0x1  }
0x34: {  	[tilespmem:$0x64D0] =	vst v16;
	v16 =	vand.u32 $0x40, v18  }
0x35: {  	v63 =	vshll.u32 v62, $0x6;
	[tilespmem:$0x65D0] =	vst v16;
	v16 =	vshra.s32 v62, $0x1  }
0x36: {  	[tilespmem:$0x64E0] =	vst v16;
	v16 =	vand.u32 $0x40, v63  }
0x37: {  	[tilespmem:$0x65E0] =	vst v16;
	v16 =	vshra.s32 v17, $0x1;
	v17 =	vshll.u32 v17, $0x6  }
0x38: {  	[tilespmem:$0x64F0] =	vst v16;
	v16 =	vand.u32 $0x40, v17  }
0x39: {  	s23 =	simm.s32 $0x0;
	[tilespmem:$0x65F0] =	vst v16  }
0x3a: {  	[tilespmem:s13], [sflag:$0x2] =	stream.indirect.gather [hbm4b:s4+s9], $0x80, s12, s9, $0xb8;
	[tilespmem:$0x12600] =	vst v63  }
.LBB2_2:
0x3b: {  	_ =	swait.ge [sflag:s14], $0x4000  }
0x3c: {  	p1 =	seq.s32 s23, $0x0;
	[sflag:s14] =	ssyncset.done $0x0  }
0x3d: {  	s24 =	simm.s32 @!p1 $0x3;
	[sflag:s14] =	ssyncadd.s32 $0xFFFFC000  }
0x3e: {  	_ =	swait.ge @!p1 [sflag:s24], $0x2000  }
0x3f: {  	[sflag:s24] =	ssyncset.done @!p1 $0x0  }
0x40: {  	[sflag:s24] =	ssyncadd.s32 @!p1 $0xFFFFE000  }
0x41: {  	v23 =	vld [tilespmem:$0x6500];
	_ =	sdelay $0x1  }
0x42: {  	s29 =	simm.s32 $0x0  }
0x43: {  	v16 =	vadd.s32 s29, v0  }
0x44: {  	v24 =	vand.u32 $0x3F, v16  }
0x45: {  	v16 =	vadd.s32 v23, v24  }
0x46: {  	v22 =	vld [tilespmem:$0x6510];
	v16 =	vadd.s32 v1, v16;
	_ =	sdelay $0x3  }
0x47: {  	v25 =	vshll.u32 v24, $0x7;
	v21 =	vld [tilespmem:$0x6520]  }
0x48: {  	v27 =	vor.u32 v0, v25;
	v26 =	vld.idx.msk [tilespmem:v16+s11+$0x0], $0xffff;
	v16 =	vadd.s32 v22, v24  }
0x49: {  	v19 =	vld [tilespmem:$0x6530];
	v28 =	vadd.s32 v2, v16  }
0x4a: {  	v20 =	vld [tilespmem:$0x6540]  }
0x4b: {  	v18 =	vld [tilespmem:$0x6550]  }
0x4c: {  	v17 =	vld [tilespmem:$0x6560]  }
0x4d: {  	v16 =	vld [tilespmem:$0x6570];
	[tilespmem:v27+s15+$0x0] =	vst.idx.msk $0xffff, v26  }
0x4e: {  	v27 =	vor.u32 v3, v25;
	v26 =	vld.idx.msk [tilespmem:v28+s11+$0x0], $0xffff;
	v28 =	vadd.s32 v21, v24  }
0x4f: {  	v28 =	vadd.s32 v4, v28;
	_ =	sdelay $0x3  }
0x50: {  	[tilespmem:v27+s15+$0x0] =	vst.idx.msk $0xffff, v26  }
0x51: {  	v27 =	vor.u32 v5, v25;
	v26 =	vld.idx.msk [tilespmem:v28+s11+$0x0], $0xffff;
	v28 =	vadd.s32 v19, v24  }
0x52: {  	v28 =	vadd.s32 v6, v28;
	_ =	sdelay $0x3  }
0x53: {  	[tilespmem:v27+s15+$0x0] =	vst.idx.msk $0xffff, v26  }
0x54: {  	v27 =	vor.u32 v7, v25;
	v26 =	vld.idx.msk [tilespmem:v28+s11+$0x0], $0xffff;
	v28 =	vadd.s32 v20, v24  }
0x55: {  	v28 =	vadd.s32 v8, v28;
	_ =	sdelay $0x3  }
0x56: {  	[tilespmem:v27+s15+$0x0] =	vst.idx.msk $0xffff, v26  }
0x57: {  	v27 =	vor.u32 v9, v25;
	v26 =	vld.idx.msk [tilespmem:v28+s11+$0x0], $0xffff;
	v28 =	vadd.s32 v18, v24  }
0x58: {  	v28 =	vadd.s32 v10, v28;
	_ =	sdelay $0x3  }
0x59: {  	[tilespmem:v27+s15+$0x0] =	vst.idx.msk $0xffff, v26  }
0x5a: {  	v27 =	vor.u32 v11, v25;
	v26 =	vld.idx.msk [tilespmem:v28+s11+$0x0], $0xffff;
	v28 =	vadd.s32 v17, v24  }
0x5b: {  	v28 =	vadd.s32 v12, v28;
	_ =	sdelay $0x3  }
0x5c: {  	[tilespmem:v27+s15+$0x0] =	vst.idx.msk $0xffff, v26  }
0x5d: {  	v24 =	vadd.s32 v16, v24;
	v27 =	vor.u32 v13, v25;
	v26 =	vld.idx.msk [tilespmem:v28+s11+$0x0], $0xffff  }
0x5e: {  	v24 =	vadd.s32 v14, v24;
	_ =	sdelay $0x1  }
0x5f: {  	s30 =	simm.s32 $0x1  }
0x60: {  	v28 =	vadd.s32 s30, v0  }
0x61: {  	[tilespmem:v27+s15+$0x0] =	vst.idx.msk $0xffff, v26;
	v26 =	vand.u32 $0x3F, v28  }
0x62: {  	v25 =	vor.u32 v15, v25;
	v24 =	vld.idx.msk [tilespmem:v24+s11+$0x0], $0xffff;
	v27 =	vadd.s32 v23, v26  }
0x63: {  	v27 =	vadd.s32 v1, v27;
	_ =	sdelay $0x3  }
0x64: {  	[tilespmem:v25+s15+$0x0] =	vst.idx.msk $0xffff, v24;
	v24 =	vshll.u32 v26, $0x7  }
0x65: {  	v28 =	vadd.s32 v22, v26;
	v25 =	vld.idx.msk [tilespmem:v27+s11+$0x0], $0xffff;
	v27 =	vor.u32 v0, v24  }
0x66: {  	v28 =	vadd.s32 v2, v28;
	_ =	sdelay $0x3  }
0x67: {  	[tilespmem:v27+s15+$0x0] =	vst.idx.msk $0xffff, v25  }
0x68: {  	v27 =	vor.u32 v3, v24;
	v25 =	vld.idx.msk [tilespmem:v28+s11+$0x0], $0xffff;
	v28 =	vadd.s32 v21, v26  }
0x69: {  	v28 =	vadd.s32 v4, v28;
	_ =	sdelay $0x3  }
0x6a: {  	[tilespmem:v27+s15+$0x0] =	vst.idx.msk $0xffff, v25  }
0x6b: {  	v27 =	vor.u32 v5, v24;
	v25 =	vld.idx.msk [tilespmem:v28+s11+$0x0], $0xffff;
	v28 =	vadd.s32 v19, v26  }
0x6c: {  	v28 =	vadd.s32 v6, v28;
	_ =	sdelay $0x3  }
0x6d: {  	[tilespmem:v27+s15+$0x0] =	vst.idx.msk $0xffff, v25  }
0x6e: {  	v27 =	vor.u32 v7, v24;
	v25 =	vld.idx.msk [tilespmem:v28+s11+$0x0], $0xffff;
	v28 =	vadd.s32 v20, v26  }
0x6f: {  	v28 =	vadd.s32 v8, v28;
	_ =	sdelay $0x3  }
0x70: {  	[tilespmem:v27+s15+$0x0] =	vst.idx.msk $0xffff, v25  }
0x71: {  	v27 =	vor.u32 v9, v24;
	v25 =	vld.idx.msk [tilespmem:v28+s11+$0x0], $0xffff;
	v28 =	vadd.s32 v18, v26  }
0x72: {  	v28 =	vadd.s32 v10, v28;
	_ =	sdelay $0x3  }
0x73: {  	[tilespmem:v27+s15+$0x0] =	vst.idx.msk $0xffff, v25  }
0x74: {  	v27 =	vor.u32 v11, v24;
	v25 =	vld.idx.msk [tilespmem:v28+s11+$0x0], $0xffff;
	v28 =	vadd.s32 v17, v26  }
0x75: {  	v28 =	vadd.s32 v12, v28;
	_ =	sdelay $0x3  }
0x76: {  	[tilespmem:v27+s15+$0x0] =	vst.idx.msk $0xffff, v25  }
0x77: {  	v26 =	vadd.s32 v16, v26;
	v27 =	vor.u32 v13, v24;
	v25 =	vld.idx.msk [tilespmem:v28+s11+$0x0], $0xffff  }
0x78: {  	v26 =	vadd.s32 v14, v26;
	_ =	sdelay $0x1  }
0x79: {  	s31 =	simm.s32 $0x2  }
0x7a: {  	v28 =	vadd.s32 s31, v0  }
0x7b: {  	[tilespmem:v27+s15+$0x0] =	vst.idx.msk $0xffff, v25;
	v25 =	vand.u32 $0x3F, v28  }
0x7c: {  	v24 =	vor.u32 v15, v24;
	v26 =	vld.idx.msk [tilespmem:v26+s11+$0x0], $0xffff;
	v27 =	vadd.s32 v23, v25  }
0x7d: {  	v27 =	vadd.s32 v1, v27;
	_ =	sdelay $0x3  }
0x7e: {  	[tilespmem:v24+s15+$0x0] =	vst.idx.msk $0xffff, v26;
	v24 =	vshll.u32 v25, $0x7  }
0x7f: {  	v28 =	vadd.s32 v22, v25;
	v26 =	vld.idx.msk [tilespmem:v27+s11+$0x0], $0xffff;
	v27 =	vor.u32 v0, v24  }
0x80: {  	v28 =	vadd.s32 v2, v28;
	_ =	sdelay $0x3  }
0x81: {  	[tilespmem:v27+s15+$0x0] =	vst.idx.msk $0xffff, v26  }
0x82: {  	v27 =	vor.u32 v3, v24;
	v26 =	vld.idx.msk [tilespmem:v28+s11+$0x0], $0xffff;
	v28 =	vadd.s32 v21, v25  }
0x83: {  	v28 =	vadd.s32 v4, v28;
	_ =	sdelay $0x3  }
0x84: {  	[tilespmem:v27+s15+$0x0] =	vst.idx.msk $0xffff, v26  }
0x85: {  	v27 =	vor.u32 v5, v24;
	v26 =	vld.idx.msk [tilespmem:v28+s11+$0x0], $0xffff;
	v28 =	vadd.s32 v19, v25  }
0x86: {  	v28 =	vadd.s32 v6, v28;
	_ =	sdelay $0x3  }
0x87: {  	[tilespmem:v27+s15+$0x0] =	vst.idx.msk $0xffff, v26  }
0x88: {  	v27 =	vor.u32 v7, v24;
	v26 =	vld.idx.msk [tilespmem:v28+s11+$0x0], $0xffff;
	v28 =	vadd.s32 v20, v25  }
0x89: {  	v28 =	vadd.s32 v8, v28;
	_ =	sdelay $0x3  }
0x8a: {  	[tilespmem:v27+s15+$0x0] =	vst.idx.msk $0xffff, v26  }
0x8b: {  	v27 =	vor.u32 v9, v24;
	v26 =	vld.idx.msk [tilespmem:v28+s11+$0x0], $0xffff;
	v28 =	vadd.s32 v18, v25  }
0x8c: {  	v28 =	vadd.s32 v10, v28;
	_ =	sdelay $0x3  }
0x8d: {  	[tilespmem:v27+s15+$0x0] =	vst.idx.msk $0xffff, v26  }
0x8e: {  	v27 =	vor.u32 v11, v24;
	v26 =	vld.idx.msk [tilespmem:v28+s11+$0x0], $0xffff;
	v28 =	vadd.s32 v17, v25  }
0x8f: {  	v28 =	vadd.s32 v12, v28;
	_ =	sdelay $0x3  }
0x90: {  	[tilespmem:v27+s15+$0x0] =	vst.idx.msk $0xffff, v26  }
0x91: {  	v25 =	vadd.s32 v16, v25;
	v27 =	vor.u32 v13, v24;
	v26 =	vld.idx.msk [tilespmem:v28+s11+$0x0], $0xffff  }
0x92: {  	v25 =	vadd.s32 v14, v25;
	_ =	sdelay $0x1  }
0x93: {  	s25 =	simm.s32 $0x3  }
0x94: {  	v28 =	vadd.s32 s25, v0  }
0x95: {  	[tilespmem:v27+s15+$0x0] =	vst.idx.msk $0xffff, v26;
	v26 =	vand.u32 $0x3F, v28  }
0x96: {  	v24 =	vor.u32 v15, v24;
	v25 =	vld.idx.msk [tilespmem:v25+s11+$0x0], $0xffff;
	v27 =	vadd.s32 v23, v26  }
0x97: {  	v27 =	vadd.s32 v1, v27;
	_ =	sdelay $0x3  }
0x98: {  	[tilespmem:v24+s15+$0x0] =	vst.idx.msk $0xffff, v25;
	v24 =	vshll.u32 v26, $0x7  }
0x99: {  	v28 =	vadd.s32 v22, v26;
	v25 =	vld.idx.msk [tilespmem:v27+s11+$0x0], $0xffff;
	v27 =	vor.u32 v0, v24  }
0x9a: {  	v28 =	vadd.s32 v2, v28;
	_ =	sdelay $0x3  }
0x9b: {  	[tilespmem:v27+s15+$0x0] =	vst.idx.msk $0xffff, v25  }
0x9c: {  	v27 =	vor.u32 v3, v24;
	v25 =	vld.idx.msk [tilespmem:v28+s11+$0x0], $0xffff;
	v28 =	vadd.s32 v21, v26  }
0x9d: {  	v28 =	vadd.s32 v4, v28;
	_ =	sdelay $0x3  }
0x9e: {  	[tilespmem:v27+s15+$0x0] =	vst.idx.msk $0xffff, v25  }
0x9f: {  	v27 =	vor.u32 v5, v24;
	v25 =	vld.idx.msk [tilespmem:v28+s11+$0x0], $0xffff;
	v28 =	vadd.s32 v19, v26  }
0xa0: {  	v28 =	vadd.s32 v6, v28;
	_ =	sdelay $0x3  }
0xa1: {  	[tilespmem:v27+s15+$0x0] =	vst.idx.msk $0xffff, v25  }
0xa2: {  	v27 =	vor.u32 v7, v24;
	v25 =	vld.idx.msk [tilespmem:v28+s11+$0x0], $0xffff;
	v28 =	vadd.s32 v20, v26  }
0xa3: {  	v28 =	vadd.s32 v8, v28;
	_ =	sdelay $0x3  }
0xa4: {  	[tilespmem:v27+s15+$0x0] =	vst.idx.msk $0xffff, v25  }
0xa5: {  	v27 =	vor.u32 v9, v24;
	v25 =	vld.idx.msk [tilespmem:v28+s11+$0x0], $0xffff;
	v28 =	vadd.s32 v18, v26  }
0xa6: {  	v28 =	vadd.s32 v10, v28;
	_ =	sdelay $0x3  }
0xa7: {  	[tilespmem:v27+s15+$0x0] =	vst.idx.msk $0xffff, v25  }
0xa8: {  	v27 =	vor.u32 v11, v24;
	v25 =	vld.idx.msk [tilespmem:v28+s11+$0x0], $0xffff;
	v28 =	vadd.s32 v17, v26  }
0xa9: {  	v28 =	vadd.s32 v12, v28;
	_ =	sdelay $0x3  }
0xaa: {  	[tilespmem:v27+s15+$0x0] =	vst.idx.msk $0xffff, v25  }
0xab: {  	v26 =	vadd.s32 v16, v26;
	v27 =	vor.u32 v13, v24;
	v25 =	vld.idx.msk [tilespmem:v28+s11+$0x0], $0xffff  }
0xac: {  	v26 =	vadd.s32 v14, v26;
	_ =	sdelay $0x1  }
0xad: {  	s26 =	simm.s32 $0x4  }
0xae: {  	v28 =	vadd.s32 s26, v0  }
0xaf: {  	[tilespmem:v27+s15+$0x0] =	vst.idx.msk $0xffff, v25;
	v25 =	vand.u32 $0x3F, v28  }
0xb0: {  	v24 =	vor.u32 v15, v24;
	v26 =	vld.idx.msk [tilespmem:v26+s11+$0x0], $0xffff;
	v27 =	vadd.s32 v23, v25  }
0xb1: {  	v27 =	vadd.s32 v1, v27;
	_ =	sdelay $0x3  }
0xb2: {  	[tilespmem:v24+s15+$0x0] =	vst.idx.msk $0xffff, v26;
	v24 =	vshll.u32 v25, $0x7  }
0xb3: {  	v28 =	vadd.s32 v22, v25;
	v26 =	vld.idx.msk [tilespmem:v27+s11+$0x0], $0xffff;
	v27 =	vor.u32 v0, v24  }
0xb4: {  	v28 =	vadd.s32 v2, v28;
	_ =	sdelay $0x3  }
0xb5: {  	[tilespmem:v27+s15+$0x0] =	vst.idx.msk $0xffff, v26  }
0xb6: {  	v27 =	vor.u32 v3, v24;
	v26 =	vld.idx.msk [tilespmem:v28+s11+$0x0], $0xffff;
	v28 =	vadd.s32 v21, v25  }
0xb7: {  	v28 =	vadd.s32 v4, v28;
	_ =	sdelay $0x3  }
0xb8: {  	[tilespmem:v27+s15+$0x0] =	vst.idx.msk $0xffff, v26  }
0xb9: {  	v27 =	vor.u32 v5, v24;
	v26 =	vld.idx.msk [tilespmem:v28+s11+$0x0], $0xffff;
	v28 =	vadd.s32 v19, v25  }
0xba: {  	v28 =	vadd.s32 v6, v28;
	_ =	sdelay $0x3  }
0xbb: {  	[tilespmem:v27+s15+$0x0] =	vst.idx.msk $0xffff, v26  }
0xbc: {  	v27 =	vor.u32 v7, v24;
	v26 =	vld.idx.msk [tilespmem:v28+s11+$0x0], $0xffff;
	v28 =	vadd.s32 v20, v25  }
0xbd: {  	v28 =	vadd.s32 v8, v28;
	_ =	sdelay $0x3  }
0xbe: {  	[tilespmem:v27+s15+$0x0] =	vst.idx.msk $0xffff, v26  }
0xbf: {  	v27 =	vor.u32 v9, v24;
	v26 =	vld.idx.msk [tilespmem:v28+s11+$0x0], $0xffff;
	v28 =	vadd.s32 v18, v25  }
0xc0: {  	v28 =	vadd.s32 v10, v28;
	_ =	sdelay $0x3  }
0xc1: {  	[tilespmem:v27+s15+$0x0] =	vst.idx.msk $0xffff, v26  }
0xc2: {  	v27 =	vor.u32 v11, v24;
	v26 =	vld.idx.msk [tilespmem:v28+s11+$0x0], $0xffff;
	v28 =	vadd.s32 v17, v25  }
0xc3: {  	v28 =	vadd.s32 v12, v28;
	_ =	sdelay $0x3  }
0xc4: {  	[tilespmem:v27+s15+$0x0] =	vst.idx.msk $0xffff, v26  }
0xc5: {  	v25 =	vadd.s32 v16, v25;
	v27 =	vor.u32 v13, v24;
	v26 =	vld.idx.msk [tilespmem:v28+s11+$0x0], $0xffff  }
0xc6: {  	v25 =	vadd.s32 v14, v25;
	_ =	sdelay $0x1  }
0xc7: {  	s29 =	simm.s32 $0x5  }
0xc8: {  	v28 =	vadd.s32 s29, v0  }
0xc9: {  	[tilespmem:v27+s15+$0x0] =	vst.idx.msk $0xffff, v26;
	v26 =	vand.u32 $0x3F, v28  }
0xca: {  	v24 =	vor.u32 v15, v24;
	v25 =	vld.idx.msk [tilespmem:v25+s11+$0x0], $0xffff;
	v27 =	vadd.s32 v23, v26  }
0xcb: {  	v27 =	vadd.s32 v1, v27;
	_ =	sdelay $0x3  }
0xcc: {  	[tilespmem:v24+s15+$0x0] =	vst.idx.msk $0xffff, v25;
	v24 =	vshll.u32 v26, $0x7  }
0xcd: {  	v28 =	vadd.s32 v22, v26;
	v25 =	vld.idx.msk [tilespmem:v27+s11+$0x0], $0xffff;
	v27 =	vor.u32 v0, v24  }
0xce: {  	v28 =	vadd.s32 v2, v28;
	_ =	sdelay $0x3  }
0xcf: {  	[tilespmem:v27+s15+$0x0] =	vst.idx.msk $0xffff, v25  }
0xd0: {  	v27 =	vor.u32 v3, v24;
	v25 =	vld.idx.msk [tilespmem:v28+s11+$0x0], $0xffff;
	v28 =	vadd.s32 v21, v26  }
0xd1: {  	v28 =	vadd.s32 v4, v28;
	_ =	sdelay $0x3  }
0xd2: {  	[tilespmem:v27+s15+$0x0] =	vst.idx.msk $0xffff, v25  }
0xd3: {  	v27 =	vor.u32 v5, v24;
	v25 =	vld.idx.msk [tilespmem:v28+s11+$0x0], $0xffff;
	v28 =	vadd.s32 v19, v26  }
0xd4: {  	v28 =	vadd.s32 v6, v28;
	_ =	sdelay $0x3  }
0xd5: {  	[tilespmem:v27+s15+$0x0] =	vst.idx.msk $0xffff, v25  }
0xd6: {  	v27 =	vor.u32 v7, v24;
	v25 =	vld.idx.msk [tilespmem:v28+s11+$0x0], $0xffff;
	v28 =	vadd.s32 v20, v26  }
0xd7: {  	v28 =	vadd.s32 v8, v28;
	_ =	sdelay $0x3  }
0xd8: {  	[tilespmem:v27+s15+$0x0] =	vst.idx.msk $0xffff, v25  }
0xd9: {  	v27 =	vor.u32 v9, v24;
	v25 =	vld.idx.msk [tilespmem:v28+s11+$0x0], $0xffff;
	v28 =	vadd.s32 v18, v26  }
0xda: {  	v28 =	vadd.s32 v10, v28;
	_ =	sdelay $0x3  }
0xdb: {  	[tilespmem:v27+s15+$0x0] =	vst.idx.msk $0xffff, v25  }
0xdc: {  	v27 =	vor.u32 v11, v24;
	v25 =	vld.idx.msk [tilespmem:v28+s11+$0x0], $0xffff;
	v28 =	vadd.s32 v17, v26  }
0xdd: {  	v28 =	vadd.s32 v12, v28;
	_ =	sdelay $0x3  }
0xde: {  	[tilespmem:v27+s15+$0x0] =	vst.idx.msk $0xffff, v25  }
0xdf: {  	v26 =	vadd.s32 v16, v26;
	v27 =	vor.u32 v13, v24;
	v25 =	vld.idx.msk [tilespmem:v28+s11+$0x0], $0xffff  }
0xe0: {  	v26 =	vadd.s32 v14, v26;
	_ =	sdelay $0x1  }
0xe1: {  	s30 =	simm.s32 $0x6  }
0xe2: {  	v28 =	vadd.s32 s30, v0  }
0xe3: {  	[tilespmem:v27+s15+$0x0] =	vst.idx.msk $0xffff, v25;
	v25 =	vand.u32 $0x3F, v28  }
0xe4: {  	v24 =	vor.u32 v15, v24;
	v26 =	vld.idx.msk [tilespmem:v26+s11+$0x0], $0xffff;
	v27 =	vadd.s32 v23, v25  }
0xe5: {  	v27 =	vadd.s32 v1, v27;
	_ =	sdelay $0x3  }
0xe6: {  	[tilespmem:v24+s15+$0x0] =	vst.idx.msk $0xffff, v26;
	v24 =	vshll.u32 v25, $0x7  }
0xe7: {  	v28 =	vadd.s32 v22, v25;
	v26 =	vld.idx.msk [tilespmem:v27+s11+$0x0], $0xffff;
	v27 =	vor.u32 v0, v24  }
0xe8: {  	v28 =	vadd.s32 v2, v28;
	_ =	sdelay $0x3  }
0xe9: {  	[tilespmem:v27+s15+$0x0] =	vst.idx.msk $0xffff, v26  }
0xea: {  	v27 =	vor.u32 v3, v24;
	v26 =	vld.idx.msk [tilespmem:v28+s11+$0x0], $0xffff;
	v28 =	vadd.s32 v21, v25  }
0xeb: {  	v28 =	vadd.s32 v4, v28;
	_ =	sdelay $0x3  }
0xec: {  	[tilespmem:v27+s15+$0x0] =	vst.idx.msk $0xffff, v26  }
0xed: {  	v27 =	vor.u32 v5, v24;
	v26 =	vld.idx.msk [tilespmem:v28+s11+$0x0], $0xffff;
	v28 =	vadd.s32 v19, v25  }
0xee: {  	v28 =	vadd.s32 v6, v28;
	_ =	sdelay $0x3  }
0xef: {  	[tilespmem:v27+s15+$0x0] =	vst.idx.msk $0xffff, v26  }
0xf0: {  	v27 =	vor.u32 v7, v24;
	v26 =	vld.idx.msk [tilespmem:v28+s11+$0x0], $0xffff;
	v28 =	vadd.s32 v20, v25  }
0xf1: {  	v28 =	vadd.s32 v8, v28;
	_ =	sdelay $0x3  }
0xf2: {  	[tilespmem:v27+s15+$0x0] =	vst.idx.msk $0xffff, v26  }
0xf3: {  	v27 =	vor.u32 v9, v24;
	v26 =	vld.idx.msk [tilespmem:v28+s11+$0x0], $0xffff;
	v28 =	vadd.s32 v18, v25  }
0xf4: {  	v28 =	vadd.s32 v10, v28;
	_ =	sdelay $0x3  }
0xf5: {  	[tilespmem:v27+s15+$0x0] =	vst.idx.msk $0xffff, v26  }
0xf6: {  	v27 =	vor.u32 v11, v24;
	v26 =	vld.idx.msk [tilespmem:v28+s11+$0x0], $0xffff;
	v28 =	vadd.s32 v17, v25  }
0xf7: {  	v28 =	vadd.s32 v12, v28;
	_ =	sdelay $0x3  }
0xf8: {  	[tilespmem:v27+s15+$0x0] =	vst.idx.msk $0xffff, v26  }
0xf9: {  	v25 =	vadd.s32 v16, v25;
	v27 =	vor.u32 v13, v24;
	v26 =	vld.idx.msk [tilespmem:v28+s11+$0x0], $0xffff  }
0xfa: {  	v25 =	vadd.s32 v14, v25;
	_ =	sdelay $0x1  }
0xfb: {  	s31 =	simm.s32 $0x7  }
0xfc: {  	v28 =	vadd.s32 s31, v0  }
0xfd: {  	[tilespmem:v27+s15+$0x0] =	vst.idx.msk $0xffff, v26;
	v26 =	vand.u32 $0x3F, v28  }
0xfe: {  	v24 =	vor.u32 v15, v24;
	v25 =	vld.idx.msk [tilespmem:v25+s11+$0x0], $0xffff;
	v27 =	vadd.s32 v23, v26  }
0xff: {  	v27 =	vadd.s32 v1, v27;
	_ =	sdelay $0x3  }
0x100: {  	[tilespmem:v24+s15+$0x0] =	vst.idx.msk $0xffff, v25;
	v24 =	vshll.u32 v26, $0x7  }
0x101: {  	v28 =	vadd.s32 v22, v26;
	v25 =	vld.idx.msk [tilespmem:v27+s11+$0x0], $0xffff;
	v27 =	vor.u32 v0, v24  }
0x102: {  	v28 =	vadd.s32 v2, v28;
	_ =	sdelay $0x3  }
0x103: {  	[tilespmem:v27+s15+$0x0] =	vst.idx.msk $0xffff, v25  }
0x104: {  	v27 =	vor.u32 v3, v24;
	v25 =	vld.idx.msk [tilespmem:v28+s11+$0x0], $0xffff;
	v28 =	vadd.s32 v21, v26  }
0x105: {  	v28 =	vadd.s32 v4, v28;
	_ =	sdelay $0x3  }
0x106: {  	[tilespmem:v27+s15+$0x0] =	vst.idx.msk $0xffff, v25  }
0x107: {  	v27 =	vor.u32 v5, v24;
	v25 =	vld.idx.msk [tilespmem:v28+s11+$0x0], $0xffff;
	v28 =	vadd.s32 v19, v26  }
0x108: {  	v28 =	vadd.s32 v6, v28;
	_ =	sdelay $0x3  }
0x109: {  	[tilespmem:v27+s15+$0x0] =	vst.idx.msk $0xffff, v25  }
0x10a: {  	v27 =	vor.u32 v7, v24;
	v25 =	vld.idx.msk [tilespmem:v28+s11+$0x0], $0xffff;
	v28 =	vadd.s32 v20, v26  }
0x10b: {  	v28 =	vadd.s32 v8, v28;
	_ =	sdelay $0x3  }
0x10c: {  	[tilespmem:v27+s15+$0x0] =	vst.idx.msk $0xffff, v25  }
0x10d: {  	v27 =	vor.u32 v9, v24;
	v25 =	vld.idx.msk [tilespmem:v28+s11+$0x0], $0xffff;
	v28 =	vadd.s32 v18, v26  }
0x10e: {  	v28 =	vadd.s32 v10, v28;
	_ =	sdelay $0x3  }
0x10f: {  	[tilespmem:v27+s15+$0x0] =	vst.idx.msk $0xffff, v25  }
0x110: {  	v27 =	vor.u32 v11, v24;
	v25 =	vld.idx.msk [tilespmem:v28+s11+$0x0], $0xffff;
	v28 =	vadd.s32 v17, v26  }
0x111: {  	v28 =	vadd.s32 v12, v28;
	_ =	sdelay $0x3  }
0x112: {  	[tilespmem:v27+s15+$0x0] =	vst.idx.msk $0xffff, v25  }
0x113: {  	v26 =	vadd.s32 v16, v26;
	v27 =	vor.u32 v13, v24;
	v25 =	vld.idx.msk [tilespmem:v28+s11+$0x0], $0xffff  }
0x114: {  	v26 =	vadd.s32 v14, v26;
	_ =	sdelay $0x1  }
0x115: {  	s28 =	simm.s32 $0x8  }
0x116: {  	s24 =	simm.s32 $0xF;
	s25 =	sshll.u32 s23, $0x1;
	s26 =	simm.s32 $0x17  }
.LBB2_3:
0x117: {  	p0 =	sne.s32 s26, $0x3F;
	v28 =	vadd.s32 s28, v0;
	[tilespmem:v27+s15+$0x0] =	vst.idx.msk $0xffff, v25  }
0x118: {  	v25 =	vand.u32 $0x3F, v28;
	v26 =	vld.idx.msk [tilespmem:v26+s11+$0x0], $0xffff  }
0x119: {  	v24 =	vor.u32 v15, v24;
	v27 =	vadd.s32 v23, v25  }
0x11a: {  	v27 =	vadd.s32 v1, v27;
	_ =	sdelay $0x3  }
0x11b: {  	[tilespmem:v24+s15+$0x0] =	vst.idx.msk $0xffff, v26  }
0x11c: {  	v26 =	vshll.u32 v25, $0x7;
	v24 =	vld.idx.msk [tilespmem:v27+s11+$0x0], $0xffff  }
0x11d: {  	v28 =	vadd.s32 v22, v25;
	v27 =	vor.u32 v0, v26  }
0x11e: {  	v28 =	vadd.s32 v2, v28;
	_ =	sdelay $0x3  }
0x11f: {  	[tilespmem:v27+s15+$0x0] =	vst.idx.msk $0xffff, v24  }
0x120: {  	v24 =	vld.idx.msk [tilespmem:v28+s11+$0x0], $0xffff  }
0x121: {  	v27 =	vor.u32 v3, v26;
	v28 =	vadd.s32 v21, v25  }
0x122: {  	v28 =	vadd.s32 v4, v28;
	_ =	sdelay $0x3  }
0x123: {  	[tilespmem:v27+s15+$0x0] =	vst.idx.msk $0xffff, v24  }
0x124: {  	v24 =	vld.idx.msk [tilespmem:v28+s11+$0x0], $0xffff  }
0x125: {  	v27 =	vor.u32 v5, v26;
	v28 =	vadd.s32 v19, v25  }
0x126: {  	v28 =	vadd.s32 v6, v28;
	_ =	sdelay $0x3  }
0x127: {  	[tilespmem:v27+s15+$0x0] =	vst.idx.msk $0xffff, v24  }
0x128: {  	v24 =	vld.idx.msk [tilespmem:v28+s11+$0x0], $0xffff  }
0x129: {  	v27 =	vor.u32 v7, v26;
	v28 =	vadd.s32 v20, v25  }
0x12a: {  	v28 =	vadd.s32 v8, v28;
	_ =	sdelay $0x3  }
0x12b: {  	[tilespmem:v27+s15+$0x0] =	vst.idx.msk $0xffff, v24  }
0x12c: {  	v24 =	vld.idx.msk [tilespmem:v28+s11+$0x0], $0xffff  }
0x12d: {  	v27 =	vor.u32 v9, v26;
	v28 =	vadd.s32 v18, v25  }
0x12e: {  	v28 =	vadd.s32 v10, v28;
	_ =	sdelay $0x3  }
0x12f: {  	[tilespmem:v27+s15+$0x0] =	vst.idx.msk $0xffff, v24  }
0x130: {  	v24 =	vld.idx.msk [tilespmem:v28+s11+$0x0], $0xffff  }
0x131: {  	v27 =	vor.u32 v11, v26;
	v28 =	vadd.s32 v17, v25  }
0x132: {  	v28 =	vadd.s32 v12, v28;
	_ =	sdelay $0x3  }
0x133: {  	[tilespmem:v27+s15+$0x0] =	vst.idx.msk $0xffff, v24  }
0x134: {  	v24 =	vld.idx.msk [tilespmem:v28+s11+$0x0], $0xffff  }
0x135: {  	v25 =	vadd.s32 v16, v25;
	v27 =	vor.u32 v13, v26  }
0x136: {  	v25 =	vadd.s32 v14, v25;
	_ =	sdelay $0x2  }
0x137: {  	s28 =	sadd.s32 $0xFFFFFFFA, s24  }
0x138: {  	[tilespmem:v27+s15+$0x0] =	vst.idx.msk $0xffff, v24;
	v24 =	vadd.s32 s28, v0  }
0x139: {  	v25 =	vld.idx.msk [tilespmem:v25+s11+$0x0], $0xffff;
	v24 =	vand.u32 $0x3F, v24  }
0x13a: {  	v26 =	vor.u32 v15, v26;
	v27 =	vadd.s32 v23, v24  }
0x13b: {  	v27 =	vadd.s32 v1, v27;
	_ =	sdelay $0x3  }
0x13c: {  	[tilespmem:v26+s15+$0x0] =	vst.idx.msk $0xffff, v25  }
0x13d: {  	v26 =	vshll.u32 v24, $0x7;
	v25 =	vld.idx.msk [tilespmem:v27+s11+$0x0], $0xffff  }
0x13e: {  	v28 =	vadd.s32 v22, v24;
	v27 =	vor.u32 v0, v26  }
0x13f: {  	v28 =	vadd.s32 v2, v28;
	_ =	sdelay $0x3  }
0x140: {  	[tilespmem:v27+s15+$0x0] =	vst.idx.msk $0xffff, v25  }
0x141: {  	v25 =	vld.idx.msk [tilespmem:v28+s11+$0x0], $0xffff  }
0x142: {  	v27 =	vor.u32 v3, v26;
	v28 =	vadd.s32 v21, v24  }
0x143: {  	v28 =	vadd.s32 v4, v28;
	_ =	sdelay $0x3  }
0x144: {  	[tilespmem:v27+s15+$0x0] =	vst.idx.msk $0xffff, v25  }
0x145: {  	v25 =	vld.idx.msk [tilespmem:v28+s11+$0x0], $0xffff  }
0x146: {  	v27 =	vor.u32 v5, v26;
	v28 =	vadd.s32 v19, v24  }
0x147: {  	v28 =	vadd.s32 v6, v28;
	_ =	sdelay $0x3  }
0x148: {  	[tilespmem:v27+s15+$0x0] =	vst.idx.msk $0xffff, v25  }
0x149: {  	v25 =	vld.idx.msk [tilespmem:v28+s11+$0x0], $0xffff  }
0x14a: {  	v27 =	vor.u32 v7, v26;
	v28 =	vadd.s32 v20, v24  }
0x14b: {  	v28 =	vadd.s32 v8, v28;
	_ =	sdelay $0x3  }
0x14c: {  	[tilespmem:v27+s15+$0x0] =	vst.idx.msk $0xffff, v25  }
0x14d: {  	v25 =	vld.idx.msk [tilespmem:v28+s11+$0x0], $0xffff  }
0x14e: {  	v27 =	vor.u32 v9, v26;
	v28 =	vadd.s32 v18, v24  }
0x14f: {  	v28 =	vadd.s32 v10, v28;
	_ =	sdelay $0x3  }
0x150: {  	[tilespmem:v27+s15+$0x0] =	vst.idx.msk $0xffff, v25  }
0x151: {  	v25 =	vld.idx.msk [tilespmem:v28+s11+$0x0], $0xffff  }
0x152: {  	v27 =	vor.u32 v11, v26;
	v28 =	vadd.s32 v17, v24  }
0x153: {  	v28 =	vadd.s32 v12, v28;
	_ =	sdelay $0x3  }
0x154: {  	[tilespmem:v27+s15+$0x0] =	vst.idx.msk $0xffff, v25  }
0x155: {  	v25 =	vld.idx.msk [tilespmem:v28+s11+$0x0], $0xffff  }
0x156: {  	v24 =	vadd.s32 v16, v24;
	v27 =	vor.u32 v13, v26  }
0x157: {  	v24 =	vadd.s32 v14, v24;
	_ =	sdelay $0x2  }
0x158: {  	s28 =	sadd.s32 $0xFFFFFFFB, s24  }
0x159: {  	[tilespmem:v27+s15+$0x0] =	vst.idx.msk $0xffff, v25;
	v25 =	vadd.s32 s28, v0  }
0x15a: {  	v24 =	vld.idx.msk [tilespmem:v24+s11+$0x0], $0xffff;
	v25 =	vand.u32 $0x3F, v25  }
0x15b: {  	v26 =	vor.u32 v15, v26;
	v27 =	vadd.s32 v23, v25  }
0x15c: {  	v27 =	vadd.s32 v1, v27;
	_ =	sdelay $0x3  }
0x15d: {  	[tilespmem:v26+s15+$0x0] =	vst.idx.msk $0xffff, v24  }
0x15e: {  	v26 =	vshll.u32 v25, $0x7;
	v24 =	vld.idx.msk [tilespmem:v27+s11+$0x0], $0xffff  }
0x15f: {  	v28 =	vadd.s32 v22, v25;
	v27 =	vor.u32 v0, v26  }
0x160: {  	v28 =	vadd.s32 v2, v28;
	_ =	sdelay $0x3  }
0x161: {  	[tilespmem:v27+s15+$0x0] =	vst.idx.msk $0xffff, v24  }
0x162: {  	v24 =	vld.idx.msk [tilespmem:v28+s11+$0x0], $0xffff  }
0x163: {  	v27 =	vor.u32 v3, v26;
	v28 =	vadd.s32 v21, v25  }
0x164: {  	v28 =	vadd.s32 v4, v28;
	_ =	sdelay $0x3  }
0x165: {  	[tilespmem:v27+s15+$0x0] =	vst.idx.msk $0xffff, v24  }
0x166: {  	v24 =	vld.idx.msk [tilespmem:v28+s11+$0x0], $0xffff  }
0x167: {  	v27 =	vor.u32 v5, v26;
	v28 =	vadd.s32 v19, v25  }
0x168: {  	v28 =	vadd.s32 v6, v28;
	_ =	sdelay $0x3  }
0x169: {  	[tilespmem:v27+s15+$0x0] =	vst.idx.msk $0xffff, v24  }
0x16a: {  	v24 =	vld.idx.msk [tilespmem:v28+s11+$0x0], $0xffff  }
0x16b: {  	v27 =	vor.u32 v7, v26;
	v28 =	vadd.s32 v20, v25  }
0x16c: {  	v28 =	vadd.s32 v8, v28;
	_ =	sdelay $0x3  }
0x16d: {  	[tilespmem:v27+s15+$0x0] =	vst.idx.msk $0xffff, v24  }
0x16e: {  	v24 =	vld.idx.msk [tilespmem:v28+s11+$0x0], $0xffff  }
0x16f: {  	v27 =	vor.u32 v9, v26;
	v28 =	vadd.s32 v18, v25  }
0x170: {  	v28 =	vadd.s32 v10, v28;
	_ =	sdelay $0x3  }
0x171: {  	[tilespmem:v27+s15+$0x0] =	vst.idx.msk $0xffff, v24  }
0x172: {  	v24 =	vld.idx.msk [tilespmem:v28+s11+$0x0], $0xffff  }
0x173: {  	v27 =	vor.u32 v11, v26;
	v28 =	vadd.s32 v17, v25  }
0x174: {  	v28 =	vadd.s32 v12, v28;
	_ =	sdelay $0x3  }
0x175: {  	[tilespmem:v27+s15+$0x0] =	vst.idx.msk $0xffff, v24  }
0x176: {  	v24 =	vld.idx.msk [tilespmem:v28+s11+$0x0], $0xffff  }
0x177: {  	v25 =	vadd.s32 v16, v25;
	v27 =	vor.u32 v13, v26  }
0x178: {  	v25 =	vadd.s32 v14, v25;
	_ =	sdelay $0x2  }
0x179: {  	s28 =	sadd.s32 $0xFFFFFFFC, s24  }
0x17a: {  	[tilespmem:v27+s15+$0x0] =	vst.idx.msk $0xffff, v24;
	v24 =	vadd.s32 s28, v0  }
0x17b: {  	v25 =	vld.idx.msk [tilespmem:v25+s11+$0x0], $0xffff;
	v24 =	vand.u32 $0x3F, v24  }
0x17c: {  	v26 =	vor.u32 v15, v26;
	v27 =	vadd.s32 v23, v24  }
0x17d: {  	v27 =	vadd.s32 v1, v27;
	_ =	sdelay $0x3  }
0x17e: {  	[tilespmem:v26+s15+$0x0] =	vst.idx.msk $0xffff, v25  }
0x17f: {  	v26 =	vshll.u32 v24, $0x7;
	v25 =	vld.idx.msk [tilespmem:v27+s11+$0x0], $0xffff  }
0x180: {  	v28 =	vadd.s32 v22, v24;
	v27 =	vor.u32 v0, v26  }
0x181: {  	v28 =	vadd.s32 v2, v28;
	_ =	sdelay $0x3  }
0x182: {  	[tilespmem:v27+s15+$0x0] =	vst.idx.msk $0xffff, v25  }
0x183: {  	v25 =	vld.idx.msk [tilespmem:v28+s11+$0x0], $0xffff  }
0x184: {  	v27 =	vor.u32 v3, v26;
	v28 =	vadd.s32 v21, v24  }
0x185: {  	v28 =	vadd.s32 v4, v28;
	_ =	sdelay $0x3  }
0x186: {  	[tilespmem:v27+s15+$0x0] =	vst.idx.msk $0xffff, v25  }
0x187: {  	v25 =	vld.idx.msk [tilespmem:v28+s11+$0x0], $0xffff  }
0x188: {  	v27 =	vor.u32 v5, v26;
	v28 =	vadd.s32 v19, v24  }
0x189: {  	v28 =	vadd.s32 v6, v28;
	_ =	sdelay $0x3  }
0x18a: {  	[tilespmem:v27+s15+$0x0] =	vst.idx.msk $0xffff, v25  }
0x18b: {  	v25 =	vld.idx.msk [tilespmem:v28+s11+$0x0], $0xffff  }
0x18c: {  	v27 =	vor.u32 v7, v26;
	v28 =	vadd.s32 v20, v24  }
0x18d: {  	v28 =	vadd.s32 v8, v28;
	_ =	sdelay $0x3  }
0x18e: {  	[tilespmem:v27+s15+$0x0] =	vst.idx.msk $0xffff, v25  }
0x18f: {  	v25 =	vld.idx.msk [tilespmem:v28+s11+$0x0], $0xffff  }
0x190: {  	v27 =	vor.u32 v9, v26;
	v28 =	vadd.s32 v18, v24  }
0x191: {  	v28 =	vadd.s32 v10, v28;
	_ =	sdelay $0x3  }
0x192: {  	[tilespmem:v27+s15+$0x0] =	vst.idx.msk $0xffff, v25  }
0x193: {  	v25 =	vld.idx.msk [tilespmem:v28+s11+$0x0], $0xffff  }
0x194: {  	v27 =	vor.u32 v11, v26;
	v28 =	vadd.s32 v17, v24  }
0x195: {  	v28 =	vadd.s32 v12, v28;
	_ =	sdelay $0x3  }
0x196: {  	[tilespmem:v27+s15+$0x0] =	vst.idx.msk $0xffff, v25  }
0x197: {  	v25 =	vld.idx.msk [tilespmem:v28+s11+$0x0], $0xffff  }
0x198: {  	v24 =	vadd.s32 v16, v24;
	v27 =	vor.u32 v13, v26  }
0x199: {  	v24 =	vadd.s32 v14, v24;
	_ =	sdelay $0x2  }
0x19a: {  	s28 =	sadd.s32 $0xFFFFFFFD, s24  }
0x19b: {  	[tilespmem:v27+s15+$0x0] =	vst.idx.msk $0xffff, v25;
	v25 =	vadd.s32 s28, v0  }
0x19c: {  	v24 =	vld.idx.msk [tilespmem:v24+s11+$0x0], $0xffff;
	v25 =	vand.u32 $0x3F, v25  }
0x19d: {  	v26 =	vor.u32 v15, v26;
	v27 =	vadd.s32 v23, v25  }
0x19e: {  	v27 =	vadd.s32 v1, v27;
	_ =	sdelay $0x3  }
0x19f: {  	[tilespmem:v26+s15+$0x0] =	vst.idx.msk $0xffff, v24  }
0x1a0: {  	v26 =	vshll.u32 v25, $0x7;
	v24 =	vld.idx.msk [tilespmem:v27+s11+$0x0], $0xffff  }
0x1a1: {  	v28 =	vadd.s32 v22, v25;
	v27 =	vor.u32 v0, v26  }
0x1a2: {  	v28 =	vadd.s32 v2, v28;
	_ =	sdelay $0x3  }
0x1a3: {  	[tilespmem:v27+s15+$0x0] =	vst.idx.msk $0xffff, v24  }
0x1a4: {  	v24 =	vld.idx.msk [tilespmem:v28+s11+$0x0], $0xffff  }
0x1a5: {  	v27 =	vor.u32 v3, v26;
	v28 =	vadd.s32 v21, v25  }
0x1a6: {  	v28 =	vadd.s32 v4, v28;
	_ =	sdelay $0x3  }
0x1a7: {  	[tilespmem:v27+s15+$0x0] =	vst.idx.msk $0xffff, v24  }
0x1a8: {  	v24 =	vld.idx.msk [tilespmem:v28+s11+$0x0], $0xffff  }
0x1a9: {  	v27 =	vor.u32 v5, v26;
	v28 =	vadd.s32 v19, v25  }
0x1aa: {  	v28 =	vadd.s32 v6, v28;
	_ =	sdelay $0x3  }
0x1ab: {  	[tilespmem:v27+s15+$0x0] =	vst.idx.msk $0xffff, v24  }
0x1ac: {  	v24 =	vld.idx.msk [tilespmem:v28+s11+$0x0], $0xffff  }
0x1ad: {  	v27 =	vor.u32 v7, v26;
	v28 =	vadd.s32 v20, v25  }
0x1ae: {  	v28 =	vadd.s32 v8, v28;
	_ =	sdelay $0x3  }
0x1af: {  	[tilespmem:v27+s15+$0x0] =	vst.idx.msk $0xffff, v24  }
0x1b0: {  	v24 =	vld.idx.msk [tilespmem:v28+s11+$0x0], $0xffff  }
0x1b1: {  	v27 =	vor.u32 v9, v26;
	v28 =	vadd.s32 v18, v25  }
0x1b2: {  	v28 =	vadd.s32 v10, v28;
	_ =	sdelay $0x3  }
0x1b3: {  	[tilespmem:v27+s15+$0x0] =	vst.idx.msk $0xffff, v24  }
0x1b4: {  	v24 =	vld.idx.msk [tilespmem:v28+s11+$0x0], $0xffff  }
0x1b5: {  	v27 =	vor.u32 v11, v26;
	v28 =	vadd.s32 v17, v25  }
0x1b6: {  	v28 =	vadd.s32 v12, v28;
	_ =	sdelay $0x3  }
0x1b7: {  	[tilespmem:v27+s15+$0x0] =	vst.idx.msk $0xffff, v24  }
0x1b8: {  	v24 =	vld.idx.msk [tilespmem:v28+s11+$0x0], $0xffff  }
0x1b9: {  	v25 =	vadd.s32 v16, v25;
	v27 =	vor.u32 v13, v26  }
0x1ba: {  	v25 =	vadd.s32 v14, v25;
	_ =	sdelay $0x2  }
0x1bb: {  	s28 =	sadd.s32 $0xFFFFFFFE, s24  }
0x1bc: {  	[tilespmem:v27+s15+$0x0] =	vst.idx.msk $0xffff, v24;
	v24 =	vadd.s32 s28, v0  }
0x1bd: {  	v25 =	vld.idx.msk [tilespmem:v25+s11+$0x0], $0xffff;
	v24 =	vand.u32 $0x3F, v24  }
0x1be: {  	v26 =	vor.u32 v15, v26;
	v27 =	vadd.s32 v23, v24  }
0x1bf: {  	v27 =	vadd.s32 v1, v27;
	_ =	sdelay $0x3  }
0x1c0: {  	[tilespmem:v26+s15+$0x0] =	vst.idx.msk $0xffff, v25  }
0x1c1: {  	v26 =	vshll.u32 v24, $0x7;
	v25 =	vld.idx.msk [tilespmem:v27+s11+$0x0], $0xffff  }
0x1c2: {  	v28 =	vadd.s32 v22, v24;
	v27 =	vor.u32 v0, v26  }
0x1c3: {  	v28 =	vadd.s32 v2, v28;
	_ =	sdelay $0x3  }
0x1c4: {  	[tilespmem:v27+s15+$0x0] =	vst.idx.msk $0xffff, v25  }
0x1c5: {  	v25 =	vld.idx.msk [tilespmem:v28+s11+$0x0], $0xffff  }
0x1c6: {  	v27 =	vor.u32 v3, v26;
	v28 =	vadd.s32 v21, v24  }
0x1c7: {  	v28 =	vadd.s32 v4, v28;
	_ =	sdelay $0x3  }
0x1c8: {  	[tilespmem:v27+s15+$0x0] =	vst.idx.msk $0xffff, v25  }
0x1c9: {  	v25 =	vld.idx.msk [tilespmem:v28+s11+$0x0], $0xffff  }
0x1ca: {  	v27 =	vor.u32 v5, v26;
	v28 =	vadd.s32 v19, v24  }
0x1cb: {  	v28 =	vadd.s32 v6, v28;
	_ =	sdelay $0x3  }
0x1cc: {  	[tilespmem:v27+s15+$0x0] =	vst.idx.msk $0xffff, v25  }
0x1cd: {  	v25 =	vld.idx.msk [tilespmem:v28+s11+$0x0], $0xffff  }
0x1ce: {  	v27 =	vor.u32 v7, v26;
	v28 =	vadd.s32 v20, v24  }
0x1cf: {  	v28 =	vadd.s32 v8, v28;
	_ =	sdelay $0x3  }
0x1d0: {  	[tilespmem:v27+s15+$0x0] =	vst.idx.msk $0xffff, v25  }
0x1d1: {  	v25 =	vld.idx.msk [tilespmem:v28+s11+$0x0], $0xffff  }
0x1d2: {  	v27 =	vor.u32 v9, v26;
	v28 =	vadd.s32 v18, v24  }
0x1d3: {  	v28 =	vadd.s32 v10, v28;
	_ =	sdelay $0x3  }
0x1d4: {  	[tilespmem:v27+s15+$0x0] =	vst.idx.msk $0xffff, v25  }
0x1d5: {  	v25 =	vld.idx.msk [tilespmem:v28+s11+$0x0], $0xffff  }
0x1d6: {  	v27 =	vor.u32 v11, v26;
	v28 =	vadd.s32 v17, v24  }
0x1d7: {  	v28 =	vadd.s32 v12, v28;
	_ =	sdelay $0x3  }
0x1d8: {  	[tilespmem:v27+s15+$0x0] =	vst.idx.msk $0xffff, v25  }
0x1d9: {  	v25 =	vld.idx.msk [tilespmem:v28+s11+$0x0], $0xffff  }
0x1da: {  	v24 =	vadd.s32 v16, v24;
	v27 =	vor.u32 v13, v26  }
0x1db: {  	v24 =	vadd.s32 v14, v24;
	_ =	sdelay $0x2  }
0x1dc: {  	s28 =	sadd.s32 $0xFFFFFFFF, s24  }
0x1dd: {  	[tilespmem:v27+s15+$0x0] =	vst.idx.msk $0xffff, v25;
	v25 =	vadd.s32 s28, v0  }
0x1de: {  	v24 =	vld.idx.msk [tilespmem:v24+s11+$0x0], $0xffff;
	v25 =	vand.u32 $0x3F, v25  }
0x1df: {  	v26 =	vor.u32 v15, v26;
	v27 =	vadd.s32 v23, v25  }
0x1e0: {  	v27 =	vadd.s32 v1, v27;
	_ =	sdelay $0x3  }
0x1e1: {  	[tilespmem:v26+s15+$0x0] =	vst.idx.msk $0xffff, v24  }
0x1e2: {  	v26 =	vshll.u32 v25, $0x7;
	v24 =	vld.idx.msk [tilespmem:v27+s11+$0x0], $0xffff  }
0x1e3: {  	v28 =	vadd.s32 v22, v25;
	v27 =	vor.u32 v0, v26  }
0x1e4: {  	v28 =	vadd.s32 v2, v28;
	_ =	sdelay $0x3  }
0x1e5: {  	[tilespmem:v27+s15+$0x0] =	vst.idx.msk $0xffff, v24  }
0x1e6: {  	v24 =	vld.idx.msk [tilespmem:v28+s11+$0x0], $0xffff  }
0x1e7: {  	v27 =	vor.u32 v3, v26;
	v28 =	vadd.s32 v21, v25  }
0x1e8: {  	v28 =	vadd.s32 v4, v28;
	_ =	sdelay $0x3  }
0x1e9: {  	[tilespmem:v27+s15+$0x0] =	vst.idx.msk $0xffff, v24  }
0x1ea: {  	v24 =	vld.idx.msk [tilespmem:v28+s11+$0x0], $0xffff  }
0x1eb: {  	v27 =	vor.u32 v5, v26;
	v28 =	vadd.s32 v19, v25  }
0x1ec: {  	v28 =	vadd.s32 v6, v28;
	_ =	sdelay $0x3  }
0x1ed: {  	[tilespmem:v27+s15+$0x0] =	vst.idx.msk $0xffff, v24  }
0x1ee: {  	v24 =	vld.idx.msk [tilespmem:v28+s11+$0x0], $0xffff  }
0x1ef: {  	v27 =	vor.u32 v7, v26;
	v28 =	vadd.s32 v20, v25  }
0x1f0: {  	v28 =	vadd.s32 v8, v28;
	_ =	sdelay $0x3  }
0x1f1: {  	[tilespmem:v27+s15+$0x0] =	vst.idx.msk $0xffff, v24  }
0x1f2: {  	v24 =	vld.idx.msk [tilespmem:v28+s11+$0x0], $0xffff  }
0x1f3: {  	v27 =	vor.u32 v9, v26;
	v28 =	vadd.s32 v18, v25  }
0x1f4: {  	v28 =	vadd.s32 v10, v28;
	_ =	sdelay $0x3  }
0x1f5: {  	[tilespmem:v27+s15+$0x0] =	vst.idx.msk $0xffff, v24  }
0x1f6: {  	v24 =	vld.idx.msk [tilespmem:v28+s11+$0x0], $0xffff  }
0x1f7: {  	v27 =	vor.u32 v11, v26;
	v28 =	vadd.s32 v17, v25  }
0x1f8: {  	v28 =	vadd.s32 v12, v28;
	_ =	sdelay $0x3  }
0x1f9: {  	[tilespmem:v27+s15+$0x0] =	vst.idx.msk $0xffff, v24  }
0x1fa: {  	v24 =	vld.idx.msk [tilespmem:v28+s11+$0x0], $0xffff  }
0x1fb: {  	v25 =	vadd.s32 v16, v25;
	v27 =	vor.u32 v13, v26  }
0x1fc: {  	v25 =	vadd.s32 v14, v25;
	_ =	sdelay $0x3  }
0x1fd: {  	[tilespmem:v27+s15+$0x0] =	vst.idx.msk $0xffff, v24;
	v24 =	vadd.s32 s24, v0;
	s24 =	smov.u32 s26  }
0x1fe: {  	v25 =	vld.idx.msk [tilespmem:v25+s11+$0x0], $0xffff;
	v28 =	vand.u32 $0x3F, v24  }
0x1ff: {  	v24 =	vor.u32 v15, v26;
	v26 =	vadd.s32 v23, v28  }
0x200: {  	v26 =	vadd.s32 v1, v26;
	_ =	sdelay $0x3  }
0x201: {  	[tilespmem:v24+s15+$0x0] =	vst.idx.msk $0xffff, v25  }
0x202: {  	v24 =	vshll.u32 v28, $0x7;
	v25 =	vld.idx.msk [tilespmem:v26+s11+$0x0], $0xffff  }
0x203: {  	v27 =	vadd.s32 v22, v28;
	v26 =	vor.u32 v0, v24  }
0x204: {  	v27 =	vadd.s32 v2, v27;
	_ =	sdelay $0x3  }
0x205: {  	[tilespmem:v26+s15+$0x0] =	vst.idx.msk $0xffff, v25  }
0x206: {  	v25 =	vld.idx.msk [tilespmem:v27+s11+$0x0], $0xffff  }
0x207: {  	v26 =	vor.u32 v3, v24;
	v27 =	vadd.s32 v21, v28  }
0x208: {  	v27 =	vadd.s32 v4, v27;
	_ =	sdelay $0x3  }
0x209: {  	[tilespmem:v26+s15+$0x0] =	vst.idx.msk $0xffff, v25  }
0x20a: {  	v25 =	vld.idx.msk [tilespmem:v27+s11+$0x0], $0xffff  }
0x20b: {  	v26 =	vor.u32 v5, v24;
	v27 =	vadd.s32 v19, v28  }
0x20c: {  	v27 =	vadd.s32 v6, v27;
	_ =	sdelay $0x3  }
0x20d: {  	[tilespmem:v26+s15+$0x0] =	vst.idx.msk $0xffff, v25  }
0x20e: {  	v25 =	vld.idx.msk [tilespmem:v27+s11+$0x0], $0xffff  }
0x20f: {  	v26 =	vor.u32 v7, v24;
	v27 =	vadd.s32 v20, v28  }
0x210: {  	v27 =	vadd.s32 v8, v27;
	_ =	sdelay $0x3  }
0x211: {  	[tilespmem:v26+s15+$0x0] =	vst.idx.msk $0xffff, v25  }
0x212: {  	v25 =	vld.idx.msk [tilespmem:v27+s11+$0x0], $0xffff  }
0x213: {  	v26 =	vor.u32 v9, v24;
	v27 =	vadd.s32 v18, v28  }
0x214: {  	v27 =	vadd.s32 v10, v27;
	_ =	sdelay $0x3  }
0x215: {  	[tilespmem:v26+s15+$0x0] =	vst.idx.msk $0xffff, v25  }
0x216: {  	v25 =	vld.idx.msk [tilespmem:v27+s11+$0x0], $0xffff  }
0x217: {  	v26 =	vor.u32 v11, v24;
	v27 =	vadd.s32 v17, v28  }
0x218: {  	v27 =	vadd.s32 v12, v27;
	_ =	sdelay $0x3  }
0x219: {  	[tilespmem:v26+s15+$0x0] =	vst.idx.msk $0xffff, v25  }
0x21a: {  	v25 =	vld.idx.msk [tilespmem:v27+s11+$0x0], $0xffff  }
.Ltmp0:
0x21b: {  	v26 =	vadd.s32 v16, v28;
	v27 =	vor.u32 v13, v24;
	(pc) =	sbr.rel @p0 .LBB2_3-.Ltmp0, $2  }
0x21c: {  	v26 =	vadd.s32 v14, v26;
	_ =	sdelay $0x2  }
0x21d: {  	s26 =	sadd.s32 $0x8, s26;
	s28 =	sadd.s32 $0xFFFFFFF9, s24  }
0x21e: {  	_ =	sdelay $0x2  }
0x21f: {  	v28 =	vadd.s32 s28, v0  }
0x220: {  	[tilespmem:v27+s15+$0x0] =	vst.idx.msk $0xffff, v25;
	v25 =	vand.u32 $0x3F, v28  }
0x221: {  	v24 =	vor.u32 v15, v24;
	v26 =	vld.idx.msk [tilespmem:v26+s11+$0x0], $0xffff;
	v27 =	vadd.s32 v23, v25  }
0x222: {  	v27 =	vadd.s32 v1, v27;
	_ =	sdelay $0x3  }
0x223: {  	[tilespmem:v24+s15+$0x0] =	vst.idx.msk $0xffff, v26;
	v24 =	vshll.u32 v25, $0x7  }
0x224: {  	v28 =	vadd.s32 v22, v25;
	v26 =	vld.idx.msk [tilespmem:v27+s11+$0x0], $0xffff;
	v27 =	vor.u32 v0, v24  }
0x225: {  	v28 =	vadd.s32 v2, v28;
	_ =	sdelay $0x3  }
0x226: {  	[tilespmem:v27+s15+$0x0] =	vst.idx.msk $0xffff, v26  }
0x227: {  	v27 =	vor.u32 v3, v24;
	v26 =	vld.idx.msk [tilespmem:v28+s11+$0x0], $0xffff;
	v28 =	vadd.s32 v21, v25  }
0x228: {  	v28 =	vadd.s32 v4, v28;
	_ =	sdelay $0x3  }
0x229: {  	[tilespmem:v27+s15+$0x0] =	vst.idx.msk $0xffff, v26  }
0x22a: {  	v27 =	vor.u32 v5, v24;
	v26 =	vld.idx.msk [tilespmem:v28+s11+$0x0], $0xffff;
	v28 =	vadd.s32 v19, v25  }
0x22b: {  	v28 =	vadd.s32 v6, v28;
	_ =	sdelay $0x3  }
0x22c: {  	[tilespmem:v27+s15+$0x0] =	vst.idx.msk $0xffff, v26  }
0x22d: {  	v27 =	vor.u32 v7, v24;
	v26 =	vld.idx.msk [tilespmem:v28+s11+$0x0], $0xffff;
	v28 =	vadd.s32 v20, v25  }
0x22e: {  	v28 =	vadd.s32 v8, v28;
	_ =	sdelay $0x3  }
0x22f: {  	[tilespmem:v27+s15+$0x0] =	vst.idx.msk $0xffff, v26  }
0x230: {  	v27 =	vor.u32 v9, v24;
	v26 =	vld.idx.msk [tilespmem:v28+s11+$0x0], $0xffff;
	v28 =	vadd.s32 v18, v25  }
0x231: {  	v28 =	vadd.s32 v10, v28;
	_ =	sdelay $0x3  }
0x232: {  	[tilespmem:v27+s15+$0x0] =	vst.idx.msk $0xffff, v26  }
0x233: {  	v27 =	vor.u32 v11, v24;
	v26 =	vld.idx.msk [tilespmem:v28+s11+$0x0], $0xffff;
	v28 =	vadd.s32 v17, v25  }
0x234: {  	v28 =	vadd.s32 v12, v28;
	_ =	sdelay $0x3  }
0x235: {  	[tilespmem:v27+s15+$0x0] =	vst.idx.msk $0xffff, v26  }
0x236: {  	v25 =	vadd.s32 v16, v25;
	v27 =	vor.u32 v13, v24;
	v26 =	vld.idx.msk [tilespmem:v28+s11+$0x0], $0xffff  }
0x237: {  	v25 =	vadd.s32 v14, v25;
	_ =	sdelay $0x1  }
0x238: {  	s26 =	sadd.s32 $0xFFFFFFFA, s24  }
0x239: {  	v28 =	vadd.s32 s26, v0  }
0x23a: {  	[tilespmem:v27+s15+$0x0] =	vst.idx.msk $0xffff, v26;
	v26 =	vand.u32 $0x3F, v28  }
0x23b: {  	v24 =	vor.u32 v15, v24;
	v25 =	vld.idx.msk [tilespmem:v25+s11+$0x0], $0xffff;
	v27 =	vadd.s32 v23, v26  }
0x23c: {  	v27 =	vadd.s32 v1, v27;
	_ =	sdelay $0x3  }
0x23d: {  	[tilespmem:v24+s15+$0x0] =	vst.idx.msk $0xffff, v25;
	v24 =	vshll.u32 v26, $0x7  }
0x23e: {  	v28 =	vadd.s32 v22, v26;
	v25 =	vld.idx.msk [tilespmem:v27+s11+$0x0], $0xffff;
	v27 =	vor.u32 v0, v24  }
0x23f: {  	v28 =	vadd.s32 v2, v28;
	_ =	sdelay $0x3  }
0x240: {  	[tilespmem:v27+s15+$0x0] =	vst.idx.msk $0xffff, v25  }
0x241: {  	v27 =	vor.u32 v3, v24;
	v25 =	vld.idx.msk [tilespmem:v28+s11+$0x0], $0xffff;
	v28 =	vadd.s32 v21, v26  }
0x242: {  	v28 =	vadd.s32 v4, v28;
	_ =	sdelay $0x3  }
0x243: {  	[tilespmem:v27+s15+$0x0] =	vst.idx.msk $0xffff, v25  }
0x244: {  	v27 =	vor.u32 v5, v24;
	v25 =	vld.idx.msk [tilespmem:v28+s11+$0x0], $0xffff;
	v28 =	vadd.s32 v19, v26  }
0x245: {  	v28 =	vadd.s32 v6, v28;
	_ =	sdelay $0x3  }
0x246: {  	[tilespmem:v27+s15+$0x0] =	vst.idx.msk $0xffff, v25  }
0x247: {  	v27 =	vor.u32 v7, v24;
	v25 =	vld.idx.msk [tilespmem:v28+s11+$0x0], $0xffff;
	v28 =	vadd.s32 v20, v26  }
0x248: {  	v28 =	vadd.s32 v8, v28;
	_ =	sdelay $0x3  }
0x249: {  	[tilespmem:v27+s15+$0x0] =	vst.idx.msk $0xffff, v25  }
0x24a: {  	v27 =	vor.u32 v9, v24;
	v25 =	vld.idx.msk [tilespmem:v28+s11+$0x0], $0xffff;
	v28 =	vadd.s32 v18, v26  }
0x24b: {  	v28 =	vadd.s32 v10, v28;
	_ =	sdelay $0x3  }
0x24c: {  	[tilespmem:v27+s15+$0x0] =	vst.idx.msk $0xffff, v25  }
0x24d: {  	v27 =	vor.u32 v11, v24;
	v25 =	vld.idx.msk [tilespmem:v28+s11+$0x0], $0xffff;
	v28 =	vadd.s32 v17, v26  }
0x24e: {  	v28 =	vadd.s32 v12, v28;
	_ =	sdelay $0x3  }
0x24f: {  	[tilespmem:v27+s15+$0x0] =	vst.idx.msk $0xffff, v25  }
0x250: {  	v26 =	vadd.s32 v16, v26;
	v27 =	vor.u32 v13, v24;
	v25 =	vld.idx.msk [tilespmem:v28+s11+$0x0], $0xffff  }
0x251: {  	v26 =	vadd.s32 v14, v26;
	_ =	sdelay $0x1  }
0x252: {  	s30 =	sadd.s32 $0xFFFFFFFB, s24  }
0x253: {  	v28 =	vadd.s32 s30, v0  }
0x254: {  	[tilespmem:v27+s15+$0x0] =	vst.idx.msk $0xffff, v25;
	v25 =	vand.u32 $0x3F, v28  }
0x255: {  	v24 =	vor.u32 v15, v24;
	v26 =	vld.idx.msk [tilespmem:v26+s11+$0x0], $0xffff;
	v27 =	vadd.s32 v23, v25  }
0x256: {  	v27 =	vadd.s32 v1, v27;
	_ =	sdelay $0x3  }
0x257: {  	[tilespmem:v24+s15+$0x0] =	vst.idx.msk $0xffff, v26;
	v24 =	vshll.u32 v25, $0x7  }
0x258: {  	v28 =	vadd.s32 v22, v25;
	v26 =	vld.idx.msk [tilespmem:v27+s11+$0x0], $0xffff;
	v27 =	vor.u32 v0, v24  }
0x259: {  	v28 =	vadd.s32 v2, v28;
	_ =	sdelay $0x3  }
0x25a: {  	[tilespmem:v27+s15+$0x0] =	vst.idx.msk $0xffff, v26  }
0x25b: {  	v27 =	vor.u32 v3, v24;
	v26 =	vld.idx.msk [tilespmem:v28+s11+$0x0], $0xffff;
	v28 =	vadd.s32 v21, v25  }
0x25c: {  	v28 =	vadd.s32 v4, v28;
	_ =	sdelay $0x3  }
0x25d: {  	[tilespmem:v27+s15+$0x0] =	vst.idx.msk $0xffff, v26  }
0x25e: {  	v27 =	vor.u32 v5, v24;
	v26 =	vld.idx.msk [tilespmem:v28+s11+$0x0], $0xffff;
	v28 =	vadd.s32 v19, v25  }
0x25f: {  	v28 =	vadd.s32 v6, v28;
	_ =	sdelay $0x3  }
0x260: {  	[tilespmem:v27+s15+$0x0] =	vst.idx.msk $0xffff, v26  }
0x261: {  	v27 =	vor.u32 v7, v24;
	v26 =	vld.idx.msk [tilespmem:v28+s11+$0x0], $0xffff;
	v28 =	vadd.s32 v20, v25  }
0x262: {  	v28 =	vadd.s32 v8, v28;
	_ =	sdelay $0x3  }
0x263: {  	[tilespmem:v27+s15+$0x0] =	vst.idx.msk $0xffff, v26  }
0x264: {  	v27 =	vor.u32 v9, v24;
	v26 =	vld.idx.msk [tilespmem:v28+s11+$0x0], $0xffff;
	v28 =	vadd.s32 v18, v25  }
0x265: {  	v28 =	vadd.s32 v10, v28;
	_ =	sdelay $0x3  }
0x266: {  	[tilespmem:v27+s15+$0x0] =	vst.idx.msk $0xffff, v26  }
0x267: {  	v27 =	vor.u32 v11, v24;
	v26 =	vld.idx.msk [tilespmem:v28+s11+$0x0], $0xffff;
	v28 =	vadd.s32 v17, v25  }
0x268: {  	v28 =	vadd.s32 v12, v28;
	_ =	sdelay $0x3  }
0x269: {  	[tilespmem:v27+s15+$0x0] =	vst.idx.msk $0xffff, v26  }
0x26a: {  	v25 =	vadd.s32 v16, v25;
	v27 =	vor.u32 v13, v24;
	v26 =	vld.idx.msk [tilespmem:v28+s11+$0x0], $0xffff  }
0x26b: {  	v25 =	vadd.s32 v14, v25;
	_ =	sdelay $0x1  }
0x26c: {  	s31 =	sadd.s32 $0xFFFFFFFC, s24  }
0x26d: {  	v28 =	vadd.s32 s31, v0  }
0x26e: {  	[tilespmem:v27+s15+$0x0] =	vst.idx.msk $0xffff, v26;
	v26 =	vand.u32 $0x3F, v28  }
0x26f: {  	v24 =	vor.u32 v15, v24;
	v25 =	vld.idx.msk [tilespmem:v25+s11+$0x0], $0xffff;
	v27 =	vadd.s32 v23, v26  }
0x270: {  	v27 =	vadd.s32 v1, v27;
	_ =	sdelay $0x3  }
0x271: {  	[tilespmem:v24+s15+$0x0] =	vst.idx.msk $0xffff, v25;
	v24 =	vshll.u32 v26, $0x7  }
0x272: {  	v28 =	vadd.s32 v22, v26;
	v25 =	vld.idx.msk [tilespmem:v27+s11+$0x0], $0xffff;
	v27 =	vor.u32 v0, v24  }
0x273: {  	v28 =	vadd.s32 v2, v28;
	_ =	sdelay $0x3  }
0x274: {  	[tilespmem:v27+s15+$0x0] =	vst.idx.msk $0xffff, v25  }
0x275: {  	v27 =	vor.u32 v3, v24;
	v25 =	vld.idx.msk [tilespmem:v28+s11+$0x0], $0xffff;
	v28 =	vadd.s32 v21, v26  }
0x276: {  	v28 =	vadd.s32 v4, v28;
	_ =	sdelay $0x3  }
0x277: {  	[tilespmem:v27+s15+$0x0] =	vst.idx.msk $0xffff, v25  }
0x278: {  	v27 =	vor.u32 v5, v24;
	v25 =	vld.idx.msk [tilespmem:v28+s11+$0x0], $0xffff;
	v28 =	vadd.s32 v19, v26  }
0x279: {  	v28 =	vadd.s32 v6, v28;
	_ =	sdelay $0x3  }
0x27a: {  	[tilespmem:v27+s15+$0x0] =	vst.idx.msk $0xffff, v25  }
0x27b: {  	v27 =	vor.u32 v7, v24;
	v25 =	vld.idx.msk [tilespmem:v28+s11+$0x0], $0xffff;
	v28 =	vadd.s32 v20, v26  }
0x27c: {  	v28 =	vadd.s32 v8, v28;
	_ =	sdelay $0x3  }
0x27d: {  	[tilespmem:v27+s15+$0x0] =	vst.idx.msk $0xffff, v25  }
0x27e: {  	v27 =	vor.u32 v9, v24;
	v25 =	vld.idx.msk [tilespmem:v28+s11+$0x0], $0xffff;
	v28 =	vadd.s32 v18, v26  }
0x27f: {  	v28 =	vadd.s32 v10, v28;
	_ =	sdelay $0x3  }
0x280: {  	[tilespmem:v27+s15+$0x0] =	vst.idx.msk $0xffff, v25  }
0x281: {  	v27 =	vor.u32 v11, v24;
	v25 =	vld.idx.msk [tilespmem:v28+s11+$0x0], $0xffff;
	v28 =	vadd.s32 v17, v26  }
0x282: {  	v28 =	vadd.s32 v12, v28;
	_ =	sdelay $0x3  }
0x283: {  	[tilespmem:v27+s15+$0x0] =	vst.idx.msk $0xffff, v25  }
0x284: {  	v26 =	vadd.s32 v16, v26;
	v27 =	vor.u32 v13, v24;
	v25 =	vld.idx.msk [tilespmem:v28+s11+$0x0], $0xffff  }
0x285: {  	v26 =	vadd.s32 v14, v26;
	_ =	sdelay $0x1  }
0x286: {  	s30 =	sadd.s32 $0xFFFFFFFD, s24  }
0x287: {  	v28 =	vadd.s32 s30, v0  }
0x288: {  	[tilespmem:v27+s15+$0x0] =	vst.idx.msk $0xffff, v25;
	v25 =	vand.u32 $0x3F, v28  }
0x289: {  	v24 =	vor.u32 v15, v24;
	v26 =	vld.idx.msk [tilespmem:v26+s11+$0x0], $0xffff;
	v27 =	vadd.s32 v23, v25  }
0x28a: {  	v27 =	vadd.s32 v1, v27;
	_ =	sdelay $0x3  }
0x28b: {  	[tilespmem:v24+s15+$0x0] =	vst.idx.msk $0xffff, v26;
	v24 =	vshll.u32 v25, $0x7  }
0x28c: {  	v28 =	vadd.s32 v22, v25;
	v26 =	vld.idx.msk [tilespmem:v27+s11+$0x0], $0xffff;
	v27 =	vor.u32 v0, v24  }
0x28d: {  	v28 =	vadd.s32 v2, v28;
	_ =	sdelay $0x3  }
0x28e: {  	[tilespmem:v27+s15+$0x0] =	vst.idx.msk $0xffff, v26  }
0x28f: {  	v27 =	vor.u32 v3, v24;
	v26 =	vld.idx.msk [tilespmem:v28+s11+$0x0], $0xffff;
	v28 =	vadd.s32 v21, v25  }
0x290: {  	v28 =	vadd.s32 v4, v28;
	_ =	sdelay $0x3  }
0x291: {  	[tilespmem:v27+s15+$0x0] =	vst.idx.msk $0xffff, v26  }
0x292: {  	v27 =	vor.u32 v5, v24;
	v26 =	vld.idx.msk [tilespmem:v28+s11+$0x0], $0xffff;
	v28 =	vadd.s32 v19, v25  }
0x293: {  	v28 =	vadd.s32 v6, v28;
	_ =	sdelay $0x3  }
0x294: {  	[tilespmem:v27+s15+$0x0] =	vst.idx.msk $0xffff, v26  }
0x295: {  	v27 =	vor.u32 v7, v24;
	v26 =	vld.idx.msk [tilespmem:v28+s11+$0x0], $0xffff;
	v28 =	vadd.s32 v20, v25  }
0x296: {  	v28 =	vadd.s32 v8, v28;
	_ =	sdelay $0x3  }
0x297: {  	[tilespmem:v27+s15+$0x0] =	vst.idx.msk $0xffff, v26  }
0x298: {  	v27 =	vor.u32 v9, v24;
	v26 =	vld.idx.msk [tilespmem:v28+s11+$0x0], $0xffff;
	v28 =	vadd.s32 v18, v25  }
0x299: {  	v28 =	vadd.s32 v10, v28;
	_ =	sdelay $0x3  }
0x29a: {  	[tilespmem:v27+s15+$0x0] =	vst.idx.msk $0xffff, v26  }
0x29b: {  	v27 =	vor.u32 v11, v24;
	v26 =	vld.idx.msk [tilespmem:v28+s11+$0x0], $0xffff;
	v28 =	vadd.s32 v17, v25  }
0x29c: {  	v28 =	vadd.s32 v12, v28;
	_ =	sdelay $0x3  }
0x29d: {  	[tilespmem:v27+s15+$0x0] =	vst.idx.msk $0xffff, v26  }
0x29e: {  	v25 =	vadd.s32 v16, v25;
	v27 =	vor.u32 v13, v24;
	v26 =	vld.idx.msk [tilespmem:v28+s11+$0x0], $0xffff  }
0x29f: {  	v25 =	vadd.s32 v14, v25;
	_ =	sdelay $0x1  }
0x2a0: {  	s31 =	sadd.s32 $0xFFFFFFFE, s24  }
0x2a1: {  	v28 =	vadd.s32 s31, v0  }
0x2a2: {  	[tilespmem:v27+s15+$0x0] =	vst.idx.msk $0xffff, v26;
	v26 =	vand.u32 $0x3F, v28  }
0x2a3: {  	v24 =	vor.u32 v15, v24;
	v25 =	vld.idx.msk [tilespmem:v25+s11+$0x0], $0xffff;
	v27 =	vadd.s32 v23, v26  }
0x2a4: {  	v27 =	vadd.s32 v1, v27;
	_ =	sdelay $0x3  }
0x2a5: {  	[tilespmem:v24+s15+$0x0] =	vst.idx.msk $0xffff, v25;
	v24 =	vshll.u32 v26, $0x7  }
0x2a6: {  	v28 =	vadd.s32 v22, v26;
	v25 =	vld.idx.msk [tilespmem:v27+s11+$0x0], $0xffff;
	v27 =	vor.u32 v0, v24  }
0x2a7: {  	v28 =	vadd.s32 v2, v28;
	_ =	sdelay $0x3  }
0x2a8: {  	[tilespmem:v27+s15+$0x0] =	vst.idx.msk $0xffff, v25  }
0x2a9: {  	v27 =	vor.u32 v3, v24;
	v25 =	vld.idx.msk [tilespmem:v28+s11+$0x0], $0xffff;
	v28 =	vadd.s32 v21, v26  }
0x2aa: {  	v28 =	vadd.s32 v4, v28;
	_ =	sdelay $0x3  }
0x2ab: {  	[tilespmem:v27+s15+$0x0] =	vst.idx.msk $0xffff, v25  }
0x2ac: {  	v27 =	vor.u32 v5, v24;
	v25 =	vld.idx.msk [tilespmem:v28+s11+$0x0], $0xffff;
	v28 =	vadd.s32 v19, v26  }
0x2ad: {  	v28 =	vadd.s32 v6, v28;
	_ =	sdelay $0x3  }
0x2ae: {  	[tilespmem:v27+s15+$0x0] =	vst.idx.msk $0xffff, v25  }
0x2af: {  	v27 =	vor.u32 v7, v24;
	v25 =	vld.idx.msk [tilespmem:v28+s11+$0x0], $0xffff;
	v28 =	vadd.s32 v20, v26  }
0x2b0: {  	v28 =	vadd.s32 v8, v28;
	_ =	sdelay $0x3  }
0x2b1: {  	[tilespmem:v27+s15+$0x0] =	vst.idx.msk $0xffff, v25  }
0x2b2: {  	v27 =	vor.u32 v9, v24;
	v25 =	vld.idx.msk [tilespmem:v28+s11+$0x0], $0xffff;
	v28 =	vadd.s32 v18, v26  }
0x2b3: {  	v28 =	vadd.s32 v10, v28;
	_ =	sdelay $0x3  }
0x2b4: {  	[tilespmem:v27+s15+$0x0] =	vst.idx.msk $0xffff, v25  }
0x2b5: {  	v27 =	vor.u32 v11, v24;
	v25 =	vld.idx.msk [tilespmem:v28+s11+$0x0], $0xffff;
	v28 =	vadd.s32 v17, v26  }
0x2b6: {  	v28 =	vadd.s32 v12, v28;
	_ =	sdelay $0x3  }
0x2b7: {  	[tilespmem:v27+s15+$0x0] =	vst.idx.msk $0xffff, v25  }
0x2b8: {  	v26 =	vadd.s32 v16, v26;
	v27 =	vor.u32 v13, v24;
	v25 =	vld.idx.msk [tilespmem:v28+s11+$0x0], $0xffff  }
0x2b9: {  	v26 =	vadd.s32 v14, v26;
	_ =	sdelay $0x1  }
0x2ba: {  	s30 =	sadd.s32 $0xFFFFFFFF, s24  }
0x2bb: {  	v28 =	vadd.s32 s30, v0  }
0x2bc: {  	[tilespmem:v27+s15+$0x0] =	vst.idx.msk $0xffff, v25;
	v25 =	vand.u32 $0x3F, v28  }
0x2bd: {  	v24 =	vor.u32 v15, v24;
	v26 =	vld.idx.msk [tilespmem:v26+s11+$0x0], $0xffff;
	v27 =	vadd.s32 v23, v25  }
0x2be: {  	v27 =	vadd.s32 v1, v27;
	_ =	sdelay $0x3  }
0x2bf: {  	[tilespmem:v24+s15+$0x0] =	vst.idx.msk $0xffff, v26;
	v24 =	vshll.u32 v25, $0x7  }
0x2c0: {  	v28 =	vadd.s32 v22, v25;
	v26 =	vld.idx.msk [tilespmem:v27+s11+$0x0], $0xffff;
	v27 =	vor.u32 v0, v24  }
0x2c1: {  	v28 =	vadd.s32 v2, v28;
	_ =	sdelay $0x3  }
0x2c2: {  	[tilespmem:v27+s15+$0x0] =	vst.idx.msk $0xffff, v26  }
0x2c3: {  	v27 =	vor.u32 v3, v24;
	v26 =	vld.idx.msk [tilespmem:v28+s11+$0x0], $0xffff;
	v28 =	vadd.s32 v21, v25  }
0x2c4: {  	v28 =	vadd.s32 v4, v28;
	_ =	sdelay $0x3  }
0x2c5: {  	[tilespmem:v27+s15+$0x0] =	vst.idx.msk $0xffff, v26  }
0x2c6: {  	v27 =	vor.u32 v5, v24;
	v26 =	vld.idx.msk [tilespmem:v28+s11+$0x0], $0xffff;
	v28 =	vadd.s32 v19, v25  }
0x2c7: {  	v28 =	vadd.s32 v6, v28;
	_ =	sdelay $0x3  }
0x2c8: {  	[tilespmem:v27+s15+$0x0] =	vst.idx.msk $0xffff, v26  }
0x2c9: {  	v27 =	vor.u32 v7, v24;
	v26 =	vld.idx.msk [tilespmem:v28+s11+$0x0], $0xffff;
	v28 =	vadd.s32 v20, v25  }
0x2ca: {  	v28 =	vadd.s32 v8, v28;
	_ =	sdelay $0x3  }
0x2cb: {  	[tilespmem:v27+s15+$0x0] =	vst.idx.msk $0xffff, v26  }
0x2cc: {  	v27 =	vor.u32 v9, v24;
	v26 =	vld.idx.msk [tilespmem:v28+s11+$0x0], $0xffff;
	v28 =	vadd.s32 v18, v25  }
0x2cd: {  	v28 =	vadd.s32 v10, v28;
	_ =	sdelay $0x3  }
0x2ce: {  	[tilespmem:v27+s15+$0x0] =	vst.idx.msk $0xffff, v26  }
0x2cf: {  	v27 =	vor.u32 v11, v24;
	v26 =	vld.idx.msk [tilespmem:v28+s11+$0x0], $0xffff;
	v28 =	vadd.s32 v17, v25  }
0x2d0: {  	v28 =	vadd.s32 v12, v28;
	_ =	sdelay $0x3  }
0x2d1: {  	[tilespmem:v27+s15+$0x0] =	vst.idx.msk $0xffff, v26  }
0x2d2: {  	v25 =	vadd.s32 v16, v25;
	v27 =	vor.u32 v13, v24;
	v26 =	vld.idx.msk [tilespmem:v28+s11+$0x0], $0xffff  }
0x2d3: {  	v25 =	vadd.s32 v14, v25;
	_ =	sdelay $0x2  }
0x2d4: {  	v28 =	vadd.s32 s24, v0  }
0x2d5: {  	[tilespmem:v27+s15+$0x0] =	vst.idx.msk $0xffff, v26;
	v26 =	vand.u32 $0x3F, v28  }
0x2d6: {  	v24 =	vor.u32 v15, v24;
	v25 =	vld.idx.msk [tilespmem:v25+s11+$0x0], $0xffff;
	v23 =	vadd.s32 v23, v26  }
0x2d7: {  	v23 =	vadd.s32 v1, v23;
	_ =	sdelay $0x3  }
0x2d8: {  	[tilespmem:v24+s15+$0x0] =	vst.idx.msk $0xffff, v25;
	v24 =	vshll.u32 v26, $0x7  }
0x2d9: {  	v22 =	vadd.s32 v22, v26;
	v23 =	vld.idx.msk [tilespmem:v23+s11+$0x0], $0xffff;
	v25 =	vor.u32 v0, v24  }
0x2da: {  	v22 =	vadd.s32 v2, v22;
	_ =	sdelay $0x3  }
0x2db: {  	[tilespmem:v25+s15+$0x0] =	vst.idx.msk $0xffff, v23  }
0x2dc: {  	v21 =	vadd.s32 v21, v26;
	v23 =	vor.u32 v3, v24;
	v22 =	vld.idx.msk [tilespmem:v22+s11+$0x0], $0xffff  }
0x2dd: {  	v21 =	vadd.s32 v4, v21;
	_ =	sdelay $0x3  }
0x2de: {  	[tilespmem:v23+s15+$0x0] =	vst.idx.msk $0xffff, v22  }
0x2df: {  	v19 =	vadd.s32 v19, v26;
	v22 =	vor.u32 v5, v24;
	v21 =	vld.idx.msk [tilespmem:v21+s11+$0x0], $0xffff  }
0x2e0: {  	v19 =	vadd.s32 v6, v19;
	_ =	sdelay $0x3  }
0x2e1: {  	[tilespmem:v22+s15+$0x0] =	vst.idx.msk $0xffff, v21  }
0x2e2: {  	v20 =	vadd.s32 v20, v26;
	v21 =	vor.u32 v7, v24;
	v19 =	vld.idx.msk [tilespmem:v19+s11+$0x0], $0xffff  }
0x2e3: {  	v20 =	vadd.s32 v8, v20;
	_ =	sdelay $0x3  }
0x2e4: {  	[tilespmem:v21+s15+$0x0] =	vst.idx.msk $0xffff, v19  }
0x2e5: {  	v18 =	vadd.s32 v18, v26;
	v19 =	vld.idx.msk [tilespmem:v20+s11+$0x0], $0xffff;
	v20 =	vor.u32 v9, v24  }
0x2e6: {  	v18 =	vadd.s32 v10, v18;
	_ =	sdelay $0x3  }
0x2e7: {  	[tilespmem:v20+s15+$0x0] =	vst.idx.msk $0xffff, v19  }
0x2e8: {  	v17 =	vadd.s32 v17, v26;
	v19 =	vor.u32 v11, v24;
	v18 =	vld.idx.msk [tilespmem:v18+s11+$0x0], $0xffff  }
0x2e9: {  	v17 =	vadd.s32 v12, v17;
	_ =	sdelay $0x3  }
0x2ea: {  	[tilespmem:v19+s15+$0x0] =	vst.idx.msk $0xffff, v18  }
0x2eb: {  	v16 =	vadd.s32 v16, v26;
	v18 =	vor.u32 v13, v24;
	v17 =	vld.idx.msk [tilespmem:v17+s11+$0x0], $0xffff  }
0x2ec: {  	v16 =	vadd.s32 v14, v16;
	_ =	sdelay $0x3  }
0x2ed: {  	[tilespmem:v18+s15+$0x0] =	vst.idx.msk $0xffff, v17  }
0x2ee: {  	v17 =	vor.u32 v15, v24;
	v16 =	vld.idx.msk [tilespmem:v16+s11+$0x0], $0xffff;
	_ =	sdelay $0x2  }
0x2ef: {  	p0 =	seq.s32 s23, $0x63  }
0x2f0: {  	s24 =	sshll.u32 @!p0 s23, $0x8  }
0x2f1: {  	s24 =	sand.u32 @!p0 $0x3FFFFF00, s24;
	[tilespmem:v17+s15+$0x0] =	vst.idx.msk $0xffff, v16  }
0x2f2: {  	v16 =	vld @!p0 [tilespmem:s24+$0x100];
	_ =	sdelay $0x4  }
0x2f3: {  	v17 =	vshra.s32 @!p0 v16, $0x1;
	v16 =	vshll.u32 @!p0 v16, $0x6  }
0x2f4: {  	[tilespmem:$0x6400] =	vst @!p0 v17;
	v16 =	vand.u32 @!p0 $0x40, v16  }
0x2f5: {  	[tilespmem:$0x6500] =	vst @!p0 v16  }
0x2f6: {  	v16 =	vld @!p0 [tilespmem:s24+$0x110];
	_ =	sdelay $0x4  }
0x2f7: {  	v17 =	vshra.s32 @!p0 v16, $0x1;
	v16 =	vshll.u32 @!p0 v16, $0x6  }
0x2f8: {  	[tilespmem:$0x6410] =	vst @!p0 v17;
	v16 =	vand.u32 @!p0 $0x40, v16  }
0x2f9: {  	[tilespmem:$0x6510] =	vst @!p0 v16  }
0x2fa: {  	v16 =	vld @!p0 [tilespmem:s24+$0x120];
	_ =	sdelay $0x4  }
0x2fb: {  	v17 =	vshra.s32 @!p0 v16, $0x1;
	v16 =	vshll.u32 @!p0 v16, $0x6  }
0x2fc: {  	[tilespmem:$0x6420] =	vst @!p0 v17;
	v16 =	vand.u32 @!p0 $0x40, v16  }
0x2fd: {  	[tilespmem:$0x6520] =	vst @!p0 v16  }
0x2fe: {  	v16 =	vld @!p0 [tilespmem:s24+$0x130];
	_ =	sdelay $0x4  }
0x2ff: {  	v17 =	vshra.s32 @!p0 v16, $0x1;
	v16 =	vshll.u32 @!p0 v16, $0x6  }
0x300: {  	[tilespmem:$0x6430] =	vst @!p0 v17;
	v16 =	vand.u32 @!p0 $0x40, v16  }
0x301: {  	[tilespmem:$0x6530] =	vst @!p0 v16  }
0x302: {  	v16 =	vld @!p0 [tilespmem:s24+$0x140];
	_ =	sdelay $0x4  }
0x303: {  	v17 =	vshra.s32 @!p0 v16, $0x1;
	v16 =	vshll.u32 @!p0 v16, $0x6  }
0x304: {  	[tilespmem:$0x6440] =	vst @!p0 v17;
	v16 =	vand.u32 @!p0 $0x40, v16  }
0x305: {  	[tilespmem:$0x6540] =	vst @!p0 v16  }
0x306: {  	v16 =	vld @!p0 [tilespmem:s24+$0x150];
	_ =	sdelay $0x4  }
0x307: {  	v17 =	vshra.s32 @!p0 v16, $0x1;
	v16 =	vshll.u32 @!p0 v16, $0x6  }
0x308: {  	[tilespmem:$0x6450] =	vst @!p0 v17;
	v16 =	vand.u32 @!p0 $0x40, v16  }
0x309: {  	[tilespmem:$0x6550] =	vst @!p0 v16  }
0x30a: {  	v16 =	vld @!p0 [tilespmem:s24+$0x160];
	_ =	sdelay $0x4  }
0x30b: {  	v17 =	vshra.s32 @!p0 v16, $0x1;
	v16 =	vshll.u32 @!p0 v16, $0x6  }
0x30c: {  	[tilespmem:$0x6460] =	vst @!p0 v17;
	v16 =	vand.u32 @!p0 $0x40, v16  }
0x30d: {  	[tilespmem:$0x6560] =	vst @!p0 v16  }
0x30e: {  	v16 =	vld @!p0 [tilespmem:s24+$0x170];
	_ =	sdelay $0x4  }
0x30f: {  	v17 =	vshra.s32 @!p0 v16, $0x1;
	v16 =	vshll.u32 @!p0 v16, $0x6  }
0x310: {  	s28 =	simm.s32 @!p0 $0x6400;
	[tilespmem:$0x6470] =	vst @!p0 v17;
	v16 =	vand.u32 @!p0 $0x40, v16  }
0x311: {  	s29 =	simm.s32 @!p0 $0x6600;
	s26 =	simm.s32 @!p0 $0x80;
	s31 =	sadd.s32 s5, s25;
	[tilespmem:$0x6570] =	vst @!p0 v16  }
0x312: {  	[tilespmem:s29], [sflag:$0x1] =	stream.indirect.gather @!p0 [hbm4b:s4+s26], $0x80, s28, s26, $0xb8;
	[tilespmem:$0x12600] =	vst v63  }
0x313: {  	s28 =	sshll.u32 s31, $0x7  }
0x314: {  	s26 =	sshll.u32 s31, $0xA;
	s28 =	sand.u32 $0x3F00, s28  }
0x315: {  	s26 =	sand.u32 $0xFFE0000, s26;
	s28 =	sadd.s32 s2, s28  }
0x316: {  	s26 =	sadd.s32 s26, s28  }
0x317: {  	[hbm4b:s26+s16] =	stream.strided.scatter [tilespmem:s15], [sflag:$0x3], $0x2000, s17, s16, $0x38;
	[tilespmem:$0x12600] =	vst v63  }
0x318: {  	_ =	swait.ge [sflag:s18], $0x4000  }
0x319: {  	[sflag:s18] =	ssyncset.done $0x0  }
0x31a: {  	s26 =	simm.s32 @!p1 $0x4;
	[sflag:s18] =	ssyncadd.s32 $0xFFFFC000  }
0x31b: {  	_ =	swait.ge @!p1 [sflag:s26], $0x2000  }
0x31c: {  	[sflag:s26] =	ssyncset.done @!p1 $0x0  }
0x31d: {  	[sflag:s26] =	ssyncadd.s32 @!p1 $0xFFFFE000  }
0x31e: {  	v23 =	vld [tilespmem:$0x6580];
	_ =	sdelay $0x1  }
0x31f: {  	s30 =	simm.s32 $0x0  }
0x320: {  	v16 =	vadd.s32 s30, v0  }
0x321: {  	v24 =	vand.u32 $0x3F, v16  }
0x322: {  	v16 =	vadd.s32 v23, v24  }
0x323: {  	v22 =	vld [tilespmem:$0x6590];
	v16 =	vadd.s32 v1, v16;
	_ =	sdelay $0x3  }
0x324: {  	v25 =	vshll.u32 v24, $0x7;
	v21 =	vld [tilespmem:$0x65A0]  }
0x325: {  	v27 =	vor.u32 v0, v25;
	v26 =	vld.idx.msk [tilespmem:v16+s13+$0x0], $0xffff;
	v16 =	vadd.s32 v22, v24  }
0x326: {  	v19 =	vld [tilespmem:$0x65B0];
	v28 =	vadd.s32 v2, v16  }
0x327: {  	v20 =	vld [tilespmem:$0x65C0]  }
0x328: {  	v18 =	vld [tilespmem:$0x65D0]  }
0x329: {  	v17 =	vld [tilespmem:$0x65E0]  }
0x32a: {  	v16 =	vld [tilespmem:$0x65F0];
	[tilespmem:v27+s19+$0x0] =	vst.idx.msk $0xffff, v26  }
0x32b: {  	v27 =	vor.u32 v3, v25;
	v26 =	vld.idx.msk [tilespmem:v28+s13+$0x0], $0xffff;
	v28 =	vadd.s32 v21, v24  }
0x32c: {  	v28 =	vadd.s32 v4, v28;
	_ =	sdelay $0x3  }
0x32d: {  	[tilespmem:v27+s19+$0x0] =	vst.idx.msk $0xffff, v26  }
0x32e: {  	v27 =	vor.u32 v5, v25;
	v26 =	vld.idx.msk [tilespmem:v28+s13+$0x0], $0xffff;
	v28 =	vadd.s32 v19, v24  }
0x32f: {  	v28 =	vadd.s32 v6, v28;
	_ =	sdelay $0x3  }
0x330: {  	[tilespmem:v27+s19+$0x0] =	vst.idx.msk $0xffff, v26  }
0x331: {  	v27 =	vor.u32 v7, v25;
	v26 =	vld.idx.msk [tilespmem:v28+s13+$0x0], $0xffff;
	v28 =	vadd.s32 v20, v24  }
0x332: {  	v28 =	vadd.s32 v8, v28;
	_ =	sdelay $0x3  }
0x333: {  	[tilespmem:v27+s19+$0x0] =	vst.idx.msk $0xffff, v26  }
0x334: {  	v27 =	vor.u32 v9, v25;
	v26 =	vld.idx.msk [tilespmem:v28+s13+$0x0], $0xffff;
	v28 =	vadd.s32 v18, v24  }
0x335: {  	v28 =	vadd.s32 v10, v28;
	_ =	sdelay $0x3  }
0x336: {  	[tilespmem:v27+s19+$0x0] =	vst.idx.msk $0xffff, v26  }
0x337: {  	v27 =	vor.u32 v11, v25;
	v26 =	vld.idx.msk [tilespmem:v28+s13+$0x0], $0xffff;
	v28 =	vadd.s32 v17, v24  }
0x338: {  	v28 =	vadd.s32 v12, v28;
	_ =	sdelay $0x3  }
0x339: {  	[tilespmem:v27+s19+$0x0] =	vst.idx.msk $0xffff, v26  }
0x33a: {  	v24 =	vadd.s32 v16, v24;
	v27 =	vor.u32 v13, v25;
	v26 =	vld.idx.msk [tilespmem:v28+s13+$0x0], $0xffff  }
0x33b: {  	v24 =	vadd.s32 v14, v24;
	_ =	sdelay $0x1  }
0x33c: {  	s31 =	simm.s32 $0x1  }
0x33d: {  	v28 =	vadd.s32 s31, v0  }
0x33e: {  	[tilespmem:v27+s19+$0x0] =	vst.idx.msk $0xffff, v26;
	v26 =	vand.u32 $0x3F, v28  }
0x33f: {  	v25 =	vor.u32 v15, v25;
	v24 =	vld.idx.msk [tilespmem:v24+s13+$0x0], $0xffff;
	v27 =	vadd.s32 v23, v26  }
0x340: {  	v27 =	vadd.s32 v1, v27;
	_ =	sdelay $0x3  }
0x341: {  	[tilespmem:v25+s19+$0x0] =	vst.idx.msk $0xffff, v24;
	v24 =	vshll.u32 v26, $0x7  }
0x342: {  	v28 =	vadd.s32 v22, v26;
	v25 =	vld.idx.msk [tilespmem:v27+s13+$0x0], $0xffff;
	v27 =	vor.u32 v0, v24  }
0x343: {  	v28 =	vadd.s32 v2, v28;
	_ =	sdelay $0x3  }
0x344: {  	[tilespmem:v27+s19+$0x0] =	vst.idx.msk $0xffff, v25  }
0x345: {  	v27 =	vor.u32 v3, v24;
	v25 =	vld.idx.msk [tilespmem:v28+s13+$0x0], $0xffff;
	v28 =	vadd.s32 v21, v26  }
0x346: {  	v28 =	vadd.s32 v4, v28;
	_ =	sdelay $0x3  }
0x347: {  	[tilespmem:v27+s19+$0x0] =	vst.idx.msk $0xffff, v25  }
0x348: {  	v27 =	vor.u32 v5, v24;
	v25 =	vld.idx.msk [tilespmem:v28+s13+$0x0], $0xffff;
	v28 =	vadd.s32 v19, v26  }
0x349: {  	v28 =	vadd.s32 v6, v28;
	_ =	sdelay $0x3  }
0x34a: {  	[tilespmem:v27+s19+$0x0] =	vst.idx.msk $0xffff, v25  }
0x34b: {  	v27 =	vor.u32 v7, v24;
	v25 =	vld.idx.msk [tilespmem:v28+s13+$0x0], $0xffff;
	v28 =	vadd.s32 v20, v26  }
0x34c: {  	v28 =	vadd.s32 v8, v28;
	_ =	sdelay $0x3  }
0x34d: {  	[tilespmem:v27+s19+$0x0] =	vst.idx.msk $0xffff, v25  }
0x34e: {  	v27 =	vor.u32 v9, v24;
	v25 =	vld.idx.msk [tilespmem:v28+s13+$0x0], $0xffff;
	v28 =	vadd.s32 v18, v26  }
0x34f: {  	v28 =	vadd.s32 v10, v28;
	_ =	sdelay $0x3  }
0x350: {  	[tilespmem:v27+s19+$0x0] =	vst.idx.msk $0xffff, v25  }
0x351: {  	v27 =	vor.u32 v11, v24;
	v25 =	vld.idx.msk [tilespmem:v28+s13+$0x0], $0xffff;
	v28 =	vadd.s32 v17, v26  }
0x352: {  	v28 =	vadd.s32 v12, v28;
	_ =	sdelay $0x3  }
0x353: {  	[tilespmem:v27+s19+$0x0] =	vst.idx.msk $0xffff, v25  }
0x354: {  	v26 =	vadd.s32 v16, v26;
	v27 =	vor.u32 v13, v24;
	v25 =	vld.idx.msk [tilespmem:v28+s13+$0x0], $0xffff  }
0x355: {  	v26 =	vadd.s32 v14, v26;
	_ =	sdelay $0x1  }
0x356: {  	s30 =	simm.s32 $0x2  }
0x357: {  	v28 =	vadd.s32 s30, v0  }
0x358: {  	[tilespmem:v27+s19+$0x0] =	vst.idx.msk $0xffff, v25;
	v25 =	vand.u32 $0x3F, v28  }
0x359: {  	v24 =	vor.u32 v15, v24;
	v26 =	vld.idx.msk [tilespmem:v26+s13+$0x0], $0xffff;
	v27 =	vadd.s32 v23, v25  }
0x35a: {  	v27 =	vadd.s32 v1, v27;
	_ =	sdelay $0x3  }
0x35b: {  	[tilespmem:v24+s19+$0x0] =	vst.idx.msk $0xffff, v26;
	v24 =	vshll.u32 v25, $0x7  }
0x35c: {  	v28 =	vadd.s32 v22, v25;
	v26 =	vld.idx.msk [tilespmem:v27+s13+$0x0], $0xffff;
	v27 =	vor.u32 v0, v24  }
0x35d: {  	v28 =	vadd.s32 v2, v28;
	_ =	sdelay $0x3  }
0x35e: {  	[tilespmem:v27+s19+$0x0] =	vst.idx.msk $0xffff, v26  }
0x35f: {  	v27 =	vor.u32 v3, v24;
	v26 =	vld.idx.msk [tilespmem:v28+s13+$0x0], $0xffff;
	v28 =	vadd.s32 v21, v25  }
0x360: {  	v28 =	vadd.s32 v4, v28;
	_ =	sdelay $0x3  }
0x361: {  	[tilespmem:v27+s19+$0x0] =	vst.idx.msk $0xffff, v26  }
0x362: {  	v27 =	vor.u32 v5, v24;
	v26 =	vld.idx.msk [tilespmem:v28+s13+$0x0], $0xffff;
	v28 =	vadd.s32 v19, v25  }
0x363: {  	v28 =	vadd.s32 v6, v28;
	_ =	sdelay $0x3  }
0x364: {  	[tilespmem:v27+s19+$0x0] =	vst.idx.msk $0xffff, v26  }
0x365: {  	v27 =	vor.u32 v7, v24;
	v26 =	vld.idx.msk [tilespmem:v28+s13+$0x0], $0xffff;
	v28 =	vadd.s32 v20, v25  }
0x366: {  	v28 =	vadd.s32 v8, v28;
	_ =	sdelay $0x3  }
0x367: {  	[tilespmem:v27+s19+$0x0] =	vst.idx.msk $0xffff, v26  }
0x368: {  	v27 =	vor.u32 v9, v24;
	v26 =	vld.idx.msk [tilespmem:v28+s13+$0x0], $0xffff;
	v28 =	vadd.s32 v18, v25  }
0x369: {  	v28 =	vadd.s32 v10, v28;
	_ =	sdelay $0x3  }
0x36a: {  	[tilespmem:v27+s19+$0x0] =	vst.idx.msk $0xffff, v26  }
0x36b: {  	v27 =	vor.u32 v11, v24;
	v26 =	vld.idx.msk [tilespmem:v28+s13+$0x0], $0xffff;
	v28 =	vadd.s32 v17, v25  }
0x36c: {  	v28 =	vadd.s32 v12, v28;
	_ =	sdelay $0x3  }
0x36d: {  	[tilespmem:v27+s19+$0x0] =	vst.idx.msk $0xffff, v26  }
0x36e: {  	v25 =	vadd.s32 v16, v25;
	v27 =	vor.u32 v13, v24;
	v26 =	vld.idx.msk [tilespmem:v28+s13+$0x0], $0xffff  }
0x36f: {  	v25 =	vadd.s32 v14, v25;
	_ =	sdelay $0x1  }
0x370: {  	s31 =	simm.s32 $0x3  }
0x371: {  	v28 =	vadd.s32 s31, v0  }
0x372: {  	[tilespmem:v27+s19+$0x0] =	vst.idx.msk $0xffff, v26;
	v26 =	vand.u32 $0x3F, v28  }
0x373: {  	v24 =	vor.u32 v15, v24;
	v25 =	vld.idx.msk [tilespmem:v25+s13+$0x0], $0xffff;
	v27 =	vadd.s32 v23, v26  }
0x374: {  	v27 =	vadd.s32 v1, v27;
	_ =	sdelay $0x3  }
0x375: {  	[tilespmem:v24+s19+$0x0] =	vst.idx.msk $0xffff, v25;
	v24 =	vshll.u32 v26, $0x7  }
0x376: {  	v28 =	vadd.s32 v22, v26;
	v25 =	vld.idx.msk [tilespmem:v27+s13+$0x0], $0xffff;
	v27 =	vor.u32 v0, v24  }
0x377: {  	v28 =	vadd.s32 v2, v28;
	_ =	sdelay $0x3  }
0x378: {  	[tilespmem:v27+s19+$0x0] =	vst.idx.msk $0xffff, v25  }
0x379: {  	v27 =	vor.u32 v3, v24;
	v25 =	vld.idx.msk [tilespmem:v28+s13+$0x0], $0xffff;
	v28 =	vadd.s32 v21, v26  }
0x37a: {  	v28 =	vadd.s32 v4, v28;
	_ =	sdelay $0x3  }
0x37b: {  	[tilespmem:v27+s19+$0x0] =	vst.idx.msk $0xffff, v25  }
0x37c: {  	v27 =	vor.u32 v5, v24;
	v25 =	vld.idx.msk [tilespmem:v28+s13+$0x0], $0xffff;
	v28 =	vadd.s32 v19, v26  }
0x37d: {  	v28 =	vadd.s32 v6, v28;
	_ =	sdelay $0x3  }
0x37e: {  	[tilespmem:v27+s19+$0x0] =	vst.idx.msk $0xffff, v25  }
0x37f: {  	v27 =	vor.u32 v7, v24;
	v25 =	vld.idx.msk [tilespmem:v28+s13+$0x0], $0xffff;
	v28 =	vadd.s32 v20, v26  }
0x380: {  	v28 =	vadd.s32 v8, v28;
	_ =	sdelay $0x3  }
0x381: {  	[tilespmem:v27+s19+$0x0] =	vst.idx.msk $0xffff, v25  }
0x382: {  	v27 =	vor.u32 v9, v24;
	v25 =	vld.idx.msk [tilespmem:v28+s13+$0x0], $0xffff;
	v28 =	vadd.s32 v18, v26  }
0x383: {  	v28 =	vadd.s32 v10, v28;
	_ =	sdelay $0x3  }
0x384: {  	[tilespmem:v27+s19+$0x0] =	vst.idx.msk $0xffff, v25  }
0x385: {  	v27 =	vor.u32 v11, v24;
	v25 =	vld.idx.msk [tilespmem:v28+s13+$0x0], $0xffff;
	v28 =	vadd.s32 v17, v26  }
0x386: {  	v28 =	vadd.s32 v12, v28;
	_ =	sdelay $0x3  }
0x387: {  	[tilespmem:v27+s19+$0x0] =	vst.idx.msk $0xffff, v25  }
0x388: {  	v26 =	vadd.s32 v16, v26;
	v27 =	vor.u32 v13, v24;
	v25 =	vld.idx.msk [tilespmem:v28+s13+$0x0], $0xffff  }
0x389: {  	v26 =	vadd.s32 v14, v26;
	_ =	sdelay $0x1  }
0x38a: {  	s30 =	simm.s32 $0x4  }
0x38b: {  	v28 =	vadd.s32 s30, v0  }
0x38c: {  	[tilespmem:v27+s19+$0x0] =	vst.idx.msk $0xffff, v25;
	v25 =	vand.u32 $0x3F, v28  }
0x38d: {  	v24 =	vor.u32 v15, v24;
	v26 =	vld.idx.msk [tilespmem:v26+s13+$0x0], $0xffff;
	v27 =	vadd.s32 v23, v25  }
0x38e: {  	v27 =	vadd.s32 v1, v27;
	_ =	sdelay $0x3  }
0x38f: {  	[tilespmem:v24+s19+$0x0] =	vst.idx.msk $0xffff, v26;
	v24 =	vshll.u32 v25, $0x7  }
0x390: {  	v28 =	vadd.s32 v22, v25;
	v26 =	vld.idx.msk [tilespmem:v27+s13+$0x0], $0xffff;
	v27 =	vor.u32 v0, v24  }
0x391: {  	v28 =	vadd.s32 v2, v28;
	_ =	sdelay $0x3  }
0x392: {  	[tilespmem:v27+s19+$0x0] =	vst.idx.msk $0xffff, v26  }
0x393: {  	v27 =	vor.u32 v3, v24;
	v26 =	vld.idx.msk [tilespmem:v28+s13+$0x0], $0xffff;
	v28 =	vadd.s32 v21, v25  }
0x394: {  	v28 =	vadd.s32 v4, v28;
	_ =	sdelay $0x3  }
0x395: {  	[tilespmem:v27+s19+$0x0] =	vst.idx.msk $0xffff, v26  }
0x396: {  	v27 =	vor.u32 v5, v24;
	v26 =	vld.idx.msk [tilespmem:v28+s13+$0x0], $0xffff;
	v28 =	vadd.s32 v19, v25  }
0x397: {  	v28 =	vadd.s32 v6, v28;
	_ =	sdelay $0x3  }
0x398: {  	[tilespmem:v27+s19+$0x0] =	vst.idx.msk $0xffff, v26  }
0x399: {  	v27 =	vor.u32 v7, v24;
	v26 =	vld.idx.msk [tilespmem:v28+s13+$0x0], $0xffff;
	v28 =	vadd.s32 v20, v25  }
0x39a: {  	v28 =	vadd.s32 v8, v28;
	_ =	sdelay $0x3  }
0x39b: {  	[tilespmem:v27+s19+$0x0] =	vst.idx.msk $0xffff, v26  }
0x39c: {  	v27 =	vor.u32 v9, v24;
	v26 =	vld.idx.msk [tilespmem:v28+s13+$0x0], $0xffff;
	v28 =	vadd.s32 v18, v25  }
0x39d: {  	v28 =	vadd.s32 v10, v28;
	_ =	sdelay $0x3  }
0x39e: {  	[tilespmem:v27+s19+$0x0] =	vst.idx.msk $0xffff, v26  }
0x39f: {  	v27 =	vor.u32 v11, v24;
	v26 =	vld.idx.msk [tilespmem:v28+s13+$0x0], $0xffff;
	v28 =	vadd.s32 v17, v25  }
0x3a0: {  	v28 =	vadd.s32 v12, v28;
	_ =	sdelay $0x3  }
0x3a1: {  	[tilespmem:v27+s19+$0x0] =	vst.idx.msk $0xffff, v26  }
0x3a2: {  	v25 =	vadd.s32 v16, v25;
	v27 =	vor.u32 v13, v24;
	v26 =	vld.idx.msk [tilespmem:v28+s13+$0x0], $0xffff  }
0x3a3: {  	v25 =	vadd.s32 v14, v25;
	_ =	sdelay $0x1  }
0x3a4: {  	s31 =	simm.s32 $0x5  }
0x3a5: {  	v28 =	vadd.s32 s31, v0  }
0x3a6: {  	[tilespmem:v27+s19+$0x0] =	vst.idx.msk $0xffff, v26;
	v26 =	vand.u32 $0x3F, v28  }
0x3a7: {  	v24 =	vor.u32 v15, v24;
	v25 =	vld.idx.msk [tilespmem:v25+s13+$0x0], $0xffff;
	v27 =	vadd.s32 v23, v26  }
0x3a8: {  	v27 =	vadd.s32 v1, v27;
	_ =	sdelay $0x3  }
0x3a9: {  	[tilespmem:v24+s19+$0x0] =	vst.idx.msk $0xffff, v25;
	v24 =	vshll.u32 v26, $0x7  }
0x3aa: {  	v28 =	vadd.s32 v22, v26;
	v25 =	vld.idx.msk [tilespmem:v27+s13+$0x0], $0xffff;
	v27 =	vor.u32 v0, v24  }
0x3ab: {  	v28 =	vadd.s32 v2, v28;
	_ =	sdelay $0x3  }
0x3ac: {  	[tilespmem:v27+s19+$0x0] =	vst.idx.msk $0xffff, v25  }
0x3ad: {  	v27 =	vor.u32 v3, v24;
	v25 =	vld.idx.msk [tilespmem:v28+s13+$0x0], $0xffff;
	v28 =	vadd.s32 v21, v26  }
0x3ae: {  	v28 =	vadd.s32 v4, v28;
	_ =	sdelay $0x3  }
0x3af: {  	[tilespmem:v27+s19+$0x0] =	vst.idx.msk $0xffff, v25  }
0x3b0: {  	v27 =	vor.u32 v5, v24;
	v25 =	vld.idx.msk [tilespmem:v28+s13+$0x0], $0xffff;
	v28 =	vadd.s32 v19, v26  }
0x3b1: {  	v28 =	vadd.s32 v6, v28;
	_ =	sdelay $0x3  }
0x3b2: {  	[tilespmem:v27+s19+$0x0] =	vst.idx.msk $0xffff, v25  }
0x3b3: {  	v27 =	vor.u32 v7, v24;
	v25 =	vld.idx.msk [tilespmem:v28+s13+$0x0], $0xffff;
	v28 =	vadd.s32 v20, v26  }
0x3b4: {  	v28 =	vadd.s32 v8, v28;
	_ =	sdelay $0x3  }
0x3b5: {  	[tilespmem:v27+s19+$0x0] =	vst.idx.msk $0xffff, v25  }
0x3b6: {  	v27 =	vor.u32 v9, v24;
	v25 =	vld.idx.msk [tilespmem:v28+s13+$0x0], $0xffff;
	v28 =	vadd.s32 v18, v26  }
0x3b7: {  	v28 =	vadd.s32 v10, v28;
	_ =	sdelay $0x3  }
0x3b8: {  	[tilespmem:v27+s19+$0x0] =	vst.idx.msk $0xffff, v25  }
0x3b9: {  	v27 =	vor.u32 v11, v24;
	v25 =	vld.idx.msk [tilespmem:v28+s13+$0x0], $0xffff;
	v28 =	vadd.s32 v17, v26  }
0x3ba: {  	v28 =	vadd.s32 v12, v28;
	_ =	sdelay $0x3  }
0x3bb: {  	[tilespmem:v27+s19+$0x0] =	vst.idx.msk $0xffff, v25  }
0x3bc: {  	v26 =	vadd.s32 v16, v26;
	v27 =	vor.u32 v13, v24;
	v25 =	vld.idx.msk [tilespmem:v28+s13+$0x0], $0xffff  }
0x3bd: {  	v26 =	vadd.s32 v14, v26;
	_ =	sdelay $0x1  }
0x3be: {  	s30 =	simm.s32 $0x6  }
0x3bf: {  	v28 =	vadd.s32 s30, v0  }
0x3c0: {  	[tilespmem:v27+s19+$0x0] =	vst.idx.msk $0xffff, v25;
	v25 =	vand.u32 $0x3F, v28  }
0x3c1: {  	v24 =	vor.u32 v15, v24;
	v26 =	vld.idx.msk [tilespmem:v26+s13+$0x0], $0xffff;
	v27 =	vadd.s32 v23, v25  }
0x3c2: {  	v27 =	vadd.s32 v1, v27;
	_ =	sdelay $0x3  }
0x3c3: {  	[tilespmem:v24+s19+$0x0] =	vst.idx.msk $0xffff, v26;
	v24 =	vshll.u32 v25, $0x7  }
0x3c4: {  	v28 =	vadd.s32 v22, v25;
	v26 =	vld.idx.msk [tilespmem:v27+s13+$0x0], $0xffff;
	v27 =	vor.u32 v0, v24  }
0x3c5: {  	v28 =	vadd.s32 v2, v28;
	_ =	sdelay $0x3  }
0x3c6: {  	[tilespmem:v27+s19+$0x0] =	vst.idx.msk $0xffff, v26  }
0x3c7: {  	v27 =	vor.u32 v3, v24;
	v26 =	vld.idx.msk [tilespmem:v28+s13+$0x0], $0xffff;
	v28 =	vadd.s32 v21, v25  }
0x3c8: {  	v28 =	vadd.s32 v4, v28;
	_ =	sdelay $0x3  }
0x3c9: {  	[tilespmem:v27+s19+$0x0] =	vst.idx.msk $0xffff, v26  }
0x3ca: {  	v27 =	vor.u32 v5, v24;
	v26 =	vld.idx.msk [tilespmem:v28+s13+$0x0], $0xffff;
	v28 =	vadd.s32 v19, v25  }
0x3cb: {  	v28 =	vadd.s32 v6, v28;
	_ =	sdelay $0x3  }
0x3cc: {  	[tilespmem:v27+s19+$0x0] =	vst.idx.msk $0xffff, v26  }
0x3cd: {  	v27 =	vor.u32 v7, v24;
	v26 =	vld.idx.msk [tilespmem:v28+s13+$0x0], $0xffff;
	v28 =	vadd.s32 v20, v25  }
0x3ce: {  	v28 =	vadd.s32 v8, v28;
	_ =	sdelay $0x3  }
0x3cf: {  	[tilespmem:v27+s19+$0x0] =	vst.idx.msk $0xffff, v26  }
0x3d0: {  	v27 =	vor.u32 v9, v24;
	v26 =	vld.idx.msk [tilespmem:v28+s13+$0x0], $0xffff;
	v28 =	vadd.s32 v18, v25  }
0x3d1: {  	v28 =	vadd.s32 v10, v28;
	_ =	sdelay $0x3  }
0x3d2: {  	[tilespmem:v27+s19+$0x0] =	vst.idx.msk $0xffff, v26  }
0x3d3: {  	v27 =	vor.u32 v11, v24;
	v26 =	vld.idx.msk [tilespmem:v28+s13+$0x0], $0xffff;
	v28 =	vadd.s32 v17, v25  }
0x3d4: {  	v28 =	vadd.s32 v12, v28;
	_ =	sdelay $0x3  }
0x3d5: {  	[tilespmem:v27+s19+$0x0] =	vst.idx.msk $0xffff, v26  }
0x3d6: {  	v25 =	vadd.s32 v16, v25;
	v27 =	vor.u32 v13, v24;
	v26 =	vld.idx.msk [tilespmem:v28+s13+$0x0], $0xffff  }
0x3d7: {  	v25 =	vadd.s32 v14, v25;
	_ =	sdelay $0x1  }
0x3d8: {  	s31 =	simm.s32 $0x7  }
0x3d9: {  	v28 =	vadd.s32 s31, v0  }
0x3da: {  	[tilespmem:v27+s19+$0x0] =	vst.idx.msk $0xffff, v26;
	v26 =	vand.u32 $0x3F, v28  }
0x3db: {  	v24 =	vor.u32 v15, v24;
	v25 =	vld.idx.msk [tilespmem:v25+s13+$0x0], $0xffff;
	v27 =	vadd.s32 v23, v26  }
0x3dc: {  	v27 =	vadd.s32 v1, v27;
	_ =	sdelay $0x3  }
0x3dd: {  	[tilespmem:v24+s19+$0x0] =	vst.idx.msk $0xffff, v25;
	v24 =	vshll.u32 v26, $0x7  }
0x3de: {  	v28 =	vadd.s32 v22, v26;
	v25 =	vld.idx.msk [tilespmem:v27+s13+$0x0], $0xffff;
	v27 =	vor.u32 v0, v24  }
0x3df: {  	v28 =	vadd.s32 v2, v28;
	_ =	sdelay $0x3  }
0x3e0: {  	[tilespmem:v27+s19+$0x0] =	vst.idx.msk $0xffff, v25  }
0x3e1: {  	v27 =	vor.u32 v3, v24;
	v25 =	vld.idx.msk [tilespmem:v28+s13+$0x0], $0xffff;
	v28 =	vadd.s32 v21, v26  }
0x3e2: {  	v28 =	vadd.s32 v4, v28;
	_ =	sdelay $0x3  }
0x3e3: {  	[tilespmem:v27+s19+$0x0] =	vst.idx.msk $0xffff, v25  }
0x3e4: {  	v27 =	vor.u32 v5, v24;
	v25 =	vld.idx.msk [tilespmem:v28+s13+$0x0], $0xffff;
	v28 =	vadd.s32 v19, v26  }
0x3e5: {  	v28 =	vadd.s32 v6, v28;
	_ =	sdelay $0x3  }
0x3e6: {  	[tilespmem:v27+s19+$0x0] =	vst.idx.msk $0xffff, v25  }
0x3e7: {  	v27 =	vor.u32 v7, v24;
	v25 =	vld.idx.msk [tilespmem:v28+s13+$0x0], $0xffff;
	v28 =	vadd.s32 v20, v26  }
0x3e8: {  	v28 =	vadd.s32 v8, v28;
	_ =	sdelay $0x3  }
0x3e9: {  	[tilespmem:v27+s19+$0x0] =	vst.idx.msk $0xffff, v25  }
0x3ea: {  	v27 =	vor.u32 v9, v24;
	v25 =	vld.idx.msk [tilespmem:v28+s13+$0x0], $0xffff;
	v28 =	vadd.s32 v18, v26  }
0x3eb: {  	v28 =	vadd.s32 v10, v28;
	_ =	sdelay $0x3  }
0x3ec: {  	[tilespmem:v27+s19+$0x0] =	vst.idx.msk $0xffff, v25  }
0x3ed: {  	v27 =	vor.u32 v11, v24;
	v25 =	vld.idx.msk [tilespmem:v28+s13+$0x0], $0xffff;
	v28 =	vadd.s32 v17, v26  }
0x3ee: {  	v28 =	vadd.s32 v12, v28;
	_ =	sdelay $0x3  }
0x3ef: {  	[tilespmem:v27+s19+$0x0] =	vst.idx.msk $0xffff, v25  }
0x3f0: {  	v26 =	vadd.s32 v16, v26;
	v27 =	vor.u32 v13, v24;
	v25 =	vld.idx.msk [tilespmem:v28+s13+$0x0], $0xffff  }
0x3f1: {  	v26 =	vadd.s32 v14, v26;
	_ =	sdelay $0x1  }
0x3f2: {  	s25 =	sor.u32 $0x1, s25  }
0x3f3: {  	s29 =	simm.s32 $0x8;
	s28 =	simm.s32 $0x17;
	s26 =	simm.s32 $0xF  }
.LBB2_5:
0x3f4: {  	p1 =	sne.s32 s28, $0x3F;
	v28 =	vadd.s32 s29, v0;
	[tilespmem:v27+s19+$0x0] =	vst.idx.msk $0xffff, v25  }
0x3f5: {  	v25 =	vand.u32 $0x3F, v28;
	v26 =	vld.idx.msk [tilespmem:v26+s13+$0x0], $0xffff  }
0x3f6: {  	v24 =	vor.u32 v15, v24;
	v27 =	vadd.s32 v23, v25  }
0x3f7: {  	v27 =	vadd.s32 v1, v27;
	_ =	sdelay $0x3  }
0x3f8: {  	[tilespmem:v24+s19+$0x0] =	vst.idx.msk $0xffff, v26  }
0x3f9: {  	v26 =	vshll.u32 v25, $0x7;
	v24 =	vld.idx.msk [tilespmem:v27+s13+$0x0], $0xffff  }
0x3fa: {  	v28 =	vadd.s32 v22, v25;
	v27 =	vor.u32 v0, v26  }
0x3fb: {  	v28 =	vadd.s32 v2, v28;
	_ =	sdelay $0x3  }
0x3fc: {  	[tilespmem:v27+s19+$0x0] =	vst.idx.msk $0xffff, v24  }
0x3fd: {  	v24 =	vld.idx.msk [tilespmem:v28+s13+$0x0], $0xffff  }
0x3fe: {  	v27 =	vor.u32 v3, v26;
	v28 =	vadd.s32 v21, v25  }
0x3ff: {  	v28 =	vadd.s32 v4, v28;
	_ =	sdelay $0x3  }
0x400: {  	[tilespmem:v27+s19+$0x0] =	vst.idx.msk $0xffff, v24  }
0x401: {  	v24 =	vld.idx.msk [tilespmem:v28+s13+$0x0], $0xffff  }
0x402: {  	v27 =	vor.u32 v5, v26;
	v28 =	vadd.s32 v19, v25  }
0x403: {  	v28 =	vadd.s32 v6, v28;
	_ =	sdelay $0x3  }
0x404: {  	[tilespmem:v27+s19+$0x0] =	vst.idx.msk $0xffff, v24  }
0x405: {  	v24 =	vld.idx.msk [tilespmem:v28+s13+$0x0], $0xffff  }
0x406: {  	v27 =	vor.u32 v7, v26;
	v28 =	vadd.s32 v20, v25  }
0x407: {  	v28 =	vadd.s32 v8, v28;
	_ =	sdelay $0x3  }
0x408: {  	[tilespmem:v27+s19+$0x0] =	vst.idx.msk $0xffff, v24  }
0x409: {  	v24 =	vld.idx.msk [tilespmem:v28+s13+$0x0], $0xffff  }
0x40a: {  	v27 =	vor.u32 v9, v26;
	v28 =	vadd.s32 v18, v25  }
0x40b: {  	v28 =	vadd.s32 v10, v28;
	_ =	sdelay $0x3  }
0x40c: {  	[tilespmem:v27+s19+$0x0] =	vst.idx.msk $0xffff, v24  }
0x40d: {  	v24 =	vld.idx.msk [tilespmem:v28+s13+$0x0], $0xffff  }
0x40e: {  	v27 =	vor.u32 v11, v26;
	v28 =	vadd.s32 v17, v25  }
0x40f: {  	v28 =	vadd.s32 v12, v28;
	_ =	sdelay $0x3  }
0x410: {  	[tilespmem:v27+s19+$0x0] =	vst.idx.msk $0xffff, v24  }
0x411: {  	v24 =	vld.idx.msk [tilespmem:v28+s13+$0x0], $0xffff  }
0x412: {  	v25 =	vadd.s32 v16, v25;
	v27 =	vor.u32 v13, v26  }
0x413: {  	v25 =	vadd.s32 v14, v25;
	_ =	sdelay $0x2  }
0x414: {  	s29 =	sadd.s32 $0xFFFFFFFA, s26  }
0x415: {  	[tilespmem:v27+s19+$0x0] =	vst.idx.msk $0xffff, v24;
	v24 =	vadd.s32 s29, v0  }
0x416: {  	v25 =	vld.idx.msk [tilespmem:v25+s13+$0x0], $0xffff;
	v24 =	vand.u32 $0x3F, v24  }
0x417: {  	v26 =	vor.u32 v15, v26;
	v27 =	vadd.s32 v23, v24  }
0x418: {  	v27 =	vadd.s32 v1, v27;
	_ =	sdelay $0x3  }
0x419: {  	[tilespmem:v26+s19+$0x0] =	vst.idx.msk $0xffff, v25  }
0x41a: {  	v26 =	vshll.u32 v24, $0x7;
	v25 =	vld.idx.msk [tilespmem:v27+s13+$0x0], $0xffff  }
0x41b: {  	v28 =	vadd.s32 v22, v24;
	v27 =	vor.u32 v0, v26  }
0x41c: {  	v28 =	vadd.s32 v2, v28;
	_ =	sdelay $0x3  }
0x41d: {  	[tilespmem:v27+s19+$0x0] =	vst.idx.msk $0xffff, v25  }
0x41e: {  	v25 =	vld.idx.msk [tilespmem:v28+s13+$0x0], $0xffff  }
0x41f: {  	v27 =	vor.u32 v3, v26;
	v28 =	vadd.s32 v21, v24  }
0x420: {  	v28 =	vadd.s32 v4, v28;
	_ =	sdelay $0x3  }
0x421: {  	[tilespmem:v27+s19+$0x0] =	vst.idx.msk $0xffff, v25  }
0x422: {  	v25 =	vld.idx.msk [tilespmem:v28+s13+$0x0], $0xffff  }
0x423: {  	v27 =	vor.u32 v5, v26;
	v28 =	vadd.s32 v19, v24  }
0x424: {  	v28 =	vadd.s32 v6, v28;
	_ =	sdelay $0x3  }
0x425: {  	[tilespmem:v27+s19+$0x0] =	vst.idx.msk $0xffff, v25  }
0x426: {  	v25 =	vld.idx.msk [tilespmem:v28+s13+$0x0], $0xffff  }
0x427: {  	v27 =	vor.u32 v7, v26;
	v28 =	vadd.s32 v20, v24  }
0x428: {  	v28 =	vadd.s32 v8, v28;
	_ =	sdelay $0x3  }
0x429: {  	[tilespmem:v27+s19+$0x0] =	vst.idx.msk $0xffff, v25  }
0x42a: {  	v25 =	vld.idx.msk [tilespmem:v28+s13+$0x0], $0xffff  }
0x42b: {  	v27 =	vor.u32 v9, v26;
	v28 =	vadd.s32 v18, v24  }
0x42c: {  	v28 =	vadd.s32 v10, v28;
	_ =	sdelay $0x3  }
0x42d: {  	[tilespmem:v27+s19+$0x0] =	vst.idx.msk $0xffff, v25  }
0x42e: {  	v25 =	vld.idx.msk [tilespmem:v28+s13+$0x0], $0xffff  }
0x42f: {  	v27 =	vor.u32 v11, v26;
	v28 =	vadd.s32 v17, v24  }
0x430: {  	v28 =	vadd.s32 v12, v28;
	_ =	sdelay $0x3  }
0x431: {  	[tilespmem:v27+s19+$0x0] =	vst.idx.msk $0xffff, v25  }
0x432: {  	v25 =	vld.idx.msk [tilespmem:v28+s13+$0x0], $0xffff  }
0x433: {  	v24 =	vadd.s32 v16, v24;
	v27 =	vor.u32 v13, v26  }
0x434: {  	v24 =	vadd.s32 v14, v24;
	_ =	sdelay $0x2  }
0x435: {  	s29 =	sadd.s32 $0xFFFFFFFB, s26  }
0x436: {  	[tilespmem:v27+s19+$0x0] =	vst.idx.msk $0xffff, v25;
	v25 =	vadd.s32 s29, v0  }
0x437: {  	v24 =	vld.idx.msk [tilespmem:v24+s13+$0x0], $0xffff;
	v25 =	vand.u32 $0x3F, v25  }
0x438: {  	v26 =	vor.u32 v15, v26;
	v27 =	vadd.s32 v23, v25  }
0x439: {  	v27 =	vadd.s32 v1, v27;
	_ =	sdelay $0x3  }
0x43a: {  	[tilespmem:v26+s19+$0x0] =	vst.idx.msk $0xffff, v24  }
0x43b: {  	v26 =	vshll.u32 v25, $0x7;
	v24 =	vld.idx.msk [tilespmem:v27+s13+$0x0], $0xffff  }
0x43c: {  	v28 =	vadd.s32 v22, v25;
	v27 =	vor.u32 v0, v26  }
0x43d: {  	v28 =	vadd.s32 v2, v28;
	_ =	sdelay $0x3  }
0x43e: {  	[tilespmem:v27+s19+$0x0] =	vst.idx.msk $0xffff, v24  }
0x43f: {  	v24 =	vld.idx.msk [tilespmem:v28+s13+$0x0], $0xffff  }
0x440: {  	v27 =	vor.u32 v3, v26;
	v28 =	vadd.s32 v21, v25  }
0x441: {  	v28 =	vadd.s32 v4, v28;
	_ =	sdelay $0x3  }
0x442: {  	[tilespmem:v27+s19+$0x0] =	vst.idx.msk $0xffff, v24  }
0x443: {  	v24 =	vld.idx.msk [tilespmem:v28+s13+$0x0], $0xffff  }
0x444: {  	v27 =	vor.u32 v5, v26;
	v28 =	vadd.s32 v19, v25  }
0x445: {  	v28 =	vadd.s32 v6, v28;
	_ =	sdelay $0x3  }
0x446: {  	[tilespmem:v27+s19+$0x0] =	vst.idx.msk $0xffff, v24  }
0x447: {  	v24 =	vld.idx.msk [tilespmem:v28+s13+$0x0], $0xffff  }
0x448: {  	v27 =	vor.u32 v7, v26;
	v28 =	vadd.s32 v20, v25  }
0x449: {  	v28 =	vadd.s32 v8, v28;
	_ =	sdelay $0x3  }
0x44a: {  	[tilespmem:v27+s19+$0x0] =	vst.idx.msk $0xffff, v24  }
0x44b: {  	v24 =	vld.idx.msk [tilespmem:v28+s13+$0x0], $0xffff  }
0x44c: {  	v27 =	vor.u32 v9, v26;
	v28 =	vadd.s32 v18, v25  }
0x44d: {  	v28 =	vadd.s32 v10, v28;
	_ =	sdelay $0x3  }
0x44e: {  	[tilespmem:v27+s19+$0x0] =	vst.idx.msk $0xffff, v24  }
0x44f: {  	v24 =	vld.idx.msk [tilespmem:v28+s13+$0x0], $0xffff  }
0x450: {  	v27 =	vor.u32 v11, v26;
	v28 =	vadd.s32 v17, v25  }
0x451: {  	v28 =	vadd.s32 v12, v28;
	_ =	sdelay $0x3  }
0x452: {  	[tilespmem:v27+s19+$0x0] =	vst.idx.msk $0xffff, v24  }
0x453: {  	v24 =	vld.idx.msk [tilespmem:v28+s13+$0x0], $0xffff  }
0x454: {  	v25 =	vadd.s32 v16, v25;
	v27 =	vor.u32 v13, v26  }
0x455: {  	v25 =	vadd.s32 v14, v25;
	_ =	sdelay $0x2  }
0x456: {  	s29 =	sadd.s32 $0xFFFFFFFC, s26  }
0x457: {  	[tilespmem:v27+s19+$0x0] =	vst.idx.msk $0xffff, v24;
	v24 =	vadd.s32 s29, v0  }
0x458: {  	v25 =	vld.idx.msk [tilespmem:v25+s13+$0x0], $0xffff;
	v24 =	vand.u32 $0x3F, v24  }
0x459: {  	v26 =	vor.u32 v15, v26;
	v27 =	vadd.s32 v23, v24  }
0x45a: {  	v27 =	vadd.s32 v1, v27;
	_ =	sdelay $0x3  }
0x45b: {  	[tilespmem:v26+s19+$0x0] =	vst.idx.msk $0xffff, v25  }
0x45c: {  	v26 =	vshll.u32 v24, $0x7;
	v25 =	vld.idx.msk [tilespmem:v27+s13+$0x0], $0xffff  }
0x45d: {  	v28 =	vadd.s32 v22, v24;
	v27 =	vor.u32 v0, v26  }
0x45e: {  	v28 =	vadd.s32 v2, v28;
	_ =	sdelay $0x3  }
0x45f: {  	[tilespmem:v27+s19+$0x0] =	vst.idx.msk $0xffff, v25  }
0x460: {  	v25 =	vld.idx.msk [tilespmem:v28+s13+$0x0], $0xffff  }
0x461: {  	v27 =	vor.u32 v3, v26;
	v28 =	vadd.s32 v21, v24  }
0x462: {  	v28 =	vadd.s32 v4, v28;
	_ =	sdelay $0x3  }
0x463: {  	[tilespmem:v27+s19+$0x0] =	vst.idx.msk $0xffff, v25  }
0x464: {  	v25 =	vld.idx.msk [tilespmem:v28+s13+$0x0], $0xffff  }
0x465: {  	v27 =	vor.u32 v5, v26;
	v28 =	vadd.s32 v19, v24  }
0x466: {  	v28 =	vadd.s32 v6, v28;
	_ =	sdelay $0x3  }
0x467: {  	[tilespmem:v27+s19+$0x0] =	vst.idx.msk $0xffff, v25  }
0x468: {  	v25 =	vld.idx.msk [tilespmem:v28+s13+$0x0], $0xffff  }
0x469: {  	v27 =	vor.u32 v7, v26;
	v28 =	vadd.s32 v20, v24  }
0x46a: {  	v28 =	vadd.s32 v8, v28;
	_ =	sdelay $0x3  }
0x46b: {  	[tilespmem:v27+s19+$0x0] =	vst.idx.msk $0xffff, v25  }
0x46c: {  	v25 =	vld.idx.msk [tilespmem:v28+s13+$0x0], $0xffff  }
0x46d: {  	v27 =	vor.u32 v9, v26;
	v28 =	vadd.s32 v18, v24  }
0x46e: {  	v28 =	vadd.s32 v10, v28;
	_ =	sdelay $0x3  }
0x46f: {  	[tilespmem:v27+s19+$0x0] =	vst.idx.msk $0xffff, v25  }
0x470: {  	v25 =	vld.idx.msk [tilespmem:v28+s13+$0x0], $0xffff  }
0x471: {  	v27 =	vor.u32 v11, v26;
	v28 =	vadd.s32 v17, v24  }
0x472: {  	v28 =	vadd.s32 v12, v28;
	_ =	sdelay $0x3  }
0x473: {  	[tilespmem:v27+s19+$0x0] =	vst.idx.msk $0xffff, v25  }
0x474: {  	v25 =	vld.idx.msk [tilespmem:v28+s13+$0x0], $0xffff  }
0x475: {  	v24 =	vadd.s32 v16, v24;
	v27 =	vor.u32 v13, v26  }
0x476: {  	v24 =	vadd.s32 v14, v24;
	_ =	sdelay $0x2  }
0x477: {  	s29 =	sadd.s32 $0xFFFFFFFD, s26  }
0x478: {  	[tilespmem:v27+s19+$0x0] =	vst.idx.msk $0xffff, v25;
	v25 =	vadd.s32 s29, v0  }
0x479: {  	v24 =	vld.idx.msk [tilespmem:v24+s13+$0x0], $0xffff;
	v25 =	vand.u32 $0x3F, v25  }
0x47a: {  	v26 =	vor.u32 v15, v26;
	v27 =	vadd.s32 v23, v25  }
0x47b: {  	v27 =	vadd.s32 v1, v27;
	_ =	sdelay $0x3  }
0x47c: {  	[tilespmem:v26+s19+$0x0] =	vst.idx.msk $0xffff, v24  }
0x47d: {  	v26 =	vshll.u32 v25, $0x7;
	v24 =	vld.idx.msk [tilespmem:v27+s13+$0x0], $0xffff  }
0x47e: {  	v28 =	vadd.s32 v22, v25;
	v27 =	vor.u32 v0, v26  }
0x47f: {  	v28 =	vadd.s32 v2, v28;
	_ =	sdelay $0x3  }
0x480: {  	[tilespmem:v27+s19+$0x0] =	vst.idx.msk $0xffff, v24  }
0x481: {  	v24 =	vld.idx.msk [tilespmem:v28+s13+$0x0], $0xffff  }
0x482: {  	v27 =	vor.u32 v3, v26;
	v28 =	vadd.s32 v21, v25  }
0x483: {  	v28 =	vadd.s32 v4, v28;
	_ =	sdelay $0x3  }
0x484: {  	[tilespmem:v27+s19+$0x0] =	vst.idx.msk $0xffff, v24  }
0x485: {  	v24 =	vld.idx.msk [tilespmem:v28+s13+$0x0], $0xffff  }
0x486: {  	v27 =	vor.u32 v5, v26;
	v28 =	vadd.s32 v19, v25  }
0x487: {  	v28 =	vadd.s32 v6, v28;
	_ =	sdelay $0x3  }
0x488: {  	[tilespmem:v27+s19+$0x0] =	vst.idx.msk $0xffff, v24  }
0x489: {  	v24 =	vld.idx.msk [tilespmem:v28+s13+$0x0], $0xffff  }
0x48a: {  	v27 =	vor.u32 v7, v26;
	v28 =	vadd.s32 v20, v25  }
0x48b: {  	v28 =	vadd.s32 v8, v28;
	_ =	sdelay $0x3  }
0x48c: {  	[tilespmem:v27+s19+$0x0] =	vst.idx.msk $0xffff, v24  }
0x48d: {  	v24 =	vld.idx.msk [tilespmem:v28+s13+$0x0], $0xffff  }
0x48e: {  	v27 =	vor.u32 v9, v26;
	v28 =	vadd.s32 v18, v25  }
0x48f: {  	v28 =	vadd.s32 v10, v28;
	_ =	sdelay $0x3  }
0x490: {  	[tilespmem:v27+s19+$0x0] =	vst.idx.msk $0xffff, v24  }
0x491: {  	v24 =	vld.idx.msk [tilespmem:v28+s13+$0x0], $0xffff  }
0x492: {  	v27 =	vor.u32 v11, v26;
	v28 =	vadd.s32 v17, v25  }
0x493: {  	v28 =	vadd.s32 v12, v28;
	_ =	sdelay $0x3  }
0x494: {  	[tilespmem:v27+s19+$0x0] =	vst.idx.msk $0xffff, v24  }
0x495: {  	v24 =	vld.idx.msk [tilespmem:v28+s13+$0x0], $0xffff  }
0x496: {  	v25 =	vadd.s32 v16, v25;
	v27 =	vor.u32 v13, v26  }
0x497: {  	v25 =	vadd.s32 v14, v25;
	_ =	sdelay $0x2  }
0x498: {  	s29 =	sadd.s32 $0xFFFFFFFE, s26  }
0x499: {  	[tilespmem:v27+s19+$0x0] =	vst.idx.msk $0xffff, v24;
	v24 =	vadd.s32 s29, v0  }
0x49a: {  	v25 =	vld.idx.msk [tilespmem:v25+s13+$0x0], $0xffff;
	v24 =	vand.u32 $0x3F, v24  }
0x49b: {  	v26 =	vor.u32 v15, v26;
	v27 =	vadd.s32 v23, v24  }
0x49c: {  	v27 =	vadd.s32 v1, v27;
	_ =	sdelay $0x3  }
0x49d: {  	[tilespmem:v26+s19+$0x0] =	vst.idx.msk $0xffff, v25  }
0x49e: {  	v26 =	vshll.u32 v24, $0x7;
	v25 =	vld.idx.msk [tilespmem:v27+s13+$0x0], $0xffff  }
0x49f: {  	v28 =	vadd.s32 v22, v24;
	v27 =	vor.u32 v0, v26  }
0x4a0: {  	v28 =	vadd.s32 v2, v28;
	_ =	sdelay $0x3  }
0x4a1: {  	[tilespmem:v27+s19+$0x0] =	vst.idx.msk $0xffff, v25  }
0x4a2: {  	v25 =	vld.idx.msk [tilespmem:v28+s13+$0x0], $0xffff  }
0x4a3: {  	v27 =	vor.u32 v3, v26;
	v28 =	vadd.s32 v21, v24  }
0x4a4: {  	v28 =	vadd.s32 v4, v28;
	_ =	sdelay $0x3  }
0x4a5: {  	[tilespmem:v27+s19+$0x0] =	vst.idx.msk $0xffff, v25  }
0x4a6: {  	v25 =	vld.idx.msk [tilespmem:v28+s13+$0x0], $0xffff  }
0x4a7: {  	v27 =	vor.u32 v5, v26;
	v28 =	vadd.s32 v19, v24  }
0x4a8: {  	v28 =	vadd.s32 v6, v28;
	_ =	sdelay $0x3  }
0x4a9: {  	[tilespmem:v27+s19+$0x0] =	vst.idx.msk $0xffff, v25  }
0x4aa: {  	v25 =	vld.idx.msk [tilespmem:v28+s13+$0x0], $0xffff  }
0x4ab: {  	v27 =	vor.u32 v7, v26;
	v28 =	vadd.s32 v20, v24  }
0x4ac: {  	v28 =	vadd.s32 v8, v28;
	_ =	sdelay $0x3  }
0x4ad: {  	[tilespmem:v27+s19+$0x0] =	vst.idx.msk $0xffff, v25  }
0x4ae: {  	v25 =	vld.idx.msk [tilespmem:v28+s13+$0x0], $0xffff  }
0x4af: {  	v27 =	vor.u32 v9, v26;
	v28 =	vadd.s32 v18, v24  }
0x4b0: {  	v28 =	vadd.s32 v10, v28;
	_ =	sdelay $0x3  }
0x4b1: {  	[tilespmem:v27+s19+$0x0] =	vst.idx.msk $0xffff, v25  }
0x4b2: {  	v25 =	vld.idx.msk [tilespmem:v28+s13+$0x0], $0xffff  }
0x4b3: {  	v27 =	vor.u32 v11, v26;
	v28 =	vadd.s32 v17, v24  }
0x4b4: {  	v28 =	vadd.s32 v12, v28;
	_ =	sdelay $0x3  }
0x4b5: {  	[tilespmem:v27+s19+$0x0] =	vst.idx.msk $0xffff, v25  }
0x4b6: {  	v25 =	vld.idx.msk [tilespmem:v28+s13+$0x0], $0xffff  }
0x4b7: {  	v24 =	vadd.s32 v16, v24;
	v27 =	vor.u32 v13, v26  }
0x4b8: {  	v24 =	vadd.s32 v14, v24;
	_ =	sdelay $0x2  }
0x4b9: {  	s29 =	sadd.s32 $0xFFFFFFFF, s26  }
0x4ba: {  	[tilespmem:v27+s19+$0x0] =	vst.idx.msk $0xffff, v25;
	v25 =	vadd.s32 s29, v0  }
0x4bb: {  	v24 =	vld.idx.msk [tilespmem:v24+s13+$0x0], $0xffff;
	v25 =	vand.u32 $0x3F, v25  }
0x4bc: {  	v26 =	vor.u32 v15, v26;
	v27 =	vadd.s32 v23, v25  }
0x4bd: {  	v27 =	vadd.s32 v1, v27;
	_ =	sdelay $0x3  }
0x4be: {  	[tilespmem:v26+s19+$0x0] =	vst.idx.msk $0xffff, v24  }
0x4bf: {  	v26 =	vshll.u32 v25, $0x7;
	v24 =	vld.idx.msk [tilespmem:v27+s13+$0x0], $0xffff  }
0x4c0: {  	v28 =	vadd.s32 v22, v25;
	v27 =	vor.u32 v0, v26  }
0x4c1: {  	v28 =	vadd.s32 v2, v28;
	_ =	sdelay $0x3  }
0x4c2: {  	[tilespmem:v27+s19+$0x0] =	vst.idx.msk $0xffff, v24  }
0x4c3: {  	v24 =	vld.idx.msk [tilespmem:v28+s13+$0x0], $0xffff  }
0x4c4: {  	v27 =	vor.u32 v3, v26;
	v28 =	vadd.s32 v21, v25  }
0x4c5: {  	v28 =	vadd.s32 v4, v28;
	_ =	sdelay $0x3  }
0x4c6: {  	[tilespmem:v27+s19+$0x0] =	vst.idx.msk $0xffff, v24  }
0x4c7: {  	v24 =	vld.idx.msk [tilespmem:v28+s13+$0x0], $0xffff  }
0x4c8: {  	v27 =	vor.u32 v5, v26;
	v28 =	vadd.s32 v19, v25  }
0x4c9: {  	v28 =	vadd.s32 v6, v28;
	_ =	sdelay $0x3  }
0x4ca: {  	[tilespmem:v27+s19+$0x0] =	vst.idx.msk $0xffff, v24  }
0x4cb: {  	v24 =	vld.idx.msk [tilespmem:v28+s13+$0x0], $0xffff  }
0x4cc: {  	v27 =	vor.u32 v7, v26;
	v28 =	vadd.s32 v20, v25  }
0x4cd: {  	v28 =	vadd.s32 v8, v28;
	_ =	sdelay $0x3  }
0x4ce: {  	[tilespmem:v27+s19+$0x0] =	vst.idx.msk $0xffff, v24  }
0x4cf: {  	v24 =	vld.idx.msk [tilespmem:v28+s13+$0x0], $0xffff  }
0x4d0: {  	v27 =	vor.u32 v9, v26;
	v28 =	vadd.s32 v18, v25  }
0x4d1: {  	v28 =	vadd.s32 v10, v28;
	_ =	sdelay $0x3  }
0x4d2: {  	[tilespmem:v27+s19+$0x0] =	vst.idx.msk $0xffff, v24  }
0x4d3: {  	v24 =	vld.idx.msk [tilespmem:v28+s13+$0x0], $0xffff  }
0x4d4: {  	v27 =	vor.u32 v11, v26;
	v28 =	vadd.s32 v17, v25  }
0x4d5: {  	v28 =	vadd.s32 v12, v28;
	_ =	sdelay $0x3  }
0x4d6: {  	[tilespmem:v27+s19+$0x0] =	vst.idx.msk $0xffff, v24  }
0x4d7: {  	v24 =	vld.idx.msk [tilespmem:v28+s13+$0x0], $0xffff  }
0x4d8: {  	v25 =	vadd.s32 v16, v25;
	v27 =	vor.u32 v13, v26  }
0x4d9: {  	v25 =	vadd.s32 v14, v25;
	_ =	sdelay $0x3  }
0x4da: {  	[tilespmem:v27+s19+$0x0] =	vst.idx.msk $0xffff, v24;
	v24 =	vadd.s32 s26, v0;
	s26 =	smov.u32 s28  }
0x4db: {  	v25 =	vld.idx.msk [tilespmem:v25+s13+$0x0], $0xffff;
	v28 =	vand.u32 $0x3F, v24  }
0x4dc: {  	v24 =	vor.u32 v15, v26;
	v26 =	vadd.s32 v23, v28  }
0x4dd: {  	v26 =	vadd.s32 v1, v26;
	_ =	sdelay $0x3  }
0x4de: {  	[tilespmem:v24+s19+$0x0] =	vst.idx.msk $0xffff, v25  }
0x4df: {  	v24 =	vshll.u32 v28, $0x7;
	v25 =	vld.idx.msk [tilespmem:v26+s13+$0x0], $0xffff  }
0x4e0: {  	v27 =	vadd.s32 v22, v28;
	v26 =	vor.u32 v0, v24  }
0x4e1: {  	v27 =	vadd.s32 v2, v27;
	_ =	sdelay $0x3  }
0x4e2: {  	[tilespmem:v26+s19+$0x0] =	vst.idx.msk $0xffff, v25  }
0x4e3: {  	v25 =	vld.idx.msk [tilespmem:v27+s13+$0x0], $0xffff  }
0x4e4: {  	v26 =	vor.u32 v3, v24;
	v27 =	vadd.s32 v21, v28  }
0x4e5: {  	v27 =	vadd.s32 v4, v27;
	_ =	sdelay $0x3  }
0x4e6: {  	[tilespmem:v26+s19+$0x0] =	vst.idx.msk $0xffff, v25  }
0x4e7: {  	v25 =	vld.idx.msk [tilespmem:v27+s13+$0x0], $0xffff  }
0x4e8: {  	v26 =	vor.u32 v5, v24;
	v27 =	vadd.s32 v19, v28  }
0x4e9: {  	v27 =	vadd.s32 v6, v27;
	_ =	sdelay $0x3  }
0x4ea: {  	[tilespmem:v26+s19+$0x0] =	vst.idx.msk $0xffff, v25  }
0x4eb: {  	v25 =	vld.idx.msk [tilespmem:v27+s13+$0x0], $0xffff  }
0x4ec: {  	v26 =	vor.u32 v7, v24;
	v27 =	vadd.s32 v20, v28  }
0x4ed: {  	v27 =	vadd.s32 v8, v27;
	_ =	sdelay $0x3  }
0x4ee: {  	[tilespmem:v26+s19+$0x0] =	vst.idx.msk $0xffff, v25  }
0x4ef: {  	v25 =	vld.idx.msk [tilespmem:v27+s13+$0x0], $0xffff  }
0x4f0: {  	v26 =	vor.u32 v9, v24;
	v27 =	vadd.s32 v18, v28  }
0x4f1: {  	v27 =	vadd.s32 v10, v27;
	_ =	sdelay $0x3  }
0x4f2: {  	[tilespmem:v26+s19+$0x0] =	vst.idx.msk $0xffff, v25  }
0x4f3: {  	v25 =	vld.idx.msk [tilespmem:v27+s13+$0x0], $0xffff  }
0x4f4: {  	v26 =	vor.u32 v11, v24;
	v27 =	vadd.s32 v17, v28  }
0x4f5: {  	v27 =	vadd.s32 v12, v27;
	_ =	sdelay $0x3  }
0x4f6: {  	[tilespmem:v26+s19+$0x0] =	vst.idx.msk $0xffff, v25  }
0x4f7: {  	v25 =	vld.idx.msk [tilespmem:v27+s13+$0x0], $0xffff  }
.Ltmp1:
0x4f8: {  	v26 =	vadd.s32 v16, v28;
	v27 =	vor.u32 v13, v24;
	(pc) =	sbr.rel @p1 .LBB2_5-.Ltmp1, $2  }
0x4f9: {  	v26 =	vadd.s32 v14, v26;
	_ =	sdelay $0x2  }
0x4fa: {  	s28 =	sadd.s32 $0x8, s28;
	s29 =	sadd.s32 $0xFFFFFFF9, s26  }
0x4fb: {  	_ =	sdelay $0x2  }
0x4fc: {  	v28 =	vadd.s32 s29, v0  }
0x4fd: {  	[tilespmem:v27+s19+$0x0] =	vst.idx.msk $0xffff, v25;
	v33 =	vand.u32 $0x3F, v28  }
0x4fe: {  	v24 =	vor.u32 v15, v24;
	v26 =	vld.idx.msk [tilespmem:v26+s13+$0x0], $0xffff;
	v34 =	vadd.s32 v23, v33  }
0x4ff: {  	v27 =	vadd.s32 v1, v34;
	_ =	sdelay $0x3  }
0x500: {  	v35 =	vshll.u32 v33, $0x7;
	[tilespmem:v24+s19+$0x0] =	vst.idx.msk $0xffff, v26  }
0x501: {  	v28 =	vadd.s32 v22, v33;
	v36 =	vor.u32 v0, v35;
	v26 =	vld.idx.msk [tilespmem:v27+s13+$0x0], $0xffff  }
0x502: {  	v28 =	vadd.s32 v2, v28;
	_ =	sdelay $0x3  }
0x503: {  	[tilespmem:v36+s19+$0x0] =	vst.idx.msk $0xffff, v26  }
0x504: {  	v38 =	vadd.s32 v21, v33;
	v37 =	vor.u32 v3, v35;
	v26 =	vld.idx.msk [tilespmem:v28+s13+$0x0], $0xffff  }
0x505: {  	v28 =	vadd.s32 v4, v38;
	_ =	sdelay $0x3  }
0x506: {  	[tilespmem:v37+s19+$0x0] =	vst.idx.msk $0xffff, v26  }
0x507: {  	v40 =	vadd.s32 v19, v33;
	v39 =	vor.u32 v5, v35;
	v26 =	vld.idx.msk [tilespmem:v28+s13+$0x0], $0xffff  }
0x508: {  	v28 =	vadd.s32 v6, v40;
	_ =	sdelay $0x3  }
0x509: {  	[tilespmem:v39+s19+$0x0] =	vst.idx.msk $0xffff, v26  }
0x50a: {  	v42 =	vadd.s32 v20, v33;
	v41 =	vor.u32 v7, v35;
	v26 =	vld.idx.msk [tilespmem:v28+s13+$0x0], $0xffff  }
0x50b: {  	v28 =	vadd.s32 v8, v42;
	_ =	sdelay $0x3  }
0x50c: {  	[tilespmem:v41+s19+$0x0] =	vst.idx.msk $0xffff, v26  }
0x50d: {  	v44 =	vadd.s32 v18, v33;
	v43 =	vor.u32 v9, v35;
	v26 =	vld.idx.msk [tilespmem:v28+s13+$0x0], $0xffff  }
0x50e: {  	v28 =	vadd.s32 v10, v44;
	_ =	sdelay $0x3  }
0x50f: {  	[tilespmem:v43+s19+$0x0] =	vst.idx.msk $0xffff, v26  }
0x510: {  	v46 =	vadd.s32 v17, v33;
	v45 =	vor.u32 v11, v35;
	v26 =	vld.idx.msk [tilespmem:v28+s13+$0x0], $0xffff  }
0x511: {  	v28 =	vadd.s32 v12, v46;
	_ =	sdelay $0x3  }
0x512: {  	[tilespmem:v45+s19+$0x0] =	vst.idx.msk $0xffff, v26  }
0x513: {  	v25 =	vadd.s32 v16, v33;
	v47 =	vor.u32 v13, v35;
	v26 =	vld.idx.msk [tilespmem:v28+s13+$0x0], $0xffff  }
0x514: {  	v25 =	vadd.s32 v14, v25;
	_ =	sdelay $0x1  }
0x515: {  	s28 =	sadd.s32 $0xFFFFFFFA, s26  }
0x516: {  	v48 =	vadd.s32 s28, v0  }
0x517: {  	v49 =	vand.u32 $0x3F, v48;
	[tilespmem:v47+s19+$0x0] =	vst.idx.msk $0xffff, v26  }
0x518: {  	v50 =	vadd.s32 v23, v49;
	v24 =	vor.u32 v15, v35;
	v25 =	vld.idx.msk [tilespmem:v25+s13+$0x0], $0xffff  }
0x519: {  	v27 =	vadd.s32 v1, v50;
	_ =	sdelay $0x3  }
0x51a: {  	v51 =	vshll.u32 v49, $0x7;
	[tilespmem:v24+s19+$0x0] =	vst.idx.msk $0xffff, v25  }
0x51b: {  	v52 =	vor.u32 v0, v51;
	v28 =	vadd.s32 v22, v49;
	v25 =	vld.idx.msk [tilespmem:v27+s13+$0x0], $0xffff  }
0x51c: {  	v28 =	vadd.s32 v2, v28;
	_ =	sdelay $0x3  }
0x51d: {  	[tilespmem:v52+s19+$0x0] =	vst.idx.msk $0xffff, v25  }
0x51e: {  	v54 =	vadd.s32 v21, v49;
	v53 =	vor.u32 v3, v51;
	v25 =	vld.idx.msk [tilespmem:v28+s13+$0x0], $0xffff  }
0x51f: {  	v28 =	vadd.s32 v4, v54;
	_ =	sdelay $0x3  }
0x520: {  	[tilespmem:v53+s19+$0x0] =	vst.idx.msk $0xffff, v25  }
0x521: {  	v56 =	vadd.s32 v19, v49;
	v55 =	vor.u32 v5, v51;
	v25 =	vld.idx.msk [tilespmem:v28+s13+$0x0], $0xffff  }
0x522: {  	v28 =	vadd.s32 v6, v56;
	_ =	sdelay $0x3  }
0x523: {  	[tilespmem:v55+s19+$0x0] =	vst.idx.msk $0xffff, v25  }
0x524: {  	v58 =	vadd.s32 v20, v49;
	v57 =	vor.u32 v7, v51;
	v25 =	vld.idx.msk [tilespmem:v28+s13+$0x0], $0xffff  }
0x525: {  	v28 =	vadd.s32 v8, v58;
	_ =	sdelay $0x3  }
0x526: {  	[tilespmem:v57+s19+$0x0] =	vst.idx.msk $0xffff, v25  }
0x527: {  	v60 =	vadd.s32 v18, v49;
	v59 =	vor.u32 v9, v51;
	v25 =	vld.idx.msk [tilespmem:v28+s13+$0x0], $0xffff  }
0x528: {  	v28 =	vadd.s32 v10, v60;
	_ =	sdelay $0x3  }
0x529: {  	[tilespmem:v59+s19+$0x0] =	vst.idx.msk $0xffff, v25  }
0x52a: {  	v62 =	vadd.s32 v17, v49;
	v61 =	vor.u32 v11, v51;
	v25 =	vld.idx.msk [tilespmem:v28+s13+$0x0], $0xffff  }
0x52b: {  	v28 =	vadd.s32 v12, v62;
	_ =	sdelay $0x3  }
0x52c: {  	[tilespmem:v61+s19+$0x0] =	vst.idx.msk $0xffff, v25  }
0x52d: {  	v63 =	vor.u32 v13, v51;
	v26 =	vadd.s32 v16, v49;
	v25 =	vld.idx.msk [tilespmem:v28+s13+$0x0], $0xffff  }
0x52e: {  	v26 =	vadd.s32 v14, v26;
	_ =	sdelay $0x1  }
0x52f: {  	s29 =	sadd.s32 $0xFFFFFFFB, s26  }
0x530: {  	v32 =	vadd.s32 s29, v0  }
0x531: {  	v33 =	vand.u32 $0x3F, v32;
	[tilespmem:v63+s19+$0x0] =	vst.idx.msk $0xffff, v25  }
0x532: {  	v34 =	vadd.s32 v23, v33;
	v24 =	vor.u32 v15, v51;
	v26 =	vld.idx.msk [tilespmem:v26+s13+$0x0], $0xffff  }
0x533: {  	v27 =	vadd.s32 v1, v34;
	_ =	sdelay $0x3  }
0x534: {  	v35 =	vshll.u32 v33, $0x7;
	[tilespmem:v24+s19+$0x0] =	vst.idx.msk $0xffff, v26  }
0x535: {  	v36 =	vor.u32 v0, v35;
	v28 =	vadd.s32 v22, v33;
	v26 =	vld.idx.msk [tilespmem:v27+s13+$0x0], $0xffff  }
0x536: {  	v28 =	vadd.s32 v2, v28;
	_ =	sdelay $0x3  }
0x537: {  	[tilespmem:v36+s19+$0x0] =	vst.idx.msk $0xffff, v26  }
0x538: {  	v38 =	vadd.s32 v21, v33;
	v37 =	vor.u32 v3, v35;
	v26 =	vld.idx.msk [tilespmem:v28+s13+$0x0], $0xffff  }
0x539: {  	v28 =	vadd.s32 v4, v38;
	_ =	sdelay $0x3  }
0x53a: {  	[tilespmem:v37+s19+$0x0] =	vst.idx.msk $0xffff, v26  }
0x53b: {  	v40 =	vadd.s32 v19, v33;
	v39 =	vor.u32 v5, v35;
	v26 =	vld.idx.msk [tilespmem:v28+s13+$0x0], $0xffff  }
0x53c: {  	v28 =	vadd.s32 v6, v40;
	_ =	sdelay $0x3  }
0x53d: {  	[tilespmem:v39+s19+$0x0] =	vst.idx.msk $0xffff, v26  }
0x53e: {  	v42 =	vadd.s32 v20, v33;
	v41 =	vor.u32 v7, v35;
	v26 =	vld.idx.msk [tilespmem:v28+s13+$0x0], $0xffff  }
0x53f: {  	v28 =	vadd.s32 v8, v42;
	_ =	sdelay $0x3  }
0x540: {  	[tilespmem:v41+s19+$0x0] =	vst.idx.msk $0xffff, v26  }
0x541: {  	v44 =	vadd.s32 v18, v33;
	v43 =	vor.u32 v9, v35;
	v26 =	vld.idx.msk [tilespmem:v28+s13+$0x0], $0xffff  }
0x542: {  	v28 =	vadd.s32 v10, v44;
	_ =	sdelay $0x3  }
0x543: {  	[tilespmem:v43+s19+$0x0] =	vst.idx.msk $0xffff, v26  }
0x544: {  	v46 =	vadd.s32 v17, v33;
	v45 =	vor.u32 v11, v35;
	v26 =	vld.idx.msk [tilespmem:v28+s13+$0x0], $0xffff  }
0x545: {  	v28 =	vadd.s32 v12, v46;
	_ =	sdelay $0x3  }
0x546: {  	[tilespmem:v45+s19+$0x0] =	vst.idx.msk $0xffff, v26  }
0x547: {  	v47 =	vor.u32 v13, v35;
	v25 =	vadd.s32 v16, v33;
	v26 =	vld.idx.msk [tilespmem:v28+s13+$0x0], $0xffff  }
0x548: {  	v25 =	vadd.s32 v14, v25;
	_ =	sdelay $0x1  }
0x549: {  	s30 =	sadd.s32 $0xFFFFFFFC, s26  }
0x54a: {  	v48 =	vadd.s32 s30, v0  }
0x54b: {  	v49 =	vand.u32 $0x3F, v48;
	[tilespmem:v47+s19+$0x0] =	vst.idx.msk $0xffff, v26  }
0x54c: {  	v50 =	vadd.s32 v23, v49;
	v24 =	vor.u32 v15, v35;
	v25 =	vld.idx.msk [tilespmem:v25+s13+$0x0], $0xffff  }
0x54d: {  	v27 =	vadd.s32 v1, v50;
	_ =	sdelay $0x3  }
0x54e: {  	v51 =	vshll.u32 v49, $0x7;
	[tilespmem:v24+s19+$0x0] =	vst.idx.msk $0xffff, v25  }
0x54f: {  	v52 =	vor.u32 v0, v51;
	v28 =	vadd.s32 v22, v49;
	v25 =	vld.idx.msk [tilespmem:v27+s13+$0x0], $0xffff  }
0x550: {  	v28 =	vadd.s32 v2, v28;
	_ =	sdelay $0x3  }
0x551: {  	[tilespmem:v52+s19+$0x0] =	vst.idx.msk $0xffff, v25  }
0x552: {  	v54 =	vadd.s32 v21, v49;
	v53 =	vor.u32 v3, v51;
	v25 =	vld.idx.msk [tilespmem:v28+s13+$0x0], $0xffff  }
0x553: {  	v28 =	vadd.s32 v4, v54;
	_ =	sdelay $0x3  }
0x554: {  	[tilespmem:v53+s19+$0x0] =	vst.idx.msk $0xffff, v25  }
0x555: {  	v56 =	vadd.s32 v19, v49;
	v55 =	vor.u32 v5, v51;
	v25 =	vld.idx.msk [tilespmem:v28+s13+$0x0], $0xffff  }
0x556: {  	v28 =	vadd.s32 v6, v56;
	_ =	sdelay $0x3  }
0x557: {  	[tilespmem:v55+s19+$0x0] =	vst.idx.msk $0xffff, v25  }
0x558: {  	v58 =	vadd.s32 v20, v49;
	v57 =	vor.u32 v7, v51;
	v25 =	vld.idx.msk [tilespmem:v28+s13+$0x0], $0xffff  }
0x559: {  	v28 =	vadd.s32 v8, v58;
	_ =	sdelay $0x3  }
0x55a: {  	[tilespmem:v57+s19+$0x0] =	vst.idx.msk $0xffff, v25  }
0x55b: {  	v60 =	vadd.s32 v18, v49;
	v59 =	vor.u32 v9, v51;
	v25 =	vld.idx.msk [tilespmem:v28+s13+$0x0], $0xffff  }
0x55c: {  	v28 =	vadd.s32 v10, v60;
	_ =	sdelay $0x3  }
0x55d: {  	[tilespmem:v59+s19+$0x0] =	vst.idx.msk $0xffff, v25  }
0x55e: {  	v62 =	vadd.s32 v17, v49;
	v61 =	vor.u32 v11, v51;
	v25 =	vld.idx.msk [tilespmem:v28+s13+$0x0], $0xffff  }
0x55f: {  	v28 =	vadd.s32 v12, v62;
	_ =	sdelay $0x3  }
0x560: {  	[tilespmem:v61+s19+$0x0] =	vst.idx.msk $0xffff, v25  }
0x561: {  	v63 =	vor.u32 v13, v51;
	v26 =	vadd.s32 v16, v49;
	v25 =	vld.idx.msk [tilespmem:v28+s13+$0x0], $0xffff  }
0x562: {  	v26 =	vadd.s32 v14, v26;
	_ =	sdelay $0x1  }
0x563: {  	s31 =	sadd.s32 $0xFFFFFFFD, s26  }
0x564: {  	v32 =	vadd.s32 s31, v0  }
0x565: {  	v33 =	vand.u32 $0x3F, v32;
	[tilespmem:v63+s19+$0x0] =	vst.idx.msk $0xffff, v25  }
0x566: {  	v34 =	vadd.s32 v23, v33;
	v24 =	vor.u32 v15, v51;
	v26 =	vld.idx.msk [tilespmem:v26+s13+$0x0], $0xffff  }
0x567: {  	v27 =	vadd.s32 v1, v34;
	_ =	sdelay $0x3  }
0x568: {  	v35 =	vshll.u32 v33, $0x7;
	[tilespmem:v24+s19+$0x0] =	vst.idx.msk $0xffff, v26  }
0x569: {  	v36 =	vor.u32 v0, v35;
	v28 =	vadd.s32 v22, v33;
	v26 =	vld.idx.msk [tilespmem:v27+s13+$0x0], $0xffff  }
0x56a: {  	v28 =	vadd.s32 v2, v28;
	_ =	sdelay $0x3  }
0x56b: {  	[tilespmem:v36+s19+$0x0] =	vst.idx.msk $0xffff, v26  }
0x56c: {  	v38 =	vadd.s32 v21, v33;
	v37 =	vor.u32 v3, v35;
	v26 =	vld.idx.msk [tilespmem:v28+s13+$0x0], $0xffff  }
0x56d: {  	v28 =	vadd.s32 v4, v38;
	_ =	sdelay $0x3  }
0x56e: {  	[tilespmem:v37+s19+$0x0] =	vst.idx.msk $0xffff, v26  }
0x56f: {  	v40 =	vadd.s32 v19, v33;
	v39 =	vor.u32 v5, v35;
	v26 =	vld.idx.msk [tilespmem:v28+s13+$0x0], $0xffff  }
0x570: {  	v28 =	vadd.s32 v6, v40;
	_ =	sdelay $0x3  }
0x571: {  	[tilespmem:v39+s19+$0x0] =	vst.idx.msk $0xffff, v26  }
0x572: {  	v42 =	vadd.s32 v20, v33;
	v41 =	vor.u32 v7, v35;
	v26 =	vld.idx.msk [tilespmem:v28+s13+$0x0], $0xffff  }
0x573: {  	v28 =	vadd.s32 v8, v42;
	_ =	sdelay $0x3  }
0x574: {  	[tilespmem:v41+s19+$0x0] =	vst.idx.msk $0xffff, v26  }
0x575: {  	v44 =	vadd.s32 v18, v33;
	v43 =	vor.u32 v9, v35;
	v26 =	vld.idx.msk [tilespmem:v28+s13+$0x0], $0xffff  }
0x576: {  	v28 =	vadd.s32 v10, v44;
	_ =	sdelay $0x3  }
0x577: {  	[tilespmem:v43+s19+$0x0] =	vst.idx.msk $0xffff, v26  }
0x578: {  	v46 =	vadd.s32 v17, v33;
	v45 =	vor.u32 v11, v35;
	v26 =	vld.idx.msk [tilespmem:v28+s13+$0x0], $0xffff  }
0x579: {  	v28 =	vadd.s32 v12, v46;
	_ =	sdelay $0x3  }
0x57a: {  	[tilespmem:v45+s19+$0x0] =	vst.idx.msk $0xffff, v26  }
0x57b: {  	v47 =	vor.u32 v13, v35;
	v25 =	vadd.s32 v16, v33;
	v26 =	vld.idx.msk [tilespmem:v28+s13+$0x0], $0xffff  }
0x57c: {  	v25 =	vadd.s32 v14, v25;
	_ =	sdelay $0x1  }
0x57d: {  	s29 =	sadd.s32 $0xFFFFFFFE, s26  }
0x57e: {  	v48 =	vadd.s32 s29, v0  }
0x57f: {  	v49 =	vand.u32 $0x3F, v48;
	[tilespmem:v47+s19+$0x0] =	vst.idx.msk $0xffff, v26  }
0x580: {  	v50 =	vadd.s32 v23, v49;
	v24 =	vor.u32 v15, v35;
	v25 =	vld.idx.msk [tilespmem:v25+s13+$0x0], $0xffff  }
0x581: {  	v27 =	vadd.s32 v1, v50;
	_ =	sdelay $0x3  }
0x582: {  	v51 =	vshll.u32 v49, $0x7;
	[tilespmem:v24+s19+$0x0] =	vst.idx.msk $0xffff, v25  }
0x583: {  	v52 =	vor.u32 v0, v51;
	v28 =	vadd.s32 v22, v49;
	v25 =	vld.idx.msk [tilespmem:v27+s13+$0x0], $0xffff  }
0x584: {  	v28 =	vadd.s32 v2, v28;
	_ =	sdelay $0x3  }
0x585: {  	[tilespmem:v52+s19+$0x0] =	vst.idx.msk $0xffff, v25  }
0x586: {  	v54 =	vadd.s32 v21, v49;
	v53 =	vor.u32 v3, v51;
	v25 =	vld.idx.msk [tilespmem:v28+s13+$0x0], $0xffff  }
0x587: {  	v28 =	vadd.s32 v4, v54;
	_ =	sdelay $0x3  }
0x588: {  	[tilespmem:v53+s19+$0x0] =	vst.idx.msk $0xffff, v25  }
0x589: {  	v56 =	vadd.s32 v19, v49;
	v55 =	vor.u32 v5, v51;
	v25 =	vld.idx.msk [tilespmem:v28+s13+$0x0], $0xffff  }
0x58a: {  	v28 =	vadd.s32 v6, v56;
	_ =	sdelay $0x3  }
0x58b: {  	[tilespmem:v55+s19+$0x0] =	vst.idx.msk $0xffff, v25  }
0x58c: {  	v58 =	vadd.s32 v20, v49;
	v57 =	vor.u32 v7, v51;
	v25 =	vld.idx.msk [tilespmem:v28+s13+$0x0], $0xffff  }
0x58d: {  	v28 =	vadd.s32 v8, v58;
	_ =	sdelay $0x3  }
0x58e: {  	[tilespmem:v57+s19+$0x0] =	vst.idx.msk $0xffff, v25  }
0x58f: {  	v60 =	vadd.s32 v18, v49;
	v59 =	vor.u32 v9, v51;
	v25 =	vld.idx.msk [tilespmem:v28+s13+$0x0], $0xffff  }
0x590: {  	v28 =	vadd.s32 v10, v60;
	_ =	sdelay $0x3  }
0x591: {  	[tilespmem:v59+s19+$0x0] =	vst.idx.msk $0xffff, v25  }
0x592: {  	v62 =	vadd.s32 v17, v49;
	v61 =	vor.u32 v11, v51;
	v25 =	vld.idx.msk [tilespmem:v28+s13+$0x0], $0xffff  }
0x593: {  	v28 =	vadd.s32 v12, v62;
	_ =	sdelay $0x3  }
0x594: {  	[tilespmem:v61+s19+$0x0] =	vst.idx.msk $0xffff, v25  }
0x595: {  	v63 =	vor.u32 v13, v51;
	v26 =	vadd.s32 v16, v49;
	v25 =	vld.idx.msk [tilespmem:v28+s13+$0x0], $0xffff  }
0x596: {  	v26 =	vadd.s32 v14, v26;
	_ =	sdelay $0x1  }
0x597: {  	s30 =	sadd.s32 $0xFFFFFFFF, s26  }
0x598: {  	v32 =	vadd.s32 s30, v0  }
0x599: {  	v33 =	vand.u32 $0x3F, v32;
	[tilespmem:v63+s19+$0x0] =	vst.idx.msk $0xffff, v25  }
0x59a: {  	v34 =	vadd.s32 v23, v33;
	v24 =	vor.u32 v15, v51;
	v26 =	vld.idx.msk [tilespmem:v26+s13+$0x0], $0xffff  }
0x59b: {  	v27 =	vadd.s32 v1, v34;
	_ =	sdelay $0x3  }
0x59c: {  	v35 =	vshll.u32 v33, $0x7;
	[tilespmem:v24+s19+$0x0] =	vst.idx.msk $0xffff, v26  }
0x59d: {  	v36 =	vor.u32 v0, v35;
	v28 =	vadd.s32 v22, v33;
	v26 =	vld.idx.msk [tilespmem:v27+s13+$0x0], $0xffff  }
0x59e: {  	v28 =	vadd.s32 v2, v28;
	_ =	sdelay $0x3  }
0x59f: {  	[tilespmem:v36+s19+$0x0] =	vst.idx.msk $0xffff, v26  }
0x5a0: {  	v38 =	vadd.s32 v21, v33;
	v37 =	vor.u32 v3, v35;
	v26 =	vld.idx.msk [tilespmem:v28+s13+$0x0], $0xffff  }
0x5a1: {  	v28 =	vadd.s32 v4, v38;
	_ =	sdelay $0x3  }
0x5a2: {  	[tilespmem:v37+s19+$0x0] =	vst.idx.msk $0xffff, v26  }
0x5a3: {  	v40 =	vadd.s32 v19, v33;
	v39 =	vor.u32 v5, v35;
	v26 =	vld.idx.msk [tilespmem:v28+s13+$0x0], $0xffff  }
0x5a4: {  	v28 =	vadd.s32 v6, v40;
	_ =	sdelay $0x3  }
0x5a5: {  	[tilespmem:v39+s19+$0x0] =	vst.idx.msk $0xffff, v26  }
0x5a6: {  	v42 =	vadd.s32 v20, v33;
	v41 =	vor.u32 v7, v35;
	v26 =	vld.idx.msk [tilespmem:v28+s13+$0x0], $0xffff  }
0x5a7: {  	v28 =	vadd.s32 v8, v42;
	_ =	sdelay $0x3  }
0x5a8: {  	[tilespmem:v41+s19+$0x0] =	vst.idx.msk $0xffff, v26  }
0x5a9: {  	v44 =	vadd.s32 v18, v33;
	v43 =	vor.u32 v9, v35;
	v26 =	vld.idx.msk [tilespmem:v28+s13+$0x0], $0xffff  }
0x5aa: {  	v28 =	vadd.s32 v10, v44;
	_ =	sdelay $0x3  }
0x5ab: {  	[tilespmem:v43+s19+$0x0] =	vst.idx.msk $0xffff, v26  }
0x5ac: {  	v46 =	vadd.s32 v17, v33;
	v45 =	vor.u32 v11, v35;
	v26 =	vld.idx.msk [tilespmem:v28+s13+$0x0], $0xffff  }
0x5ad: {  	v28 =	vadd.s32 v12, v46;
	_ =	sdelay $0x3  }
0x5ae: {  	[tilespmem:v45+s19+$0x0] =	vst.idx.msk $0xffff, v26  }
0x5af: {  	v47 =	vor.u32 v13, v35;
	v25 =	vadd.s32 v16, v33;
	v26 =	vld.idx.msk [tilespmem:v28+s13+$0x0], $0xffff  }
0x5b0: {  	v25 =	vadd.s32 v14, v25;
	_ =	sdelay $0x2  }
0x5b1: {  	v48 =	vadd.s32 s26, v0  }
0x5b2: {  	v49 =	vand.u32 $0x3F, v48;
	[tilespmem:v47+s19+$0x0] =	vst.idx.msk $0xffff, v26  }
0x5b3: {  	v50 =	vadd.s32 v23, v49;
	v24 =	vor.u32 v15, v35;
	v25 =	vld.idx.msk [tilespmem:v25+s13+$0x0], $0xffff  }
0x5b4: {  	v23 =	vadd.s32 v1, v50;
	_ =	sdelay $0x3  }
0x5b5: {  	v51 =	vshll.u32 v49, $0x7;
	[tilespmem:v24+s19+$0x0] =	vst.idx.msk $0xffff, v25  }
0x5b6: {  	v52 =	vor.u32 v0, v51;
	v53 =	vadd.s32 v22, v49;
	v23 =	vld.idx.msk [tilespmem:v23+s13+$0x0], $0xffff  }
0x5b7: {  	v22 =	vadd.s32 v2, v53;
	_ =	sdelay $0x3  }
0x5b8: {  	[tilespmem:v52+s19+$0x0] =	vst.idx.msk $0xffff, v23  }
0x5b9: {  	v54 =	vor.u32 v3, v51;
	v55 =	vadd.s32 v21, v49;
	v22 =	vld.idx.msk [tilespmem:v22+s13+$0x0], $0xffff  }
0x5ba: {  	v21 =	vadd.s32 v4, v55;
	_ =	sdelay $0x3  }
0x5bb: {  	[tilespmem:v54+s19+$0x0] =	vst.idx.msk $0xffff, v22  }
0x5bc: {  	v56 =	vor.u32 v5, v51;
	v57 =	vadd.s32 v19, v49;
	v21 =	vld.idx.msk [tilespmem:v21+s13+$0x0], $0xffff  }
0x5bd: {  	v19 =	vadd.s32 v6, v57;
	_ =	sdelay $0x3  }
0x5be: {  	[tilespmem:v56+s19+$0x0] =	vst.idx.msk $0xffff, v21  }
0x5bf: {  	v58 =	vor.u32 v7, v51;
	v59 =	vadd.s32 v20, v49;
	v19 =	vld.idx.msk [tilespmem:v19+s13+$0x0], $0xffff  }
0x5c0: {  	v20 =	vadd.s32 v8, v59;
	_ =	sdelay $0x3  }
0x5c1: {  	[tilespmem:v58+s19+$0x0] =	vst.idx.msk $0xffff, v19  }
0x5c2: {  	v60 =	vor.u32 v9, v51;
	v61 =	vadd.s32 v18, v49;
	v19 =	vld.idx.msk [tilespmem:v20+s13+$0x0], $0xffff  }
0x5c3: {  	v18 =	vadd.s32 v10, v61;
	_ =	sdelay $0x3  }
0x5c4: {  	[tilespmem:v60+s19+$0x0] =	vst.idx.msk $0xffff, v19  }
0x5c5: {  	v17 =	vadd.s32 v17, v49;
	v62 =	vor.u32 v11, v51;
	v18 =	vld.idx.msk [tilespmem:v18+s13+$0x0], $0xffff  }
0x5c6: {  	v17 =	vadd.s32 v12, v17;
	_ =	sdelay $0x3  }
0x5c7: {  	[tilespmem:v62+s19+$0x0] =	vst.idx.msk $0xffff, v18  }
0x5c8: {  	v63 =	vor.u32 v13, v51;
	v16 =	vadd.s32 v16, v49;
	v17 =	vld.idx.msk [tilespmem:v17+s13+$0x0], $0xffff  }
0x5c9: {  	v16 =	vadd.s32 v14, v16;
	_ =	sdelay $0x3  }
0x5ca: {  	[tilespmem:v63+s19+$0x0] =	vst.idx.msk $0xffff, v17  }
0x5cb: {  	v17 =	vor.u32 v15, v51;
	v16 =	vld.idx.msk [tilespmem:v16+s13+$0x0], $0xffff;
	_ =	sdelay $0x4  }
0x5cc: {  	[tilespmem:v17+s19+$0x0] =	vst.idx.msk $0xffff, v16  }
0x5cd: {  	v16 =	vld @!p0 [tilespmem:s24+$0x180];
	_ =	sdelay $0x4  }
0x5ce: {  	v17 =	vshra.s32 @!p0 v16, $0x1;
	v16 =	vshll.u32 @!p0 v16, $0x6  }
0x5cf: {  	[tilespmem:$0x6480] =	vst @!p0 v17;
	v16 =	vand.u32 @!p0 $0x40, v16  }
0x5d0: {  	[tilespmem:$0x6580] =	vst @!p0 v16  }
0x5d1: {  	v16 =	vld @!p0 [tilespmem:s24+$0x190];
	_ =	sdelay $0x4  }
0x5d2: {  	v17 =	vshra.s32 @!p0 v16, $0x1;
	v16 =	vshll.u32 @!p0 v16, $0x6  }
0x5d3: {  	[tilespmem:$0x6490] =	vst @!p0 v17;
	v16 =	vand.u32 @!p0 $0x40, v16  }
0x5d4: {  	[tilespmem:$0x6590] =	vst @!p0 v16  }
0x5d5: {  	v16 =	vld @!p0 [tilespmem:s24+$0x1A0];
	_ =	sdelay $0x4  }
0x5d6: {  	v17 =	vshra.s32 @!p0 v16, $0x1;
	v16 =	vshll.u32 @!p0 v16, $0x6  }
0x5d7: {  	[tilespmem:$0x64A0] =	vst @!p0 v17;
	v16 =	vand.u32 @!p0 $0x40, v16  }
0x5d8: {  	[tilespmem:$0x65A0] =	vst @!p0 v16  }
0x5d9: {  	v16 =	vld @!p0 [tilespmem:s24+$0x1B0];
	_ =	sdelay $0x4  }
0x5da: {  	v17 =	vshra.s32 @!p0 v16, $0x1;
	v16 =	vshll.u32 @!p0 v16, $0x6  }
0x5db: {  	[tilespmem:$0x64B0] =	vst @!p0 v17;
	v16 =	vand.u32 @!p0 $0x40, v16  }
0x5dc: {  	[tilespmem:$0x65B0] =	vst @!p0 v16  }
0x5dd: {  	v16 =	vld @!p0 [tilespmem:s24+$0x1C0];
	_ =	sdelay $0x4  }
0x5de: {  	v17 =	vshra.s32 @!p0 v16, $0x1;
	v16 =	vshll.u32 @!p0 v16, $0x6  }
0x5df: {  	[tilespmem:$0x64C0] =	vst @!p0 v17;
	v16 =	vand.u32 @!p0 $0x40, v16  }
0x5e0: {  	[tilespmem:$0x65C0] =	vst @!p0 v16  }
0x5e1: {  	v16 =	vld @!p0 [tilespmem:s24+$0x1D0];
	_ =	sdelay $0x4  }
0x5e2: {  	v17 =	vshra.s32 @!p0 v16, $0x1;
	v16 =	vshll.u32 @!p0 v16, $0x6  }
0x5e3: {  	[tilespmem:$0x64D0] =	vst @!p0 v17;
	v16 =	vand.u32 @!p0 $0x40, v16  }
0x5e4: {  	[tilespmem:$0x65D0] =	vst @!p0 v16  }
0x5e5: {  	v16 =	vld @!p0 [tilespmem:s24+$0x1E0];
	_ =	sdelay $0x4  }
0x5e6: {  	v17 =	vshra.s32 @!p0 v16, $0x1;
	v16 =	vshll.u32 @!p0 v16, $0x6  }
0x5e7: {  	[tilespmem:$0x64E0] =	vst @!p0 v17;
	v16 =	vand.u32 @!p0 $0x40, v16  }
0x5e8: {  	[tilespmem:$0x65E0] =	vst @!p0 v16  }
0x5e9: {  	v16 =	vld @!p0 [tilespmem:s24+$0x1F0];
	_ =	sdelay $0x4  }
0x5ea: {  	v17 =	vshra.s32 @!p0 v16, $0x1;
	v16 =	vshll.u32 @!p0 v16, $0x6  }
0x5eb: {  	s23 =	sadd.s32 $0x1, s23;
	[tilespmem:$0x64F0] =	vst @!p0 v17;
	v16 =	vand.u32 @!p0 $0x40, v16  }
0x5ec: {  	s28 =	simm.s32 @!p0 $0xA600;
	s26 =	simm.s32 @!p0 $0x6480;
	s24 =	simm.s32 @!p0 $0x80;
	[tilespmem:$0x65F0] =	vst @!p0 v16  }
0x5ed: {  	[tilespmem:s28], [sflag:$0x2] =	stream.indirect.gather @!p0 [hbm4b:s4+s24], $0x80, s26, s24, $0xb8;
	[tilespmem:$0x12600] =	vst v63  }
0x5ee: {  	s31 =	sadd.s32 s5, s25;
	p0 =	sne.s32 s23, $0x64  }
.Ltmp2:
0x5ef: {  	s25 =	sshll.u32 s31, $0x7;
	(pc) =	sbr.rel @p0 .LBB2_2-.Ltmp2, $4  }
0x5f0: {  	s25 =	sand.u32 $0x3F80, s25;
	s24 =	sshll.u32 s31, $0xA  }
0x5f1: {  	s25 =	sadd.s32 s2, s25;
	s24 =	sand.u32 $0xFFE0000, s24  }
0x5f2: {  	s24 =	sadd.s32 s24, s25  }
0x5f3: {  	[hbm4b:s24+s16] =	stream.strided.scatter [tilespmem:s19], [sflag:$0x4], $0x2000, s17, s16, $0x38;
	[tilespmem:$0x12600] =	vst v63  }
0x5f4: {  	s22 =	sadd.s32 $0x1, s22  }
0x5f5: {  	_ =	swait.ge [sflag:s20], $0x2000;
	p0 =	sne.s32 s22, s7  }
.Ltmp3:
0x5f6: {  	[sflag:s20] =	ssyncset.done $0x0;
	(pc) =	sbr.rel @p0 .LBB2_1-.Ltmp3, $4  }
0x5f7: {  	[sflag:s20] =	ssyncadd.s32 $0xFFFFE000  }
0x5f8: {  	_ =	swait.ge [sflag:s21], $0x2000  }
0x5f9: {  	[sflag:s21] =	ssyncset.done $0x0  }
0x5fa: {  	[sflag:s21] =	ssyncadd.s32 $0xFFFFE000  }
0x5fb: {  	_ =	sfence.sel $0x180000  }
0x5fc: {  	[bflag:$0x0] =	sbarrier.arrive $0xFFFF  }
0x5fd: {  	p0 =	sne.s32 s0, $0x0;
	_ =	strace $0x90000047  }
0x5fe: {  	s0 =	sadd.s32 @!p0 $0x100000, s1;
	[bflag:$0x2] =	sbarrier.arrive $0xFFFF  }
0x5ff: {  	[sflag:s0] =	ssyncadd.tile.s32 @!p0 $0x1;
	_ =	shalt  }
.Lfunc_end2:
_tile_overlayer_lowered:
.L_overlay_start_2:
0x600: {  	(tag) =	ssettag $0x2  }
0x601: {  	s0 =	rddreg [dreg:$0x0];
	s2 =	stileid.u32  }
0x602: {  	s1 =	rddreg [dreg:$0x1];
	p0 =	sne.s32 s2, $0x0  }
0x603: {  	s3 =	rddreg [dreg:$0x2];
	[bflag:$0x3] =	sbarrier.arrive $0xFFFF;
	s2 =	simm.s32 @!p0 $0x1C05  }
0x604: {  	[timem:s3], [sflag:s2] =	dma.local @!p0 [hbm:s0], s1  }
0x605: {  	s0 =	simm.s32 @!p0 $0x5  }
0x606: {  	_ =	swait.ge @!p0 [sflag:s0], s1  }
0x607: {  	s1 =	ssub.s32 @!p0 $0x0, s1;
	[sflag:s0] =	ssyncset.done @!p0 $0x0  }
0x608: {  	[sflag:s0] =	ssyncadd.s32 @!p0 s1  }
0x609: {  	[bflag:$0x3] =	sbarrier.arrive $0xFFFF  }
0x60a: {  	_ =	shalt  }

</sc_bundles>
